<compile_context>
chip_gen: v7x
topology: tpu7x:2x2x1
jax: 0.10.2.dev20260603
libtpu: 0.0.44.dev20260713+nightly
codegen_flags: <defaults>
</compile_context>

<pallas_src>
import functools

import jax
import jax.numpy as jnp
from jax import lax
from jax.experimental import pallas as pl
from jax.experimental.pallas import tpu as pltpu
from jax.experimental.pallas import tpu_sc as plsc

HL = 112
H = 2 * HL
L = HL * HL
NC, NS = 2, 16
NW = NC * NS
G = 16
NCHUNK = H // G


def _sc_block_gather(planes, v3, pmap16):
    ppw = planes // NW

    mesh = plsc.VectorSubcoreMesh(core_axis_name="c", subcore_axis_name="s")

    @functools.partial(
        pl.kernel,
        out_type=jax.ShapeDtypeStruct((planes, H, H), jnp.float32),
        mesh=mesh,
        compiler_params=pltpu.CompilerParams(
            use_tc_tiling_on_sc=True, needs_layout_passes=False),
        scratch_types=[
            pltpu.VMEM((2, H, H), jnp.float32),
            pltpu.VMEM((L // 2,), jnp.int32),
            pltpu.VMEM((2, G, H), jnp.float32),
            pltpu.SemaphoreType.DMA,
            pltpu.SemaphoreType.DMA,
        ],
    )
    def k(v_hbm, pmap_hbm, out_hbm, vbuf, pbuf, obuf, vsem, osem):
        wid = lax.axis_index("s") * NC + lax.axis_index("c")
        b = wid // (NW // 2)
        p0 = wid * ppw
        iota = lax.iota(jnp.int32, 16)
        half_iota = iota >> 1
        idx_hi = 8 + half_iota
        even = (iota & 1) == 0
        gdn = lax.GatherDimensionNumbers(
            offset_dims=(), collapsed_slice_dims=(0,), start_index_map=(0,))

        def perm(v, idx):
            return lax.gather(v, idx[:, None], gdn, slice_sizes=(1,),
                              mode=lax.GatherScatterMode.PROMISE_IN_BOUNDS)

        pltpu.make_async_copy(v_hbm.at[p0], vbuf.at[0], vsem).start()
        pltpu.sync_copy(pmap_hbm.at[pl.ds(b * (L // 2), L // 2)], pbuf)

        def plane_body(p, carry):
            plane = p0 + p
            pb = p % 2
            pltpu.make_async_copy(v_hbm.at[plane], vbuf.at[pb], vsem).wait()

            @pl.when(p + 1 < ppw)
            def _prefetch_plane():
                pltpu.make_async_copy(
                    v_hbm.at[plane + 1], vbuf.at[1 - pb], vsem).start()

            vplane = vbuf.at[pb]

            def chunk_body(ck, carry2):
                cb = ck % 2
                row0 = ck * G

                @pl.when(ck >= 2)
                def _drain_prev_out():
                    pltpu.make_async_copy(
                        obuf.at[cb], out_hbm.at[0, pl.ds(0, G)], osem).wait()

                ochunk = obuf.at[cb]

                @plsc.parallel_loop(0, G // 4, unroll=4)
                def quad_body(q4):
                    off32 = (ck * (G // 2) + 2 * q4) * (HL // 2)
                    for m in range(7):
                        x = pbuf[pl.ds(off32 + 16 * m, 16)]
                        runs = (x & 0xFFFF, lax.shift_right_logical(x, 16))
                        for h in range(2):
                            r = 2 * m + h
                            pp, w16 = divmod(r, 7)
                            pm = runs[h]
                            srow = pm >> 8
                            scol = pm & 255
                            for i in range(2):
                                v0 = plsc.load_gather(
                                    vplane, [srow + i, scol])
                                v1 = plsc.load_gather(
                                    vplane, [srow + i, scol + 1])
                                out_a = jnp.where(
                                    even, perm(v0, half_iota),
                                    perm(v1, half_iota))
                                out_b = jnp.where(
                                    even, perm(v0, idx_hi), perm(v1, idx_hi))
                                row = 4 * q4 + 2 * pp + i
                                ochunk[row, pl.ds(32 * w16, 16)] = out_a
                                ochunk[row, pl.ds(32 * w16 + 16, 16)] = out_b

                pltpu.make_async_copy(
                    ochunk, out_hbm.at[plane, pl.ds(row0, G)], osem).start()
                return carry2

            lax.fori_loop(0, NCHUNK, chunk_body, 0)
            pltpu.make_async_copy(
                obuf.at[0], out_hbm.at[0, pl.ds(0, G)], osem).wait()
            pltpu.make_async_copy(
                obuf.at[0], out_hbm.at[0, pl.ds(0, G)], osem).wait()
            return carry

        lax.fori_loop(0, ppw, plane_body, 0)

    return k(v3, pmap16)


def kernel(lr, ref, index_map, value):
    B, C, Hv, Wv = value.shape
    im = index_map.astype(jnp.int32)
    pm = ((im // HL) * 2) * 256 + (im % HL) * 2
    pmr = pm.reshape(B, L // 32, 2, 16)
    pm16 = (pmr[:, :, 0, :] | (pmr[:, :, 1, :] << 16)).reshape(-1)
    v3 = value.reshape(B * C, Hv, Wv)
    out = _sc_block_gather(B * C, v3, pm16)
    return out.reshape(B, C, Hv, Wv)

# --- scband reference (transcript-rebuilt; emitter-appended) ---
"""Pipeline reference for scband-aligned-attention-73461120631335 (READ-ONLY COPY).

The authoritative reference and input builder live on the scoring server;
editing this copy changes nothing except your own understanding.
"""

import jax, jax.numpy as jnp
import numpy as np

SCALE = 2
K_VSIZE = 1
STRIDE = 1
KERNEL = SCALE * K_VSIZE  # 2


def extract_image_patches(x, ksize, stride):
    # TF-style 'same' padding unfold: output positions = ceil(H/stride) x ceil(W/stride)
    B, C, H, W = x.shape
    out_h = -(-H // stride)
    out_w = -(-W // stride)
    pad_h = max(0, (out_h - 1) * stride + ksize - H)
    pad_w = max(0, (out_w - 1) * stride + ksize - W)
    x = jnp.pad(x, ((0, 0), (0, 0), (pad_h // 2, pad_h - pad_h // 2), (pad_w // 2, pad_w - pad_w // 2)))
    cols = []
    for i in range(ksize):
        for j in range(ksize):
            cols.append(x[:, :, i:i + (out_h - 1) * stride + 1:stride, j:j + (out_w - 1) * stride + 1:stride])
    patches = jnp.stack(cols, axis=2)  # [B, C, k*k, out_h, out_w], index = i*k + j (torch unfold order)
    return patches.reshape(B, C * ksize * ksize, out_h * out_w)


def fold(patches, output_size, ksize, stride):
    # inverse of unfold with padding=0: scatter-add patches into output
    B = patches.shape[0]
    H, W = output_size
    out_h = (H - ksize) // stride + 1
    out_w = (W - ksize) // stride + 1
    C = patches.shape[1] // (ksize * ksize)
    p = patches.reshape(B, C, ksize, ksize, out_h, out_w)
    out = jnp.zeros((B, C, H, W), dtype=patches.dtype)
    for i in range(ksize):
        for j in range(ksize):
            out = out.at[:, :, i:i + out_h * stride:stride, j:j + out_w * stride:stride].add(p[:, :, i, j])
    return out


def warp(inp, index_map):
    # gather along dim 2 with per-batch index, broadcast across channel dim
    idx = index_map[:, None, :]  # [B, 1, L]
    return jnp.take_along_axis(inp, idx, axis=2)


def setup_inputs(seed: int = 0) -> dict:
    key = jax.random.key(seed)
    k1, k2, k3, k4 = jax.random.split(key, 4)
    B, C = 2, 192
    Hl, Wl = 112, 112
    lr = jax.random.normal(k1, (B, C, Hl, Wl), dtype=jnp.float32)
    ref = jax.random.normal(k2, (B, C, Hl * 2, Wl * 2), dtype=jnp.float32)
    value = jax.random.normal(k3, (B, C, Hl * 2, Wl * 2), dtype=jnp.float32)
    L = Hl * Wl  # 12544 patch positions in HR value grid (kernel=2, stride=2, same padding)
    index_map = jax.random.randint(k4, (B, L), 0, L, dtype=jnp.int64)
    return {"lr": lr, "ref": ref, "index_map": index_map, "value": value}


def reference(lr, ref, index_map, value):
    shape_out = lr.shape
    kernel = SCALE * K_VSIZE
    unfolded_value = extract_image_patches(value, kernel, STRIDE * SCALE)
    warpped_value = warp(unfolded_value, index_map)
    warpped_features = fold(warpped_value, (shape_out[2] * 2, shape_out[3] * 2), kernel, SCALE)
    # align=False path: return warped features directly
    return warpped_features

if __name__ == "__main__":
    import jax
    _d = setup_inputs()
    print(jax.jit(kernel)(*tuple(_d.values())))

</pallas_src>

<mosaic_0001>
#map = affine_map<(d0, d1) -> (0, 0, 0)>
#map1 = affine_map<(d0, d1) -> (0)>
module attributes {stable_mosaic.version = 14 : i64} {
  func.func @k(%arg0: i32, %arg1: i32, %arg2: memref<384x224x224xf32, #tpu.memory_space<hbm>>, %arg3: memref<12544xi32, #tpu.memory_space<hbm>>, %arg4: memref<384x224x224xf32, #tpu.memory_space<hbm>>, %arg5: memref<2x224x224xf32, #tpu.memory_space<vmem>>, %arg6: memref<6272xi32, #tpu.memory_space<vmem>>, %arg7: memref<2x16x224xf32, #tpu.memory_space<vmem>>, %arg8: memref<!tpu.dma_semaphore, #tpu.memory_space<semaphore_mem>>, %arg9: memref<!tpu.dma_semaphore, #tpu.memory_space<semaphore_mem>>) attributes {dimension_semantics = [#tpu.dimension_semantics<core_parallel>, #tpu.dimension_semantics<subcore_parallel>], iteration_bounds = array<i64: 2, 16>, scalar_prefetch = 0 : i64, scratch_operands = 5 : i64, tpu.core_type = #tpu.core_type<sc_vector_subcore>, window_params = [{transform_indices = #map}, {transform_indices = #map1}, {transform_indices = #map}]} {
    %mul3A = arith.constant 2 : i32
    %mul3A_0 = arith.muli %arg1, %mul3A : i32
    %add3A = arith.addi %mul3A_0, %arg0 : i32
    %jit3A = arith.constant 16 : i32
    %div3A = arith.divsi %add3A, %jit3A : i32
    %sign3A = arith.constant 0 : i32
    %sign3A_1 = arith.cmpi sgt, %add3A, %sign3A : i32
    %sign3A_2 = arith.extui %sign3A_1 : i1 to i32
    %sign3A_3 = arith.constant 0 : i32
    %sign3A_4 = arith.cmpi slt, %add3A, %sign3A_3 : i32
    %sign3A_5 = arith.extui %sign3A_4 : i1 to i32
    %sign3A_6 = arith.subi %sign3A_2, %sign3A_5 : i32
    %sign3A_7 = arith.constant 0 : i32
    %sign3A_8 = arith.cmpi sgt, %jit3A, %sign3A_7 : i32
    %sign3A_9 = arith.extui %sign3A_8 : i1 to i32
    %sign3A_10 = arith.constant 0 : i32
    %sign3A_11 = arith.cmpi slt, %jit3A, %sign3A_10 : i32
    %sign3A_12 = arith.extui %sign3A_11 : i1 to i32
    %sign3A_13 = arith.subi %sign3A_9, %sign3A_12 : i32
    %ne3A = arith.cmpi ne, %sign3A_6, %sign3A_13 : i32
    %rem3A = arith.remsi %add3A, %jit3A : i32
    %ne3A_14 = arith.constant 0 : i32
    %ne3A_15 = arith.cmpi ne, %rem3A, %ne3A_14 : i32
    %and3A = arith.andi %ne3A, %ne3A_15 : i1
    %sub3A = arith.constant 1 : i32
    %sub3A_16 = arith.subi %div3A, %sub3A : i32
    %select_n3A = arith.select %and3A, %sub3A_16, %div3A : i32
    %mul3A_17 = arith.constant 12 : i32
    %mul3A_18 = arith.muli %add3A, %mul3A_17 : i32
    %iota3A = tpu.iota {dimensions = array<i32: 0>} : vector<16xi32>
    %shift_right_arithmetic3A = arith.constant 1 : i32
    %shift_right_arithmetic3A_19 = vector.broadcast %shift_right_arithmetic3A : i32 to vector<16xi32>
    %shift_right_arithmetic3A_20 = arith.shrsi %iota3A, %shift_right_arithmetic3A_19 : vector<16xi32>
    %add3A_21 = arith.constant 8 : i32
    %add3A_22 = vector.broadcast %add3A_21 : i32 to vector<16xi32>
    %add3A_23 = arith.addi %add3A_22, %shift_right_arithmetic3A_20 : vector<16xi32>
    %and3A_24 = arith.constant 1 : i32
    %and3A_25 = vector.broadcast %and3A_24 : i32 to vector<16xi32>
    %and3A_26 = arith.andi %iota3A, %and3A_25 : vector<16xi32>
    %eq3A = arith.constant 0 : i32
    %eq3A_27 = vector.broadcast %eq3A : i32 to vector<16xi32>
    %eq3A_28 = arith.cmpi eq, %and3A_26, %eq3A_27 : vector<16xi32>
    %dma_start3A = arith.constant 0 : i32
    %dma_start3A_29 = arith.constant 0 : i32
    %dma_start3A_30 = arith.constant 0 : i32
    %dma_start3A_31 = tpu.memref_slice %arg5[%dma_start3A, %dma_start3A_29, %dma_start3A_30] : memref<2x224x224xf32, #tpu.memory_space<vmem>> -> memref<1x224x224xf32, #tpu.memory_space<vmem>>
    %dma_start3A_32 = tpu.memref_squeeze %dma_start3A_31 : memref<1x224x224xf32, #tpu.memory_space<vmem>> -> memref<224x224xf32, #tpu.memory_space<vmem>>
    %dma_start3A_33 = arith.constant 0 : i32
    %dma_start3A_34 = arith.constant 0 : i32
    %dma_start3A_35 = tpu.memref_slice %arg2[%mul3A_18, %dma_start3A_33, %dma_start3A_34] : memref<384x224x224xf32, #tpu.memory_space<hbm>> -> memref<1x224x224xf32, #tpu.memory_space<hbm>>
    %dma_start3A_36 = tpu.memref_squeeze %dma_start3A_35 : memref<1x224x224xf32, #tpu.memory_space<hbm>> -> memref<224x224xf32, #tpu.memory_space<hbm>>
    %dma_start3A_37 = arith.constant 0 : i32
    %dma_start3A_38 = arith.constant 0 : i32
    %dma_start3A_39 = tpu.memref_slice %arg5[%dma_start3A, %dma_start3A_37, %dma_start3A_38] : memref<2x224x224xf32, #tpu.memory_space<vmem>> -> memref<1x224x224xf32, #tpu.memory_space<vmem>>
    %dma_start3A_40 = tpu.memref_squeeze %dma_start3A_39 : memref<1x224x224xf32, #tpu.memory_space<vmem>> -> memref<224x224xf32, #tpu.memory_space<vmem>>
    %dma_start3A_41 = arith.constant 0 : i32
    %dma_start3A_42 = arith.constant 0 : i32
    %dma_start3A_43 = tpu.memref_slice %arg2[%mul3A_18, %dma_start3A_41, %dma_start3A_42] : memref<384x224x224xf32, #tpu.memory_space<hbm>> -> memref<1x224x224xf32, #tpu.memory_space<hbm>>
    %dma_start3A_44 = tpu.memref_squeeze %dma_start3A_43 : memref<1x224x224xf32, #tpu.memory_space<hbm>> -> memref<224x224xf32, #tpu.memory_space<hbm>>
    tpu.enqueue_dma source(%dma_start3A_44 : memref<224x224xf32, #tpu.memory_space<hbm>>) target(%dma_start3A_40 : memref<224x224xf32, #tpu.memory_space<vmem>>) target_semaphore(%arg8 : memref<!tpu.dma_semaphore, #tpu.memory_space<semaphore_mem>>)
    %mul3A_45 = arith.constant 6272 : i32
    %mul3A_46 = arith.muli %select_n3A, %mul3A_45 : i32
    "tpu.region"() ({
      %run_scoped3A = tpu.sem_alloc : memref<!tpu.dma_semaphore, #tpu.memory_space<semaphore_mem>>
      %dma_start3A_52 = tpu.memref_slice %arg3[%mul3A_46] : memref<12544xi32, #tpu.memory_space<hbm>> -> memref<6272xi32, #tpu.memory_space<hbm>>
      %dma_start3A_53 = tpu.memref_slice %arg3[%mul3A_46] : memref<12544xi32, #tpu.memory_space<hbm>> -> memref<6272xi32, #tpu.memory_space<hbm>>
      tpu.enqueue_dma source(%dma_start3A_53 : memref<6272xi32, #tpu.memory_space<hbm>>) target(%arg6 : memref<6272xi32, #tpu.memory_space<vmem>>) target_semaphore(%run_scoped3A : memref<!tpu.dma_semaphore, #tpu.memory_space<semaphore_mem>>)
      %dma_wait3A = tpu.memref_slice %arg3[%mul3A_46] : memref<12544xi32, #tpu.memory_space<hbm>> -> memref<6272xi32, #tpu.memory_space<hbm>>
      %dma_wait3A_54 = tpu.memref_slice %arg3[%mul3A_46] : memref<12544xi32, #tpu.memory_space<hbm>> -> memref<6272xi32, #tpu.memory_space<hbm>>
      tpu.wait_dma2 semaphore(%run_scoped3A : memref<!tpu.dma_semaphore, #tpu.memory_space<semaphore_mem>>) src(%dma_wait3A_54 : memref<6272xi32, #tpu.memory_space<hbm>>) dst(%arg6 : memref<6272xi32, #tpu.memory_space<vmem>>)
      tpu.yield
    }) : () -> ()
    %scan3A = arith.constant 0 : i32
    %scan3A_47 = arith.constant 0 : i32
    %scan3A_48 = arith.constant 12 : i32
    %scan3A_49 = arith.addi %scan3A_47, %scan3A_48 : i32
    %scan3A_50 = arith.constant 1 : i32
    scf.for %scan3A_52 = %scan3A_47 to %scan3A_49 step %scan3A_50  : i32 {
      %add3A_53 = arith.addi %mul3A_18, %scan3A_52 : i32
      %jit3A_54 = arith.constant 2 : i32
      %eq3A_55 = arith.constant 0 : i32
      %eq3A_56 = arith.cmpi eq, %jit3A_54, %eq3A_55 : i32
      %jit3A_57 = arith.constant 1 : i32
      %select_n3A_58 = arith.select %eq3A_56, %jit3A_57, %jit3A_54 : i32
      %rem3A_59 = arith.remsi %scan3A_52, %select_n3A_58 : i32
      %ne3A_60 = arith.constant 0 : i32
      %ne3A_61 = arith.cmpi ne, %rem3A_59, %ne3A_60 : i32
      %lt3A = arith.constant 0 : i32
      %lt3A_62 = arith.cmpi slt, %rem3A_59, %lt3A : i32
      %lt3A_63 = arith.constant 0 : i32
      %lt3A_64 = arith.cmpi slt, %select_n3A_58, %lt3A_63 : i32
      %ne3A_65 = arith.xori %lt3A_62, %lt3A_64 : i1
      %and3A_66 = arith.andi %ne3A_65, %ne3A_61 : i1
      %add3A_67 = arith.addi %rem3A_59, %select_n3A_58 : i32
      %select_n3A_68 = arith.select %and3A_66, %add3A_67, %rem3A_59 : i32
      %dma_wait3A = arith.constant 0 : i32
      %dma_wait3A_69 = arith.constant 0 : i32
      %dma_wait3A_70 = tpu.memref_slice %arg5[%select_n3A_68, %dma_wait3A, %dma_wait3A_69] : memref<2x224x224xf32, #tpu.memory_space<vmem>> -> memref<1x224x224xf32, #tpu.memory_space<vmem>>
      %dma_wait3A_71 = tpu.memref_squeeze %dma_wait3A_70 : memref<1x224x224xf32, #tpu.memory_space<vmem>> -> memref<224x224xf32, #tpu.memory_space<vmem>>
      %dma_wait3A_72 = arith.constant 0 : i32
      %dma_wait3A_73 = arith.constant 0 : i32
      %dma_wait3A_74 = tpu.memref_slice %arg2[%add3A_53, %dma_wait3A_72, %dma_wait3A_73] : memref<384x224x224xf32, #tpu.memory_space<hbm>> -> memref<1x224x224xf32, #tpu.memory_space<hbm>>
      %dma_wait3A_75 = tpu.memref_squeeze %dma_wait3A_74 : memref<1x224x224xf32, #tpu.memory_space<hbm>> -> memref<224x224xf32, #tpu.memory_space<hbm>>
      %dma_wait3A_76 = arith.constant 0 : i32
      %dma_wait3A_77 = arith.constant 0 : i32
      %dma_wait3A_78 = tpu.memref_slice %arg5[%select_n3A_68, %dma_wait3A_76, %dma_wait3A_77] : memref<2x224x224xf32, #tpu.memory_space<vmem>> -> memref<1x224x224xf32, #tpu.memory_space<vmem>>
      %dma_wait3A_79 = tpu.memref_squeeze %dma_wait3A_78 : memref<1x224x224xf32, #tpu.memory_space<vmem>> -> memref<224x224xf32, #tpu.memory_space<vmem>>
      %dma_wait3A_80 = arith.constant 0 : i32
      %dma_wait3A_81 = arith.constant 0 : i32
      %dma_wait3A_82 = tpu.memref_slice %arg2[%add3A_53, %dma_wait3A_80, %dma_wait3A_81] : memref<384x224x224xf32, #tpu.memory_space<hbm>> -> memref<1x224x224xf32, #tpu.memory_space<hbm>>
      %dma_wait3A_83 = tpu.memref_squeeze %dma_wait3A_82 : memref<1x224x224xf32, #tpu.memory_space<hbm>> -> memref<224x224xf32, #tpu.memory_space<hbm>>
      tpu.wait_dma2 semaphore(%arg8 : memref<!tpu.dma_semaphore, #tpu.memory_space<semaphore_mem>>) src(%dma_wait3A_83 : memref<224x224xf32, #tpu.memory_space<hbm>>) dst(%dma_wait3A_79 : memref<224x224xf32, #tpu.memory_space<vmem>>)
      %add3A_84 = arith.constant 1 : i32
      %add3A_85 = arith.addi %scan3A_52, %add3A_84 : i32
      %lt3A_86 = arith.constant 12 : i32
      %lt3A_87 = arith.cmpi slt, %add3A_85, %lt3A_86 : i32
      %convert_element_type3A = arith.extui %lt3A_87 : i1 to i32
      %cond3A = arith.constant 0 : i32
      %cond3A_88 = arith.cmpi ne, %convert_element_type3A, %cond3A : i32
      scf.if %cond3A_88 {
        %add3A_131 = arith.constant 1 : i32
        %add3A_132 = arith.addi %add3A_53, %add3A_131 : i32
        %sub3A_133 = arith.constant 1 : i32
        %sub3A_134 = arith.subi %sub3A_133, %select_n3A_68 : i32
        %dma_start3A_135 = arith.constant 0 : i32
        %dma_start3A_136 = arith.constant 0 : i32
        %dma_start3A_137 = tpu.memref_slice %arg5[%sub3A_134, %dma_start3A_135, %dma_start3A_136] : memref<2x224x224xf32, #tpu.memory_space<vmem>> -> memref<1x224x224xf32, #tpu.memory_space<vmem>>
        %dma_start3A_138 = tpu.memref_squeeze %dma_start3A_137 : memref<1x224x224xf32, #tpu.memory_space<vmem>> -> memref<224x224xf32, #tpu.memory_space<vmem>>
        %dma_start3A_139 = arith.constant 0 : i32
        %dma_start3A_140 = arith.constant 0 : i32
        %dma_start3A_141 = tpu.memref_slice %arg2[%add3A_132, %dma_start3A_139, %dma_start3A_140] : memref<384x224x224xf32, #tpu.memory_space<hbm>> -> memref<1x224x224xf32, #tpu.memory_space<hbm>>
        %dma_start3A_142 = tpu.memref_squeeze %dma_start3A_141 : memref<1x224x224xf32, #tpu.memory_space<hbm>> -> memref<224x224xf32, #tpu.memory_space<hbm>>
        %dma_start3A_143 = arith.constant 0 : i32
        %dma_start3A_144 = arith.constant 0 : i32
        %dma_start3A_145 = tpu.memref_slice %arg5[%sub3A_134, %dma_start3A_143, %dma_start3A_144] : memref<2x224x224xf32, #tpu.memory_space<vmem>> -> memref<1x224x224xf32, #tpu.memory_space<vmem>>
        %dma_start3A_146 = tpu.memref_squeeze %dma_start3A_145 : memref<1x224x224xf32, #tpu.memory_space<vmem>> -> memref<224x224xf32, #tpu.memory_space<vmem>>
        %dma_start3A_147 = arith.constant 0 : i32
        %dma_start3A_148 = arith.constant 0 : i32
        %dma_start3A_149 = tpu.memref_slice %arg2[%add3A_132, %dma_start3A_147, %dma_start3A_148] : memref<384x224x224xf32, #tpu.memory_space<hbm>> -> memref<1x224x224xf32, #tpu.memory_space<hbm>>
        %dma_start3A_150 = tpu.memref_squeeze %dma_start3A_149 : memref<1x224x224xf32, #tpu.memory_space<hbm>> -> memref<224x224xf32, #tpu.memory_space<hbm>>
        tpu.enqueue_dma source(%dma_start3A_150 : memref<224x224xf32, #tpu.memory_space<hbm>>) target(%dma_start3A_146 : memref<224x224xf32, #tpu.memory_space<vmem>>) target_semaphore(%arg8 : memref<!tpu.dma_semaphore, #tpu.memory_space<semaphore_mem>>)
      } else {
      }
      %scan3A_89 = arith.constant 0 : i32
      %scan3A_90 = arith.constant 0 : i32
      %scan3A_91 = arith.constant 14 : i32
      %scan3A_92 = arith.addi %scan3A_90, %scan3A_91 : i32
      %scan3A_93 = arith.constant 1 : i32
      scf.for %scan3A_131 = %scan3A_90 to %scan3A_92 step %scan3A_93  : i32 {
        %jit3A_132 = arith.constant 2 : i32
        %eq3A_133 = arith.constant 0 : i32
        %eq3A_134 = arith.cmpi eq, %jit3A_132, %eq3A_133 : i32
        %jit3A_135 = arith.constant 1 : i32
        %select_n3A_136 = arith.select %eq3A_134, %jit3A_135, %jit3A_132 : i32
        %rem3A_137 = arith.remsi %scan3A_131, %select_n3A_136 : i32
        %ne3A_138 = arith.constant 0 : i32
        %ne3A_139 = arith.cmpi ne, %rem3A_137, %ne3A_138 : i32
        %lt3A_140 = arith.constant 0 : i32
        %lt3A_141 = arith.cmpi slt, %rem3A_137, %lt3A_140 : i32
        %lt3A_142 = arith.constant 0 : i32
        %lt3A_143 = arith.cmpi slt, %select_n3A_136, %lt3A_142 : i32
        %ne3A_144 = arith.xori %lt3A_141, %lt3A_143 : i1
        %and3A_145 = arith.andi %ne3A_144, %ne3A_139 : i1
        %add3A_146 = arith.addi %rem3A_137, %select_n3A_136 : i32
        %select_n3A_147 = arith.select %and3A_145, %add3A_146, %rem3A_137 : i32
        %mul3A_148 = arith.constant 16 : i32
        %mul3A_149 = arith.muli %scan3A_131, %mul3A_148 : i32
        %ge3A = arith.constant 2 : i32
        %ge3A_150 = arith.cmpi sge, %scan3A_131, %ge3A : i32
        %convert_element_type3A_151 = arith.extui %ge3A_150 : i1 to i32
        %cond3A_152 = arith.constant 0 : i32
        %cond3A_153 = arith.cmpi ne, %convert_element_type3A_151, %cond3A_152 : i32
        scf.if %cond3A_153 {
          %dma_wait3A_170 = arith.constant 0 : i32
          %dma_wait3A_171 = arith.constant 0 : i32
          %dma_wait3A_172 = arith.constant 0 : i32
          %dma_wait3A_173 = tpu.memref_slice %arg7[%select_n3A_147, %dma_wait3A_171, %dma_wait3A_172] : memref<2x16x224xf32, #tpu.memory_space<vmem>> -> memref<1x16x224xf32, #tpu.memory_space<vmem>>
          %dma_wait3A_174 = tpu.memref_squeeze %dma_wait3A_173 : memref<1x16x224xf32, #tpu.memory_space<vmem>> -> memref<16x224xf32, #tpu.memory_space<vmem>>
          %dma_wait3A_175 = arith.constant 0 : i32
          %dma_wait3A_176 = arith.constant 0 : i32
          %dma_wait3A_177 = tpu.memref_slice %arg4[%dma_wait3A_170, %dma_wait3A_175, %dma_wait3A_176] : memref<384x224x224xf32, #tpu.memory_space<hbm>> -> memref<1x16x224xf32, #tpu.memory_space<hbm>>
          %dma_wait3A_178 = tpu.memref_squeeze %dma_wait3A_177 : memref<1x16x224xf32, #tpu.memory_space<hbm>> -> memref<16x224xf32, #tpu.memory_space<hbm>>
          %dma_wait3A_179 = arith.constant 0 : i32
          %dma_wait3A_180 = arith.constant 0 : i32
          %dma_wait3A_181 = tpu.memref_slice %arg4[%dma_wait3A_170, %dma_wait3A_179, %dma_wait3A_180] : memref<384x224x224xf32, #tpu.memory_space<hbm>> -> memref<1x16x224xf32, #tpu.memory_space<hbm>>
          %dma_wait3A_182 = tpu.memref_squeeze %dma_wait3A_181 : memref<1x16x224xf32, #tpu.memory_space<hbm>> -> memref<16x224xf32, #tpu.memory_space<hbm>>
          %dma_wait3A_183 = arith.constant 0 : i32
          %dma_wait3A_184 = arith.constant 0 : i32
          %dma_wait3A_185 = tpu.memref_slice %arg7[%select_n3A_147, %dma_wait3A_183, %dma_wait3A_184] : memref<2x16x224xf32, #tpu.memory_space<vmem>> -> memref<1x16x224xf32, #tpu.memory_space<vmem>>
          %dma_wait3A_186 = tpu.memref_squeeze %dma_wait3A_185 : memref<1x16x224xf32, #tpu.memory_space<vmem>> -> memref<16x224xf32, #tpu.memory_space<vmem>>
          tpu.wait_dma2 semaphore(%arg9 : memref<!tpu.dma_semaphore, #tpu.memory_space<semaphore_mem>>) src(%dma_wait3A_186 : memref<16x224xf32, #tpu.memory_space<vmem>>) dst(%dma_wait3A_182 : memref<16x224xf32, #tpu.memory_space<hbm>>)
        } else {
        }
        %parallel_loop3A = arith.constant 0 : i32
        %parallel_loop3A_154 = arith.constant 4 : i32
        %parallel_loop3A_155 = arith.constant 1 : i32
        scf.for %parallel_loop3A_170 = %parallel_loop3A to %parallel_loop3A_154 step %parallel_loop3A_155  : i32 {
          %parallel_loop3A_171 = arith.constant 8 : i32
          %parallel_loop3A_172 = arith.muli %scan3A_131, %parallel_loop3A_171 : i32
          %parallel_loop3A_173 = arith.constant 2 : i32
          %parallel_loop3A_174 = arith.muli %parallel_loop3A_173, %parallel_loop3A_170 : i32
          %parallel_loop3A_175 = arith.addi %parallel_loop3A_172, %parallel_loop3A_174 : i32
          %parallel_loop3A_176 = arith.constant 56 : i32
          %parallel_loop3A_177 = arith.muli %parallel_loop3A_175, %parallel_loop3A_176 : i32
          %parallel_loop3A_178 = arith.constant 0 : i32
          %parallel_loop3A_179 = arith.addi %parallel_loop3A_177, %parallel_loop3A_178 : i32
          %parallel_loop3A_180 = arith.index_cast %parallel_loop3A_179 : i32 to index
          %parallel_loop3A_181 = tpu.vector_load %arg6[%parallel_loop3A_180] {strides = array<i32>} : memref<6272xi32, #tpu.memory_space<vmem>>, vector<16xi32>,
          %parallel_loop3A_182 = arith.constant 65535 : i32
          %parallel_loop3A_183 = vector.broadcast %parallel_loop3A_182 : i32 to vector<16xi32>
          %parallel_loop3A_184 = arith.andi %parallel_loop3A_181, %parallel_loop3A_183 : vector<16xi32>
          %parallel_loop3A_185 = arith.constant 16 : i32
          %parallel_loop3A_186 = vector.broadcast %parallel_loop3A_185 : i32 to vector<16xi32>
          %parallel_loop3A_187 = arith.shrui %parallel_loop3A_181, %parallel_loop3A_186 : vector<16xi32>
          %parallel_loop3A_188 = arith.constant 8 : i32
          %parallel_loop3A_189 = vector.broadcast %parallel_loop3A_188 : i32 to vector<16xi32>
          %parallel_loop3A_190 = arith.shrsi %parallel_loop3A_184, %parallel_loop3A_189 : vector<16xi32>
          %parallel_loop3A_191 = arith.constant 255 : i32
          %parallel_loop3A_192 = vector.broadcast %parallel_loop3A_191 : i32 to vector<16xi32>
          %parallel_loop3A_193 = arith.andi %parallel_loop3A_184, %parallel_loop3A_192 : vector<16xi32>
          %parallel_loop3A_194 = arith.constant 0 : i32
          %parallel_loop3A_195 = vector.broadcast %parallel_loop3A_194 : i32 to vector<16xi32>
          %parallel_loop3A_196 = arith.addi %parallel_loop3A_190, %parallel_loop3A_195 : vector<16xi32>
          %parallel_loop3A_197 = arith.constant 0 : i32
          %parallel_loop3A_198 = arith.constant 0 : i32
          %parallel_loop3A_199 = tpu.memref_slice %arg5[%select_n3A_68, %parallel_loop3A_197, %parallel_loop3A_198] : memref<2x224x224xf32, #tpu.memory_space<vmem>> -> memref<1x224x224xf32, #tpu.memory_space<vmem>>
          %parallel_loop3A_200 = tpu.memref_squeeze %parallel_loop3A_199 : memref<1x224x224xf32, #tpu.memory_space<vmem>> -> memref<224x224xf32, #tpu.memory_space<vmem>>
          %parallel_loop3A_201 = tpu.vector_load_idx %parallel_loop3A_200[%parallel_loop3A_196, %parallel_loop3A_193] : memref<224x224xf32, #tpu.memory_space<vmem>>[vector<16xi32>, vector<16xi32>], vector<16xf32>,
          %parallel_loop3A_202 = arith.constant 0 : i32
          %parallel_loop3A_203 = vector.broadcast %parallel_loop3A_202 : i32 to vector<16xi32>
          %parallel_loop3A_204 = arith.addi %parallel_loop3A_190, %parallel_loop3A_203 : vector<16xi32>
          %parallel_loop3A_205 = arith.constant 1 : i32
          %parallel_loop3A_206 = vector.broadcast %parallel_loop3A_205 : i32 to vector<16xi32>
          %parallel_loop3A_207 = arith.addi %parallel_loop3A_193, %parallel_loop3A_206 : vector<16xi32>
          %parallel_loop3A_208 = arith.constant 0 : i32
          %parallel_loop3A_209 = arith.constant 0 : i32
          %parallel_loop3A_210 = tpu.memref_slice %arg5[%select_n3A_68, %parallel_loop3A_208, %parallel_loop3A_209] : memref<2x224x224xf32, #tpu.memory_space<vmem>> -> memref<1x224x224xf32, #tpu.memory_space<vmem>>
          %parallel_loop3A_211 = tpu.memref_squeeze %parallel_loop3A_210 : memref<1x224x224xf32, #tpu.memory_space<vmem>> -> memref<224x224xf32, #tpu.memory_space<vmem>>
          %parallel_loop3A_212 = tpu.vector_load_idx %parallel_loop3A_211[%parallel_loop3A_204, %parallel_loop3A_207] : memref<224x224xf32, #tpu.memory_space<vmem>>[vector<16xi32>, vector<16xi32>], vector<16xf32>,
          %parallel_loop3A_213 = vector.shape_cast %shift_right_arithmetic3A_20 : vector<16xi32> to vector<16x1xi32>
          %parallel_loop3A_214 = vector.shape_cast %parallel_loop3A_213 : vector<16x1xi32> to vector<16xi32>
          %parallel_loop3A_215 = tpu.dynamic_gather %parallel_loop3A_201[%parallel_loop3A_214] in [0] : vector<16xf32>, vector<16xi32> -> vector<16xf32>
          %parallel_loop3A_216 = vector.shape_cast %shift_right_arithmetic3A_20 : vector<16xi32> to vector<16x1xi32>
          %parallel_loop3A_217 = vector.shape_cast %parallel_loop3A_216 : vector<16x1xi32> to vector<16xi32>
          %parallel_loop3A_218 = tpu.dynamic_gather %parallel_loop3A_212[%parallel_loop3A_217] in [0] : vector<16xf32>, vector<16xi32> -> vector<16xf32>
          %parallel_loop3A_219 = arith.select %eq3A_28, %parallel_loop3A_215, %parallel_loop3A_218 : vector<16xi1>, vector<16xf32>
          %parallel_loop3A_220 = vector.shape_cast %add3A_23 : vector<16xi32> to vector<16x1xi32>
          %parallel_loop3A_221 = vector.shape_cast %parallel_loop3A_220 : vector<16x1xi32> to vector<16xi32>
          %parallel_loop3A_222 = tpu.dynamic_gather %parallel_loop3A_201[%parallel_loop3A_221] in [0] : vector<16xf32>, vector<16xi32> -> vector<16xf32>
          %parallel_loop3A_223 = vector.shape_cast %add3A_23 : vector<16xi32> to vector<16x1xi32>
          %parallel_loop3A_224 = vector.shape_cast %parallel_loop3A_223 : vector<16x1xi32> to vector<16xi32>
          %parallel_loop3A_225 = tpu.dynamic_gather %parallel_loop3A_212[%parallel_loop3A_224] in [0] : vector<16xf32>, vector<16xi32> -> vector<16xf32>
          %parallel_loop3A_226 = arith.select %eq3A_28, %parallel_loop3A_222, %parallel_loop3A_225 : vector<16xi1>, vector<16xf32>
          %parallel_loop3A_227 = arith.constant 4 : i32
          %parallel_loop3A_228 = arith.muli %parallel_loop3A_227, %parallel_loop3A_170 : i32
          %parallel_loop3A_229 = arith.constant 0 : i32
          %parallel_loop3A_230 = arith.addi %parallel_loop3A_228, %parallel_loop3A_229 : i32
          %parallel_loop3A_231 = arith.constant 0 : i32
          %parallel_loop3A_232 = arith.addi %parallel_loop3A_230, %parallel_loop3A_231 : i32
          %parallel_loop3A_233 = arith.constant 0 : i32
          %parallel_loop3A_234 = arith.constant 0 : i32
          %parallel_loop3A_235 = tpu.memref_slice %arg7[%select_n3A_147, %parallel_loop3A_233, %parallel_loop3A_234] : memref<2x16x224xf32, #tpu.memory_space<vmem>> -> memref<1x16x224xf32, #tpu.memory_space<vmem>>
          %parallel_loop3A_236 = tpu.memref_squeeze %parallel_loop3A_235 : memref<1x16x224xf32, #tpu.memory_space<vmem>> -> memref<16x224xf32, #tpu.memory_space<vmem>>
          %parallel_loop3A_237 = arith.index_cast %parallel_loop3A_232 : i32 to index
          %parallel_loop3A_238 = arith.constant 0 : index
          %parallel_loop3A_239 = tpu.vector_load %parallel_loop3A_236[%parallel_loop3A_237, %parallel_loop3A_238] {strides = array<i32>} : memref<16x224xf32, #tpu.memory_space<vmem>>, vector<16xf32>,
          tpu.vector_store %parallel_loop3A_236[%parallel_loop3A_237, %parallel_loop3A_238], %parallel_loop3A_219 {strides = array<i32>} : memref<16x224xf32, #tpu.memory_space<vmem>>, vector<16xf32>,
          %parallel_loop3A_240 = arith.constant 0 : i32
          %parallel_loop3A_241 = arith.constant 0 : i32
          %parallel_loop3A_242 = tpu.memref_slice %arg7[%select_n3A_147, %parallel_loop3A_240, %parallel_loop3A_241] : memref<2x16x224xf32, #tpu.memory_space<vmem>> -> memref<1x16x224xf32, #tpu.memory_space<vmem>>
          %parallel_loop3A_243 = tpu.memref_squeeze %parallel_loop3A_242 : memref<1x16x224xf32, #tpu.memory_space<vmem>> -> memref<16x224xf32, #tpu.memory_space<vmem>>
          %parallel_loop3A_244 = arith.index_cast %parallel_loop3A_232 : i32 to index
          %parallel_loop3A_245 = arith.constant 16 : index
          %parallel_loop3A_246 = tpu.vector_load %parallel_loop3A_243[%parallel_loop3A_244, %parallel_loop3A_245] {strides = array<i32>} : memref<16x224xf32, #tpu.memory_space<vmem>>, vector<16xf32>,
          tpu.vector_store %parallel_loop3A_243[%parallel_loop3A_244, %parallel_loop3A_245], %parallel_loop3A_226 {strides = array<i32>} : memref<16x224xf32, #tpu.memory_space<vmem>>, vector<16xf32>,
          %parallel_loop3A_247 = arith.constant 1 : i32
          %parallel_loop3A_248 = vector.broadcast %parallel_loop3A_247 : i32 to vector<16xi32>
          %parallel_loop3A_249 = arith.addi %parallel_loop3A_190, %parallel_loop3A_248 : vector<16xi32>
          %parallel_loop3A_250 = arith.constant 0 : i32
          %parallel_loop3A_251 = arith.constant 0 : i32
          %parallel_loop3A_252 = tpu.memref_slice %arg5[%select_n3A_68, %parallel_loop3A_250, %parallel_loop3A_251] : memref<2x224x224xf32, #tpu.memory_space<vmem>> -> memref<1x224x224xf32, #tpu.memory_space<vmem>>
          %parallel_loop3A_253 = tpu.memref_squeeze %parallel_loop3A_252 : memref<1x224x224xf32, #tpu.memory_space<vmem>> -> memref<224x224xf32, #tpu.memory_space<vmem>>
          %parallel_loop3A_254 = tpu.vector_load_idx %parallel_loop3A_253[%parallel_loop3A_249, %parallel_loop3A_193] : memref<224x224xf32, #tpu.memory_space<vmem>>[vector<16xi32>, vector<16xi32>], vector<16xf32>,
          %parallel_loop3A_255 = arith.constant 1 : i32
          %parallel_loop3A_256 = vector.broadcast %parallel_loop3A_255 : i32 to vector<16xi32>
          %parallel_loop3A_257 = arith.addi %parallel_loop3A_190, %parallel_loop3A_256 : vector<16xi32>
          %parallel_loop3A_258 = arith.constant 1 : i32
          %parallel_loop3A_259 = vector.broadcast %parallel_loop3A_258 : i32 to vector<16xi32>
          %parallel_loop3A_260 = arith.addi %parallel_loop3A_193, %parallel_loop3A_259 : vector<16xi32>
          %parallel_loop3A_261 = arith.constant 0 : i32
          %parallel_loop3A_262 = arith.constant 0 : i32
          %parallel_loop3A_263 = tpu.memref_slice %arg5[%select_n3A_68, %parallel_loop3A_261, %parallel_loop3A_262] : memref<2x224x224xf32, #tpu.memory_space<vmem>> -> memref<1x224x224xf32, #tpu.memory_space<vmem>>
          %parallel_loop3A_264 = tpu.memref_squeeze %parallel_loop3A_263 : memref<1x224x224xf32, #tpu.memory_space<vmem>> -> memref<224x224xf32, #tpu.memory_space<vmem>>
          %parallel_loop3A_265 = tpu.vector_load_idx %parallel_loop3A_264[%parallel_loop3A_257, %parallel_loop3A_260] : memref<224x224xf32, #tpu.memory_space<vmem>>[vector<16xi32>, vector<16xi32>], vector<16xf32>,
          %parallel_loop3A_266 = vector.shape_cast %shift_right_arithmetic3A_20 : vector<16xi32> to vector<16x1xi32>
          %parallel_loop3A_267 = vector.shape_cast %parallel_loop3A_266 : vector<16x1xi32> to vector<16xi32>
          %parallel_loop3A_268 = tpu.dynamic_gather %parallel_loop3A_254[%parallel_loop3A_267] in [0] : vector<16xf32>, vector<16xi32> -> vector<16xf32>
          %parallel_loop3A_269 = vector.shape_cast %shift_right_arithmetic3A_20 : vector<16xi32> to vector<16x1xi32>
          %parallel_loop3A_270 = vector.shape_cast %parallel_loop3A_269 : vector<16x1xi32> to vector<16xi32>
          %parallel_loop3A_271 = tpu.dynamic_gather %parallel_loop3A_265[%parallel_loop3A_270] in [0] : vector<16xf32>, vector<16xi32> -> vector<16xf32>
          %parallel_loop3A_272 = arith.select %eq3A_28, %parallel_loop3A_268, %parallel_loop3A_271 : vector<16xi1>, vector<16xf32>
          %parallel_loop3A_273 = vector.shape_cast %add3A_23 : vector<16xi32> to vector<16x1xi32>
          %parallel_loop3A_274 = vector.shape_cast %parallel_loop3A_273 : vector<16x1xi32> to vector<16xi32>
          %parallel_loop3A_275 = tpu.dynamic_gather %parallel_loop3A_254[%parallel_loop3A_274] in [0] : vector<16xf32>, vector<16xi32> -> vector<16xf32>
          %parallel_loop3A_276 = vector.shape_cast %add3A_23 : vector<16xi32> to vector<16x1xi32>
          %parallel_loop3A_277 = vector.shape_cast %parallel_loop3A_276 : vector<16x1xi32> to vector<16xi32>
          %parallel_loop3A_278 = tpu.dynamic_gather %parallel_loop3A_265[%parallel_loop3A_277] in [0] : vector<16xf32>, vector<16xi32> -> vector<16xf32>
          %parallel_loop3A_279 = arith.select %eq3A_28, %parallel_loop3A_275, %parallel_loop3A_278 : vector<16xi1>, vector<16xf32>
          %parallel_loop3A_280 = arith.constant 4 : i32
          %parallel_loop3A_281 = arith.muli %parallel_loop3A_280, %parallel_loop3A_170 : i32
          %parallel_loop3A_282 = arith.constant 0 : i32
          %parallel_loop3A_283 = arith.addi %parallel_loop3A_281, %parallel_loop3A_282 : i32
          %parallel_loop3A_284 = arith.constant 1 : i32
          %parallel_loop3A_285 = arith.addi %parallel_loop3A_283, %parallel_loop3A_284 : i32
          %parallel_loop3A_286 = arith.constant 0 : i32
          %parallel_loop3A_287 = arith.constant 0 : i32
          %parallel_loop3A_288 = tpu.memref_slice %arg7[%select_n3A_147, %parallel_loop3A_286, %parallel_loop3A_287] : memref<2x16x224xf32, #tpu.memory_space<vmem>> -> memref<1x16x224xf32, #tpu.memory_space<vmem>>
          %parallel_loop3A_289 = tpu.memref_squeeze %parallel_loop3A_288 : memref<1x16x224xf32, #tpu.memory_space<vmem>> -> memref<16x224xf32, #tpu.memory_space<vmem>>
          %parallel_loop3A_290 = arith.index_cast %parallel_loop3A_285 : i32 to index
          %parallel_loop3A_291 = arith.constant 0 : index
          %parallel_loop3A_292 = tpu.vector_load %parallel_loop3A_289[%parallel_loop3A_290, %parallel_loop3A_291] {strides = array<i32>} : memref<16x224xf32, #tpu.memory_space<vmem>>, vector<16xf32>,
          tpu.vector_store %parallel_loop3A_289[%parallel_loop3A_290, %parallel_loop3A_291], %parallel_loop3A_272 {strides = array<i32>} : memref<16x224xf32, #tpu.memory_space<vmem>>, vector<16xf32>,
          %parallel_loop3A_293 = arith.constant 0 : i32
          %parallel_loop3A_294 = arith.constant 0 : i32
          %parallel_loop3A_295 = tpu.memref_slice %arg7[%select_n3A_147, %parallel_loop3A_293, %parallel_loop3A_294] : memref<2x16x224xf32, #tpu.memory_space<vmem>> -> memref<1x16x224xf32, #tpu.memory_space<vmem>>
          %parallel_loop3A_296 = tpu.memref_squeeze %parallel_loop3A_295 : memref<1x16x224xf32, #tpu.memory_space<vmem>> -> memref<16x224xf32, #tpu.memory_space<vmem>>
          %parallel_loop3A_297 = arith.index_cast %parallel_loop3A_285 : i32 to index
          %parallel_loop3A_298 = arith.constant 16 : index
          %parallel_loop3A_299 = tpu.vector_load %parallel_loop3A_296[%parallel_loop3A_297, %parallel_loop3A_298] {strides = array<i32>} : memref<16x224xf32, #tpu.memory_space<vmem>>, vector<16xf32>,
          tpu.vector_store %parallel_loop3A_296[%parallel_loop3A_297, %parallel_loop3A_298], %parallel_loop3A_279 {strides = array<i32>} : memref<16x224xf32, #tpu.memory_space<vmem>>, vector<16xf32>,
          %parallel_loop3A_300 = arith.constant 8 : i32
          %parallel_loop3A_301 = vector.broadcast %parallel_loop3A_300 : i32 to vector<16xi32>
          %parallel_loop3A_302 = arith.shrsi %parallel_loop3A_187, %parallel_loop3A_301 : vector<16xi32>
          %parallel_loop3A_303 = arith.constant 255 : i32
          %parallel_loop3A_304 = vector.broadcast %parallel_loop3A_303 : i32 to vector<16xi32>
          %parallel_loop3A_305 = arith.andi %parallel_loop3A_187, %parallel_loop3A_304 : vector<16xi32>
          %parallel_loop3A_306 = arith.constant 0 : i32
          %parallel_loop3A_307 = vector.broadcast %parallel_loop3A_306 : i32 to vector<16xi32>
          %parallel_loop3A_308 = arith.addi %parallel_loop3A_302, %parallel_loop3A_307 : vector<16xi32>
          %parallel_loop3A_309 = arith.constant 0 : i32
          %parallel_loop3A_310 = arith.constant 0 : i32
          %parallel_loop3A_311 = tpu.memref_slice %arg5[%select_n3A_68, %parallel_loop3A_309, %parallel_loop3A_310] : memref<2x224x224xf32, #tpu.memory_space<vmem>> -> memref<1x224x224xf32, #tpu.memory_space<vmem>>
          %parallel_loop3A_312 = tpu.memref_squeeze %parallel_loop3A_311 : memref<1x224x224xf32, #tpu.memory_space<vmem>> -> memref<224x224xf32, #tpu.memory_space<vmem>>
          %parallel_loop3A_313 = tpu.vector_load_idx %parallel_loop3A_312[%parallel_loop3A_308, %parallel_loop3A_305] : memref<224x224xf32, #tpu.memory_space<vmem>>[vector<16xi32>, vector<16xi32>], vector<16xf32>,
          %parallel_loop3A_314 = arith.constant 0 : i32
          %parallel_loop3A_315 = vector.broadcast %parallel_loop3A_314 : i32 to vector<16xi32>
          %parallel_loop3A_316 = arith.addi %parallel_loop3A_302, %parallel_loop3A_315 : vector<16xi32>
          %parallel_loop3A_317 = arith.constant 1 : i32
          %parallel_loop3A_318 = vector.broadcast %parallel_loop3A_317 : i32 to vector<16xi32>
          %parallel_loop3A_319 = arith.addi %parallel_loop3A_305, %parallel_loop3A_318 : vector<16xi32>
          %parallel_loop3A_320 = arith.constant 0 : i32
          %parallel_loop3A_321 = arith.constant 0 : i32
          %parallel_loop3A_322 = tpu.memref_slice %arg5[%select_n3A_68, %parallel_loop3A_320, %parallel_loop3A_321] : memref<2x224x224xf32, #tpu.memory_space<vmem>> -> memref<1x224x224xf32, #tpu.memory_space<vmem>>
          %parallel_loop3A_323 = tpu.memref_squeeze %parallel_loop3A_322 : memref<1x224x224xf32, #tpu.memory_space<vmem>> -> memref<224x224xf32, #tpu.memory_space<vmem>>
          %parallel_loop3A_324 = tpu.vector_load_idx %parallel_loop3A_323[%parallel_loop3A_316, %parallel_loop3A_319] : memref<224x224xf32, #tpu.memory_space<vmem>>[vector<16xi32>, vector<16xi32>], vector<16xf32>,
          %parallel_loop3A_325 = vector.shape_cast %shift_right_arithmetic3A_20 : vector<16xi32> to vector<16x1xi32>
          %parallel_loop3A_326 = vector.shape_cast %parallel_loop3A_325 : vector<16x1xi32> to vector<16xi32>
          %parallel_loop3A_327 = tpu.dynamic_gather %parallel_loop3A_313[%parallel_loop3A_326] in [0] : vector<16xf32>, vector<16xi32> -> vector<16xf32>
          %parallel_loop3A_328 = vector.shape_cast %shift_right_arithmetic3A_20 : vector<16xi32> to vector<16x1xi32>
          %parallel_loop3A_329 = vector.shape_cast %parallel_loop3A_328 : vector<16x1xi32> to vector<16xi32>
          %parallel_loop3A_330 = tpu.dynamic_gather %parallel_loop3A_324[%parallel_loop3A_329] in [0] : vector<16xf32>, vector<16xi32> -> vector<16xf32>
          %parallel_loop3A_331 = arith.select %eq3A_28, %parallel_loop3A_327, %parallel_loop3A_330 : vector<16xi1>, vector<16xf32>
          %parallel_loop3A_332 = vector.shape_cast %add3A_23 : vector<16xi32> to vector<16x1xi32>
          %parallel_loop3A_333 = vector.shape_cast %parallel_loop3A_332 : vector<16x1xi32> to vector<16xi32>
          %parallel_loop3A_334 = tpu.dynamic_gather %parallel_loop3A_313[%parallel_loop3A_333] in [0] : vector<16xf32>, vector<16xi32> -> vector<16xf32>
          %parallel_loop3A_335 = vector.shape_cast %add3A_23 : vector<16xi32> to vector<16x1xi32>
          %parallel_loop3A_336 = vector.shape_cast %parallel_loop3A_335 : vector<16x1xi32> to vector<16xi32>
          %parallel_loop3A_337 = tpu.dynamic_gather %parallel_loop3A_324[%parallel_loop3A_336] in [0] : vector<16xf32>, vector<16xi32> -> vector<16xf32>
          %parallel_loop3A_338 = arith.select %eq3A_28, %parallel_loop3A_334, %parallel_loop3A_337 : vector<16xi1>, vector<16xf32>
          %parallel_loop3A_339 = arith.constant 4 : i32
          %parallel_loop3A_340 = arith.muli %parallel_loop3A_339, %parallel_loop3A_170 : i32
          %parallel_loop3A_341 = arith.constant 0 : i32
          %parallel_loop3A_342 = arith.addi %parallel_loop3A_340, %parallel_loop3A_341 : i32
          %parallel_loop3A_343 = arith.constant 0 : i32
          %parallel_loop3A_344 = arith.addi %parallel_loop3A_342, %parallel_loop3A_343 : i32
          %parallel_loop3A_345 = arith.constant 0 : i32
          %parallel_loop3A_346 = arith.constant 0 : i32
          %parallel_loop3A_347 = tpu.memref_slice %arg7[%select_n3A_147, %parallel_loop3A_345, %parallel_loop3A_346] : memref<2x16x224xf32, #tpu.memory_space<vmem>> -> memref<1x16x224xf32, #tpu.memory_space<vmem>>
          %parallel_loop3A_348 = tpu.memref_squeeze %parallel_loop3A_347 : memref<1x16x224xf32, #tpu.memory_space<vmem>> -> memref<16x224xf32, #tpu.memory_space<vmem>>
          %parallel_loop3A_349 = arith.index_cast %parallel_loop3A_344 : i32 to index
          %parallel_loop3A_350 = arith.constant 32 : index
          %parallel_loop3A_351 = tpu.vector_load %parallel_loop3A_348[%parallel_loop3A_349, %parallel_loop3A_350] {strides = array<i32>} : memref<16x224xf32, #tpu.memory_space<vmem>>, vector<16xf32>,
          tpu.vector_store %parallel_loop3A_348[%parallel_loop3A_349, %parallel_loop3A_350], %parallel_loop3A_331 {strides = array<i32>} : memref<16x224xf32, #tpu.memory_space<vmem>>, vector<16xf32>,
          %parallel_loop3A_352 = arith.constant 0 : i32
          %parallel_loop3A_353 = arith.constant 0 : i32
          %parallel_loop3A_354 = tpu.memref_slice %arg7[%select_n3A_147, %parallel_loop3A_352, %parallel_loop3A_353] : memref<2x16x224xf32, #tpu.memory_space<vmem>> -> memref<1x16x224xf32, #tpu.memory_space<vmem>>
          %parallel_loop3A_355 = tpu.memref_squeeze %parallel_loop3A_354 : memref<1x16x224xf32, #tpu.memory_space<vmem>> -> memref<16x224xf32, #tpu.memory_space<vmem>>
          %parallel_loop3A_356 = arith.index_cast %parallel_loop3A_344 : i32 to index
          %parallel_loop3A_357 = arith.constant 48 : index
          %parallel_loop3A_358 = tpu.vector_load %parallel_loop3A_355[%parallel_loop3A_356, %parallel_loop3A_357] {strides = array<i32>} : memref<16x224xf32, #tpu.memory_space<vmem>>, vector<16xf32>,
          tpu.vector_store %parallel_loop3A_355[%parallel_loop3A_356, %parallel_loop3A_357], %parallel_loop3A_338 {strides = array<i32>} : memref<16x224xf32, #tpu.memory_space<vmem>>, vector<16xf32>,
          %parallel_loop3A_359 = arith.constant 1 : i32
          %parallel_loop3A_360 = vector.broadcast %parallel_loop3A_359 : i32 to vector<16xi32>
          %parallel_loop3A_361 = arith.addi %parallel_loop3A_302, %parallel_loop3A_360 : vector<16xi32>
          %parallel_loop3A_362 = arith.constant 0 : i32
          %parallel_loop3A_363 = arith.constant 0 : i32
          %parallel_loop3A_364 = tpu.memref_slice %arg5[%select_n3A_68, %parallel_loop3A_362, %parallel_loop3A_363] : memref<2x224x224xf32, #tpu.memory_space<vmem>> -> memref<1x224x224xf32, #tpu.memory_space<vmem>>
          %parallel_loop3A_365 = tpu.memref_squeeze %parallel_loop3A_364 : memref<1x224x224xf32, #tpu.memory_space<vmem>> -> memref<224x224xf32, #tpu.memory_space<vmem>>
          %parallel_loop3A_366 = tpu.vector_load_idx %parallel_loop3A_365[%parallel_loop3A_361, %parallel_loop3A_305] : memref<224x224xf32, #tpu.memory_space<vmem>>[vector<16xi32>, vector<16xi32>], vector<16xf32>,
          %parallel_loop3A_367 = arith.constant 1 : i32
          %parallel_loop3A_368 = vector.broadcast %parallel_loop3A_367 : i32 to vector<16xi32>
          %parallel_loop3A_369 = arith.addi %parallel_loop3A_302, %parallel_loop3A_368 : vector<16xi32>
          %parallel_loop3A_370 = arith.constant 1 : i32
          %parallel_loop3A_371 = vector.broadcast %parallel_loop3A_370 : i32 to vector<16xi32>
          %parallel_loop3A_372 = arith.addi %parallel_loop3A_305, %parallel_loop3A_371 : vector<16xi32>
          %parallel_loop3A_373 = arith.constant 0 : i32
          %parallel_loop3A_374 = arith.constant 0 : i32
          %parallel_loop3A_375 = tpu.memref_slice %arg5[%select_n3A_68, %parallel_loop3A_373, %parallel_loop3A_374] : memref<2x224x224xf32, #tpu.memory_space<vmem>> -> memref<1x224x224xf32, #tpu.memory_space<vmem>>
          %parallel_loop3A_376 = tpu.memref_squeeze %parallel_loop3A_375 : memref<1x224x224xf32, #tpu.memory_space<vmem>> -> memref<224x224xf32, #tpu.memory_space<vmem>>
          %parallel_loop3A_377 = tpu.vector_load_idx %parallel_loop3A_376[%parallel_loop3A_369, %parallel_loop3A_372] : memref<224x224xf32, #tpu.memory_space<vmem>>[vector<16xi32>, vector<16xi32>], vector<16xf32>,
          %parallel_loop3A_378 = vector.shape_cast %shift_right_arithmetic3A_20 : vector<16xi32> to vector<16x1xi32>
          %parallel_loop3A_379 = vector.shape_cast %parallel_loop3A_378 : vector<16x1xi32> to vector<16xi32>
          %parallel_loop3A_380 = tpu.dynamic_gather %parallel_loop3A_366[%parallel_loop3A_379] in [0] : vector<16xf32>, vector<16xi32> -> vector<16xf32>
          %parallel_loop3A_381 = vector.shape_cast %shift_right_arithmetic3A_20 : vector<16xi32> to vector<16x1xi32>
          %parallel_loop3A_382 = vector.shape_cast %parallel_loop3A_381 : vector<16x1xi32> to vector<16xi32>
          %parallel_loop3A_383 = tpu.dynamic_gather %parallel_loop3A_377[%parallel_loop3A_382] in [0] : vector<16xf32>, vector<16xi32> -> vector<16xf32>
          %parallel_loop3A_384 = arith.select %eq3A_28, %parallel_loop3A_380, %parallel_loop3A_383 : vector<16xi1>, vector<16xf32>
          %parallel_loop3A_385 = vector.shape_cast %add3A_23 : vector<16xi32> to vector<16x1xi32>
          %parallel_loop3A_386 = vector.shape_cast %parallel_loop3A_385 : vector<16x1xi32> to vector<16xi32>
          %parallel_loop3A_387 = tpu.dynamic_gather %parallel_loop3A_366[%parallel_loop3A_386] in [0] : vector<16xf32>, vector<16xi32> -> vector<16xf32>
          %parallel_loop3A_388 = vector.shape_cast %add3A_23 : vector<16xi32> to vector<16x1xi32>
          %parallel_loop3A_389 = vector.shape_cast %parallel_loop3A_388 : vector<16x1xi32> to vector<16xi32>
          %parallel_loop3A_390 = tpu.dynamic_gather %parallel_loop3A_377[%parallel_loop3A_389] in [0] : vector<16xf32>, vector<16xi32> -> vector<16xf32>
          %parallel_loop3A_391 = arith.select %eq3A_28, %parallel_loop3A_387, %parallel_loop3A_390 : vector<16xi1>, vector<16xf32>
          %parallel_loop3A_392 = arith.constant 4 : i32
          %parallel_loop3A_393 = arith.muli %parallel_loop3A_392, %parallel_loop3A_170 : i32
          %parallel_loop3A_394 = arith.constant 0 : i32
          %parallel_loop3A_395 = arith.addi %parallel_loop3A_393, %parallel_loop3A_394 : i32
          %parallel_loop3A_396 = arith.constant 1 : i32
          %parallel_loop3A_397 = arith.addi %parallel_loop3A_395, %parallel_loop3A_396 : i32
          %parallel_loop3A_398 = arith.constant 0 : i32
          %parallel_loop3A_399 = arith.constant 0 : i32
          %parallel_loop3A_400 = tpu.memref_slice %arg7[%select_n3A_147, %parallel_loop3A_398, %parallel_loop3A_399] : memref<2x16x224xf32, #tpu.memory_space<vmem>> -> memref<1x16x224xf32, #tpu.memory_space<vmem>>
          %parallel_loop3A_401 = tpu.memref_squeeze %parallel_loop3A_400 : memref<1x16x224xf32, #tpu.memory_space<vmem>> -> memref<16x224xf32, #tpu.memory_space<vmem>>
          %parallel_loop3A_402 = arith.index_cast %parallel_loop3A_397 : i32 to index
          %parallel_loop3A_403 = arith.constant 32 : index
          %parallel_loop3A_404 = tpu.vector_load %parallel_loop3A_401[%parallel_loop3A_402, %parallel_loop3A_403] {strides = array<i32>} : memref<16x224xf32, #tpu.memory_space<vmem>>, vector<16xf32>,
          tpu.vector_store %parallel_loop3A_401[%parallel_loop3A_402, %parallel_loop3A_403], %parallel_loop3A_384 {strides = array<i32>} : memref<16x224xf32, #tpu.memory_space<vmem>>, vector<16xf32>,
          %parallel_loop3A_405 = arith.constant 0 : i32
          %parallel_loop3A_406 = arith.constant 0 : i32
          %parallel_loop3A_407 = tpu.memref_slice %arg7[%select_n3A_147, %parallel_loop3A_405, %parallel_loop3A_406] : memref<2x16x224xf32, #tpu.memory_space<vmem>> -> memref<1x16x224xf32, #tpu.memory_space<vmem>>
          %parallel_loop3A_408 = tpu.memref_squeeze %parallel_loop3A_407 : memref<1x16x224xf32, #tpu.memory_space<vmem>> -> memref<16x224xf32, #tpu.memory_space<vmem>>
          %parallel_loop3A_409 = arith.index_cast %parallel_loop3A_397 : i32 to index
          %parallel_loop3A_410 = arith.constant 48 : index
          %parallel_loop3A_411 = tpu.vector_load %parallel_loop3A_408[%parallel_loop3A_409, %parallel_loop3A_410] {strides = array<i32>} : memref<16x224xf32, #tpu.memory_space<vmem>>, vector<16xf32>,
          tpu.vector_store %parallel_loop3A_408[%parallel_loop3A_409, %parallel_loop3A_410], %parallel_loop3A_391 {strides = array<i32>} : memref<16x224xf32, #tpu.memory_space<vmem>>, vector<16xf32>,
          %parallel_loop3A_412 = arith.constant 16 : i32
          %parallel_loop3A_413 = arith.addi %parallel_loop3A_177, %parallel_loop3A_412 : i32
          %parallel_loop3A_414 = arith.index_cast %parallel_loop3A_413 : i32 to index
          %parallel_loop3A_415 = tpu.vector_load %arg6[%parallel_loop3A_414] {strides = array<i32>} : memref<6272xi32, #tpu.memory_space<vmem>>, vector<16xi32>,
          %parallel_loop3A_416 = arith.constant 65535 : i32
          %parallel_loop3A_417 = vector.broadcast %parallel_loop3A_416 : i32 to vector<16xi32>
          %parallel_loop3A_418 = arith.andi %parallel_loop3A_415, %parallel_loop3A_417 : vector<16xi32>
          %parallel_loop3A_419 = arith.constant 16 : i32
          %parallel_loop3A_420 = vector.broadcast %parallel_loop3A_419 : i32 to vector<16xi32>
          %parallel_loop3A_421 = arith.shrui %parallel_loop3A_415, %parallel_loop3A_420 : vector<16xi32>
          %parallel_loop3A_422 = arith.constant 8 : i32
          %parallel_loop3A_423 = vector.broadcast %parallel_loop3A_422 : i32 to vector<16xi32>
          %parallel_loop3A_424 = arith.shrsi %parallel_loop3A_418, %parallel_loop3A_423 : vector<16xi32>
          %parallel_loop3A_425 = arith.constant 255 : i32
          %parallel_loop3A_426 = vector.broadcast %parallel_loop3A_425 : i32 to vector<16xi32>
          %parallel_loop3A_427 = arith.andi %parallel_loop3A_418, %parallel_loop3A_426 : vector<16xi32>
          %parallel_loop3A_428 = arith.constant 0 : i32
          %parallel_loop3A_429 = vector.broadcast %parallel_loop3A_428 : i32 to vector<16xi32>
          %parallel_loop3A_430 = arith.addi %parallel_loop3A_424, %parallel_loop3A_429 : vector<16xi32>
          %parallel_loop3A_431 = arith.constant 0 : i32
          %parallel_loop3A_432 = arith.constant 0 : i32
          %parallel_loop3A_433 = tpu.memref_slice %arg5[%select_n3A_68, %parallel_loop3A_431, %parallel_loop3A_432] : memref<2x224x224xf32, #tpu.memory_space<vmem>> -> memref<1x224x224xf32, #tpu.memory_space<vmem>>
          %parallel_loop3A_434 = tpu.memref_squeeze %parallel_loop3A_433 : memref<1x224x224xf32, #tpu.memory_space<vmem>> -> memref<224x224xf32, #tpu.memory_space<vmem>>
          %parallel_loop3A_435 = tpu.vector_load_idx %parallel_loop3A_434[%parallel_loop3A_430, %parallel_loop3A_427] : memref<224x224xf32, #tpu.memory_space<vmem>>[vector<16xi32>, vector<16xi32>], vector<16xf32>,
          %parallel_loop3A_436 = arith.constant 0 : i32
          %parallel_loop3A_437 = vector.broadcast %parallel_loop3A_436 : i32 to vector<16xi32>
          %parallel_loop3A_438 = arith.addi %parallel_loop3A_424, %parallel_loop3A_437 : vector<16xi32>
          %parallel_loop3A_439 = arith.constant 1 : i32
          %parallel_loop3A_440 = vector.broadcast %parallel_loop3A_439 : i32 to vector<16xi32>
          %parallel_loop3A_441 = arith.addi %parallel_loop3A_427, %parallel_loop3A_440 : vector<16xi32>
          %parallel_loop3A_442 = arith.constant 0 : i32
          %parallel_loop3A_443 = arith.constant 0 : i32
          %parallel_loop3A_444 = tpu.memref_slice %arg5[%select_n3A_68, %parallel_loop3A_442, %parallel_loop3A_443] : memref<2x224x224xf32, #tpu.memory_space<vmem>> -> memref<1x224x224xf32, #tpu.memory_space<vmem>>
          %parallel_loop3A_445 = tpu.memref_squeeze %parallel_loop3A_444 : memref<1x224x224xf32, #tpu.memory_space<vmem>> -> memref<224x224xf32, #tpu.memory_space<vmem>>
          %parallel_loop3A_446 = tpu.vector_load_idx %parallel_loop3A_445[%parallel_loop3A_438, %parallel_loop3A_441] : memref<224x224xf32, #tpu.memory_space<vmem>>[vector<16xi32>, vector<16xi32>], vector<16xf32>,
          %parallel_loop3A_447 = vector.shape_cast %shift_right_arithmetic3A_20 : vector<16xi32> to vector<16x1xi32>
          %parallel_loop3A_448 = vector.shape_cast %parallel_loop3A_447 : vector<16x1xi32> to vector<16xi32>
          %parallel_loop3A_449 = tpu.dynamic_gather %parallel_loop3A_435[%parallel_loop3A_448] in [0] : vector<16xf32>, vector<16xi32> -> vector<16xf32>
          %parallel_loop3A_450 = vector.shape_cast %shift_right_arithmetic3A_20 : vector<16xi32> to vector<16x1xi32>
          %parallel_loop3A_451 = vector.shape_cast %parallel_loop3A_450 : vector<16x1xi32> to vector<16xi32>
          %parallel_loop3A_452 = tpu.dynamic_gather %parallel_loop3A_446[%parallel_loop3A_451] in [0] : vector<16xf32>, vector<16xi32> -> vector<16xf32>
          %parallel_loop3A_453 = arith.select %eq3A_28, %parallel_loop3A_449, %parallel_loop3A_452 : vector<16xi1>, vector<16xf32>
          %parallel_loop3A_454 = vector.shape_cast %add3A_23 : vector<16xi32> to vector<16x1xi32>
          %parallel_loop3A_455 = vector.shape_cast %parallel_loop3A_454 : vector<16x1xi32> to vector<16xi32>
          %parallel_loop3A_456 = tpu.dynamic_gather %parallel_loop3A_435[%parallel_loop3A_455] in [0] : vector<16xf32>, vector<16xi32> -> vector<16xf32>
          %parallel_loop3A_457 = vector.shape_cast %add3A_23 : vector<16xi32> to vector<16x1xi32>
          %parallel_loop3A_458 = vector.shape_cast %parallel_loop3A_457 : vector<16x1xi32> to vector<16xi32>
          %parallel_loop3A_459 = tpu.dynamic_gather %parallel_loop3A_446[%parallel_loop3A_458] in [0] : vector<16xf32>, vector<16xi32> -> vector<16xf32>
          %parallel_loop3A_460 = arith.select %eq3A_28, %parallel_loop3A_456, %parallel_loop3A_459 : vector<16xi1>, vector<16xf32>
          %parallel_loop3A_461 = arith.constant 4 : i32
          %parallel_loop3A_462 = arith.muli %parallel_loop3A_461, %parallel_loop3A_170 : i32
          %parallel_loop3A_463 = arith.constant 0 : i32
          %parallel_loop3A_464 = arith.addi %parallel_loop3A_462, %parallel_loop3A_463 : i32
          %parallel_loop3A_465 = arith.constant 0 : i32
          %parallel_loop3A_466 = arith.addi %parallel_loop3A_464, %parallel_loop3A_465 : i32
          %parallel_loop3A_467 = arith.constant 0 : i32
          %parallel_loop3A_468 = arith.constant 0 : i32
          %parallel_loop3A_469 = tpu.memref_slice %arg7[%select_n3A_147, %parallel_loop3A_467, %parallel_loop3A_468] : memref<2x16x224xf32, #tpu.memory_space<vmem>> -> memref<1x16x224xf32, #tpu.memory_space<vmem>>
          %parallel_loop3A_470 = tpu.memref_squeeze %parallel_loop3A_469 : memref<1x16x224xf32, #tpu.memory_space<vmem>> -> memref<16x224xf32, #tpu.memory_space<vmem>>
          %parallel_loop3A_471 = arith.index_cast %parallel_loop3A_466 : i32 to index
          %parallel_loop3A_472 = arith.constant 64 : index
          %parallel_loop3A_473 = tpu.vector_load %parallel_loop3A_470[%parallel_loop3A_471, %parallel_loop3A_472] {strides = array<i32>} : memref<16x224xf32, #tpu.memory_space<vmem>>, vector<16xf32>,
          tpu.vector_store %parallel_loop3A_470[%parallel_loop3A_471, %parallel_loop3A_472], %parallel_loop3A_453 {strides = array<i32>} : memref<16x224xf32, #tpu.memory_space<vmem>>, vector<16xf32>,
          %parallel_loop3A_474 = arith.constant 0 : i32
          %parallel_loop3A_475 = arith.constant 0 : i32
          %parallel_loop3A_476 = tpu.memref_slice %arg7[%select_n3A_147, %parallel_loop3A_474, %parallel_loop3A_475] : memref<2x16x224xf32, #tpu.memory_space<vmem>> -> memref<1x16x224xf32, #tpu.memory_space<vmem>>
          %parallel_loop3A_477 = tpu.memref_squeeze %parallel_loop3A_476 : memref<1x16x224xf32, #tpu.memory_space<vmem>> -> memref<16x224xf32, #tpu.memory_space<vmem>>
          %parallel_loop3A_478 = arith.index_cast %parallel_loop3A_466 : i32 to index
          %parallel_loop3A_479 = arith.constant 80 : index
          %parallel_loop3A_480 = tpu.vector_load %parallel_loop3A_477[%parallel_loop3A_478, %parallel_loop3A_479] {strides = array<i32>} : memref<16x224xf32, #tpu.memory_space<vmem>>, vector<16xf32>,
          tpu.vector_store %parallel_loop3A_477[%parallel_loop3A_478, %parallel_loop3A_479], %parallel_loop3A_460 {strides = array<i32>} : memref<16x224xf32, #tpu.memory_space<vmem>>, vector<16xf32>,
          %parallel_loop3A_481 = arith.constant 1 : i32
          %parallel_loop3A_482 = vector.broadcast %parallel_loop3A_481 : i32 to vector<16xi32>
          %parallel_loop3A_483 = arith.addi %parallel_loop3A_424, %parallel_loop3A_482 : vector<16xi32>
          %parallel_loop3A_484 = arith.constant 0 : i32
          %parallel_loop3A_485 = arith.constant 0 : i32
          %parallel_loop3A_486 = tpu.memref_slice %arg5[%select_n3A_68, %parallel_loop3A_484, %parallel_loop3A_485] : memref<2x224x224xf32, #tpu.memory_space<vmem>> -> memref<1x224x224xf32, #tpu.memory_space<vmem>>
          %parallel_loop3A_487 = tpu.memref_squeeze %parallel_loop3A_486 : memref<1x224x224xf32, #tpu.memory_space<vmem>> -> memref<224x224xf32, #tpu.memory_space<vmem>>
          %parallel_loop3A_488 = tpu.vector_load_idx %parallel_loop3A_487[%parallel_loop3A_483, %parallel_loop3A_427] : memref<224x224xf32, #tpu.memory_space<vmem>>[vector<16xi32>, vector<16xi32>], vector<16xf32>,
          %parallel_loop3A_489 = arith.constant 1 : i32
          %parallel_loop3A_490 = vector.broadcast %parallel_loop3A_489 : i32 to vector<16xi32>
          %parallel_loop3A_491 = arith.addi %parallel_loop3A_424, %parallel_loop3A_490 : vector<16xi32>
          %parallel_loop3A_492 = arith.constant 1 : i32
          %parallel_loop3A_493 = vector.broadcast %parallel_loop3A_492 : i32 to vector<16xi32>
          %parallel_loop3A_494 = arith.addi %parallel_loop3A_427, %parallel_loop3A_493 : vector<16xi32>
          %parallel_loop3A_495 = arith.constant 0 : i32
          %parallel_loop3A_496 = arith.constant 0 : i32
          %parallel_loop3A_497 = tpu.memref_slice %arg5[%select_n3A_68, %parallel_loop3A_495, %parallel_loop3A_496] : memref<2x224x224xf32, #tpu.memory_space<vmem>> -> memref<1x224x224xf32, #tpu.memory_space<vmem>>
          %parallel_loop3A_498 = tpu.memref_squeeze %parallel_loop3A_497 : memref<1x224x224xf32, #tpu.memory_space<vmem>> -> memref<224x224xf32, #tpu.memory_space<vmem>>
          %parallel_loop3A_499 = tpu.vector_load_idx %parallel_loop3A_498[%parallel_loop3A_491, %parallel_loop3A_494] : memref<224x224xf32, #tpu.memory_space<vmem>>[vector<16xi32>, vector<16xi32>], vector<16xf32>,
          %parallel_loop3A_500 = vector.shape_cast %shift_right_arithmetic3A_20 : vector<16xi32> to vector<16x1xi32>
          %parallel_loop3A_501 = vector.shape_cast %parallel_loop3A_500 : vector<16x1xi32> to vector<16xi32>
          %parallel_loop3A_502 = tpu.dynamic_gather %parallel_loop3A_488[%parallel_loop3A_501] in [0] : vector<16xf32>, vector<16xi32> -> vector<16xf32>
          %parallel_loop3A_503 = vector.shape_cast %shift_right_arithmetic3A_20 : vector<16xi32> to vector<16x1xi32>
          %parallel_loop3A_504 = vector.shape_cast %parallel_loop3A_503 : vector<16x1xi32> to vector<16xi32>
          %parallel_loop3A_505 = tpu.dynamic_gather %parallel_loop3A_499[%parallel_loop3A_504] in [0] : vector<16xf32>, vector<16xi32> -> vector<16xf32>
          %parallel_loop3A_506 = arith.select %eq3A_28, %parallel_loop3A_502, %parallel_loop3A_505 : vector<16xi1>, vector<16xf32>
          %parallel_loop3A_507 = vector.shape_cast %add3A_23 : vector<16xi32> to vector<16x1xi32>
          %parallel_loop3A_508 = vector.shape_cast %parallel_loop3A_507 : vector<16x1xi32> to vector<16xi32>
          %parallel_loop3A_509 = tpu.dynamic_gather %parallel_loop3A_488[%parallel_loop3A_508] in [0] : vector<16xf32>, vector<16xi32> -> vector<16xf32>
          %parallel_loop3A_510 = vector.shape_cast %add3A_23 : vector<16xi32> to vector<16x1xi32>
          %parallel_loop3A_511 = vector.shape_cast %parallel_loop3A_510 : vector<16x1xi32> to vector<16xi32>
          %parallel_loop3A_512 = tpu.dynamic_gather %parallel_loop3A_499[%parallel_loop3A_511] in [0] : vector<16xf32>, vector<16xi32> -> vector<16xf32>
          %parallel_loop3A_513 = arith.select %eq3A_28, %parallel_loop3A_509, %parallel_loop3A_512 : vector<16xi1>, vector<16xf32>
          %parallel_loop3A_514 = arith.constant 4 : i32
          %parallel_loop3A_515 = arith.muli %parallel_loop3A_514, %parallel_loop3A_170 : i32
          %parallel_loop3A_516 = arith.constant 0 : i32
          %parallel_loop3A_517 = arith.addi %parallel_loop3A_515, %parallel_loop3A_516 : i32
          %parallel_loop3A_518 = arith.constant 1 : i32
          %parallel_loop3A_519 = arith.addi %parallel_loop3A_517, %parallel_loop3A_518 : i32
          %parallel_loop3A_520 = arith.constant 0 : i32
          %parallel_loop3A_521 = arith.constant 0 : i32
          %parallel_loop3A_522 = tpu.memref_slice %arg7[%select_n3A_147, %parallel_loop3A_520, %parallel_loop3A_521] : memref<2x16x224xf32, #tpu.memory_space<vmem>> -> memref<1x16x224xf32, #tpu.memory_space<vmem>>
          %parallel_loop3A_523 = tpu.memref_squeeze %parallel_loop3A_522 : memref<1x16x224xf32, #tpu.memory_space<vmem>> -> memref<16x224xf32, #tpu.memory_space<vmem>>
          %parallel_loop3A_524 = arith.index_cast %parallel_loop3A_519 : i32 to index
          %parallel_loop3A_525 = arith.constant 64 : index
          %parallel_loop3A_526 = tpu.vector_load %parallel_loop3A_523[%parallel_loop3A_524, %parallel_loop3A_525] {strides = array<i32>} : memref<16x224xf32, #tpu.memory_space<vmem>>, vector<16xf32>,
          tpu.vector_store %parallel_loop3A_523[%parallel_loop3A_524, %parallel_loop3A_525], %parallel_loop3A_506 {strides = array<i32>} : memref<16x224xf32, #tpu.memory_space<vmem>>, vector<16xf32>,
          %parallel_loop3A_527 = arith.constant 0 : i32
          %parallel_loop3A_528 = arith.constant 0 : i32
          %parallel_loop3A_529 = tpu.memref_slice %arg7[%select_n3A_147, %parallel_loop3A_527, %parallel_loop3A_528] : memref<2x16x224xf32, #tpu.memory_space<vmem>> -> memref<1x16x224xf32, #tpu.memory_space<vmem>>
          %parallel_loop3A_530 = tpu.memref_squeeze %parallel_loop3A_529 : memref<1x16x224xf32, #tpu.memory_space<vmem>> -> memref<16x224xf32, #tpu.memory_space<vmem>>
          %parallel_loop3A_531 = arith.index_cast %parallel_loop3A_519 : i32 to index
          %parallel_loop3A_532 = arith.constant 80 : index
          %parallel_loop3A_533 = tpu.vector_load %parallel_loop3A_530[%parallel_loop3A_531, %parallel_loop3A_532] {strides = array<i32>} : memref<16x224xf32, #tpu.memory_space<vmem>>, vector<16xf32>,
          tpu.vector_store %parallel_loop3A_530[%parallel_loop3A_531, %parallel_loop3A_532], %parallel_loop3A_513 {strides = array<i32>} : memref<16x224xf32, #tpu.memory_space<vmem>>, vector<16xf32>,
          %parallel_loop3A_534 = arith.constant 8 : i32
          %parallel_loop3A_535 = vector.broadcast %parallel_loop3A_534 : i32 to vector<16xi32>
          %parallel_loop3A_536 = arith.shrsi %parallel_loop3A_421, %parallel_loop3A_535 : vector<16xi32>
          %parallel_loop3A_537 = arith.constant 255 : i32
          %parallel_loop3A_538 = vector.broadcast %parallel_loop3A_537 : i32 to vector<16xi32>
          %parallel_loop3A_539 = arith.andi %parallel_loop3A_421, %parallel_loop3A_538 : vector<16xi32>
          %parallel_loop3A_540 = arith.constant 0 : i32
          %parallel_loop3A_541 = vector.broadcast %parallel_loop3A_540 : i32 to vector<16xi32>
          %parallel_loop3A_542 = arith.addi %parallel_loop3A_536, %parallel_loop3A_541 : vector<16xi32>
          %parallel_loop3A_543 = arith.constant 0 : i32
          %parallel_loop3A_544 = arith.constant 0 : i32
          %parallel_loop3A_545 = tpu.memref_slice %arg5[%select_n3A_68, %parallel_loop3A_543, %parallel_loop3A_544] : memref<2x224x224xf32, #tpu.memory_space<vmem>> -> memref<1x224x224xf32, #tpu.memory_space<vmem>>
          %parallel_loop3A_546 = tpu.memref_squeeze %parallel_loop3A_545 : memref<1x224x224xf32, #tpu.memory_space<vmem>> -> memref<224x224xf32, #tpu.memory_space<vmem>>
          %parallel_loop3A_547 = tpu.vector_load_idx %parallel_loop3A_546[%parallel_loop3A_542, %parallel_loop3A_539] : memref<224x224xf32, #tpu.memory_space<vmem>>[vector<16xi32>, vector<16xi32>], vector<16xf32>,
          %parallel_loop3A_548 = arith.constant 0 : i32
          %parallel_loop3A_549 = vector.broadcast %parallel_loop3A_548 : i32 to vector<16xi32>
          %parallel_loop3A_550 = arith.addi %parallel_loop3A_536, %parallel_loop3A_549 : vector<16xi32>
          %parallel_loop3A_551 = arith.constant 1 : i32
          %parallel_loop3A_552 = vector.broadcast %parallel_loop3A_551 : i32 to vector<16xi32>
          %parallel_loop3A_553 = arith.addi %parallel_loop3A_539, %parallel_loop3A_552 : vector<16xi32>
          %parallel_loop3A_554 = arith.constant 0 : i32
          %parallel_loop3A_555 = arith.constant 0 : i32
          %parallel_loop3A_556 = tpu.memref_slice %arg5[%select_n3A_68, %parallel_loop3A_554, %parallel_loop3A_555] : memref<2x224x224xf32, #tpu.memory_space<vmem>> -> memref<1x224x224xf32, #tpu.memory_space<vmem>>
          %parallel_loop3A_557 = tpu.memref_squeeze %parallel_loop3A_556 : memref<1x224x224xf32, #tpu.memory_space<vmem>> -> memref<224x224xf32, #tpu.memory_space<vmem>>
          %parallel_loop3A_558 = tpu.vector_load_idx %parallel_loop3A_557[%parallel_loop3A_550, %parallel_loop3A_553] : memref<224x224xf32, #tpu.memory_space<vmem>>[vector<16xi32>, vector<16xi32>], vector<16xf32>,
          %parallel_loop3A_559 = vector.shape_cast %shift_right_arithmetic3A_20 : vector<16xi32> to vector<16x1xi32>
          %parallel_loop3A_560 = vector.shape_cast %parallel_loop3A_559 : vector<16x1xi32> to vector<16xi32>
          %parallel_loop3A_561 = tpu.dynamic_gather %parallel_loop3A_547[%parallel_loop3A_560] in [0] : vector<16xf32>, vector<16xi32> -> vector<16xf32>
          %parallel_loop3A_562 = vector.shape_cast %shift_right_arithmetic3A_20 : vector<16xi32> to vector<16x1xi32>
          %parallel_loop3A_563 = vector.shape_cast %parallel_loop3A_562 : vector<16x1xi32> to vector<16xi32>
          %parallel_loop3A_564 = tpu.dynamic_gather %parallel_loop3A_558[%parallel_loop3A_563] in [0] : vector<16xf32>, vector<16xi32> -> vector<16xf32>
          %parallel_loop3A_565 = arith.select %eq3A_28, %parallel_loop3A_561, %parallel_loop3A_564 : vector<16xi1>, vector<16xf32>
          %parallel_loop3A_566 = vector.shape_cast %add3A_23 : vector<16xi32> to vector<16x1xi32>
          %parallel_loop3A_567 = vector.shape_cast %parallel_loop3A_566 : vector<16x1xi32> to vector<16xi32>
          %parallel_loop3A_568 = tpu.dynamic_gather %parallel_loop3A_547[%parallel_loop3A_567] in [0] : vector<16xf32>, vector<16xi32> -> vector<16xf32>
          %parallel_loop3A_569 = vector.shape_cast %add3A_23 : vector<16xi32> to vector<16x1xi32>
          %parallel_loop3A_570 = vector.shape_cast %parallel_loop3A_569 : vector<16x1xi32> to vector<16xi32>
          %parallel_loop3A_571 = tpu.dynamic_gather %parallel_loop3A_558[%parallel_loop3A_570] in [0] : vector<16xf32>, vector<16xi32> -> vector<16xf32>
          %parallel_loop3A_572 = arith.select %eq3A_28, %parallel_loop3A_568, %parallel_loop3A_571 : vector<16xi1>, vector<16xf32>
          %parallel_loop3A_573 = arith.constant 4 : i32
          %parallel_loop3A_574 = arith.muli %parallel_loop3A_573, %parallel_loop3A_170 : i32
          %parallel_loop3A_575 = arith.constant 0 : i32
          %parallel_loop3A_576 = arith.addi %parallel_loop3A_574, %parallel_loop3A_575 : i32
          %parallel_loop3A_577 = arith.constant 0 : i32
          %parallel_loop3A_578 = arith.addi %parallel_loop3A_576, %parallel_loop3A_577 : i32
          %parallel_loop3A_579 = arith.constant 0 : i32
          %parallel_loop3A_580 = arith.constant 0 : i32
          %parallel_loop3A_581 = tpu.memref_slice %arg7[%select_n3A_147, %parallel_loop3A_579, %parallel_loop3A_580] : memref<2x16x224xf32, #tpu.memory_space<vmem>> -> memref<1x16x224xf32, #tpu.memory_space<vmem>>
          %parallel_loop3A_582 = tpu.memref_squeeze %parallel_loop3A_581 : memref<1x16x224xf32, #tpu.memory_space<vmem>> -> memref<16x224xf32, #tpu.memory_space<vmem>>
          %parallel_loop3A_583 = arith.index_cast %parallel_loop3A_578 : i32 to index
          %parallel_loop3A_584 = arith.constant 96 : index
          %parallel_loop3A_585 = tpu.vector_load %parallel_loop3A_582[%parallel_loop3A_583, %parallel_loop3A_584] {strides = array<i32>} : memref<16x224xf32, #tpu.memory_space<vmem>>, vector<16xf32>,
          tpu.vector_store %parallel_loop3A_582[%parallel_loop3A_583, %parallel_loop3A_584], %parallel_loop3A_565 {strides = array<i32>} : memref<16x224xf32, #tpu.memory_space<vmem>>, vector<16xf32>,
          %parallel_loop3A_586 = arith.constant 0 : i32
          %parallel_loop3A_587 = arith.constant 0 : i32
          %parallel_loop3A_588 = tpu.memref_slice %arg7[%select_n3A_147, %parallel_loop3A_586, %parallel_loop3A_587] : memref<2x16x224xf32, #tpu.memory_space<vmem>> -> memref<1x16x224xf32, #tpu.memory_space<vmem>>
          %parallel_loop3A_589 = tpu.memref_squeeze %parallel_loop3A_588 : memref<1x16x224xf32, #tpu.memory_space<vmem>> -> memref<16x224xf32, #tpu.memory_space<vmem>>
          %parallel_loop3A_590 = arith.index_cast %parallel_loop3A_578 : i32 to index
          %parallel_loop3A_591 = arith.constant 112 : index
          %parallel_loop3A_592 = tpu.vector_load %parallel_loop3A_589[%parallel_loop3A_590, %parallel_loop3A_591] {strides = array<i32>} : memref<16x224xf32, #tpu.memory_space<vmem>>, vector<16xf32>,
          tpu.vector_store %parallel_loop3A_589[%parallel_loop3A_590, %parallel_loop3A_591], %parallel_loop3A_572 {strides = array<i32>} : memref<16x224xf32, #tpu.memory_space<vmem>>, vector<16xf32>,
          %parallel_loop3A_593 = arith.constant 1 : i32
          %parallel_loop3A_594 = vector.broadcast %parallel_loop3A_593 : i32 to vector<16xi32>
          %parallel_loop3A_595 = arith.addi %parallel_loop3A_536, %parallel_loop3A_594 : vector<16xi32>
          %parallel_loop3A_596 = arith.constant 0 : i32
          %parallel_loop3A_597 = arith.constant 0 : i32
          %parallel_loop3A_598 = tpu.memref_slice %arg5[%select_n3A_68, %parallel_loop3A_596, %parallel_loop3A_597] : memref<2x224x224xf32, #tpu.memory_space<vmem>> -> memref<1x224x224xf32, #tpu.memory_space<vmem>>
          %parallel_loop3A_599 = tpu.memref_squeeze %parallel_loop3A_598 : memref<1x224x224xf32, #tpu.memory_space<vmem>> -> memref<224x224xf32, #tpu.memory_space<vmem>>
          %parallel_loop3A_600 = tpu.vector_load_idx %parallel_loop3A_599[%parallel_loop3A_595, %parallel_loop3A_539] : memref<224x224xf32, #tpu.memory_space<vmem>>[vector<16xi32>, vector<16xi32>], vector<16xf32>,
          %parallel_loop3A_601 = arith.constant 1 : i32
          %parallel_loop3A_602 = vector.broadcast %parallel_loop3A_601 : i32 to vector<16xi32>
          %parallel_loop3A_603 = arith.addi %parallel_loop3A_536, %parallel_loop3A_602 : vector<16xi32>
          %parallel_loop3A_604 = arith.constant 1 : i32
          %parallel_loop3A_605 = vector.broadcast %parallel_loop3A_604 : i32 to vector<16xi32>
          %parallel_loop3A_606 = arith.addi %parallel_loop3A_539, %parallel_loop3A_605 : vector<16xi32>
          %parallel_loop3A_607 = arith.constant 0 : i32
          %parallel_loop3A_608 = arith.constant 0 : i32
          %parallel_loop3A_609 = tpu.memref_slice %arg5[%select_n3A_68, %parallel_loop3A_607, %parallel_loop3A_608] : memref<2x224x224xf32, #tpu.memory_space<vmem>> -> memref<1x224x224xf32, #tpu.memory_space<vmem>>
          %parallel_loop3A_610 = tpu.memref_squeeze %parallel_loop3A_609 : memref<1x224x224xf32, #tpu.memory_space<vmem>> -> memref<224x224xf32, #tpu.memory_space<vmem>>
          %parallel_loop3A_611 = tpu.vector_load_idx %parallel_loop3A_610[%parallel_loop3A_603, %parallel_loop3A_606] : memref<224x224xf32, #tpu.memory_space<vmem>>[vector<16xi32>, vector<16xi32>], vector<16xf32>,
          %parallel_loop3A_612 = vector.shape_cast %shift_right_arithmetic3A_20 : vector<16xi32> to vector<16x1xi32>
          %parallel_loop3A_613 = vector.shape_cast %parallel_loop3A_612 : vector<16x1xi32> to vector<16xi32>
          %parallel_loop3A_614 = tpu.dynamic_gather %parallel_loop3A_600[%parallel_loop3A_613] in [0] : vector<16xf32>, vector<16xi32> -> vector<16xf32>
          %parallel_loop3A_615 = vector.shape_cast %shift_right_arithmetic3A_20 : vector<16xi32> to vector<16x1xi32>
          %parallel_loop3A_616 = vector.shape_cast %parallel_loop3A_615 : vector<16x1xi32> to vector<16xi32>
          %parallel_loop3A_617 = tpu.dynamic_gather %parallel_loop3A_611[%parallel_loop3A_616] in [0] : vector<16xf32>, vector<16xi32> -> vector<16xf32>
          %parallel_loop3A_618 = arith.select %eq3A_28, %parallel_loop3A_614, %parallel_loop3A_617 : vector<16xi1>, vector<16xf32>
          %parallel_loop3A_619 = vector.shape_cast %add3A_23 : vector<16xi32> to vector<16x1xi32>
          %parallel_loop3A_620 = vector.shape_cast %parallel_loop3A_619 : vector<16x1xi32> to vector<16xi32>
          %parallel_loop3A_621 = tpu.dynamic_gather %parallel_loop3A_600[%parallel_loop3A_620] in [0] : vector<16xf32>, vector<16xi32> -> vector<16xf32>
          %parallel_loop3A_622 = vector.shape_cast %add3A_23 : vector<16xi32> to vector<16x1xi32>
          %parallel_loop3A_623 = vector.shape_cast %parallel_loop3A_622 : vector<16x1xi32> to vector<16xi32>
          %parallel_loop3A_624 = tpu.dynamic_gather %parallel_loop3A_611[%parallel_loop3A_623] in [0] : vector<16xf32>, vector<16xi32> -> vector<16xf32>
          %parallel_loop3A_625 = arith.select %eq3A_28, %parallel_loop3A_621, %parallel_loop3A_624 : vector<16xi1>, vector<16xf32>
          %parallel_loop3A_626 = arith.constant 4 : i32
          %parallel_loop3A_627 = arith.muli %parallel_loop3A_626, %parallel_loop3A_170 : i32
          %parallel_loop3A_628 = arith.constant 0 : i32
          %parallel_loop3A_629 = arith.addi %parallel_loop3A_627, %parallel_loop3A_628 : i32
          %parallel_loop3A_630 = arith.constant 1 : i32
          %parallel_loop3A_631 = arith.addi %parallel_loop3A_629, %parallel_loop3A_630 : i32
          %parallel_loop3A_632 = arith.constant 0 : i32
          %parallel_loop3A_633 = arith.constant 0 : i32
          %parallel_loop3A_634 = tpu.memref_slice %arg7[%select_n3A_147, %parallel_loop3A_632, %parallel_loop3A_633] : memref<2x16x224xf32, #tpu.memory_space<vmem>> -> memref<1x16x224xf32, #tpu.memory_space<vmem>>
          %parallel_loop3A_635 = tpu.memref_squeeze %parallel_loop3A_634 : memref<1x16x224xf32, #tpu.memory_space<vmem>> -> memref<16x224xf32, #tpu.memory_space<vmem>>
          %parallel_loop3A_636 = arith.index_cast %parallel_loop3A_631 : i32 to index
          %parallel_loop3A_637 = arith.constant 96 : index
          %parallel_loop3A_638 = tpu.vector_load %parallel_loop3A_635[%parallel_loop3A_636, %parallel_loop3A_637] {strides = array<i32>} : memref<16x224xf32, #tpu.memory_space<vmem>>, vector<16xf32>,
          tpu.vector_store %parallel_loop3A_635[%parallel_loop3A_636, %parallel_loop3A_637], %parallel_loop3A_618 {strides = array<i32>} : memref<16x224xf32, #tpu.memory_space<vmem>>, vector<16xf32>,
          %parallel_loop3A_639 = arith.constant 0 : i32
          %parallel_loop3A_640 = arith.constant 0 : i32
          %parallel_loop3A_641 = tpu.memref_slice %arg7[%select_n3A_147, %parallel_loop3A_639, %parallel_loop3A_640] : memref<2x16x224xf32, #tpu.memory_space<vmem>> -> memref<1x16x224xf32, #tpu.memory_space<vmem>>
          %parallel_loop3A_642 = tpu.memref_squeeze %parallel_loop3A_641 : memref<1x16x224xf32, #tpu.memory_space<vmem>> -> memref<16x224xf32, #tpu.memory_space<vmem>>
          %parallel_loop3A_643 = arith.index_cast %parallel_loop3A_631 : i32 to index
          %parallel_loop3A_644 = arith.constant 112 : index
          %parallel_loop3A_645 = tpu.vector_load %parallel_loop3A_642[%parallel_loop3A_643, %parallel_loop3A_644] {strides = array<i32>} : memref<16x224xf32, #tpu.memory_space<vmem>>, vector<16xf32>,
          tpu.vector_store %parallel_loop3A_642[%parallel_loop3A_643, %parallel_loop3A_644], %parallel_loop3A_625 {strides = array<i32>} : memref<16x224xf32, #tpu.memory_space<vmem>>, vector<16xf32>,
          %parallel_loop3A_646 = arith.constant 32 : i32
          %parallel_loop3A_647 = arith.addi %parallel_loop3A_177, %parallel_loop3A_646 : i32
          %parallel_loop3A_648 = arith.index_cast %parallel_loop3A_647 : i32 to index
          %parallel_loop3A_649 = tpu.vector_load %arg6[%parallel_loop3A_648] {strides = array<i32>} : memref<6272xi32, #tpu.memory_space<vmem>>, vector<16xi32>,
          %parallel_loop3A_650 = arith.constant 65535 : i32
          %parallel_loop3A_651 = vector.broadcast %parallel_loop3A_650 : i32 to vector<16xi32>
          %parallel_loop3A_652 = arith.andi %parallel_loop3A_649, %parallel_loop3A_651 : vector<16xi32>
          %parallel_loop3A_653 = arith.constant 16 : i32
          %parallel_loop3A_654 = vector.broadcast %parallel_loop3A_653 : i32 to vector<16xi32>
          %parallel_loop3A_655 = arith.shrui %parallel_loop3A_649, %parallel_loop3A_654 : vector<16xi32>
          %parallel_loop3A_656 = arith.constant 8 : i32
          %parallel_loop3A_657 = vector.broadcast %parallel_loop3A_656 : i32 to vector<16xi32>
          %parallel_loop3A_658 = arith.shrsi %parallel_loop3A_652, %parallel_loop3A_657 : vector<16xi32>
          %parallel_loop3A_659 = arith.constant 255 : i32
          %parallel_loop3A_660 = vector.broadcast %parallel_loop3A_659 : i32 to vector<16xi32>
          %parallel_loop3A_661 = arith.andi %parallel_loop3A_652, %parallel_loop3A_660 : vector<16xi32>
          %parallel_loop3A_662 = arith.constant 0 : i32
          %parallel_loop3A_663 = vector.broadcast %parallel_loop3A_662 : i32 to vector<16xi32>
          %parallel_loop3A_664 = arith.addi %parallel_loop3A_658, %parallel_loop3A_663 : vector<16xi32>
          %parallel_loop3A_665 = arith.constant 0 : i32
          %parallel_loop3A_666 = arith.constant 0 : i32
          %parallel_loop3A_667 = tpu.memref_slice %arg5[%select_n3A_68, %parallel_loop3A_665, %parallel_loop3A_666] : memref<2x224x224xf32, #tpu.memory_space<vmem>> -> memref<1x224x224xf32, #tpu.memory_space<vmem>>
          %parallel_loop3A_668 = tpu.memref_squeeze %parallel_loop3A_667 : memref<1x224x224xf32, #tpu.memory_space<vmem>> -> memref<224x224xf32, #tpu.memory_space<vmem>>
          %parallel_loop3A_669 = tpu.vector_load_idx %parallel_loop3A_668[%parallel_loop3A_664, %parallel_loop3A_661] : memref<224x224xf32, #tpu.memory_space<vmem>>[vector<16xi32>, vector<16xi32>], vector<16xf32>,
          %parallel_loop3A_670 = arith.constant 0 : i32
          %parallel_loop3A_671 = vector.broadcast %parallel_loop3A_670 : i32 to vector<16xi32>
          %parallel_loop3A_672 = arith.addi %parallel_loop3A_658, %parallel_loop3A_671 : vector<16xi32>
          %parallel_loop3A_673 = arith.constant 1 : i32
          %parallel_loop3A_674 = vector.broadcast %parallel_loop3A_673 : i32 to vector<16xi32>
          %parallel_loop3A_675 = arith.addi %parallel_loop3A_661, %parallel_loop3A_674 : vector<16xi32>
          %parallel_loop3A_676 = arith.constant 0 : i32
          %parallel_loop3A_677 = arith.constant 0 : i32
          %parallel_loop3A_678 = tpu.memref_slice %arg5[%select_n3A_68, %parallel_loop3A_676, %parallel_loop3A_677] : memref<2x224x224xf32, #tpu.memory_space<vmem>> -> memref<1x224x224xf32, #tpu.memory_space<vmem>>
          %parallel_loop3A_679 = tpu.memref_squeeze %parallel_loop3A_678 : memref<1x224x224xf32, #tpu.memory_space<vmem>> -> memref<224x224xf32, #tpu.memory_space<vmem>>
          %parallel_loop3A_680 = tpu.vector_load_idx %parallel_loop3A_679[%parallel_loop3A_672, %parallel_loop3A_675] : memref<224x224xf32, #tpu.memory_space<vmem>>[vector<16xi32>, vector<16xi32>], vector<16xf32>,
          %parallel_loop3A_681 = vector.shape_cast %shift_right_arithmetic3A_20 : vector<16xi32> to vector<16x1xi32>
          %parallel_loop3A_682 = vector.shape_cast %parallel_loop3A_681 : vector<16x1xi32> to vector<16xi32>
          %parallel_loop3A_683 = tpu.dynamic_gather %parallel_loop3A_669[%parallel_loop3A_682] in [0] : vector<16xf32>, vector<16xi32> -> vector<16xf32>
          %parallel_loop3A_684 = vector.shape_cast %shift_right_arithmetic3A_20 : vector<16xi32> to vector<16x1xi32>
          %parallel_loop3A_685 = vector.shape_cast %parallel_loop3A_684 : vector<16x1xi32> to vector<16xi32>
          %parallel_loop3A_686 = tpu.dynamic_gather %parallel_loop3A_680[%parallel_loop3A_685] in [0] : vector<16xf32>, vector<16xi32> -> vector<16xf32>
          %parallel_loop3A_687 = arith.select %eq3A_28, %parallel_loop3A_683, %parallel_loop3A_686 : vector<16xi1>, vector<16xf32>
          %parallel_loop3A_688 = vector.shape_cast %add3A_23 : vector<16xi32> to vector<16x1xi32>
          %parallel_loop3A_689 = vector.shape_cast %parallel_loop3A_688 : vector<16x1xi32> to vector<16xi32>
          %parallel_loop3A_690 = tpu.dynamic_gather %parallel_loop3A_669[%parallel_loop3A_689] in [0] : vector<16xf32>, vector<16xi32> -> vector<16xf32>
          %parallel_loop3A_691 = vector.shape_cast %add3A_23 : vector<16xi32> to vector<16x1xi32>
          %parallel_loop3A_692 = vector.shape_cast %parallel_loop3A_691 : vector<16x1xi32> to vector<16xi32>
          %parallel_loop3A_693 = tpu.dynamic_gather %parallel_loop3A_680[%parallel_loop3A_692] in [0] : vector<16xf32>, vector<16xi32> -> vector<16xf32>
          %parallel_loop3A_694 = arith.select %eq3A_28, %parallel_loop3A_690, %parallel_loop3A_693 : vector<16xi1>, vector<16xf32>
          %parallel_loop3A_695 = arith.constant 4 : i32
          %parallel_loop3A_696 = arith.muli %parallel_loop3A_695, %parallel_loop3A_170 : i32
          %parallel_loop3A_697 = arith.constant 0 : i32
          %parallel_loop3A_698 = arith.addi %parallel_loop3A_696, %parallel_loop3A_697 : i32
          %parallel_loop3A_699 = arith.constant 0 : i32
          %parallel_loop3A_700 = arith.addi %parallel_loop3A_698, %parallel_loop3A_699 : i32
          %parallel_loop3A_701 = arith.constant 0 : i32
          %parallel_loop3A_702 = arith.constant 0 : i32
          %parallel_loop3A_703 = tpu.memref_slice %arg7[%select_n3A_147, %parallel_loop3A_701, %parallel_loop3A_702] : memref<2x16x224xf32, #tpu.memory_space<vmem>> -> memref<1x16x224xf32, #tpu.memory_space<vmem>>
          %parallel_loop3A_704 = tpu.memref_squeeze %parallel_loop3A_703 : memref<1x16x224xf32, #tpu.memory_space<vmem>> -> memref<16x224xf32, #tpu.memory_space<vmem>>
          %parallel_loop3A_705 = arith.index_cast %parallel_loop3A_700 : i32 to index
          %parallel_loop3A_706 = arith.constant 128 : index
          %parallel_loop3A_707 = tpu.vector_load %parallel_loop3A_704[%parallel_loop3A_705, %parallel_loop3A_706] {strides = array<i32>} : memref<16x224xf32, #tpu.memory_space<vmem>>, vector<16xf32>,
          tpu.vector_store %parallel_loop3A_704[%parallel_loop3A_705, %parallel_loop3A_706], %parallel_loop3A_687 {strides = array<i32>} : memref<16x224xf32, #tpu.memory_space<vmem>>, vector<16xf32>,
          %parallel_loop3A_708 = arith.constant 0 : i32
          %parallel_loop3A_709 = arith.constant 0 : i32
          %parallel_loop3A_710 = tpu.memref_slice %arg7[%select_n3A_147, %parallel_loop3A_708, %parallel_loop3A_709] : memref<2x16x224xf32, #tpu.memory_space<vmem>> -> memref<1x16x224xf32, #tpu.memory_space<vmem>>
          %parallel_loop3A_711 = tpu.memref_squeeze %parallel_loop3A_710 : memref<1x16x224xf32, #tpu.memory_space<vmem>> -> memref<16x224xf32, #tpu.memory_space<vmem>>
          %parallel_loop3A_712 = arith.index_cast %parallel_loop3A_700 : i32 to index
          %parallel_loop3A_713 = arith.constant 144 : index
          %parallel_loop3A_714 = tpu.vector_load %parallel_loop3A_711[%parallel_loop3A_712, %parallel_loop3A_713] {strides = array<i32>} : memref<16x224xf32, #tpu.memory_space<vmem>>, vector<16xf32>,
          tpu.vector_store %parallel_loop3A_711[%parallel_loop3A_712, %parallel_loop3A_713], %parallel_loop3A_694 {strides = array<i32>} : memref<16x224xf32, #tpu.memory_space<vmem>>, vector<16xf32>,
          %parallel_loop3A_715 = arith.constant 1 : i32
          %parallel_loop3A_716 = vector.broadcast %parallel_loop3A_715 : i32 to vector<16xi32>
          %parallel_loop3A_717 = arith.addi %parallel_loop3A_658, %parallel_loop3A_716 : vector<16xi32>
          %parallel_loop3A_718 = arith.constant 0 : i32
          %parallel_loop3A_719 = arith.constant 0 : i32
          %parallel_loop3A_720 = tpu.memref_slice %arg5[%select_n3A_68, %parallel_loop3A_718, %parallel_loop3A_719] : memref<2x224x224xf32, #tpu.memory_space<vmem>> -> memref<1x224x224xf32, #tpu.memory_space<vmem>>
          %parallel_loop3A_721 = tpu.memref_squeeze %parallel_loop3A_720 : memref<1x224x224xf32, #tpu.memory_space<vmem>> -> memref<224x224xf32, #tpu.memory_space<vmem>>
          %parallel_loop3A_722 = tpu.vector_load_idx %parallel_loop3A_721[%parallel_loop3A_717, %parallel_loop3A_661] : memref<224x224xf32, #tpu.memory_space<vmem>>[vector<16xi32>, vector<16xi32>], vector<16xf32>,
          %parallel_loop3A_723 = arith.constant 1 : i32
          %parallel_loop3A_724 = vector.broadcast %parallel_loop3A_723 : i32 to vector<16xi32>
          %parallel_loop3A_725 = arith.addi %parallel_loop3A_658, %parallel_loop3A_724 : vector<16xi32>
          %parallel_loop3A_726 = arith.constant 1 : i32
          %parallel_loop3A_727 = vector.broadcast %parallel_loop3A_726 : i32 to vector<16xi32>
          %parallel_loop3A_728 = arith.addi %parallel_loop3A_661, %parallel_loop3A_727 : vector<16xi32>
          %parallel_loop3A_729 = arith.constant 0 : i32
          %parallel_loop3A_730 = arith.constant 0 : i32
          %parallel_loop3A_731 = tpu.memref_slice %arg5[%select_n3A_68, %parallel_loop3A_729, %parallel_loop3A_730] : memref<2x224x224xf32, #tpu.memory_space<vmem>> -> memref<1x224x224xf32, #tpu.memory_space<vmem>>
          %parallel_loop3A_732 = tpu.memref_squeeze %parallel_loop3A_731 : memref<1x224x224xf32, #tpu.memory_space<vmem>> -> memref<224x224xf32, #tpu.memory_space<vmem>>
          %parallel_loop3A_733 = tpu.vector_load_idx %parallel_loop3A_732[%parallel_loop3A_725, %parallel_loop3A_728] : memref<224x224xf32, #tpu.memory_space<vmem>>[vector<16xi32>, vector<16xi32>], vector<16xf32>,
          %parallel_loop3A_734 = vector.shape_cast %shift_right_arithmetic3A_20 : vector<16xi32> to vector<16x1xi32>
          %parallel_loop3A_735 = vector.shape_cast %parallel_loop3A_734 : vector<16x1xi32> to vector<16xi32>
          %parallel_loop3A_736 = tpu.dynamic_gather %parallel_loop3A_722[%parallel_loop3A_735] in [0] : vector<16xf32>, vector<16xi32> -> vector<16xf32>
          %parallel_loop3A_737 = vector.shape_cast %shift_right_arithmetic3A_20 : vector<16xi32> to vector<16x1xi32>
          %parallel_loop3A_738 = vector.shape_cast %parallel_loop3A_737 : vector<16x1xi32> to vector<16xi32>
          %parallel_loop3A_739 = tpu.dynamic_gather %parallel_loop3A_733[%parallel_loop3A_738] in [0] : vector<16xf32>, vector<16xi32> -> vector<16xf32>
          %parallel_loop3A_740 = arith.select %eq3A_28, %parallel_loop3A_736, %parallel_loop3A_739 : vector<16xi1>, vector<16xf32>
          %parallel_loop3A_741 = vector.shape_cast %add3A_23 : vector<16xi32> to vector<16x1xi32>
          %parallel_loop3A_742 = vector.shape_cast %parallel_loop3A_741 : vector<16x1xi32> to vector<16xi32>
          %parallel_loop3A_743 = tpu.dynamic_gather %parallel_loop3A_722[%parallel_loop3A_742] in [0] : vector<16xf32>, vector<16xi32> -> vector<16xf32>
          %parallel_loop3A_744 = vector.shape_cast %add3A_23 : vector<16xi32> to vector<16x1xi32>
          %parallel_loop3A_745 = vector.shape_cast %parallel_loop3A_744 : vector<16x1xi32> to vector<16xi32>
          %parallel_loop3A_746 = tpu.dynamic_gather %parallel_loop3A_733[%parallel_loop3A_745] in [0] : vector<16xf32>, vector<16xi32> -> vector<16xf32>
          %parallel_loop3A_747 = arith.select %eq3A_28, %parallel_loop3A_743, %parallel_loop3A_746 : vector<16xi1>, vector<16xf32>
          %parallel_loop3A_748 = arith.constant 4 : i32
          %parallel_loop3A_749 = arith.muli %parallel_loop3A_748, %parallel_loop3A_170 : i32
          %parallel_loop3A_750 = arith.constant 0 : i32
          %parallel_loop3A_751 = arith.addi %parallel_loop3A_749, %parallel_loop3A_750 : i32
          %parallel_loop3A_752 = arith.constant 1 : i32
          %parallel_loop3A_753 = arith.addi %parallel_loop3A_751, %parallel_loop3A_752 : i32
          %parallel_loop3A_754 = arith.constant 0 : i32
          %parallel_loop3A_755 = arith.constant 0 : i32
          %parallel_loop3A_756 = tpu.memref_slice %arg7[%select_n3A_147, %parallel_loop3A_754, %parallel_loop3A_755] : memref<2x16x224xf32, #tpu.memory_space<vmem>> -> memref<1x16x224xf32, #tpu.memory_space<vmem>>
          %parallel_loop3A_757 = tpu.memref_squeeze %parallel_loop3A_756 : memref<1x16x224xf32, #tpu.memory_space<vmem>> -> memref<16x224xf32, #tpu.memory_space<vmem>>
          %parallel_loop3A_758 = arith.index_cast %parallel_loop3A_753 : i32 to index
          %parallel_loop3A_759 = arith.constant 128 : index
          %parallel_loop3A_760 = tpu.vector_load %parallel_loop3A_757[%parallel_loop3A_758, %parallel_loop3A_759] {strides = array<i32>} : memref<16x224xf32, #tpu.memory_space<vmem>>, vector<16xf32>,
          tpu.vector_store %parallel_loop3A_757[%parallel_loop3A_758, %parallel_loop3A_759], %parallel_loop3A_740 {strides = array<i32>} : memref<16x224xf32, #tpu.memory_space<vmem>>, vector<16xf32>,
          %parallel_loop3A_761 = arith.constant 0 : i32
          %parallel_loop3A_762 = arith.constant 0 : i32
          %parallel_loop3A_763 = tpu.memref_slice %arg7[%select_n3A_147, %parallel_loop3A_761, %parallel_loop3A_762] : memref<2x16x224xf32, #tpu.memory_space<vmem>> -> memref<1x16x224xf32, #tpu.memory_space<vmem>>
          %parallel_loop3A_764 = tpu.memref_squeeze %parallel_loop3A_763 : memref<1x16x224xf32, #tpu.memory_space<vmem>> -> memref<16x224xf32, #tpu.memory_space<vmem>>
          %parallel_loop3A_765 = arith.index_cast %parallel_loop3A_753 : i32 to index
          %parallel_loop3A_766 = arith.constant 144 : index
          %parallel_loop3A_767 = tpu.vector_load %parallel_loop3A_764[%parallel_loop3A_765, %parallel_loop3A_766] {strides = array<i32>} : memref<16x224xf32, #tpu.memory_space<vmem>>, vector<16xf32>,
          tpu.vector_store %parallel_loop3A_764[%parallel_loop3A_765, %parallel_loop3A_766], %parallel_loop3A_747 {strides = array<i32>} : memref<16x224xf32, #tpu.memory_space<vmem>>, vector<16xf32>,
          %parallel_loop3A_768 = arith.constant 8 : i32
          %parallel_loop3A_769 = vector.broadcast %parallel_loop3A_768 : i32 to vector<16xi32>
          %parallel_loop3A_770 = arith.shrsi %parallel_loop3A_655, %parallel_loop3A_769 : vector<16xi32>
          %parallel_loop3A_771 = arith.constant 255 : i32
          %parallel_loop3A_772 = vector.broadcast %parallel_loop3A_771 : i32 to vector<16xi32>
          %parallel_loop3A_773 = arith.andi %parallel_loop3A_655, %parallel_loop3A_772 : vector<16xi32>
          %parallel_loop3A_774 = arith.constant 0 : i32
          %parallel_loop3A_775 = vector.broadcast %parallel_loop3A_774 : i32 to vector<16xi32>
          %parallel_loop3A_776 = arith.addi %parallel_loop3A_770, %parallel_loop3A_775 : vector<16xi32>
          %parallel_loop3A_777 = arith.constant 0 : i32
          %parallel_loop3A_778 = arith.constant 0 : i32
          %parallel_loop3A_779 = tpu.memref_slice %arg5[%select_n3A_68, %parallel_loop3A_777, %parallel_loop3A_778] : memref<2x224x224xf32, #tpu.memory_space<vmem>> -> memref<1x224x224xf32, #tpu.memory_space<vmem>>
          %parallel_loop3A_780 = tpu.memref_squeeze %parallel_loop3A_779 : memref<1x224x224xf32, #tpu.memory_space<vmem>> -> memref<224x224xf32, #tpu.memory_space<vmem>>
          %parallel_loop3A_781 = tpu.vector_load_idx %parallel_loop3A_780[%parallel_loop3A_776, %parallel_loop3A_773] : memref<224x224xf32, #tpu.memory_space<vmem>>[vector<16xi32>, vector<16xi32>], vector<16xf32>,
          %parallel_loop3A_782 = arith.constant 0 : i32
          %parallel_loop3A_783 = vector.broadcast %parallel_loop3A_782 : i32 to vector<16xi32>
          %parallel_loop3A_784 = arith.addi %parallel_loop3A_770, %parallel_loop3A_783 : vector<16xi32>
          %parallel_loop3A_785 = arith.constant 1 : i32
          %parallel_loop3A_786 = vector.broadcast %parallel_loop3A_785 : i32 to vector<16xi32>
          %parallel_loop3A_787 = arith.addi %parallel_loop3A_773, %parallel_loop3A_786 : vector<16xi32>
          %parallel_loop3A_788 = arith.constant 0 : i32
          %parallel_loop3A_789 = arith.constant 0 : i32
          %parallel_loop3A_790 = tpu.memref_slice %arg5[%select_n3A_68, %parallel_loop3A_788, %parallel_loop3A_789] : memref<2x224x224xf32, #tpu.memory_space<vmem>> -> memref<1x224x224xf32, #tpu.memory_space<vmem>>
          %parallel_loop3A_791 = tpu.memref_squeeze %parallel_loop3A_790 : memref<1x224x224xf32, #tpu.memory_space<vmem>> -> memref<224x224xf32, #tpu.memory_space<vmem>>
          %parallel_loop3A_792 = tpu.vector_load_idx %parallel_loop3A_791[%parallel_loop3A_784, %parallel_loop3A_787] : memref<224x224xf32, #tpu.memory_space<vmem>>[vector<16xi32>, vector<16xi32>], vector<16xf32>,
          %parallel_loop3A_793 = vector.shape_cast %shift_right_arithmetic3A_20 : vector<16xi32> to vector<16x1xi32>
          %parallel_loop3A_794 = vector.shape_cast %parallel_loop3A_793 : vector<16x1xi32> to vector<16xi32>
          %parallel_loop3A_795 = tpu.dynamic_gather %parallel_loop3A_781[%parallel_loop3A_794] in [0] : vector<16xf32>, vector<16xi32> -> vector<16xf32>
          %parallel_loop3A_796 = vector.shape_cast %shift_right_arithmetic3A_20 : vector<16xi32> to vector<16x1xi32>
          %parallel_loop3A_797 = vector.shape_cast %parallel_loop3A_796 : vector<16x1xi32> to vector<16xi32>
          %parallel_loop3A_798 = tpu.dynamic_gather %parallel_loop3A_792[%parallel_loop3A_797] in [0] : vector<16xf32>, vector<16xi32> -> vector<16xf32>
          %parallel_loop3A_799 = arith.select %eq3A_28, %parallel_loop3A_795, %parallel_loop3A_798 : vector<16xi1>, vector<16xf32>
          %parallel_loop3A_800 = vector.shape_cast %add3A_23 : vector<16xi32> to vector<16x1xi32>
          %parallel_loop3A_801 = vector.shape_cast %parallel_loop3A_800 : vector<16x1xi32> to vector<16xi32>
          %parallel_loop3A_802 = tpu.dynamic_gather %parallel_loop3A_781[%parallel_loop3A_801] in [0] : vector<16xf32>, vector<16xi32> -> vector<16xf32>
          %parallel_loop3A_803 = vector.shape_cast %add3A_23 : vector<16xi32> to vector<16x1xi32>
          %parallel_loop3A_804 = vector.shape_cast %parallel_loop3A_803 : vector<16x1xi32> to vector<16xi32>
          %parallel_loop3A_805 = tpu.dynamic_gather %parallel_loop3A_792[%parallel_loop3A_804] in [0] : vector<16xf32>, vector<16xi32> -> vector<16xf32>
          %parallel_loop3A_806 = arith.select %eq3A_28, %parallel_loop3A_802, %parallel_loop3A_805 : vector<16xi1>, vector<16xf32>
          %parallel_loop3A_807 = arith.constant 4 : i32
          %parallel_loop3A_808 = arith.muli %parallel_loop3A_807, %parallel_loop3A_170 : i32
          %parallel_loop3A_809 = arith.constant 0 : i32
          %parallel_loop3A_810 = arith.addi %parallel_loop3A_808, %parallel_loop3A_809 : i32
          %parallel_loop3A_811 = arith.constant 0 : i32
          %parallel_loop3A_812 = arith.addi %parallel_loop3A_810, %parallel_loop3A_811 : i32
          %parallel_loop3A_813 = arith.constant 0 : i32
          %parallel_loop3A_814 = arith.constant 0 : i32
          %parallel_loop3A_815 = tpu.memref_slice %arg7[%select_n3A_147, %parallel_loop3A_813, %parallel_loop3A_814] : memref<2x16x224xf32, #tpu.memory_space<vmem>> -> memref<1x16x224xf32, #tpu.memory_space<vmem>>
          %parallel_loop3A_816 = tpu.memref_squeeze %parallel_loop3A_815 : memref<1x16x224xf32, #tpu.memory_space<vmem>> -> memref<16x224xf32, #tpu.memory_space<vmem>>
          %parallel_loop3A_817 = arith.index_cast %parallel_loop3A_812 : i32 to index
          %parallel_loop3A_818 = arith.constant 160 : index
          %parallel_loop3A_819 = tpu.vector_load %parallel_loop3A_816[%parallel_loop3A_817, %parallel_loop3A_818] {strides = array<i32>} : memref<16x224xf32, #tpu.memory_space<vmem>>, vector<16xf32>,
          tpu.vector_store %parallel_loop3A_816[%parallel_loop3A_817, %parallel_loop3A_818], %parallel_loop3A_799 {strides = array<i32>} : memref<16x224xf32, #tpu.memory_space<vmem>>, vector<16xf32>,
          %parallel_loop3A_820 = arith.constant 0 : i32
          %parallel_loop3A_821 = arith.constant 0 : i32
          %parallel_loop3A_822 = tpu.memref_slice %arg7[%select_n3A_147, %parallel_loop3A_820, %parallel_loop3A_821] : memref<2x16x224xf32, #tpu.memory_space<vmem>> -> memref<1x16x224xf32, #tpu.memory_space<vmem>>
          %parallel_loop3A_823 = tpu.memref_squeeze %parallel_loop3A_822 : memref<1x16x224xf32, #tpu.memory_space<vmem>> -> memref<16x224xf32, #tpu.memory_space<vmem>>
          %parallel_loop3A_824 = arith.index_cast %parallel_loop3A_812 : i32 to index
          %parallel_loop3A_825 = arith.constant 176 : index
          %parallel_loop3A_826 = tpu.vector_load %parallel_loop3A_823[%parallel_loop3A_824, %parallel_loop3A_825] {strides = array<i32>} : memref<16x224xf32, #tpu.memory_space<vmem>>, vector<16xf32>,
          tpu.vector_store %parallel_loop3A_823[%parallel_loop3A_824, %parallel_loop3A_825], %parallel_loop3A_806 {strides = array<i32>} : memref<16x224xf32, #tpu.memory_space<vmem>>, vector<16xf32>,
          %parallel_loop3A_827 = arith.constant 1 : i32
          %parallel_loop3A_828 = vector.broadcast %parallel_loop3A_827 : i32 to vector<16xi32>
          %parallel_loop3A_829 = arith.addi %parallel_loop3A_770, %parallel_loop3A_828 : vector<16xi32>
          %parallel_loop3A_830 = arith.constant 0 : i32
          %parallel_loop3A_831 = arith.constant 0 : i32
          %parallel_loop3A_832 = tpu.memref_slice %arg5[%select_n3A_68, %parallel_loop3A_830, %parallel_loop3A_831] : memref<2x224x224xf32, #tpu.memory_space<vmem>> -> memref<1x224x224xf32, #tpu.memory_space<vmem>>
          %parallel_loop3A_833 = tpu.memref_squeeze %parallel_loop3A_832 : memref<1x224x224xf32, #tpu.memory_space<vmem>> -> memref<224x224xf32, #tpu.memory_space<vmem>>
          %parallel_loop3A_834 = tpu.vector_load_idx %parallel_loop3A_833[%parallel_loop3A_829, %parallel_loop3A_773] : memref<224x224xf32, #tpu.memory_space<vmem>>[vector<16xi32>, vector<16xi32>], vector<16xf32>,
          %parallel_loop3A_835 = arith.constant 1 : i32
          %parallel_loop3A_836 = vector.broadcast %parallel_loop3A_835 : i32 to vector<16xi32>
          %parallel_loop3A_837 = arith.addi %parallel_loop3A_770, %parallel_loop3A_836 : vector<16xi32>
          %parallel_loop3A_838 = arith.constant 1 : i32
          %parallel_loop3A_839 = vector.broadcast %parallel_loop3A_838 : i32 to vector<16xi32>
          %parallel_loop3A_840 = arith.addi %parallel_loop3A_773, %parallel_loop3A_839 : vector<16xi32>
          %parallel_loop3A_841 = arith.constant 0 : i32
          %parallel_loop3A_842 = arith.constant 0 : i32
          %parallel_loop3A_843 = tpu.memref_slice %arg5[%select_n3A_68, %parallel_loop3A_841, %parallel_loop3A_842] : memref<2x224x224xf32, #tpu.memory_space<vmem>> -> memref<1x224x224xf32, #tpu.memory_space<vmem>>
          %parallel_loop3A_844 = tpu.memref_squeeze %parallel_loop3A_843 : memref<1x224x224xf32, #tpu.memory_space<vmem>> -> memref<224x224xf32, #tpu.memory_space<vmem>>
          %parallel_loop3A_845 = tpu.vector_load_idx %parallel_loop3A_844[%parallel_loop3A_837, %parallel_loop3A_840] : memref<224x224xf32, #tpu.memory_space<vmem>>[vector<16xi32>, vector<16xi32>], vector<16xf32>,
          %parallel_loop3A_846 = vector.shape_cast %shift_right_arithmetic3A_20 : vector<16xi32> to vector<16x1xi32>
          %parallel_loop3A_847 = vector.shape_cast %parallel_loop3A_846 : vector<16x1xi32> to vector<16xi32>
          %parallel_loop3A_848 = tpu.dynamic_gather %parallel_loop3A_834[%parallel_loop3A_847] in [0] : vector<16xf32>, vector<16xi32> -> vector<16xf32>
          %parallel_loop3A_849 = vector.shape_cast %shift_right_arithmetic3A_20 : vector<16xi32> to vector<16x1xi32>
          %parallel_loop3A_850 = vector.shape_cast %parallel_loop3A_849 : vector<16x1xi32> to vector<16xi32>
          %parallel_loop3A_851 = tpu.dynamic_gather %parallel_loop3A_845[%parallel_loop3A_850] in [0] : vector<16xf32>, vector<16xi32> -> vector<16xf32>
          %parallel_loop3A_852 = arith.select %eq3A_28, %parallel_loop3A_848, %parallel_loop3A_851 : vector<16xi1>, vector<16xf32>
          %parallel_loop3A_853 = vector.shape_cast %add3A_23 : vector<16xi32> to vector<16x1xi32>
          %parallel_loop3A_854 = vector.shape_cast %parallel_loop3A_853 : vector<16x1xi32> to vector<16xi32>
          %parallel_loop3A_855 = tpu.dynamic_gather %parallel_loop3A_834[%parallel_loop3A_854] in [0] : vector<16xf32>, vector<16xi32> -> vector<16xf32>
          %parallel_loop3A_856 = vector.shape_cast %add3A_23 : vector<16xi32> to vector<16x1xi32>
          %parallel_loop3A_857 = vector.shape_cast %parallel_loop3A_856 : vector<16x1xi32> to vector<16xi32>
          %parallel_loop3A_858 = tpu.dynamic_gather %parallel_loop3A_845[%parallel_loop3A_857] in [0] : vector<16xf32>, vector<16xi32> -> vector<16xf32>
          %parallel_loop3A_859 = arith.select %eq3A_28, %parallel_loop3A_855, %parallel_loop3A_858 : vector<16xi1>, vector<16xf32>
          %parallel_loop3A_860 = arith.constant 4 : i32
          %parallel_loop3A_861 = arith.muli %parallel_loop3A_860, %parallel_loop3A_170 : i32
          %parallel_loop3A_862 = arith.constant 0 : i32
          %parallel_loop3A_863 = arith.addi %parallel_loop3A_861, %parallel_loop3A_862 : i32
          %parallel_loop3A_864 = arith.constant 1 : i32
          %parallel_loop3A_865 = arith.addi %parallel_loop3A_863, %parallel_loop3A_864 : i32
          %parallel_loop3A_866 = arith.constant 0 : i32
          %parallel_loop3A_867 = arith.constant 0 : i32
          %parallel_loop3A_868 = tpu.memref_slice %arg7[%select_n3A_147, %parallel_loop3A_866, %parallel_loop3A_867] : memref<2x16x224xf32, #tpu.memory_space<vmem>> -> memref<1x16x224xf32, #tpu.memory_space<vmem>>
          %parallel_loop3A_869 = tpu.memref_squeeze %parallel_loop3A_868 : memref<1x16x224xf32, #tpu.memory_space<vmem>> -> memref<16x224xf32, #tpu.memory_space<vmem>>
          %parallel_loop3A_870 = arith.index_cast %parallel_loop3A_865 : i32 to index
          %parallel_loop3A_871 = arith.constant 160 : index
          %parallel_loop3A_872 = tpu.vector_load %parallel_loop3A_869[%parallel_loop3A_870, %parallel_loop3A_871] {strides = array<i32>} : memref<16x224xf32, #tpu.memory_space<vmem>>, vector<16xf32>,
          tpu.vector_store %parallel_loop3A_869[%parallel_loop3A_870, %parallel_loop3A_871], %parallel_loop3A_852 {strides = array<i32>} : memref<16x224xf32, #tpu.memory_space<vmem>>, vector<16xf32>,
          %parallel_loop3A_873 = arith.constant 0 : i32
          %parallel_loop3A_874 = arith.constant 0 : i32
          %parallel_loop3A_875 = tpu.memref_slice %arg7[%select_n3A_147, %parallel_loop3A_873, %parallel_loop3A_874] : memref<2x16x224xf32, #tpu.memory_space<vmem>> -> memref<1x16x224xf32, #tpu.memory_space<vmem>>
          %parallel_loop3A_876 = tpu.memref_squeeze %parallel_loop3A_875 : memref<1x16x224xf32, #tpu.memory_space<vmem>> -> memref<16x224xf32, #tpu.memory_space<vmem>>
          %parallel_loop3A_877 = arith.index_cast %parallel_loop3A_865 : i32 to index
          %parallel_loop3A_878 = arith.constant 176 : index
          %parallel_loop3A_879 = tpu.vector_load %parallel_loop3A_876[%parallel_loop3A_877, %parallel_loop3A_878] {strides = array<i32>} : memref<16x224xf32, #tpu.memory_space<vmem>>, vector<16xf32>,
          tpu.vector_store %parallel_loop3A_876[%parallel_loop3A_877, %parallel_loop3A_878], %parallel_loop3A_859 {strides = array<i32>} : memref<16x224xf32, #tpu.memory_space<vmem>>, vector<16xf32>,
          %parallel_loop3A_880 = arith.constant 48 : i32
          %parallel_loop3A_881 = arith.addi %parallel_loop3A_177, %parallel_loop3A_880 : i32
          %parallel_loop3A_882 = arith.index_cast %parallel_loop3A_881 : i32 to index
          %parallel_loop3A_883 = tpu.vector_load %arg6[%parallel_loop3A_882] {strides = array<i32>} : memref<6272xi32, #tpu.memory_space<vmem>>, vector<16xi32>,
          %parallel_loop3A_884 = arith.constant 65535 : i32
          %parallel_loop3A_885 = vector.broadcast %parallel_loop3A_884 : i32 to vector<16xi32>
          %parallel_loop3A_886 = arith.andi %parallel_loop3A_883, %parallel_loop3A_885 : vector<16xi32>
          %parallel_loop3A_887 = arith.constant 16 : i32
          %parallel_loop3A_888 = vector.broadcast %parallel_loop3A_887 : i32 to vector<16xi32>
          %parallel_loop3A_889 = arith.shrui %parallel_loop3A_883, %parallel_loop3A_888 : vector<16xi32>
          %parallel_loop3A_890 = arith.constant 8 : i32
          %parallel_loop3A_891 = vector.broadcast %parallel_loop3A_890 : i32 to vector<16xi32>
          %parallel_loop3A_892 = arith.shrsi %parallel_loop3A_886, %parallel_loop3A_891 : vector<16xi32>
          %parallel_loop3A_893 = arith.constant 255 : i32
          %parallel_loop3A_894 = vector.broadcast %parallel_loop3A_893 : i32 to vector<16xi32>
          %parallel_loop3A_895 = arith.andi %parallel_loop3A_886, %parallel_loop3A_894 : vector<16xi32>
          %parallel_loop3A_896 = arith.constant 0 : i32
          %parallel_loop3A_897 = vector.broadcast %parallel_loop3A_896 : i32 to vector<16xi32>
          %parallel_loop3A_898 = arith.addi %parallel_loop3A_892, %parallel_loop3A_897 : vector<16xi32>
          %parallel_loop3A_899 = arith.constant 0 : i32
          %parallel_loop3A_900 = arith.constant 0 : i32
          %parallel_loop3A_901 = tpu.memref_slice %arg5[%select_n3A_68, %parallel_loop3A_899, %parallel_loop3A_900] : memref<2x224x224xf32, #tpu.memory_space<vmem>> -> memref<1x224x224xf32, #tpu.memory_space<vmem>>
          %parallel_loop3A_902 = tpu.memref_squeeze %parallel_loop3A_901 : memref<1x224x224xf32, #tpu.memory_space<vmem>> -> memref<224x224xf32, #tpu.memory_space<vmem>>
          %parallel_loop3A_903 = tpu.vector_load_idx %parallel_loop3A_902[%parallel_loop3A_898, %parallel_loop3A_895] : memref<224x224xf32, #tpu.memory_space<vmem>>[vector<16xi32>, vector<16xi32>], vector<16xf32>,
          %parallel_loop3A_904 = arith.constant 0 : i32
          %parallel_loop3A_905 = vector.broadcast %parallel_loop3A_904 : i32 to vector<16xi32>
          %parallel_loop3A_906 = arith.addi %parallel_loop3A_892, %parallel_loop3A_905 : vector<16xi32>
          %parallel_loop3A_907 = arith.constant 1 : i32
          %parallel_loop3A_908 = vector.broadcast %parallel_loop3A_907 : i32 to vector<16xi32>
          %parallel_loop3A_909 = arith.addi %parallel_loop3A_895, %parallel_loop3A_908 : vector<16xi32>
          %parallel_loop3A_910 = arith.constant 0 : i32
          %parallel_loop3A_911 = arith.constant 0 : i32
          %parallel_loop3A_912 = tpu.memref_slice %arg5[%select_n3A_68, %parallel_loop3A_910, %parallel_loop3A_911] : memref<2x224x224xf32, #tpu.memory_space<vmem>> -> memref<1x224x224xf32, #tpu.memory_space<vmem>>
          %parallel_loop3A_913 = tpu.memref_squeeze %parallel_loop3A_912 : memref<1x224x224xf32, #tpu.memory_space<vmem>> -> memref<224x224xf32, #tpu.memory_space<vmem>>
          %parallel_loop3A_914 = tpu.vector_load_idx %parallel_loop3A_913[%parallel_loop3A_906, %parallel_loop3A_909] : memref<224x224xf32, #tpu.memory_space<vmem>>[vector<16xi32>, vector<16xi32>], vector<16xf32>,
          %parallel_loop3A_915 = vector.shape_cast %shift_right_arithmetic3A_20 : vector<16xi32> to vector<16x1xi32>
          %parallel_loop3A_916 = vector.shape_cast %parallel_loop3A_915 : vector<16x1xi32> to vector<16xi32>
          %parallel_loop3A_917 = tpu.dynamic_gather %parallel_loop3A_903[%parallel_loop3A_916] in [0] : vector<16xf32>, vector<16xi32> -> vector<16xf32>
          %parallel_loop3A_918 = vector.shape_cast %shift_right_arithmetic3A_20 : vector<16xi32> to vector<16x1xi32>
          %parallel_loop3A_919 = vector.shape_cast %parallel_loop3A_918 : vector<16x1xi32> to vector<16xi32>
          %parallel_loop3A_920 = tpu.dynamic_gather %parallel_loop3A_914[%parallel_loop3A_919] in [0] : vector<16xf32>, vector<16xi32> -> vector<16xf32>
          %parallel_loop3A_921 = arith.select %eq3A_28, %parallel_loop3A_917, %parallel_loop3A_920 : vector<16xi1>, vector<16xf32>
          %parallel_loop3A_922 = vector.shape_cast %add3A_23 : vector<16xi32> to vector<16x1xi32>
          %parallel_loop3A_923 = vector.shape_cast %parallel_loop3A_922 : vector<16x1xi32> to vector<16xi32>
          %parallel_loop3A_924 = tpu.dynamic_gather %parallel_loop3A_903[%parallel_loop3A_923] in [0] : vector<16xf32>, vector<16xi32> -> vector<16xf32>
          %parallel_loop3A_925 = vector.shape_cast %add3A_23 : vector<16xi32> to vector<16x1xi32>
          %parallel_loop3A_926 = vector.shape_cast %parallel_loop3A_925 : vector<16x1xi32> to vector<16xi32>
          %parallel_loop3A_927 = tpu.dynamic_gather %parallel_loop3A_914[%parallel_loop3A_926] in [0] : vector<16xf32>, vector<16xi32> -> vector<16xf32>
          %parallel_loop3A_928 = arith.select %eq3A_28, %parallel_loop3A_924, %parallel_loop3A_927 : vector<16xi1>, vector<16xf32>
          %parallel_loop3A_929 = arith.constant 4 : i32
          %parallel_loop3A_930 = arith.muli %parallel_loop3A_929, %parallel_loop3A_170 : i32
          %parallel_loop3A_931 = arith.constant 0 : i32
          %parallel_loop3A_932 = arith.addi %parallel_loop3A_930, %parallel_loop3A_931 : i32
          %parallel_loop3A_933 = arith.constant 0 : i32
          %parallel_loop3A_934 = arith.addi %parallel_loop3A_932, %parallel_loop3A_933 : i32
          %parallel_loop3A_935 = arith.constant 0 : i32
          %parallel_loop3A_936 = arith.constant 0 : i32
          %parallel_loop3A_937 = tpu.memref_slice %arg7[%select_n3A_147, %parallel_loop3A_935, %parallel_loop3A_936] : memref<2x16x224xf32, #tpu.memory_space<vmem>> -> memref<1x16x224xf32, #tpu.memory_space<vmem>>
          %parallel_loop3A_938 = tpu.memref_squeeze %parallel_loop3A_937 : memref<1x16x224xf32, #tpu.memory_space<vmem>> -> memref<16x224xf32, #tpu.memory_space<vmem>>
          %parallel_loop3A_939 = arith.index_cast %parallel_loop3A_934 : i32 to index
          %parallel_loop3A_940 = arith.constant 192 : index
          %parallel_loop3A_941 = tpu.vector_load %parallel_loop3A_938[%parallel_loop3A_939, %parallel_loop3A_940] {strides = array<i32>} : memref<16x224xf32, #tpu.memory_space<vmem>>, vector<16xf32>,
          tpu.vector_store %parallel_loop3A_938[%parallel_loop3A_939, %parallel_loop3A_940], %parallel_loop3A_921 {strides = array<i32>} : memref<16x224xf32, #tpu.memory_space<vmem>>, vector<16xf32>,
          %parallel_loop3A_942 = arith.constant 0 : i32
          %parallel_loop3A_943 = arith.constant 0 : i32
          %parallel_loop3A_944 = tpu.memref_slice %arg7[%select_n3A_147, %parallel_loop3A_942, %parallel_loop3A_943] : memref<2x16x224xf32, #tpu.memory_space<vmem>> -> memref<1x16x224xf32, #tpu.memory_space<vmem>>
          %parallel_loop3A_945 = tpu.memref_squeeze %parallel_loop3A_944 : memref<1x16x224xf32, #tpu.memory_space<vmem>> -> memref<16x224xf32, #tpu.memory_space<vmem>>
          %parallel_loop3A_946 = arith.index_cast %parallel_loop3A_934 : i32 to index
          %parallel_loop3A_947 = arith.constant 208 : index
          %parallel_loop3A_948 = tpu.vector_load %parallel_loop3A_945[%parallel_loop3A_946, %parallel_loop3A_947] {strides = array<i32>} : memref<16x224xf32, #tpu.memory_space<vmem>>, vector<16xf32>,
          tpu.vector_store %parallel_loop3A_945[%parallel_loop3A_946, %parallel_loop3A_947], %parallel_loop3A_928 {strides = array<i32>} : memref<16x224xf32, #tpu.memory_space<vmem>>, vector<16xf32>,
          %parallel_loop3A_949 = arith.constant 1 : i32
          %parallel_loop3A_950 = vector.broadcast %parallel_loop3A_949 : i32 to vector<16xi32>
          %parallel_loop3A_951 = arith.addi %parallel_loop3A_892, %parallel_loop3A_950 : vector<16xi32>
          %parallel_loop3A_952 = arith.constant 0 : i32
          %parallel_loop3A_953 = arith.constant 0 : i32
          %parallel_loop3A_954 = tpu.memref_slice %arg5[%select_n3A_68, %parallel_loop3A_952, %parallel_loop3A_953] : memref<2x224x224xf32, #tpu.memory_space<vmem>> -> memref<1x224x224xf32, #tpu.memory_space<vmem>>
          %parallel_loop3A_955 = tpu.memref_squeeze %parallel_loop3A_954 : memref<1x224x224xf32, #tpu.memory_space<vmem>> -> memref<224x224xf32, #tpu.memory_space<vmem>>
          %parallel_loop3A_956 = tpu.vector_load_idx %parallel_loop3A_955[%parallel_loop3A_951, %parallel_loop3A_895] : memref<224x224xf32, #tpu.memory_space<vmem>>[vector<16xi32>, vector<16xi32>], vector<16xf32>,
          %parallel_loop3A_957 = arith.constant 1 : i32
          %parallel_loop3A_958 = vector.broadcast %parallel_loop3A_957 : i32 to vector<16xi32>
          %parallel_loop3A_959 = arith.addi %parallel_loop3A_892, %parallel_loop3A_958 : vector<16xi32>
          %parallel_loop3A_960 = arith.constant 1 : i32
          %parallel_loop3A_961 = vector.broadcast %parallel_loop3A_960 : i32 to vector<16xi32>
          %parallel_loop3A_962 = arith.addi %parallel_loop3A_895, %parallel_loop3A_961 : vector<16xi32>
          %parallel_loop3A_963 = arith.constant 0 : i32
          %parallel_loop3A_964 = arith.constant 0 : i32
          %parallel_loop3A_965 = tpu.memref_slice %arg5[%select_n3A_68, %parallel_loop3A_963, %parallel_loop3A_964] : memref<2x224x224xf32, #tpu.memory_space<vmem>> -> memref<1x224x224xf32, #tpu.memory_space<vmem>>
          %parallel_loop3A_966 = tpu.memref_squeeze %parallel_loop3A_965 : memref<1x224x224xf32, #tpu.memory_space<vmem>> -> memref<224x224xf32, #tpu.memory_space<vmem>>
          %parallel_loop3A_967 = tpu.vector_load_idx %parallel_loop3A_966[%parallel_loop3A_959, %parallel_loop3A_962] : memref<224x224xf32, #tpu.memory_space<vmem>>[vector<16xi32>, vector<16xi32>], vector<16xf32>,
          %parallel_loop3A_968 = vector.shape_cast %shift_right_arithmetic3A_20 : vector<16xi32> to vector<16x1xi32>
          %parallel_loop3A_969 = vector.shape_cast %parallel_loop3A_968 : vector<16x1xi32> to vector<16xi32>
          %parallel_loop3A_970 = tpu.dynamic_gather %parallel_loop3A_956[%parallel_loop3A_969] in [0] : vector<16xf32>, vector<16xi32> -> vector<16xf32>
          %parallel_loop3A_971 = vector.shape_cast %shift_right_arithmetic3A_20 : vector<16xi32> to vector<16x1xi32>
          %parallel_loop3A_972 = vector.shape_cast %parallel_loop3A_971 : vector<16x1xi32> to vector<16xi32>
          %parallel_loop3A_973 = tpu.dynamic_gather %parallel_loop3A_967[%parallel_loop3A_972] in [0] : vector<16xf32>, vector<16xi32> -> vector<16xf32>
          %parallel_loop3A_974 = arith.select %eq3A_28, %parallel_loop3A_970, %parallel_loop3A_973 : vector<16xi1>, vector<16xf32>
          %parallel_loop3A_975 = vector.shape_cast %add3A_23 : vector<16xi32> to vector<16x1xi32>
          %parallel_loop3A_976 = vector.shape_cast %parallel_loop3A_975 : vector<16x1xi32> to vector<16xi32>
          %parallel_loop3A_977 = tpu.dynamic_gather %parallel_loop3A_956[%parallel_loop3A_976] in [0] : vector<16xf32>, vector<16xi32> -> vector<16xf32>
          %parallel_loop3A_978 = vector.shape_cast %add3A_23 : vector<16xi32> to vector<16x1xi32>
          %parallel_loop3A_979 = vector.shape_cast %parallel_loop3A_978 : vector<16x1xi32> to vector<16xi32>
          %parallel_loop3A_980 = tpu.dynamic_gather %parallel_loop3A_967[%parallel_loop3A_979] in [0] : vector<16xf32>, vector<16xi32> -> vector<16xf32>
          %parallel_loop3A_981 = arith.select %eq3A_28, %parallel_loop3A_977, %parallel_loop3A_980 : vector<16xi1>, vector<16xf32>
          %parallel_loop3A_982 = arith.constant 4 : i32
          %parallel_loop3A_983 = arith.muli %parallel_loop3A_982, %parallel_loop3A_170 : i32
          %parallel_loop3A_984 = arith.constant 0 : i32
          %parallel_loop3A_985 = arith.addi %parallel_loop3A_983, %parallel_loop3A_984 : i32
          %parallel_loop3A_986 = arith.constant 1 : i32
          %parallel_loop3A_987 = arith.addi %parallel_loop3A_985, %parallel_loop3A_986 : i32
          %parallel_loop3A_988 = arith.constant 0 : i32
          %parallel_loop3A_989 = arith.constant 0 : i32
          %parallel_loop3A_990 = tpu.memref_slice %arg7[%select_n3A_147, %parallel_loop3A_988, %parallel_loop3A_989] : memref<2x16x224xf32, #tpu.memory_space<vmem>> -> memref<1x16x224xf32, #tpu.memory_space<vmem>>
          %parallel_loop3A_991 = tpu.memref_squeeze %parallel_loop3A_990 : memref<1x16x224xf32, #tpu.memory_space<vmem>> -> memref<16x224xf32, #tpu.memory_space<vmem>>
          %parallel_loop3A_992 = arith.index_cast %parallel_loop3A_987 : i32 to index
          %parallel_loop3A_993 = arith.constant 192 : index
          %parallel_loop3A_994 = tpu.vector_load %parallel_loop3A_991[%parallel_loop3A_992, %parallel_loop3A_993] {strides = array<i32>} : memref<16x224xf32, #tpu.memory_space<vmem>>, vector<16xf32>,
          tpu.vector_store %parallel_loop3A_991[%parallel_loop3A_992, %parallel_loop3A_993], %parallel_loop3A_974 {strides = array<i32>} : memref<16x224xf32, #tpu.memory_space<vmem>>, vector<16xf32>,
          %parallel_loop3A_995 = arith.constant 0 : i32
          %parallel_loop3A_996 = arith.constant 0 : i32
          %parallel_loop3A_997 = tpu.memref_slice %arg7[%select_n3A_147, %parallel_loop3A_995, %parallel_loop3A_996] : memref<2x16x224xf32, #tpu.memory_space<vmem>> -> memref<1x16x224xf32, #tpu.memory_space<vmem>>
          %parallel_loop3A_998 = tpu.memref_squeeze %parallel_loop3A_997 : memref<1x16x224xf32, #tpu.memory_space<vmem>> -> memref<16x224xf32, #tpu.memory_space<vmem>>
          %parallel_loop3A_999 = arith.index_cast %parallel_loop3A_987 : i32 to index
          %parallel_loop3A_1000 = arith.constant 208 : index
          %parallel_loop3A_1001 = tpu.vector_load %parallel_loop3A_998[%parallel_loop3A_999, %parallel_loop3A_1000] {strides = array<i32>} : memref<16x224xf32, #tpu.memory_space<vmem>>, vector<16xf32>,
          tpu.vector_store %parallel_loop3A_998[%parallel_loop3A_999, %parallel_loop3A_1000], %parallel_loop3A_981 {strides = array<i32>} : memref<16x224xf32, #tpu.memory_space<vmem>>, vector<16xf32>,
          %parallel_loop3A_1002 = arith.constant 8 : i32
          %parallel_loop3A_1003 = vector.broadcast %parallel_loop3A_1002 : i32 to vector<16xi32>
          %parallel_loop3A_1004 = arith.shrsi %parallel_loop3A_889, %parallel_loop3A_1003 : vector<16xi32>
          %parallel_loop3A_1005 = arith.constant 255 : i32
          %parallel_loop3A_1006 = vector.broadcast %parallel_loop3A_1005 : i32 to vector<16xi32>
          %parallel_loop3A_1007 = arith.andi %parallel_loop3A_889, %parallel_loop3A_1006 : vector<16xi32>
          %parallel_loop3A_1008 = arith.constant 0 : i32
          %parallel_loop3A_1009 = vector.broadcast %parallel_loop3A_1008 : i32 to vector<16xi32>
          %parallel_loop3A_1010 = arith.addi %parallel_loop3A_1004, %parallel_loop3A_1009 : vector<16xi32>
          %parallel_loop3A_1011 = arith.constant 0 : i32
          %parallel_loop3A_1012 = arith.constant 0 : i32
          %parallel_loop3A_1013 = tpu.memref_slice %arg5[%select_n3A_68, %parallel_loop3A_1011, %parallel_loop3A_1012] : memref<2x224x224xf32, #tpu.memory_space<vmem>> -> memref<1x224x224xf32, #tpu.memory_space<vmem>>
          %parallel_loop3A_1014 = tpu.memref_squeeze %parallel_loop3A_1013 : memref<1x224x224xf32, #tpu.memory_space<vmem>> -> memref<224x224xf32, #tpu.memory_space<vmem>>
          %parallel_loop3A_1015 = tpu.vector_load_idx %parallel_loop3A_1014[%parallel_loop3A_1010, %parallel_loop3A_1007] : memref<224x224xf32, #tpu.memory_space<vmem>>[vector<16xi32>, vector<16xi32>], vector<16xf32>,
          %parallel_loop3A_1016 = arith.constant 0 : i32
          %parallel_loop3A_1017 = vector.broadcast %parallel_loop3A_1016 : i32 to vector<16xi32>
          %parallel_loop3A_1018 = arith.addi %parallel_loop3A_1004, %parallel_loop3A_1017 : vector<16xi32>
          %parallel_loop3A_1019 = arith.constant 1 : i32
          %parallel_loop3A_1020 = vector.broadcast %parallel_loop3A_1019 : i32 to vector<16xi32>
          %parallel_loop3A_1021 = arith.addi %parallel_loop3A_1007, %parallel_loop3A_1020 : vector<16xi32>
          %parallel_loop3A_1022 = arith.constant 0 : i32
          %parallel_loop3A_1023 = arith.constant 0 : i32
          %parallel_loop3A_1024 = tpu.memref_slice %arg5[%select_n3A_68, %parallel_loop3A_1022, %parallel_loop3A_1023] : memref<2x224x224xf32, #tpu.memory_space<vmem>> -> memref<1x224x224xf32, #tpu.memory_space<vmem>>
          %parallel_loop3A_1025 = tpu.memref_squeeze %parallel_loop3A_1024 : memref<1x224x224xf32, #tpu.memory_space<vmem>> -> memref<224x224xf32, #tpu.memory_space<vmem>>
          %parallel_loop3A_1026 = tpu.vector_load_idx %parallel_loop3A_1025[%parallel_loop3A_1018, %parallel_loop3A_1021] : memref<224x224xf32, #tpu.memory_space<vmem>>[vector<16xi32>, vector<16xi32>], vector<16xf32>,
          %parallel_loop3A_1027 = vector.shape_cast %shift_right_arithmetic3A_20 : vector<16xi32> to vector<16x1xi32>
          %parallel_loop3A_1028 = vector.shape_cast %parallel_loop3A_1027 : vector<16x1xi32> to vector<16xi32>
          %parallel_loop3A_1029 = tpu.dynamic_gather %parallel_loop3A_1015[%parallel_loop3A_1028] in [0] : vector<16xf32>, vector<16xi32> -> vector<16xf32>
          %parallel_loop3A_1030 = vector.shape_cast %shift_right_arithmetic3A_20 : vector<16xi32> to vector<16x1xi32>
          %parallel_loop3A_1031 = vector.shape_cast %parallel_loop3A_1030 : vector<16x1xi32> to vector<16xi32>
          %parallel_loop3A_1032 = tpu.dynamic_gather %parallel_loop3A_1026[%parallel_loop3A_1031] in [0] : vector<16xf32>, vector<16xi32> -> vector<16xf32>
          %parallel_loop3A_1033 = arith.select %eq3A_28, %parallel_loop3A_1029, %parallel_loop3A_1032 : vector<16xi1>, vector<16xf32>
          %parallel_loop3A_1034 = vector.shape_cast %add3A_23 : vector<16xi32> to vector<16x1xi32>
          %parallel_loop3A_1035 = vector.shape_cast %parallel_loop3A_1034 : vector<16x1xi32> to vector<16xi32>
          %parallel_loop3A_1036 = tpu.dynamic_gather %parallel_loop3A_1015[%parallel_loop3A_1035] in [0] : vector<16xf32>, vector<16xi32> -> vector<16xf32>
          %parallel_loop3A_1037 = vector.shape_cast %add3A_23 : vector<16xi32> to vector<16x1xi32>
          %parallel_loop3A_1038 = vector.shape_cast %parallel_loop3A_1037 : vector<16x1xi32> to vector<16xi32>
          %parallel_loop3A_1039 = tpu.dynamic_gather %parallel_loop3A_1026[%parallel_loop3A_1038] in [0] : vector<16xf32>, vector<16xi32> -> vector<16xf32>
          %parallel_loop3A_1040 = arith.select %eq3A_28, %parallel_loop3A_1036, %parallel_loop3A_1039 : vector<16xi1>, vector<16xf32>
          %parallel_loop3A_1041 = arith.constant 4 : i32
          %parallel_loop3A_1042 = arith.muli %parallel_loop3A_1041, %parallel_loop3A_170 : i32
          %parallel_loop3A_1043 = arith.constant 2 : i32
          %parallel_loop3A_1044 = arith.addi %parallel_loop3A_1042, %parallel_loop3A_1043 : i32
          %parallel_loop3A_1045 = arith.constant 0 : i32
          %parallel_loop3A_1046 = arith.addi %parallel_loop3A_1044, %parallel_loop3A_1045 : i32
          %parallel_loop3A_1047 = arith.constant 0 : i32
          %parallel_loop3A_1048 = arith.constant 0 : i32
          %parallel_loop3A_1049 = tpu.memref_slice %arg7[%select_n3A_147, %parallel_loop3A_1047, %parallel_loop3A_1048] : memref<2x16x224xf32, #tpu.memory_space<vmem>> -> memref<1x16x224xf32, #tpu.memory_space<vmem>>
          %parallel_loop3A_1050 = tpu.memref_squeeze %parallel_loop3A_1049 : memref<1x16x224xf32, #tpu.memory_space<vmem>> -> memref<16x224xf32, #tpu.memory_space<vmem>>
          %parallel_loop3A_1051 = arith.index_cast %parallel_loop3A_1046 : i32 to index
          %parallel_loop3A_1052 = arith.constant 0 : index
          %parallel_loop3A_1053 = tpu.vector_load %parallel_loop3A_1050[%parallel_loop3A_1051, %parallel_loop3A_1052] {strides = array<i32>} : memref<16x224xf32, #tpu.memory_space<vmem>>, vector<16xf32>,
          tpu.vector_store %parallel_loop3A_1050[%parallel_loop3A_1051, %parallel_loop3A_1052], %parallel_loop3A_1033 {strides = array<i32>} : memref<16x224xf32, #tpu.memory_space<vmem>>, vector<16xf32>,
          %parallel_loop3A_1054 = arith.constant 0 : i32
          %parallel_loop3A_1055 = arith.constant 0 : i32
          %parallel_loop3A_1056 = tpu.memref_slice %arg7[%select_n3A_147, %parallel_loop3A_1054, %parallel_loop3A_1055] : memref<2x16x224xf32, #tpu.memory_space<vmem>> -> memref<1x16x224xf32, #tpu.memory_space<vmem>>
          %parallel_loop3A_1057 = tpu.memref_squeeze %parallel_loop3A_1056 : memref<1x16x224xf32, #tpu.memory_space<vmem>> -> memref<16x224xf32, #tpu.memory_space<vmem>>
          %parallel_loop3A_1058 = arith.index_cast %parallel_loop3A_1046 : i32 to index
          %parallel_loop3A_1059 = arith.constant 16 : index
          %parallel_loop3A_1060 = tpu.vector_load %parallel_loop3A_1057[%parallel_loop3A_1058, %parallel_loop3A_1059] {strides = array<i32>} : memref<16x224xf32, #tpu.memory_space<vmem>>, vector<16xf32>,
          tpu.vector_store %parallel_loop3A_1057[%parallel_loop3A_1058, %parallel_loop3A_1059], %parallel_loop3A_1040 {strides = array<i32>} : memref<16x224xf32, #tpu.memory_space<vmem>>, vector<16xf32>,
          %parallel_loop3A_1061 = arith.constant 1 : i32
          %parallel_loop3A_1062 = vector.broadcast %parallel_loop3A_1061 : i32 to vector<16xi32>
          %parallel_loop3A_1063 = arith.addi %parallel_loop3A_1004, %parallel_loop3A_1062 : vector<16xi32>
          %parallel_loop3A_1064 = arith.constant 0 : i32
          %parallel_loop3A_1065 = arith.constant 0 : i32
          %parallel_loop3A_1066 = tpu.memref_slice %arg5[%select_n3A_68, %parallel_loop3A_1064, %parallel_loop3A_1065] : memref<2x224x224xf32, #tpu.memory_space<vmem>> -> memref<1x224x224xf32, #tpu.memory_space<vmem>>
          %parallel_loop3A_1067 = tpu.memref_squeeze %parallel_loop3A_1066 : memref<1x224x224xf32, #tpu.memory_space<vmem>> -> memref<224x224xf32, #tpu.memory_space<vmem>>
          %parallel_loop3A_1068 = tpu.vector_load_idx %parallel_loop3A_1067[%parallel_loop3A_1063, %parallel_loop3A_1007] : memref<224x224xf32, #tpu.memory_space<vmem>>[vector<16xi32>, vector<16xi32>], vector<16xf32>,
          %parallel_loop3A_1069 = arith.constant 1 : i32
          %parallel_loop3A_1070 = vector.broadcast %parallel_loop3A_1069 : i32 to vector<16xi32>
          %parallel_loop3A_1071 = arith.addi %parallel_loop3A_1004, %parallel_loop3A_1070 : vector<16xi32>
          %parallel_loop3A_1072 = arith.constant 1 : i32
          %parallel_loop3A_1073 = vector.broadcast %parallel_loop3A_1072 : i32 to vector<16xi32>
          %parallel_loop3A_1074 = arith.addi %parallel_loop3A_1007, %parallel_loop3A_1073 : vector<16xi32>
          %parallel_loop3A_1075 = arith.constant 0 : i32
          %parallel_loop3A_1076 = arith.constant 0 : i32
          %parallel_loop3A_1077 = tpu.memref_slice %arg5[%select_n3A_68, %parallel_loop3A_1075, %parallel_loop3A_1076] : memref<2x224x224xf32, #tpu.memory_space<vmem>> -> memref<1x224x224xf32, #tpu.memory_space<vmem>>
          %parallel_loop3A_1078 = tpu.memref_squeeze %parallel_loop3A_1077 : memref<1x224x224xf32, #tpu.memory_space<vmem>> -> memref<224x224xf32, #tpu.memory_space<vmem>>
          %parallel_loop3A_1079 = tpu.vector_load_idx %parallel_loop3A_1078[%parallel_loop3A_1071, %parallel_loop3A_1074] : memref<224x224xf32, #tpu.memory_space<vmem>>[vector<16xi32>, vector<16xi32>], vector<16xf32>,
          %parallel_loop3A_1080 = vector.shape_cast %shift_right_arithmetic3A_20 : vector<16xi32> to vector<16x1xi32>
          %parallel_loop3A_1081 = vector.shape_cast %parallel_loop3A_1080 : vector<16x1xi32> to vector<16xi32>
          %parallel_loop3A_1082 = tpu.dynamic_gather %parallel_loop3A_1068[%parallel_loop3A_1081] in [0] : vector<16xf32>, vector<16xi32> -> vector<16xf32>
          %parallel_loop3A_1083 = vector.shape_cast %shift_right_arithmetic3A_20 : vector<16xi32> to vector<16x1xi32>
          %parallel_loop3A_1084 = vector.shape_cast %parallel_loop3A_1083 : vector<16x1xi32> to vector<16xi32>
          %parallel_loop3A_1085 = tpu.dynamic_gather %parallel_loop3A_1079[%parallel_loop3A_1084] in [0] : vector<16xf32>, vector<16xi32> -> vector<16xf32>
          %parallel_loop3A_1086 = arith.select %eq3A_28, %parallel_loop3A_1082, %parallel_loop3A_1085 : vector<16xi1>, vector<16xf32>
          %parallel_loop3A_1087 = vector.shape_cast %add3A_23 : vector<16xi32> to vector<16x1xi32>
          %parallel_loop3A_1088 = vector.shape_cast %parallel_loop3A_1087 : vector<16x1xi32> to vector<16xi32>
          %parallel_loop3A_1089 = tpu.dynamic_gather %parallel_loop3A_1068[%parallel_loop3A_1088] in [0] : vector<16xf32>, vector<16xi32> -> vector<16xf32>
          %parallel_loop3A_1090 = vector.shape_cast %add3A_23 : vector<16xi32> to vector<16x1xi32>
          %parallel_loop3A_1091 = vector.shape_cast %parallel_loop3A_1090 : vector<16x1xi32> to vector<16xi32>
          %parallel_loop3A_1092 = tpu.dynamic_gather %parallel_loop3A_1079[%parallel_loop3A_1091] in [0] : vector<16xf32>, vector<16xi32> -> vector<16xf32>
          %parallel_loop3A_1093 = arith.select %eq3A_28, %parallel_loop3A_1089, %parallel_loop3A_1092 : vector<16xi1>, vector<16xf32>
          %parallel_loop3A_1094 = arith.constant 4 : i32
          %parallel_loop3A_1095 = arith.muli %parallel_loop3A_1094, %parallel_loop3A_170 : i32
          %parallel_loop3A_1096 = arith.constant 2 : i32
          %parallel_loop3A_1097 = arith.addi %parallel_loop3A_1095, %parallel_loop3A_1096 : i32
          %parallel_loop3A_1098 = arith.constant 1 : i32
          %parallel_loop3A_1099 = arith.addi %parallel_loop3A_1097, %parallel_loop3A_1098 : i32
          %parallel_loop3A_1100 = arith.constant 0 : i32
          %parallel_loop3A_1101 = arith.constant 0 : i32
          %parallel_loop3A_1102 = tpu.memref_slice %arg7[%select_n3A_147, %parallel_loop3A_1100, %parallel_loop3A_1101] : memref<2x16x224xf32, #tpu.memory_space<vmem>> -> memref<1x16x224xf32, #tpu.memory_space<vmem>>
          %parallel_loop3A_1103 = tpu.memref_squeeze %parallel_loop3A_1102 : memref<1x16x224xf32, #tpu.memory_space<vmem>> -> memref<16x224xf32, #tpu.memory_space<vmem>>
          %parallel_loop3A_1104 = arith.index_cast %parallel_loop3A_1099 : i32 to index
          %parallel_loop3A_1105 = arith.constant 0 : index
          %parallel_loop3A_1106 = tpu.vector_load %parallel_loop3A_1103[%parallel_loop3A_1104, %parallel_loop3A_1105] {strides = array<i32>} : memref<16x224xf32, #tpu.memory_space<vmem>>, vector<16xf32>,
          tpu.vector_store %parallel_loop3A_1103[%parallel_loop3A_1104, %parallel_loop3A_1105], %parallel_loop3A_1086 {strides = array<i32>} : memref<16x224xf32, #tpu.memory_space<vmem>>, vector<16xf32>,
          %parallel_loop3A_1107 = arith.constant 0 : i32
          %parallel_loop3A_1108 = arith.constant 0 : i32
          %parallel_loop3A_1109 = tpu.memref_slice %arg7[%select_n3A_147, %parallel_loop3A_1107, %parallel_loop3A_1108] : memref<2x16x224xf32, #tpu.memory_space<vmem>> -> memref<1x16x224xf32, #tpu.memory_space<vmem>>
          %parallel_loop3A_1110 = tpu.memref_squeeze %parallel_loop3A_1109 : memref<1x16x224xf32, #tpu.memory_space<vmem>> -> memref<16x224xf32, #tpu.memory_space<vmem>>
          %parallel_loop3A_1111 = arith.index_cast %parallel_loop3A_1099 : i32 to index
          %parallel_loop3A_1112 = arith.constant 16 : index
          %parallel_loop3A_1113 = tpu.vector_load %parallel_loop3A_1110[%parallel_loop3A_1111, %parallel_loop3A_1112] {strides = array<i32>} : memref<16x224xf32, #tpu.memory_space<vmem>>, vector<16xf32>,
          tpu.vector_store %parallel_loop3A_1110[%parallel_loop3A_1111, %parallel_loop3A_1112], %parallel_loop3A_1093 {strides = array<i32>} : memref<16x224xf32, #tpu.memory_space<vmem>>, vector<16xf32>,
          %parallel_loop3A_1114 = arith.constant 64 : i32
          %parallel_loop3A_1115 = arith.addi %parallel_loop3A_177, %parallel_loop3A_1114 : i32
          %parallel_loop3A_1116 = arith.index_cast %parallel_loop3A_1115 : i32 to index
          %parallel_loop3A_1117 = tpu.vector_load %arg6[%parallel_loop3A_1116] {strides = array<i32>} : memref<6272xi32, #tpu.memory_space<vmem>>, vector<16xi32>,
          %parallel_loop3A_1118 = arith.constant 65535 : i32
          %parallel_loop3A_1119 = vector.broadcast %parallel_loop3A_1118 : i32 to vector<16xi32>
          %parallel_loop3A_1120 = arith.andi %parallel_loop3A_1117, %parallel_loop3A_1119 : vector<16xi32>
          %parallel_loop3A_1121 = arith.constant 16 : i32
          %parallel_loop3A_1122 = vector.broadcast %parallel_loop3A_1121 : i32 to vector<16xi32>
          %parallel_loop3A_1123 = arith.shrui %parallel_loop3A_1117, %parallel_loop3A_1122 : vector<16xi32>
          %parallel_loop3A_1124 = arith.constant 8 : i32
          %parallel_loop3A_1125 = vector.broadcast %parallel_loop3A_1124 : i32 to vector<16xi32>
          %parallel_loop3A_1126 = arith.shrsi %parallel_loop3A_1120, %parallel_loop3A_1125 : vector<16xi32>
          %parallel_loop3A_1127 = arith.constant 255 : i32
          %parallel_loop3A_1128 = vector.broadcast %parallel_loop3A_1127 : i32 to vector<16xi32>
          %parallel_loop3A_1129 = arith.andi %parallel_loop3A_1120, %parallel_loop3A_1128 : vector<16xi32>
          %parallel_loop3A_1130 = arith.constant 0 : i32
          %parallel_loop3A_1131 = vector.broadcast %parallel_loop3A_1130 : i32 to vector<16xi32>
          %parallel_loop3A_1132 = arith.addi %parallel_loop3A_1126, %parallel_loop3A_1131 : vector<16xi32>
          %parallel_loop3A_1133 = arith.constant 0 : i32
          %parallel_loop3A_1134 = arith.constant 0 : i32
          %parallel_loop3A_1135 = tpu.memref_slice %arg5[%select_n3A_68, %parallel_loop3A_1133, %parallel_loop3A_1134] : memref<2x224x224xf32, #tpu.memory_space<vmem>> -> memref<1x224x224xf32, #tpu.memory_space<vmem>>
          %parallel_loop3A_1136 = tpu.memref_squeeze %parallel_loop3A_1135 : memref<1x224x224xf32, #tpu.memory_space<vmem>> -> memref<224x224xf32, #tpu.memory_space<vmem>>
          %parallel_loop3A_1137 = tpu.vector_load_idx %parallel_loop3A_1136[%parallel_loop3A_1132, %parallel_loop3A_1129] : memref<224x224xf32, #tpu.memory_space<vmem>>[vector<16xi32>, vector<16xi32>], vector<16xf32>,
          %parallel_loop3A_1138 = arith.constant 0 : i32
          %parallel_loop3A_1139 = vector.broadcast %parallel_loop3A_1138 : i32 to vector<16xi32>
          %parallel_loop3A_1140 = arith.addi %parallel_loop3A_1126, %parallel_loop3A_1139 : vector<16xi32>
          %parallel_loop3A_1141 = arith.constant 1 : i32
          %parallel_loop3A_1142 = vector.broadcast %parallel_loop3A_1141 : i32 to vector<16xi32>
          %parallel_loop3A_1143 = arith.addi %parallel_loop3A_1129, %parallel_loop3A_1142 : vector<16xi32>
          %parallel_loop3A_1144 = arith.constant 0 : i32
          %parallel_loop3A_1145 = arith.constant 0 : i32
          %parallel_loop3A_1146 = tpu.memref_slice %arg5[%select_n3A_68, %parallel_loop3A_1144, %parallel_loop3A_1145] : memref<2x224x224xf32, #tpu.memory_space<vmem>> -> memref<1x224x224xf32, #tpu.memory_space<vmem>>
          %parallel_loop3A_1147 = tpu.memref_squeeze %parallel_loop3A_1146 : memref<1x224x224xf32, #tpu.memory_space<vmem>> -> memref<224x224xf32, #tpu.memory_space<vmem>>
          %parallel_loop3A_1148 = tpu.vector_load_idx %parallel_loop3A_1147[%parallel_loop3A_1140, %parallel_loop3A_1143] : memref<224x224xf32, #tpu.memory_space<vmem>>[vector<16xi32>, vector<16xi32>], vector<16xf32>,
          %parallel_loop3A_1149 = vector.shape_cast %shift_right_arithmetic3A_20 : vector<16xi32> to vector<16x1xi32>
          %parallel_loop3A_1150 = vector.shape_cast %parallel_loop3A_1149 : vector<16x1xi32> to vector<16xi32>
          %parallel_loop3A_1151 = tpu.dynamic_gather %parallel_loop3A_1137[%parallel_loop3A_1150] in [0] : vector<16xf32>, vector<16xi32> -> vector<16xf32>
          %parallel_loop3A_1152 = vector.shape_cast %shift_right_arithmetic3A_20 : vector<16xi32> to vector<16x1xi32>
          %parallel_loop3A_1153 = vector.shape_cast %parallel_loop3A_1152 : vector<16x1xi32> to vector<16xi32>
          %parallel_loop3A_1154 = tpu.dynamic_gather %parallel_loop3A_1148[%parallel_loop3A_1153] in [0] : vector<16xf32>, vector<16xi32> -> vector<16xf32>
          %parallel_loop3A_1155 = arith.select %eq3A_28, %parallel_loop3A_1151, %parallel_loop3A_1154 : vector<16xi1>, vector<16xf32>
          %parallel_loop3A_1156 = vector.shape_cast %add3A_23 : vector<16xi32> to vector<16x1xi32>
          %parallel_loop3A_1157 = vector.shape_cast %parallel_loop3A_1156 : vector<16x1xi32> to vector<16xi32>
          %parallel_loop3A_1158 = tpu.dynamic_gather %parallel_loop3A_1137[%parallel_loop3A_1157] in [0] : vector<16xf32>, vector<16xi32> -> vector<16xf32>
          %parallel_loop3A_1159 = vector.shape_cast %add3A_23 : vector<16xi32> to vector<16x1xi32>
          %parallel_loop3A_1160 = vector.shape_cast %parallel_loop3A_1159 : vector<16x1xi32> to vector<16xi32>
          %parallel_loop3A_1161 = tpu.dynamic_gather %parallel_loop3A_1148[%parallel_loop3A_1160] in [0] : vector<16xf32>, vector<16xi32> -> vector<16xf32>
          %parallel_loop3A_1162 = arith.select %eq3A_28, %parallel_loop3A_1158, %parallel_loop3A_1161 : vector<16xi1>, vector<16xf32>
          %parallel_loop3A_1163 = arith.constant 4 : i32
          %parallel_loop3A_1164 = arith.muli %parallel_loop3A_1163, %parallel_loop3A_170 : i32
          %parallel_loop3A_1165 = arith.constant 2 : i32
          %parallel_loop3A_1166 = arith.addi %parallel_loop3A_1164, %parallel_loop3A_1165 : i32
          %parallel_loop3A_1167 = arith.constant 0 : i32
          %parallel_loop3A_1168 = arith.addi %parallel_loop3A_1166, %parallel_loop3A_1167 : i32
          %parallel_loop3A_1169 = arith.constant 0 : i32
          %parallel_loop3A_1170 = arith.constant 0 : i32
          %parallel_loop3A_1171 = tpu.memref_slice %arg7[%select_n3A_147, %parallel_loop3A_1169, %parallel_loop3A_1170] : memref<2x16x224xf32, #tpu.memory_space<vmem>> -> memref<1x16x224xf32, #tpu.memory_space<vmem>>
          %parallel_loop3A_1172 = tpu.memref_squeeze %parallel_loop3A_1171 : memref<1x16x224xf32, #tpu.memory_space<vmem>> -> memref<16x224xf32, #tpu.memory_space<vmem>>
          %parallel_loop3A_1173 = arith.index_cast %parallel_loop3A_1168 : i32 to index
          %parallel_loop3A_1174 = arith.constant 32 : index
          %parallel_loop3A_1175 = tpu.vector_load %parallel_loop3A_1172[%parallel_loop3A_1173, %parallel_loop3A_1174] {strides = array<i32>} : memref<16x224xf32, #tpu.memory_space<vmem>>, vector<16xf32>,
          tpu.vector_store %parallel_loop3A_1172[%parallel_loop3A_1173, %parallel_loop3A_1174], %parallel_loop3A_1155 {strides = array<i32>} : memref<16x224xf32, #tpu.memory_space<vmem>>, vector<16xf32>,
          %parallel_loop3A_1176 = arith.constant 0 : i32
          %parallel_loop3A_1177 = arith.constant 0 : i32
          %parallel_loop3A_1178 = tpu.memref_slice %arg7[%select_n3A_147, %parallel_loop3A_1176, %parallel_loop3A_1177] : memref<2x16x224xf32, #tpu.memory_space<vmem>> -> memref<1x16x224xf32, #tpu.memory_space<vmem>>
          %parallel_loop3A_1179 = tpu.memref_squeeze %parallel_loop3A_1178 : memref<1x16x224xf32, #tpu.memory_space<vmem>> -> memref<16x224xf32, #tpu.memory_space<vmem>>
          %parallel_loop3A_1180 = arith.index_cast %parallel_loop3A_1168 : i32 to index
          %parallel_loop3A_1181 = arith.constant 48 : index
          %parallel_loop3A_1182 = tpu.vector_load %parallel_loop3A_1179[%parallel_loop3A_1180, %parallel_loop3A_1181] {strides = array<i32>} : memref<16x224xf32, #tpu.memory_space<vmem>>, vector<16xf32>,
          tpu.vector_store %parallel_loop3A_1179[%parallel_loop3A_1180, %parallel_loop3A_1181], %parallel_loop3A_1162 {strides = array<i32>} : memref<16x224xf32, #tpu.memory_space<vmem>>, vector<16xf32>,
          %parallel_loop3A_1183 = arith.constant 1 : i32
          %parallel_loop3A_1184 = vector.broadcast %parallel_loop3A_1183 : i32 to vector<16xi32>
          %parallel_loop3A_1185 = arith.addi %parallel_loop3A_1126, %parallel_loop3A_1184 : vector<16xi32>
          %parallel_loop3A_1186 = arith.constant 0 : i32
          %parallel_loop3A_1187 = arith.constant 0 : i32
          %parallel_loop3A_1188 = tpu.memref_slice %arg5[%select_n3A_68, %parallel_loop3A_1186, %parallel_loop3A_1187] : memref<2x224x224xf32, #tpu.memory_space<vmem>> -> memref<1x224x224xf32, #tpu.memory_space<vmem>>
          %parallel_loop3A_1189 = tpu.memref_squeeze %parallel_loop3A_1188 : memref<1x224x224xf32, #tpu.memory_space<vmem>> -> memref<224x224xf32, #tpu.memory_space<vmem>>
          %parallel_loop3A_1190 = tpu.vector_load_idx %parallel_loop3A_1189[%parallel_loop3A_1185, %parallel_loop3A_1129] : memref<224x224xf32, #tpu.memory_space<vmem>>[vector<16xi32>, vector<16xi32>], vector<16xf32>,
          %parallel_loop3A_1191 = arith.constant 1 : i32
          %parallel_loop3A_1192 = vector.broadcast %parallel_loop3A_1191 : i32 to vector<16xi32>
          %parallel_loop3A_1193 = arith.addi %parallel_loop3A_1126, %parallel_loop3A_1192 : vector<16xi32>
          %parallel_loop3A_1194 = arith.constant 1 : i32
          %parallel_loop3A_1195 = vector.broadcast %parallel_loop3A_1194 : i32 to vector<16xi32>
          %parallel_loop3A_1196 = arith.addi %parallel_loop3A_1129, %parallel_loop3A_1195 : vector<16xi32>
          %parallel_loop3A_1197 = arith.constant 0 : i32
          %parallel_loop3A_1198 = arith.constant 0 : i32
          %parallel_loop3A_1199 = tpu.memref_slice %arg5[%select_n3A_68, %parallel_loop3A_1197, %parallel_loop3A_1198] : memref<2x224x224xf32, #tpu.memory_space<vmem>> -> memref<1x224x224xf32, #tpu.memory_space<vmem>>
          %parallel_loop3A_1200 = tpu.memref_squeeze %parallel_loop3A_1199 : memref<1x224x224xf32, #tpu.memory_space<vmem>> -> memref<224x224xf32, #tpu.memory_space<vmem>>
          %parallel_loop3A_1201 = tpu.vector_load_idx %parallel_loop3A_1200[%parallel_loop3A_1193, %parallel_loop3A_1196] : memref<224x224xf32, #tpu.memory_space<vmem>>[vector<16xi32>, vector<16xi32>], vector<16xf32>,
          %parallel_loop3A_1202 = vector.shape_cast %shift_right_arithmetic3A_20 : vector<16xi32> to vector<16x1xi32>
          %parallel_loop3A_1203 = vector.shape_cast %parallel_loop3A_1202 : vector<16x1xi32> to vector<16xi32>
          %parallel_loop3A_1204 = tpu.dynamic_gather %parallel_loop3A_1190[%parallel_loop3A_1203] in [0] : vector<16xf32>, vector<16xi32> -> vector<16xf32>
          %parallel_loop3A_1205 = vector.shape_cast %shift_right_arithmetic3A_20 : vector<16xi32> to vector<16x1xi32>
          %parallel_loop3A_1206 = vector.shape_cast %parallel_loop3A_1205 : vector<16x1xi32> to vector<16xi32>
          %parallel_loop3A_1207 = tpu.dynamic_gather %parallel_loop3A_1201[%parallel_loop3A_1206] in [0] : vector<16xf32>, vector<16xi32> -> vector<16xf32>
          %parallel_loop3A_1208 = arith.select %eq3A_28, %parallel_loop3A_1204, %parallel_loop3A_1207 : vector<16xi1>, vector<16xf32>
          %parallel_loop3A_1209 = vector.shape_cast %add3A_23 : vector<16xi32> to vector<16x1xi32>
          %parallel_loop3A_1210 = vector.shape_cast %parallel_loop3A_1209 : vector<16x1xi32> to vector<16xi32>
          %parallel_loop3A_1211 = tpu.dynamic_gather %parallel_loop3A_1190[%parallel_loop3A_1210] in [0] : vector<16xf32>, vector<16xi32> -> vector<16xf32>
          %parallel_loop3A_1212 = vector.shape_cast %add3A_23 : vector<16xi32> to vector<16x1xi32>
          %parallel_loop3A_1213 = vector.shape_cast %parallel_loop3A_1212 : vector<16x1xi32> to vector<16xi32>
          %parallel_loop3A_1214 = tpu.dynamic_gather %parallel_loop3A_1201[%parallel_loop3A_1213] in [0] : vector<16xf32>, vector<16xi32> -> vector<16xf32>
          %parallel_loop3A_1215 = arith.select %eq3A_28, %parallel_loop3A_1211, %parallel_loop3A_1214 : vector<16xi1>, vector<16xf32>
          %parallel_loop3A_1216 = arith.constant 4 : i32
          %parallel_loop3A_1217 = arith.muli %parallel_loop3A_1216, %parallel_loop3A_170 : i32
          %parallel_loop3A_1218 = arith.constant 2 : i32
          %parallel_loop3A_1219 = arith.addi %parallel_loop3A_1217, %parallel_loop3A_1218 : i32
          %parallel_loop3A_1220 = arith.constant 1 : i32
          %parallel_loop3A_1221 = arith.addi %parallel_loop3A_1219, %parallel_loop3A_1220 : i32
          %parallel_loop3A_1222 = arith.constant 0 : i32
          %parallel_loop3A_1223 = arith.constant 0 : i32
          %parallel_loop3A_1224 = tpu.memref_slice %arg7[%select_n3A_147, %parallel_loop3A_1222, %parallel_loop3A_1223] : memref<2x16x224xf32, #tpu.memory_space<vmem>> -> memref<1x16x224xf32, #tpu.memory_space<vmem>>
          %parallel_loop3A_1225 = tpu.memref_squeeze %parallel_loop3A_1224 : memref<1x16x224xf32, #tpu.memory_space<vmem>> -> memref<16x224xf32, #tpu.memory_space<vmem>>
          %parallel_loop3A_1226 = arith.index_cast %parallel_loop3A_1221 : i32 to index
          %parallel_loop3A_1227 = arith.constant 32 : index
          %parallel_loop3A_1228 = tpu.vector_load %parallel_loop3A_1225[%parallel_loop3A_1226, %parallel_loop3A_1227] {strides = array<i32>} : memref<16x224xf32, #tpu.memory_space<vmem>>, vector<16xf32>,
          tpu.vector_store %parallel_loop3A_1225[%parallel_loop3A_1226, %parallel_loop3A_1227], %parallel_loop3A_1208 {strides = array<i32>} : memref<16x224xf32, #tpu.memory_space<vmem>>, vector<16xf32>,
          %parallel_loop3A_1229 = arith.constant 0 : i32
          %parallel_loop3A_1230 = arith.constant 0 : i32
          %parallel_loop3A_1231 = tpu.memref_slice %arg7[%select_n3A_147, %parallel_loop3A_1229, %parallel_loop3A_1230] : memref<2x16x224xf32, #tpu.memory_space<vmem>> -> memref<1x16x224xf32, #tpu.memory_space<vmem>>
          %parallel_loop3A_1232 = tpu.memref_squeeze %parallel_loop3A_1231 : memref<1x16x224xf32, #tpu.memory_space<vmem>> -> memref<16x224xf32, #tpu.memory_space<vmem>>
          %parallel_loop3A_1233 = arith.index_cast %parallel_loop3A_1221 : i32 to index
          %parallel_loop3A_1234 = arith.constant 48 : index
          %parallel_loop3A_1235 = tpu.vector_load %parallel_loop3A_1232[%parallel_loop3A_1233, %parallel_loop3A_1234] {strides = array<i32>} : memref<16x224xf32, #tpu.memory_space<vmem>>, vector<16xf32>,
          tpu.vector_store %parallel_loop3A_1232[%parallel_loop3A_1233, %parallel_loop3A_1234], %parallel_loop3A_1215 {strides = array<i32>} : memref<16x224xf32, #tpu.memory_space<vmem>>, vector<16xf32>,
          %parallel_loop3A_1236 = arith.constant 8 : i32
          %parallel_loop3A_1237 = vector.broadcast %parallel_loop3A_1236 : i32 to vector<16xi32>
          %parallel_loop3A_1238 = arith.shrsi %parallel_loop3A_1123, %parallel_loop3A_1237 : vector<16xi32>
          %parallel_loop3A_1239 = arith.constant 255 : i32
          %parallel_loop3A_1240 = vector.broadcast %parallel_loop3A_1239 : i32 to vector<16xi32>
          %parallel_loop3A_1241 = arith.andi %parallel_loop3A_1123, %parallel_loop3A_1240 : vector<16xi32>
          %parallel_loop3A_1242 = arith.constant 0 : i32
          %parallel_loop3A_1243 = vector.broadcast %parallel_loop3A_1242 : i32 to vector<16xi32>
          %parallel_loop3A_1244 = arith.addi %parallel_loop3A_1238, %parallel_loop3A_1243 : vector<16xi32>
          %parallel_loop3A_1245 = arith.constant 0 : i32
          %parallel_loop3A_1246 = arith.constant 0 : i32
          %parallel_loop3A_1247 = tpu.memref_slice %arg5[%select_n3A_68, %parallel_loop3A_1245, %parallel_loop3A_1246] : memref<2x224x224xf32, #tpu.memory_space<vmem>> -> memref<1x224x224xf32, #tpu.memory_space<vmem>>
          %parallel_loop3A_1248 = tpu.memref_squeeze %parallel_loop3A_1247 : memref<1x224x224xf32, #tpu.memory_space<vmem>> -> memref<224x224xf32, #tpu.memory_space<vmem>>
          %parallel_loop3A_1249 = tpu.vector_load_idx %parallel_loop3A_1248[%parallel_loop3A_1244, %parallel_loop3A_1241] : memref<224x224xf32, #tpu.memory_space<vmem>>[vector<16xi32>, vector<16xi32>], vector<16xf32>,
          %parallel_loop3A_1250 = arith.constant 0 : i32
          %parallel_loop3A_1251 = vector.broadcast %parallel_loop3A_1250 : i32 to vector<16xi32>
          %parallel_loop3A_1252 = arith.addi %parallel_loop3A_1238, %parallel_loop3A_1251 : vector<16xi32>
          %parallel_loop3A_1253 = arith.constant 1 : i32
          %parallel_loop3A_1254 = vector.broadcast %parallel_loop3A_1253 : i32 to vector<16xi32>
          %parallel_loop3A_1255 = arith.addi %parallel_loop3A_1241, %parallel_loop3A_1254 : vector<16xi32>
          %parallel_loop3A_1256 = arith.constant 0 : i32
          %parallel_loop3A_1257 = arith.constant 0 : i32
          %parallel_loop3A_1258 = tpu.memref_slice %arg5[%select_n3A_68, %parallel_loop3A_1256, %parallel_loop3A_1257] : memref<2x224x224xf32, #tpu.memory_space<vmem>> -> memref<1x224x224xf32, #tpu.memory_space<vmem>>
          %parallel_loop3A_1259 = tpu.memref_squeeze %parallel_loop3A_1258 : memref<1x224x224xf32, #tpu.memory_space<vmem>> -> memref<224x224xf32, #tpu.memory_space<vmem>>
          %parallel_loop3A_1260 = tpu.vector_load_idx %parallel_loop3A_1259[%parallel_loop3A_1252, %parallel_loop3A_1255] : memref<224x224xf32, #tpu.memory_space<vmem>>[vector<16xi32>, vector<16xi32>], vector<16xf32>,
          %parallel_loop3A_1261 = vector.shape_cast %shift_right_arithmetic3A_20 : vector<16xi32> to vector<16x1xi32>
          %parallel_loop3A_1262 = vector.shape_cast %parallel_loop3A_1261 : vector<16x1xi32> to vector<16xi32>
          %parallel_loop3A_1263 = tpu.dynamic_gather %parallel_loop3A_1249[%parallel_loop3A_1262] in [0] : vector<16xf32>, vector<16xi32> -> vector<16xf32>
          %parallel_loop3A_1264 = vector.shape_cast %shift_right_arithmetic3A_20 : vector<16xi32> to vector<16x1xi32>
          %parallel_loop3A_1265 = vector.shape_cast %parallel_loop3A_1264 : vector<16x1xi32> to vector<16xi32>
          %parallel_loop3A_1266 = tpu.dynamic_gather %parallel_loop3A_1260[%parallel_loop3A_1265] in [0] : vector<16xf32>, vector<16xi32> -> vector<16xf32>
          %parallel_loop3A_1267 = arith.select %eq3A_28, %parallel_loop3A_1263, %parallel_loop3A_1266 : vector<16xi1>, vector<16xf32>
          %parallel_loop3A_1268 = vector.shape_cast %add3A_23 : vector<16xi32> to vector<16x1xi32>
          %parallel_loop3A_1269 = vector.shape_cast %parallel_loop3A_1268 : vector<16x1xi32> to vector<16xi32>
          %parallel_loop3A_1270 = tpu.dynamic_gather %parallel_loop3A_1249[%parallel_loop3A_1269] in [0] : vector<16xf32>, vector<16xi32> -> vector<16xf32>
          %parallel_loop3A_1271 = vector.shape_cast %add3A_23 : vector<16xi32> to vector<16x1xi32>
          %parallel_loop3A_1272 = vector.shape_cast %parallel_loop3A_1271 : vector<16x1xi32> to vector<16xi32>
          %parallel_loop3A_1273 = tpu.dynamic_gather %parallel_loop3A_1260[%parallel_loop3A_1272] in [0] : vector<16xf32>, vector<16xi32> -> vector<16xf32>
          %parallel_loop3A_1274 = arith.select %eq3A_28, %parallel_loop3A_1270, %parallel_loop3A_1273 : vector<16xi1>, vector<16xf32>
          %parallel_loop3A_1275 = arith.constant 4 : i32
          %parallel_loop3A_1276 = arith.muli %parallel_loop3A_1275, %parallel_loop3A_170 : i32
          %parallel_loop3A_1277 = arith.constant 2 : i32
          %parallel_loop3A_1278 = arith.addi %parallel_loop3A_1276, %parallel_loop3A_1277 : i32
          %parallel_loop3A_1279 = arith.constant 0 : i32
          %parallel_loop3A_1280 = arith.addi %parallel_loop3A_1278, %parallel_loop3A_1279 : i32
          %parallel_loop3A_1281 = arith.constant 0 : i32
          %parallel_loop3A_1282 = arith.constant 0 : i32
          %parallel_loop3A_1283 = tpu.memref_slice %arg7[%select_n3A_147, %parallel_loop3A_1281, %parallel_loop3A_1282] : memref<2x16x224xf32, #tpu.memory_space<vmem>> -> memref<1x16x224xf32, #tpu.memory_space<vmem>>
          %parallel_loop3A_1284 = tpu.memref_squeeze %parallel_loop3A_1283 : memref<1x16x224xf32, #tpu.memory_space<vmem>> -> memref<16x224xf32, #tpu.memory_space<vmem>>
          %parallel_loop3A_1285 = arith.index_cast %parallel_loop3A_1280 : i32 to index
          %parallel_loop3A_1286 = arith.constant 64 : index
          %parallel_loop3A_1287 = tpu.vector_load %parallel_loop3A_1284[%parallel_loop3A_1285, %parallel_loop3A_1286] {strides = array<i32>} : memref<16x224xf32, #tpu.memory_space<vmem>>, vector<16xf32>,
          tpu.vector_store %parallel_loop3A_1284[%parallel_loop3A_1285, %parallel_loop3A_1286], %parallel_loop3A_1267 {strides = array<i32>} : memref<16x224xf32, #tpu.memory_space<vmem>>, vector<16xf32>,
          %parallel_loop3A_1288 = arith.constant 0 : i32
          %parallel_loop3A_1289 = arith.constant 0 : i32
          %parallel_loop3A_1290 = tpu.memref_slice %arg7[%select_n3A_147, %parallel_loop3A_1288, %parallel_loop3A_1289] : memref<2x16x224xf32, #tpu.memory_space<vmem>> -> memref<1x16x224xf32, #tpu.memory_space<vmem>>
          %parallel_loop3A_1291 = tpu.memref_squeeze %parallel_loop3A_1290 : memref<1x16x224xf32, #tpu.memory_space<vmem>> -> memref<16x224xf32, #tpu.memory_space<vmem>>
          %parallel_loop3A_1292 = arith.index_cast %parallel_loop3A_1280 : i32 to index
          %parallel_loop3A_1293 = arith.constant 80 : index
          %parallel_loop3A_1294 = tpu.vector_load %parallel_loop3A_1291[%parallel_loop3A_1292, %parallel_loop3A_1293] {strides = array<i32>} : memref<16x224xf32, #tpu.memory_space<vmem>>, vector<16xf32>,
          tpu.vector_store %parallel_loop3A_1291[%parallel_loop3A_1292, %parallel_loop3A_1293], %parallel_loop3A_1274 {strides = array<i32>} : memref<16x224xf32, #tpu.memory_space<vmem>>, vector<16xf32>,
          %parallel_loop3A_1295 = arith.constant 1 : i32
          %parallel_loop3A_1296 = vector.broadcast %parallel_loop3A_1295 : i32 to vector<16xi32>
          %parallel_loop3A_1297 = arith.addi %parallel_loop3A_1238, %parallel_loop3A_1296 : vector<16xi32>
          %parallel_loop3A_1298 = arith.constant 0 : i32
          %parallel_loop3A_1299 = arith.constant 0 : i32
          %parallel_loop3A_1300 = tpu.memref_slice %arg5[%select_n3A_68, %parallel_loop3A_1298, %parallel_loop3A_1299] : memref<2x224x224xf32, #tpu.memory_space<vmem>> -> memref<1x224x224xf32, #tpu.memory_space<vmem>>
          %parallel_loop3A_1301 = tpu.memref_squeeze %parallel_loop3A_1300 : memref<1x224x224xf32, #tpu.memory_space<vmem>> -> memref<224x224xf32, #tpu.memory_space<vmem>>
          %parallel_loop3A_1302 = tpu.vector_load_idx %parallel_loop3A_1301[%parallel_loop3A_1297, %parallel_loop3A_1241] : memref<224x224xf32, #tpu.memory_space<vmem>>[vector<16xi32>, vector<16xi32>], vector<16xf32>,
          %parallel_loop3A_1303 = arith.constant 1 : i32
          %parallel_loop3A_1304 = vector.broadcast %parallel_loop3A_1303 : i32 to vector<16xi32>
          %parallel_loop3A_1305 = arith.addi %parallel_loop3A_1238, %parallel_loop3A_1304 : vector<16xi32>
          %parallel_loop3A_1306 = arith.constant 1 : i32
          %parallel_loop3A_1307 = vector.broadcast %parallel_loop3A_1306 : i32 to vector<16xi32>
          %parallel_loop3A_1308 = arith.addi %parallel_loop3A_1241, %parallel_loop3A_1307 : vector<16xi32>
          %parallel_loop3A_1309 = arith.constant 0 : i32
          %parallel_loop3A_1310 = arith.constant 0 : i32
          %parallel_loop3A_1311 = tpu.memref_slice %arg5[%select_n3A_68, %parallel_loop3A_1309, %parallel_loop3A_1310] : memref<2x224x224xf32, #tpu.memory_space<vmem>> -> memref<1x224x224xf32, #tpu.memory_space<vmem>>
          %parallel_loop3A_1312 = tpu.memref_squeeze %parallel_loop3A_1311 : memref<1x224x224xf32, #tpu.memory_space<vmem>> -> memref<224x224xf32, #tpu.memory_space<vmem>>
          %parallel_loop3A_1313 = tpu.vector_load_idx %parallel_loop3A_1312[%parallel_loop3A_1305, %parallel_loop3A_1308] : memref<224x224xf32, #tpu.memory_space<vmem>>[vector<16xi32>, vector<16xi32>], vector<16xf32>,
          %parallel_loop3A_1314 = vector.shape_cast %shift_right_arithmetic3A_20 : vector<16xi32> to vector<16x1xi32>
          %parallel_loop3A_1315 = vector.shape_cast %parallel_loop3A_1314 : vector<16x1xi32> to vector<16xi32>
          %parallel_loop3A_1316 = tpu.dynamic_gather %parallel_loop3A_1302[%parallel_loop3A_1315] in [0] : vector<16xf32>, vector<16xi32> -> vector<16xf32>
          %parallel_loop3A_1317 = vector.shape_cast %shift_right_arithmetic3A_20 : vector<16xi32> to vector<16x1xi32>
          %parallel_loop3A_1318 = vector.shape_cast %parallel_loop3A_1317 : vector<16x1xi32> to vector<16xi32>
          %parallel_loop3A_1319 = tpu.dynamic_gather %parallel_loop3A_1313[%parallel_loop3A_1318] in [0] : vector<16xf32>, vector<16xi32> -> vector<16xf32>
          %parallel_loop3A_1320 = arith.select %eq3A_28, %parallel_loop3A_1316, %parallel_loop3A_1319 : vector<16xi1>, vector<16xf32>
          %parallel_loop3A_1321 = vector.shape_cast %add3A_23 : vector<16xi32> to vector<16x1xi32>
          %parallel_loop3A_1322 = vector.shape_cast %parallel_loop3A_1321 : vector<16x1xi32> to vector<16xi32>
          %parallel_loop3A_1323 = tpu.dynamic_gather %parallel_loop3A_1302[%parallel_loop3A_1322] in [0] : vector<16xf32>, vector<16xi32> -> vector<16xf32>
          %parallel_loop3A_1324 = vector.shape_cast %add3A_23 : vector<16xi32> to vector<16x1xi32>
          %parallel_loop3A_1325 = vector.shape_cast %parallel_loop3A_1324 : vector<16x1xi32> to vector<16xi32>
          %parallel_loop3A_1326 = tpu.dynamic_gather %parallel_loop3A_1313[%parallel_loop3A_1325] in [0] : vector<16xf32>, vector<16xi32> -> vector<16xf32>
          %parallel_loop3A_1327 = arith.select %eq3A_28, %parallel_loop3A_1323, %parallel_loop3A_1326 : vector<16xi1>, vector<16xf32>
          %parallel_loop3A_1328 = arith.constant 4 : i32
          %parallel_loop3A_1329 = arith.muli %parallel_loop3A_1328, %parallel_loop3A_170 : i32
          %parallel_loop3A_1330 = arith.constant 2 : i32
          %parallel_loop3A_1331 = arith.addi %parallel_loop3A_1329, %parallel_loop3A_1330 : i32
          %parallel_loop3A_1332 = arith.constant 1 : i32
          %parallel_loop3A_1333 = arith.addi %parallel_loop3A_1331, %parallel_loop3A_1332 : i32
          %parallel_loop3A_1334 = arith.constant 0 : i32
          %parallel_loop3A_1335 = arith.constant 0 : i32
          %parallel_loop3A_1336 = tpu.memref_slice %arg7[%select_n3A_147, %parallel_loop3A_1334, %parallel_loop3A_1335] : memref<2x16x224xf32, #tpu.memory_space<vmem>> -> memref<1x16x224xf32, #tpu.memory_space<vmem>>
          %parallel_loop3A_1337 = tpu.memref_squeeze %parallel_loop3A_1336 : memref<1x16x224xf32, #tpu.memory_space<vmem>> -> memref<16x224xf32, #tpu.memory_space<vmem>>
          %parallel_loop3A_1338 = arith.index_cast %parallel_loop3A_1333 : i32 to index
          %parallel_loop3A_1339 = arith.constant 64 : index
          %parallel_loop3A_1340 = tpu.vector_load %parallel_loop3A_1337[%parallel_loop3A_1338, %parallel_loop3A_1339] {strides = array<i32>} : memref<16x224xf32, #tpu.memory_space<vmem>>, vector<16xf32>,
          tpu.vector_store %parallel_loop3A_1337[%parallel_loop3A_1338, %parallel_loop3A_1339], %parallel_loop3A_1320 {strides = array<i32>} : memref<16x224xf32, #tpu.memory_space<vmem>>, vector<16xf32>,
          %parallel_loop3A_1341 = arith.constant 0 : i32
          %parallel_loop3A_1342 = arith.constant 0 : i32
          %parallel_loop3A_1343 = tpu.memref_slice %arg7[%select_n3A_147, %parallel_loop3A_1341, %parallel_loop3A_1342] : memref<2x16x224xf32, #tpu.memory_space<vmem>> -> memref<1x16x224xf32, #tpu.memory_space<vmem>>
          %parallel_loop3A_1344 = tpu.memref_squeeze %parallel_loop3A_1343 : memref<1x16x224xf32, #tpu.memory_space<vmem>> -> memref<16x224xf32, #tpu.memory_space<vmem>>
          %parallel_loop3A_1345 = arith.index_cast %parallel_loop3A_1333 : i32 to index
          %parallel_loop3A_1346 = arith.constant 80 : index
          %parallel_loop3A_1347 = tpu.vector_load %parallel_loop3A_1344[%parallel_loop3A_1345, %parallel_loop3A_1346] {strides = array<i32>} : memref<16x224xf32, #tpu.memory_space<vmem>>, vector<16xf32>,
          tpu.vector_store %parallel_loop3A_1344[%parallel_loop3A_1345, %parallel_loop3A_1346], %parallel_loop3A_1327 {strides = array<i32>} : memref<16x224xf32, #tpu.memory_space<vmem>>, vector<16xf32>,
          %parallel_loop3A_1348 = arith.constant 80 : i32
          %parallel_loop3A_1349 = arith.addi %parallel_loop3A_177, %parallel_loop3A_1348 : i32
          %parallel_loop3A_1350 = arith.index_cast %parallel_loop3A_1349 : i32 to index
          %parallel_loop3A_1351 = tpu.vector_load %arg6[%parallel_loop3A_1350] {strides = array<i32>} : memref<6272xi32, #tpu.memory_space<vmem>>, vector<16xi32>,
          %parallel_loop3A_1352 = arith.constant 65535 : i32
          %parallel_loop3A_1353 = vector.broadcast %parallel_loop3A_1352 : i32 to vector<16xi32>
          %parallel_loop3A_1354 = arith.andi %parallel_loop3A_1351, %parallel_loop3A_1353 : vector<16xi32>
          %parallel_loop3A_1355 = arith.constant 16 : i32
          %parallel_loop3A_1356 = vector.broadcast %parallel_loop3A_1355 : i32 to vector<16xi32>
          %parallel_loop3A_1357 = arith.shrui %parallel_loop3A_1351, %parallel_loop3A_1356 : vector<16xi32>
          %parallel_loop3A_1358 = arith.constant 8 : i32
          %parallel_loop3A_1359 = vector.broadcast %parallel_loop3A_1358 : i32 to vector<16xi32>
          %parallel_loop3A_1360 = arith.shrsi %parallel_loop3A_1354, %parallel_loop3A_1359 : vector<16xi32>
          %parallel_loop3A_1361 = arith.constant 255 : i32
          %parallel_loop3A_1362 = vector.broadcast %parallel_loop3A_1361 : i32 to vector<16xi32>
          %parallel_loop3A_1363 = arith.andi %parallel_loop3A_1354, %parallel_loop3A_1362 : vector<16xi32>
          %parallel_loop3A_1364 = arith.constant 0 : i32
          %parallel_loop3A_1365 = vector.broadcast %parallel_loop3A_1364 : i32 to vector<16xi32>
          %parallel_loop3A_1366 = arith.addi %parallel_loop3A_1360, %parallel_loop3A_1365 : vector<16xi32>
          %parallel_loop3A_1367 = arith.constant 0 : i32
          %parallel_loop3A_1368 = arith.constant 0 : i32
          %parallel_loop3A_1369 = tpu.memref_slice %arg5[%select_n3A_68, %parallel_loop3A_1367, %parallel_loop3A_1368] : memref<2x224x224xf32, #tpu.memory_space<vmem>> -> memref<1x224x224xf32, #tpu.memory_space<vmem>>
          %parallel_loop3A_1370 = tpu.memref_squeeze %parallel_loop3A_1369 : memref<1x224x224xf32, #tpu.memory_space<vmem>> -> memref<224x224xf32, #tpu.memory_space<vmem>>
          %parallel_loop3A_1371 = tpu.vector_load_idx %parallel_loop3A_1370[%parallel_loop3A_1366, %parallel_loop3A_1363] : memref<224x224xf32, #tpu.memory_space<vmem>>[vector<16xi32>, vector<16xi32>], vector<16xf32>,
          %parallel_loop3A_1372 = arith.constant 0 : i32
          %parallel_loop3A_1373 = vector.broadcast %parallel_loop3A_1372 : i32 to vector<16xi32>
          %parallel_loop3A_1374 = arith.addi %parallel_loop3A_1360, %parallel_loop3A_1373 : vector<16xi32>
          %parallel_loop3A_1375 = arith.constant 1 : i32
          %parallel_loop3A_1376 = vector.broadcast %parallel_loop3A_1375 : i32 to vector<16xi32>
          %parallel_loop3A_1377 = arith.addi %parallel_loop3A_1363, %parallel_loop3A_1376 : vector<16xi32>
          %parallel_loop3A_1378 = arith.constant 0 : i32
          %parallel_loop3A_1379 = arith.constant 0 : i32
          %parallel_loop3A_1380 = tpu.memref_slice %arg5[%select_n3A_68, %parallel_loop3A_1378, %parallel_loop3A_1379] : memref<2x224x224xf32, #tpu.memory_space<vmem>> -> memref<1x224x224xf32, #tpu.memory_space<vmem>>
          %parallel_loop3A_1381 = tpu.memref_squeeze %parallel_loop3A_1380 : memref<1x224x224xf32, #tpu.memory_space<vmem>> -> memref<224x224xf32, #tpu.memory_space<vmem>>
          %parallel_loop3A_1382 = tpu.vector_load_idx %parallel_loop3A_1381[%parallel_loop3A_1374, %parallel_loop3A_1377] : memref<224x224xf32, #tpu.memory_space<vmem>>[vector<16xi32>, vector<16xi32>], vector<16xf32>,
          %parallel_loop3A_1383 = vector.shape_cast %shift_right_arithmetic3A_20 : vector<16xi32> to vector<16x1xi32>
          %parallel_loop3A_1384 = vector.shape_cast %parallel_loop3A_1383 : vector<16x1xi32> to vector<16xi32>
          %parallel_loop3A_1385 = tpu.dynamic_gather %parallel_loop3A_1371[%parallel_loop3A_1384] in [0] : vector<16xf32>, vector<16xi32> -> vector<16xf32>
          %parallel_loop3A_1386 = vector.shape_cast %shift_right_arithmetic3A_20 : vector<16xi32> to vector<16x1xi32>
          %parallel_loop3A_1387 = vector.shape_cast %parallel_loop3A_1386 : vector<16x1xi32> to vector<16xi32>
          %parallel_loop3A_1388 = tpu.dynamic_gather %parallel_loop3A_1382[%parallel_loop3A_1387] in [0] : vector<16xf32>, vector<16xi32> -> vector<16xf32>
          %parallel_loop3A_1389 = arith.select %eq3A_28, %parallel_loop3A_1385, %parallel_loop3A_1388 : vector<16xi1>, vector<16xf32>
          %parallel_loop3A_1390 = vector.shape_cast %add3A_23 : vector<16xi32> to vector<16x1xi32>
          %parallel_loop3A_1391 = vector.shape_cast %parallel_loop3A_1390 : vector<16x1xi32> to vector<16xi32>
          %parallel_loop3A_1392 = tpu.dynamic_gather %parallel_loop3A_1371[%parallel_loop3A_1391] in [0] : vector<16xf32>, vector<16xi32> -> vector<16xf32>
          %parallel_loop3A_1393 = vector.shape_cast %add3A_23 : vector<16xi32> to vector<16x1xi32>
          %parallel_loop3A_1394 = vector.shape_cast %parallel_loop3A_1393 : vector<16x1xi32> to vector<16xi32>
          %parallel_loop3A_1395 = tpu.dynamic_gather %parallel_loop3A_1382[%parallel_loop3A_1394] in [0] : vector<16xf32>, vector<16xi32> -> vector<16xf32>
          %parallel_loop3A_1396 = arith.select %eq3A_28, %parallel_loop3A_1392, %parallel_loop3A_1395 : vector<16xi1>, vector<16xf32>
          %parallel_loop3A_1397 = arith.constant 4 : i32
          %parallel_loop3A_1398 = arith.muli %parallel_loop3A_1397, %parallel_loop3A_170 : i32
          %parallel_loop3A_1399 = arith.constant 2 : i32
          %parallel_loop3A_1400 = arith.addi %parallel_loop3A_1398, %parallel_loop3A_1399 : i32
          %parallel_loop3A_1401 = arith.constant 0 : i32
          %parallel_loop3A_1402 = arith.addi %parallel_loop3A_1400, %parallel_loop3A_1401 : i32
          %parallel_loop3A_1403 = arith.constant 0 : i32
          %parallel_loop3A_1404 = arith.constant 0 : i32
          %parallel_loop3A_1405 = tpu.memref_slice %arg7[%select_n3A_147, %parallel_loop3A_1403, %parallel_loop3A_1404] : memref<2x16x224xf32, #tpu.memory_space<vmem>> -> memref<1x16x224xf32, #tpu.memory_space<vmem>>
          %parallel_loop3A_1406 = tpu.memref_squeeze %parallel_loop3A_1405 : memref<1x16x224xf32, #tpu.memory_space<vmem>> -> memref<16x224xf32, #tpu.memory_space<vmem>>
          %parallel_loop3A_1407 = arith.index_cast %parallel_loop3A_1402 : i32 to index
          %parallel_loop3A_1408 = arith.constant 96 : index
          %parallel_loop3A_1409 = tpu.vector_load %parallel_loop3A_1406[%parallel_loop3A_1407, %parallel_loop3A_1408] {strides = array<i32>} : memref<16x224xf32, #tpu.memory_space<vmem>>, vector<16xf32>,
          tpu.vector_store %parallel_loop3A_1406[%parallel_loop3A_1407, %parallel_loop3A_1408], %parallel_loop3A_1389 {strides = array<i32>} : memref<16x224xf32, #tpu.memory_space<vmem>>, vector<16xf32>,
          %parallel_loop3A_1410 = arith.constant 0 : i32
          %parallel_loop3A_1411 = arith.constant 0 : i32
          %parallel_loop3A_1412 = tpu.memref_slice %arg7[%select_n3A_147, %parallel_loop3A_1410, %parallel_loop3A_1411] : memref<2x16x224xf32, #tpu.memory_space<vmem>> -> memref<1x16x224xf32, #tpu.memory_space<vmem>>
          %parallel_loop3A_1413 = tpu.memref_squeeze %parallel_loop3A_1412 : memref<1x16x224xf32, #tpu.memory_space<vmem>> -> memref<16x224xf32, #tpu.memory_space<vmem>>
          %parallel_loop3A_1414 = arith.index_cast %parallel_loop3A_1402 : i32 to index
          %parallel_loop3A_1415 = arith.constant 112 : index
          %parallel_loop3A_1416 = tpu.vector_load %parallel_loop3A_1413[%parallel_loop3A_1414, %parallel_loop3A_1415] {strides = array<i32>} : memref<16x224xf32, #tpu.memory_space<vmem>>, vector<16xf32>,
          tpu.vector_store %parallel_loop3A_1413[%parallel_loop3A_1414, %parallel_loop3A_1415], %parallel_loop3A_1396 {strides = array<i32>} : memref<16x224xf32, #tpu.memory_space<vmem>>, vector<16xf32>,
          %parallel_loop3A_1417 = arith.constant 1 : i32
          %parallel_loop3A_1418 = vector.broadcast %parallel_loop3A_1417 : i32 to vector<16xi32>
          %parallel_loop3A_1419 = arith.addi %parallel_loop3A_1360, %parallel_loop3A_1418 : vector<16xi32>
          %parallel_loop3A_1420 = arith.constant 0 : i32
          %parallel_loop3A_1421 = arith.constant 0 : i32
          %parallel_loop3A_1422 = tpu.memref_slice %arg5[%select_n3A_68, %parallel_loop3A_1420, %parallel_loop3A_1421] : memref<2x224x224xf32, #tpu.memory_space<vmem>> -> memref<1x224x224xf32, #tpu.memory_space<vmem>>
          %parallel_loop3A_1423 = tpu.memref_squeeze %parallel_loop3A_1422 : memref<1x224x224xf32, #tpu.memory_space<vmem>> -> memref<224x224xf32, #tpu.memory_space<vmem>>
          %parallel_loop3A_1424 = tpu.vector_load_idx %parallel_loop3A_1423[%parallel_loop3A_1419, %parallel_loop3A_1363] : memref<224x224xf32, #tpu.memory_space<vmem>>[vector<16xi32>, vector<16xi32>], vector<16xf32>,
          %parallel_loop3A_1425 = arith.constant 1 : i32
          %parallel_loop3A_1426 = vector.broadcast %parallel_loop3A_1425 : i32 to vector<16xi32>
          %parallel_loop3A_1427 = arith.addi %parallel_loop3A_1360, %parallel_loop3A_1426 : vector<16xi32>
          %parallel_loop3A_1428 = arith.constant 1 : i32
          %parallel_loop3A_1429 = vector.broadcast %parallel_loop3A_1428 : i32 to vector<16xi32>
          %parallel_loop3A_1430 = arith.addi %parallel_loop3A_1363, %parallel_loop3A_1429 : vector<16xi32>
          %parallel_loop3A_1431 = arith.constant 0 : i32
          %parallel_loop3A_1432 = arith.constant 0 : i32
          %parallel_loop3A_1433 = tpu.memref_slice %arg5[%select_n3A_68, %parallel_loop3A_1431, %parallel_loop3A_1432] : memref<2x224x224xf32, #tpu.memory_space<vmem>> -> memref<1x224x224xf32, #tpu.memory_space<vmem>>
          %parallel_loop3A_1434 = tpu.memref_squeeze %parallel_loop3A_1433 : memref<1x224x224xf32, #tpu.memory_space<vmem>> -> memref<224x224xf32, #tpu.memory_space<vmem>>
          %parallel_loop3A_1435 = tpu.vector_load_idx %parallel_loop3A_1434[%parallel_loop3A_1427, %parallel_loop3A_1430] : memref<224x224xf32, #tpu.memory_space<vmem>>[vector<16xi32>, vector<16xi32>], vector<16xf32>,
          %parallel_loop3A_1436 = vector.shape_cast %shift_right_arithmetic3A_20 : vector<16xi32> to vector<16x1xi32>
          %parallel_loop3A_1437 = vector.shape_cast %parallel_loop3A_1436 : vector<16x1xi32> to vector<16xi32>
          %parallel_loop3A_1438 = tpu.dynamic_gather %parallel_loop3A_1424[%parallel_loop3A_1437] in [0] : vector<16xf32>, vector<16xi32> -> vector<16xf32>
          %parallel_loop3A_1439 = vector.shape_cast %shift_right_arithmetic3A_20 : vector<16xi32> to vector<16x1xi32>
          %parallel_loop3A_1440 = vector.shape_cast %parallel_loop3A_1439 : vector<16x1xi32> to vector<16xi32>
          %parallel_loop3A_1441 = tpu.dynamic_gather %parallel_loop3A_1435[%parallel_loop3A_1440] in [0] : vector<16xf32>, vector<16xi32> -> vector<16xf32>
          %parallel_loop3A_1442 = arith.select %eq3A_28, %parallel_loop3A_1438, %parallel_loop3A_1441 : vector<16xi1>, vector<16xf32>
          %parallel_loop3A_1443 = vector.shape_cast %add3A_23 : vector<16xi32> to vector<16x1xi32>
          %parallel_loop3A_1444 = vector.shape_cast %parallel_loop3A_1443 : vector<16x1xi32> to vector<16xi32>
          %parallel_loop3A_1445 = tpu.dynamic_gather %parallel_loop3A_1424[%parallel_loop3A_1444] in [0] : vector<16xf32>, vector<16xi32> -> vector<16xf32>
          %parallel_loop3A_1446 = vector.shape_cast %add3A_23 : vector<16xi32> to vector<16x1xi32>
          %parallel_loop3A_1447 = vector.shape_cast %parallel_loop3A_1446 : vector<16x1xi32> to vector<16xi32>
          %parallel_loop3A_1448 = tpu.dynamic_gather %parallel_loop3A_1435[%parallel_loop3A_1447] in [0] : vector<16xf32>, vector<16xi32> -> vector<16xf32>
          %parallel_loop3A_1449 = arith.select %eq3A_28, %parallel_loop3A_1445, %parallel_loop3A_1448 : vector<16xi1>, vector<16xf32>
          %parallel_loop3A_1450 = arith.constant 4 : i32
          %parallel_loop3A_1451 = arith.muli %parallel_loop3A_1450, %parallel_loop3A_170 : i32
          %parallel_loop3A_1452 = arith.constant 2 : i32
          %parallel_loop3A_1453 = arith.addi %parallel_loop3A_1451, %parallel_loop3A_1452 : i32
          %parallel_loop3A_1454 = arith.constant 1 : i32
          %parallel_loop3A_1455 = arith.addi %parallel_loop3A_1453, %parallel_loop3A_1454 : i32
          %parallel_loop3A_1456 = arith.constant 0 : i32
          %parallel_loop3A_1457 = arith.constant 0 : i32
          %parallel_loop3A_1458 = tpu.memref_slice %arg7[%select_n3A_147, %parallel_loop3A_1456, %parallel_loop3A_1457] : memref<2x16x224xf32, #tpu.memory_space<vmem>> -> memref<1x16x224xf32, #tpu.memory_space<vmem>>
          %parallel_loop3A_1459 = tpu.memref_squeeze %parallel_loop3A_1458 : memref<1x16x224xf32, #tpu.memory_space<vmem>> -> memref<16x224xf32, #tpu.memory_space<vmem>>
          %parallel_loop3A_1460 = arith.index_cast %parallel_loop3A_1455 : i32 to index
          %parallel_loop3A_1461 = arith.constant 96 : index
          %parallel_loop3A_1462 = tpu.vector_load %parallel_loop3A_1459[%parallel_loop3A_1460, %parallel_loop3A_1461] {strides = array<i32>} : memref<16x224xf32, #tpu.memory_space<vmem>>, vector<16xf32>,
          tpu.vector_store %parallel_loop3A_1459[%parallel_loop3A_1460, %parallel_loop3A_1461], %parallel_loop3A_1442 {strides = array<i32>} : memref<16x224xf32, #tpu.memory_space<vmem>>, vector<16xf32>,
          %parallel_loop3A_1463 = arith.constant 0 : i32
          %parallel_loop3A_1464 = arith.constant 0 : i32
          %parallel_loop3A_1465 = tpu.memref_slice %arg7[%select_n3A_147, %parallel_loop3A_1463, %parallel_loop3A_1464] : memref<2x16x224xf32, #tpu.memory_space<vmem>> -> memref<1x16x224xf32, #tpu.memory_space<vmem>>
          %parallel_loop3A_1466 = tpu.memref_squeeze %parallel_loop3A_1465 : memref<1x16x224xf32, #tpu.memory_space<vmem>> -> memref<16x224xf32, #tpu.memory_space<vmem>>
          %parallel_loop3A_1467 = arith.index_cast %parallel_loop3A_1455 : i32 to index
          %parallel_loop3A_1468 = arith.constant 112 : index
          %parallel_loop3A_1469 = tpu.vector_load %parallel_loop3A_1466[%parallel_loop3A_1467, %parallel_loop3A_1468] {strides = array<i32>} : memref<16x224xf32, #tpu.memory_space<vmem>>, vector<16xf32>,
          tpu.vector_store %parallel_loop3A_1466[%parallel_loop3A_1467, %parallel_loop3A_1468], %parallel_loop3A_1449 {strides = array<i32>} : memref<16x224xf32, #tpu.memory_space<vmem>>, vector<16xf32>,
          %parallel_loop3A_1470 = arith.constant 8 : i32
          %parallel_loop3A_1471 = vector.broadcast %parallel_loop3A_1470 : i32 to vector<16xi32>
          %parallel_loop3A_1472 = arith.shrsi %parallel_loop3A_1357, %parallel_loop3A_1471 : vector<16xi32>
          %parallel_loop3A_1473 = arith.constant 255 : i32
          %parallel_loop3A_1474 = vector.broadcast %parallel_loop3A_1473 : i32 to vector<16xi32>
          %parallel_loop3A_1475 = arith.andi %parallel_loop3A_1357, %parallel_loop3A_1474 : vector<16xi32>
          %parallel_loop3A_1476 = arith.constant 0 : i32
          %parallel_loop3A_1477 = vector.broadcast %parallel_loop3A_1476 : i32 to vector<16xi32>
          %parallel_loop3A_1478 = arith.addi %parallel_loop3A_1472, %parallel_loop3A_1477 : vector<16xi32>
          %parallel_loop3A_1479 = arith.constant 0 : i32
          %parallel_loop3A_1480 = arith.constant 0 : i32
          %parallel_loop3A_1481 = tpu.memref_slice %arg5[%select_n3A_68, %parallel_loop3A_1479, %parallel_loop3A_1480] : memref<2x224x224xf32, #tpu.memory_space<vmem>> -> memref<1x224x224xf32, #tpu.memory_space<vmem>>
          %parallel_loop3A_1482 = tpu.memref_squeeze %parallel_loop3A_1481 : memref<1x224x224xf32, #tpu.memory_space<vmem>> -> memref<224x224xf32, #tpu.memory_space<vmem>>
          %parallel_loop3A_1483 = tpu.vector_load_idx %parallel_loop3A_1482[%parallel_loop3A_1478, %parallel_loop3A_1475] : memref<224x224xf32, #tpu.memory_space<vmem>>[vector<16xi32>, vector<16xi32>], vector<16xf32>,
          %parallel_loop3A_1484 = arith.constant 0 : i32
          %parallel_loop3A_1485 = vector.broadcast %parallel_loop3A_1484 : i32 to vector<16xi32>
          %parallel_loop3A_1486 = arith.addi %parallel_loop3A_1472, %parallel_loop3A_1485 : vector<16xi32>
          %parallel_loop3A_1487 = arith.constant 1 : i32
          %parallel_loop3A_1488 = vector.broadcast %parallel_loop3A_1487 : i32 to vector<16xi32>
          %parallel_loop3A_1489 = arith.addi %parallel_loop3A_1475, %parallel_loop3A_1488 : vector<16xi32>
          %parallel_loop3A_1490 = arith.constant 0 : i32
          %parallel_loop3A_1491 = arith.constant 0 : i32
          %parallel_loop3A_1492 = tpu.memref_slice %arg5[%select_n3A_68, %parallel_loop3A_1490, %parallel_loop3A_1491] : memref<2x224x224xf32, #tpu.memory_space<vmem>> -> memref<1x224x224xf32, #tpu.memory_space<vmem>>
          %parallel_loop3A_1493 = tpu.memref_squeeze %parallel_loop3A_1492 : memref<1x224x224xf32, #tpu.memory_space<vmem>> -> memref<224x224xf32, #tpu.memory_space<vmem>>
          %parallel_loop3A_1494 = tpu.vector_load_idx %parallel_loop3A_1493[%parallel_loop3A_1486, %parallel_loop3A_1489] : memref<224x224xf32, #tpu.memory_space<vmem>>[vector<16xi32>, vector<16xi32>], vector<16xf32>,
          %parallel_loop3A_1495 = vector.shape_cast %shift_right_arithmetic3A_20 : vector<16xi32> to vector<16x1xi32>
          %parallel_loop3A_1496 = vector.shape_cast %parallel_loop3A_1495 : vector<16x1xi32> to vector<16xi32>
          %parallel_loop3A_1497 = tpu.dynamic_gather %parallel_loop3A_1483[%parallel_loop3A_1496] in [0] : vector<16xf32>, vector<16xi32> -> vector<16xf32>
          %parallel_loop3A_1498 = vector.shape_cast %shift_right_arithmetic3A_20 : vector<16xi32> to vector<16x1xi32>
          %parallel_loop3A_1499 = vector.shape_cast %parallel_loop3A_1498 : vector<16x1xi32> to vector<16xi32>
          %parallel_loop3A_1500 = tpu.dynamic_gather %parallel_loop3A_1494[%parallel_loop3A_1499] in [0] : vector<16xf32>, vector<16xi32> -> vector<16xf32>
          %parallel_loop3A_1501 = arith.select %eq3A_28, %parallel_loop3A_1497, %parallel_loop3A_1500 : vector<16xi1>, vector<16xf32>
          %parallel_loop3A_1502 = vector.shape_cast %add3A_23 : vector<16xi32> to vector<16x1xi32>
          %parallel_loop3A_1503 = vector.shape_cast %parallel_loop3A_1502 : vector<16x1xi32> to vector<16xi32>
          %parallel_loop3A_1504 = tpu.dynamic_gather %parallel_loop3A_1483[%parallel_loop3A_1503] in [0] : vector<16xf32>, vector<16xi32> -> vector<16xf32>
          %parallel_loop3A_1505 = vector.shape_cast %add3A_23 : vector<16xi32> to vector<16x1xi32>
          %parallel_loop3A_1506 = vector.shape_cast %parallel_loop3A_1505 : vector<16x1xi32> to vector<16xi32>
          %parallel_loop3A_1507 = tpu.dynamic_gather %parallel_loop3A_1494[%parallel_loop3A_1506] in [0] : vector<16xf32>, vector<16xi32> -> vector<16xf32>
          %parallel_loop3A_1508 = arith.select %eq3A_28, %parallel_loop3A_1504, %parallel_loop3A_1507 : vector<16xi1>, vector<16xf32>
          %parallel_loop3A_1509 = arith.constant 4 : i32
          %parallel_loop3A_1510 = arith.muli %parallel_loop3A_1509, %parallel_loop3A_170 : i32
          %parallel_loop3A_1511 = arith.constant 2 : i32
          %parallel_loop3A_1512 = arith.addi %parallel_loop3A_1510, %parallel_loop3A_1511 : i32
          %parallel_loop3A_1513 = arith.constant 0 : i32
          %parallel_loop3A_1514 = arith.addi %parallel_loop3A_1512, %parallel_loop3A_1513 : i32
          %parallel_loop3A_1515 = arith.constant 0 : i32
          %parallel_loop3A_1516 = arith.constant 0 : i32
          %parallel_loop3A_1517 = tpu.memref_slice %arg7[%select_n3A_147, %parallel_loop3A_1515, %parallel_loop3A_1516] : memref<2x16x224xf32, #tpu.memory_space<vmem>> -> memref<1x16x224xf32, #tpu.memory_space<vmem>>
          %parallel_loop3A_1518 = tpu.memref_squeeze %parallel_loop3A_1517 : memref<1x16x224xf32, #tpu.memory_space<vmem>> -> memref<16x224xf32, #tpu.memory_space<vmem>>
          %parallel_loop3A_1519 = arith.index_cast %parallel_loop3A_1514 : i32 to index
          %parallel_loop3A_1520 = arith.constant 128 : index
          %parallel_loop3A_1521 = tpu.vector_load %parallel_loop3A_1518[%parallel_loop3A_1519, %parallel_loop3A_1520] {strides = array<i32>} : memref<16x224xf32, #tpu.memory_space<vmem>>, vector<16xf32>,
          tpu.vector_store %parallel_loop3A_1518[%parallel_loop3A_1519, %parallel_loop3A_1520], %parallel_loop3A_1501 {strides = array<i32>} : memref<16x224xf32, #tpu.memory_space<vmem>>, vector<16xf32>,
          %parallel_loop3A_1522 = arith.constant 0 : i32
          %parallel_loop3A_1523 = arith.constant 0 : i32
          %parallel_loop3A_1524 = tpu.memref_slice %arg7[%select_n3A_147, %parallel_loop3A_1522, %parallel_loop3A_1523] : memref<2x16x224xf32, #tpu.memory_space<vmem>> -> memref<1x16x224xf32, #tpu.memory_space<vmem>>
          %parallel_loop3A_1525 = tpu.memref_squeeze %parallel_loop3A_1524 : memref<1x16x224xf32, #tpu.memory_space<vmem>> -> memref<16x224xf32, #tpu.memory_space<vmem>>
          %parallel_loop3A_1526 = arith.index_cast %parallel_loop3A_1514 : i32 to index
          %parallel_loop3A_1527 = arith.constant 144 : index
          %parallel_loop3A_1528 = tpu.vector_load %parallel_loop3A_1525[%parallel_loop3A_1526, %parallel_loop3A_1527] {strides = array<i32>} : memref<16x224xf32, #tpu.memory_space<vmem>>, vector<16xf32>,
          tpu.vector_store %parallel_loop3A_1525[%parallel_loop3A_1526, %parallel_loop3A_1527], %parallel_loop3A_1508 {strides = array<i32>} : memref<16x224xf32, #tpu.memory_space<vmem>>, vector<16xf32>,
          %parallel_loop3A_1529 = arith.constant 1 : i32
          %parallel_loop3A_1530 = vector.broadcast %parallel_loop3A_1529 : i32 to vector<16xi32>
          %parallel_loop3A_1531 = arith.addi %parallel_loop3A_1472, %parallel_loop3A_1530 : vector<16xi32>
          %parallel_loop3A_1532 = arith.constant 0 : i32
          %parallel_loop3A_1533 = arith.constant 0 : i32
          %parallel_loop3A_1534 = tpu.memref_slice %arg5[%select_n3A_68, %parallel_loop3A_1532, %parallel_loop3A_1533] : memref<2x224x224xf32, #tpu.memory_space<vmem>> -> memref<1x224x224xf32, #tpu.memory_space<vmem>>
          %parallel_loop3A_1535 = tpu.memref_squeeze %parallel_loop3A_1534 : memref<1x224x224xf32, #tpu.memory_space<vmem>> -> memref<224x224xf32, #tpu.memory_space<vmem>>
          %parallel_loop3A_1536 = tpu.vector_load_idx %parallel_loop3A_1535[%parallel_loop3A_1531, %parallel_loop3A_1475] : memref<224x224xf32, #tpu.memory_space<vmem>>[vector<16xi32>, vector<16xi32>], vector<16xf32>,
          %parallel_loop3A_1537 = arith.constant 1 : i32
          %parallel_loop3A_1538 = vector.broadcast %parallel_loop3A_1537 : i32 to vector<16xi32>
          %parallel_loop3A_1539 = arith.addi %parallel_loop3A_1472, %parallel_loop3A_1538 : vector<16xi32>
          %parallel_loop3A_1540 = arith.constant 1 : i32
          %parallel_loop3A_1541 = vector.broadcast %parallel_loop3A_1540 : i32 to vector<16xi32>
          %parallel_loop3A_1542 = arith.addi %parallel_loop3A_1475, %parallel_loop3A_1541 : vector<16xi32>
          %parallel_loop3A_1543 = arith.constant 0 : i32
          %parallel_loop3A_1544 = arith.constant 0 : i32
          %parallel_loop3A_1545 = tpu.memref_slice %arg5[%select_n3A_68, %parallel_loop3A_1543, %parallel_loop3A_1544] : memref<2x224x224xf32, #tpu.memory_space<vmem>> -> memref<1x224x224xf32, #tpu.memory_space<vmem>>
          %parallel_loop3A_1546 = tpu.memref_squeeze %parallel_loop3A_1545 : memref<1x224x224xf32, #tpu.memory_space<vmem>> -> memref<224x224xf32, #tpu.memory_space<vmem>>
          %parallel_loop3A_1547 = tpu.vector_load_idx %parallel_loop3A_1546[%parallel_loop3A_1539, %parallel_loop3A_1542] : memref<224x224xf32, #tpu.memory_space<vmem>>[vector<16xi32>, vector<16xi32>], vector<16xf32>,
          %parallel_loop3A_1548 = vector.shape_cast %shift_right_arithmetic3A_20 : vector<16xi32> to vector<16x1xi32>
          %parallel_loop3A_1549 = vector.shape_cast %parallel_loop3A_1548 : vector<16x1xi32> to vector<16xi32>
          %parallel_loop3A_1550 = tpu.dynamic_gather %parallel_loop3A_1536[%parallel_loop3A_1549] in [0] : vector<16xf32>, vector<16xi32> -> vector<16xf32>
          %parallel_loop3A_1551 = vector.shape_cast %shift_right_arithmetic3A_20 : vector<16xi32> to vector<16x1xi32>
          %parallel_loop3A_1552 = vector.shape_cast %parallel_loop3A_1551 : vector<16x1xi32> to vector<16xi32>
          %parallel_loop3A_1553 = tpu.dynamic_gather %parallel_loop3A_1547[%parallel_loop3A_1552] in [0] : vector<16xf32>, vector<16xi32> -> vector<16xf32>
          %parallel_loop3A_1554 = arith.select %eq3A_28, %parallel_loop3A_1550, %parallel_loop3A_1553 : vector<16xi1>, vector<16xf32>
          %parallel_loop3A_1555 = vector.shape_cast %add3A_23 : vector<16xi32> to vector<16x1xi32>
          %parallel_loop3A_1556 = vector.shape_cast %parallel_loop3A_1555 : vector<16x1xi32> to vector<16xi32>
          %parallel_loop3A_1557 = tpu.dynamic_gather %parallel_loop3A_1536[%parallel_loop3A_1556] in [0] : vector<16xf32>, vector<16xi32> -> vector<16xf32>
          %parallel_loop3A_1558 = vector.shape_cast %add3A_23 : vector<16xi32> to vector<16x1xi32>
          %parallel_loop3A_1559 = vector.shape_cast %parallel_loop3A_1558 : vector<16x1xi32> to vector<16xi32>
          %parallel_loop3A_1560 = tpu.dynamic_gather %parallel_loop3A_1547[%parallel_loop3A_1559] in [0] : vector<16xf32>, vector<16xi32> -> vector<16xf32>
          %parallel_loop3A_1561 = arith.select %eq3A_28, %parallel_loop3A_1557, %parallel_loop3A_1560 : vector<16xi1>, vector<16xf32>
          %parallel_loop3A_1562 = arith.constant 4 : i32
          %parallel_loop3A_1563 = arith.muli %parallel_loop3A_1562, %parallel_loop3A_170 : i32
          %parallel_loop3A_1564 = arith.constant 2 : i32
          %parallel_loop3A_1565 = arith.addi %parallel_loop3A_1563, %parallel_loop3A_1564 : i32
          %parallel_loop3A_1566 = arith.constant 1 : i32
          %parallel_loop3A_1567 = arith.addi %parallel_loop3A_1565, %parallel_loop3A_1566 : i32
          %parallel_loop3A_1568 = arith.constant 0 : i32
          %parallel_loop3A_1569 = arith.constant 0 : i32
          %parallel_loop3A_1570 = tpu.memref_slice %arg7[%select_n3A_147, %parallel_loop3A_1568, %parallel_loop3A_1569] : memref<2x16x224xf32, #tpu.memory_space<vmem>> -> memref<1x16x224xf32, #tpu.memory_space<vmem>>
          %parallel_loop3A_1571 = tpu.memref_squeeze %parallel_loop3A_1570 : memref<1x16x224xf32, #tpu.memory_space<vmem>> -> memref<16x224xf32, #tpu.memory_space<vmem>>
          %parallel_loop3A_1572 = arith.index_cast %parallel_loop3A_1567 : i32 to index
          %parallel_loop3A_1573 = arith.constant 128 : index
          %parallel_loop3A_1574 = tpu.vector_load %parallel_loop3A_1571[%parallel_loop3A_1572, %parallel_loop3A_1573] {strides = array<i32>} : memref<16x224xf32, #tpu.memory_space<vmem>>, vector<16xf32>,
          tpu.vector_store %parallel_loop3A_1571[%parallel_loop3A_1572, %parallel_loop3A_1573], %parallel_loop3A_1554 {strides = array<i32>} : memref<16x224xf32, #tpu.memory_space<vmem>>, vector<16xf32>,
          %parallel_loop3A_1575 = arith.constant 0 : i32
          %parallel_loop3A_1576 = arith.constant 0 : i32
          %parallel_loop3A_1577 = tpu.memref_slice %arg7[%select_n3A_147, %parallel_loop3A_1575, %parallel_loop3A_1576] : memref<2x16x224xf32, #tpu.memory_space<vmem>> -> memref<1x16x224xf32, #tpu.memory_space<vmem>>
          %parallel_loop3A_1578 = tpu.memref_squeeze %parallel_loop3A_1577 : memref<1x16x224xf32, #tpu.memory_space<vmem>> -> memref<16x224xf32, #tpu.memory_space<vmem>>
          %parallel_loop3A_1579 = arith.index_cast %parallel_loop3A_1567 : i32 to index
          %parallel_loop3A_1580 = arith.constant 144 : index
          %parallel_loop3A_1581 = tpu.vector_load %parallel_loop3A_1578[%parallel_loop3A_1579, %parallel_loop3A_1580] {strides = array<i32>} : memref<16x224xf32, #tpu.memory_space<vmem>>, vector<16xf32>,
          tpu.vector_store %parallel_loop3A_1578[%parallel_loop3A_1579, %parallel_loop3A_1580], %parallel_loop3A_1561 {strides = array<i32>} : memref<16x224xf32, #tpu.memory_space<vmem>>, vector<16xf32>,
          %parallel_loop3A_1582 = arith.constant 96 : i32
          %parallel_loop3A_1583 = arith.addi %parallel_loop3A_177, %parallel_loop3A_1582 : i32
          %parallel_loop3A_1584 = arith.index_cast %parallel_loop3A_1583 : i32 to index
          %parallel_loop3A_1585 = tpu.vector_load %arg6[%parallel_loop3A_1584] {strides = array<i32>} : memref<6272xi32, #tpu.memory_space<vmem>>, vector<16xi32>,
          %parallel_loop3A_1586 = arith.constant 65535 : i32
          %parallel_loop3A_1587 = vector.broadcast %parallel_loop3A_1586 : i32 to vector<16xi32>
          %parallel_loop3A_1588 = arith.andi %parallel_loop3A_1585, %parallel_loop3A_1587 : vector<16xi32>
          %parallel_loop3A_1589 = arith.constant 16 : i32
          %parallel_loop3A_1590 = vector.broadcast %parallel_loop3A_1589 : i32 to vector<16xi32>
          %parallel_loop3A_1591 = arith.shrui %parallel_loop3A_1585, %parallel_loop3A_1590 : vector<16xi32>
          %parallel_loop3A_1592 = arith.constant 8 : i32
          %parallel_loop3A_1593 = vector.broadcast %parallel_loop3A_1592 : i32 to vector<16xi32>
          %parallel_loop3A_1594 = arith.shrsi %parallel_loop3A_1588, %parallel_loop3A_1593 : vector<16xi32>
          %parallel_loop3A_1595 = arith.constant 255 : i32
          %parallel_loop3A_1596 = vector.broadcast %parallel_loop3A_1595 : i32 to vector<16xi32>
          %parallel_loop3A_1597 = arith.andi %parallel_loop3A_1588, %parallel_loop3A_1596 : vector<16xi32>
          %parallel_loop3A_1598 = arith.constant 0 : i32
          %parallel_loop3A_1599 = vector.broadcast %parallel_loop3A_1598 : i32 to vector<16xi32>
          %parallel_loop3A_1600 = arith.addi %parallel_loop3A_1594, %parallel_loop3A_1599 : vector<16xi32>
          %parallel_loop3A_1601 = arith.constant 0 : i32
          %parallel_loop3A_1602 = arith.constant 0 : i32
          %parallel_loop3A_1603 = tpu.memref_slice %arg5[%select_n3A_68, %parallel_loop3A_1601, %parallel_loop3A_1602] : memref<2x224x224xf32, #tpu.memory_space<vmem>> -> memref<1x224x224xf32, #tpu.memory_space<vmem>>
          %parallel_loop3A_1604 = tpu.memref_squeeze %parallel_loop3A_1603 : memref<1x224x224xf32, #tpu.memory_space<vmem>> -> memref<224x224xf32, #tpu.memory_space<vmem>>
          %parallel_loop3A_1605 = tpu.vector_load_idx %parallel_loop3A_1604[%parallel_loop3A_1600, %parallel_loop3A_1597] : memref<224x224xf32, #tpu.memory_space<vmem>>[vector<16xi32>, vector<16xi32>], vector<16xf32>,
          %parallel_loop3A_1606 = arith.constant 0 : i32
          %parallel_loop3A_1607 = vector.broadcast %parallel_loop3A_1606 : i32 to vector<16xi32>
          %parallel_loop3A_1608 = arith.addi %parallel_loop3A_1594, %parallel_loop3A_1607 : vector<16xi32>
          %parallel_loop3A_1609 = arith.constant 1 : i32
          %parallel_loop3A_1610 = vector.broadcast %parallel_loop3A_1609 : i32 to vector<16xi32>
          %parallel_loop3A_1611 = arith.addi %parallel_loop3A_1597, %parallel_loop3A_1610 : vector<16xi32>
          %parallel_loop3A_1612 = arith.constant 0 : i32
          %parallel_loop3A_1613 = arith.constant 0 : i32
          %parallel_loop3A_1614 = tpu.memref_slice %arg5[%select_n3A_68, %parallel_loop3A_1612, %parallel_loop3A_1613] : memref<2x224x224xf32, #tpu.memory_space<vmem>> -> memref<1x224x224xf32, #tpu.memory_space<vmem>>
          %parallel_loop3A_1615 = tpu.memref_squeeze %parallel_loop3A_1614 : memref<1x224x224xf32, #tpu.memory_space<vmem>> -> memref<224x224xf32, #tpu.memory_space<vmem>>
          %parallel_loop3A_1616 = tpu.vector_load_idx %parallel_loop3A_1615[%parallel_loop3A_1608, %parallel_loop3A_1611] : memref<224x224xf32, #tpu.memory_space<vmem>>[vector<16xi32>, vector<16xi32>], vector<16xf32>,
          %parallel_loop3A_1617 = vector.shape_cast %shift_right_arithmetic3A_20 : vector<16xi32> to vector<16x1xi32>
          %parallel_loop3A_1618 = vector.shape_cast %parallel_loop3A_1617 : vector<16x1xi32> to vector<16xi32>
          %parallel_loop3A_1619 = tpu.dynamic_gather %parallel_loop3A_1605[%parallel_loop3A_1618] in [0] : vector<16xf32>, vector<16xi32> -> vector<16xf32>
          %parallel_loop3A_1620 = vector.shape_cast %shift_right_arithmetic3A_20 : vector<16xi32> to vector<16x1xi32>
          %parallel_loop3A_1621 = vector.shape_cast %parallel_loop3A_1620 : vector<16x1xi32> to vector<16xi32>
          %parallel_loop3A_1622 = tpu.dynamic_gather %parallel_loop3A_1616[%parallel_loop3A_1621] in [0] : vector<16xf32>, vector<16xi32> -> vector<16xf32>
          %parallel_loop3A_1623 = arith.select %eq3A_28, %parallel_loop3A_1619, %parallel_loop3A_1622 : vector<16xi1>, vector<16xf32>
          %parallel_loop3A_1624 = vector.shape_cast %add3A_23 : vector<16xi32> to vector<16x1xi32>
          %parallel_loop3A_1625 = vector.shape_cast %parallel_loop3A_1624 : vector<16x1xi32> to vector<16xi32>
          %parallel_loop3A_1626 = tpu.dynamic_gather %parallel_loop3A_1605[%parallel_loop3A_1625] in [0] : vector<16xf32>, vector<16xi32> -> vector<16xf32>
          %parallel_loop3A_1627 = vector.shape_cast %add3A_23 : vector<16xi32> to vector<16x1xi32>
          %parallel_loop3A_1628 = vector.shape_cast %parallel_loop3A_1627 : vector<16x1xi32> to vector<16xi32>
          %parallel_loop3A_1629 = tpu.dynamic_gather %parallel_loop3A_1616[%parallel_loop3A_1628] in [0] : vector<16xf32>, vector<16xi32> -> vector<16xf32>
          %parallel_loop3A_1630 = arith.select %eq3A_28, %parallel_loop3A_1626, %parallel_loop3A_1629 : vector<16xi1>, vector<16xf32>
          %parallel_loop3A_1631 = arith.constant 4 : i32
          %parallel_loop3A_1632 = arith.muli %parallel_loop3A_1631, %parallel_loop3A_170 : i32
          %parallel_loop3A_1633 = arith.constant 2 : i32
          %parallel_loop3A_1634 = arith.addi %parallel_loop3A_1632, %parallel_loop3A_1633 : i32
          %parallel_loop3A_1635 = arith.constant 0 : i32
          %parallel_loop3A_1636 = arith.addi %parallel_loop3A_1634, %parallel_loop3A_1635 : i32
          %parallel_loop3A_1637 = arith.constant 0 : i32
          %parallel_loop3A_1638 = arith.constant 0 : i32
          %parallel_loop3A_1639 = tpu.memref_slice %arg7[%select_n3A_147, %parallel_loop3A_1637, %parallel_loop3A_1638] : memref<2x16x224xf32, #tpu.memory_space<vmem>> -> memref<1x16x224xf32, #tpu.memory_space<vmem>>
          %parallel_loop3A_1640 = tpu.memref_squeeze %parallel_loop3A_1639 : memref<1x16x224xf32, #tpu.memory_space<vmem>> -> memref<16x224xf32, #tpu.memory_space<vmem>>
          %parallel_loop3A_1641 = arith.index_cast %parallel_loop3A_1636 : i32 to index
          %parallel_loop3A_1642 = arith.constant 160 : index
          %parallel_loop3A_1643 = tpu.vector_load %parallel_loop3A_1640[%parallel_loop3A_1641, %parallel_loop3A_1642] {strides = array<i32>} : memref<16x224xf32, #tpu.memory_space<vmem>>, vector<16xf32>,
          tpu.vector_store %parallel_loop3A_1640[%parallel_loop3A_1641, %parallel_loop3A_1642], %parallel_loop3A_1623 {strides = array<i32>} : memref<16x224xf32, #tpu.memory_space<vmem>>, vector<16xf32>,
          %parallel_loop3A_1644 = arith.constant 0 : i32
          %parallel_loop3A_1645 = arith.constant 0 : i32
          %parallel_loop3A_1646 = tpu.memref_slice %arg7[%select_n3A_147, %parallel_loop3A_1644, %parallel_loop3A_1645] : memref<2x16x224xf32, #tpu.memory_space<vmem>> -> memref<1x16x224xf32, #tpu.memory_space<vmem>>
          %parallel_loop3A_1647 = tpu.memref_squeeze %parallel_loop3A_1646 : memref<1x16x224xf32, #tpu.memory_space<vmem>> -> memref<16x224xf32, #tpu.memory_space<vmem>>
          %parallel_loop3A_1648 = arith.index_cast %parallel_loop3A_1636 : i32 to index
          %parallel_loop3A_1649 = arith.constant 176 : index
          %parallel_loop3A_1650 = tpu.vector_load %parallel_loop3A_1647[%parallel_loop3A_1648, %parallel_loop3A_1649] {strides = array<i32>} : memref<16x224xf32, #tpu.memory_space<vmem>>, vector<16xf32>,
          tpu.vector_store %parallel_loop3A_1647[%parallel_loop3A_1648, %parallel_loop3A_1649], %parallel_loop3A_1630 {strides = array<i32>} : memref<16x224xf32, #tpu.memory_space<vmem>>, vector<16xf32>,
          %parallel_loop3A_1651 = arith.constant 1 : i32
          %parallel_loop3A_1652 = vector.broadcast %parallel_loop3A_1651 : i32 to vector<16xi32>
          %parallel_loop3A_1653 = arith.addi %parallel_loop3A_1594, %parallel_loop3A_1652 : vector<16xi32>
          %parallel_loop3A_1654 = arith.constant 0 : i32
          %parallel_loop3A_1655 = arith.constant 0 : i32
          %parallel_loop3A_1656 = tpu.memref_slice %arg5[%select_n3A_68, %parallel_loop3A_1654, %parallel_loop3A_1655] : memref<2x224x224xf32, #tpu.memory_space<vmem>> -> memref<1x224x224xf32, #tpu.memory_space<vmem>>
          %parallel_loop3A_1657 = tpu.memref_squeeze %parallel_loop3A_1656 : memref<1x224x224xf32, #tpu.memory_space<vmem>> -> memref<224x224xf32, #tpu.memory_space<vmem>>
          %parallel_loop3A_1658 = tpu.vector_load_idx %parallel_loop3A_1657[%parallel_loop3A_1653, %parallel_loop3A_1597] : memref<224x224xf32, #tpu.memory_space<vmem>>[vector<16xi32>, vector<16xi32>], vector<16xf32>,
          %parallel_loop3A_1659 = arith.constant 1 : i32
          %parallel_loop3A_1660 = vector.broadcast %parallel_loop3A_1659 : i32 to vector<16xi32>
          %parallel_loop3A_1661 = arith.addi %parallel_loop3A_1594, %parallel_loop3A_1660 : vector<16xi32>
          %parallel_loop3A_1662 = arith.constant 1 : i32
          %parallel_loop3A_1663 = vector.broadcast %parallel_loop3A_1662 : i32 to vector<16xi32>
          %parallel_loop3A_1664 = arith.addi %parallel_loop3A_1597, %parallel_loop3A_1663 : vector<16xi32>
          %parallel_loop3A_1665 = arith.constant 0 : i32
          %parallel_loop3A_1666 = arith.constant 0 : i32
          %parallel_loop3A_1667 = tpu.memref_slice %arg5[%select_n3A_68, %parallel_loop3A_1665, %parallel_loop3A_1666] : memref<2x224x224xf32, #tpu.memory_space<vmem>> -> memref<1x224x224xf32, #tpu.memory_space<vmem>>
          %parallel_loop3A_1668 = tpu.memref_squeeze %parallel_loop3A_1667 : memref<1x224x224xf32, #tpu.memory_space<vmem>> -> memref<224x224xf32, #tpu.memory_space<vmem>>
          %parallel_loop3A_1669 = tpu.vector_load_idx %parallel_loop3A_1668[%parallel_loop3A_1661, %parallel_loop3A_1664] : memref<224x224xf32, #tpu.memory_space<vmem>>[vector<16xi32>, vector<16xi32>], vector<16xf32>,
          %parallel_loop3A_1670 = vector.shape_cast %shift_right_arithmetic3A_20 : vector<16xi32> to vector<16x1xi32>
          %parallel_loop3A_1671 = vector.shape_cast %parallel_loop3A_1670 : vector<16x1xi32> to vector<16xi32>
          %parallel_loop3A_1672 = tpu.dynamic_gather %parallel_loop3A_1658[%parallel_loop3A_1671] in [0] : vector<16xf32>, vector<16xi32> -> vector<16xf32>
          %parallel_loop3A_1673 = vector.shape_cast %shift_right_arithmetic3A_20 : vector<16xi32> to vector<16x1xi32>
          %parallel_loop3A_1674 = vector.shape_cast %parallel_loop3A_1673 : vector<16x1xi32> to vector<16xi32>
          %parallel_loop3A_1675 = tpu.dynamic_gather %parallel_loop3A_1669[%parallel_loop3A_1674] in [0] : vector<16xf32>, vector<16xi32> -> vector<16xf32>
          %parallel_loop3A_1676 = arith.select %eq3A_28, %parallel_loop3A_1672, %parallel_loop3A_1675 : vector<16xi1>, vector<16xf32>
          %parallel_loop3A_1677 = vector.shape_cast %add3A_23 : vector<16xi32> to vector<16x1xi32>
          %parallel_loop3A_1678 = vector.shape_cast %parallel_loop3A_1677 : vector<16x1xi32> to vector<16xi32>
          %parallel_loop3A_1679 = tpu.dynamic_gather %parallel_loop3A_1658[%parallel_loop3A_1678] in [0] : vector<16xf32>, vector<16xi32> -> vector<16xf32>
          %parallel_loop3A_1680 = vector.shape_cast %add3A_23 : vector<16xi32> to vector<16x1xi32>
          %parallel_loop3A_1681 = vector.shape_cast %parallel_loop3A_1680 : vector<16x1xi32> to vector<16xi32>
          %parallel_loop3A_1682 = tpu.dynamic_gather %parallel_loop3A_1669[%parallel_loop3A_1681] in [0] : vector<16xf32>, vector<16xi32> -> vector<16xf32>
          %parallel_loop3A_1683 = arith.select %eq3A_28, %parallel_loop3A_1679, %parallel_loop3A_1682 : vector<16xi1>, vector<16xf32>
          %parallel_loop3A_1684 = arith.constant 4 : i32
          %parallel_loop3A_1685 = arith.muli %parallel_loop3A_1684, %parallel_loop3A_170 : i32
          %parallel_loop3A_1686 = arith.constant 2 : i32
          %parallel_loop3A_1687 = arith.addi %parallel_loop3A_1685, %parallel_loop3A_1686 : i32
          %parallel_loop3A_1688 = arith.constant 1 : i32
          %parallel_loop3A_1689 = arith.addi %parallel_loop3A_1687, %parallel_loop3A_1688 : i32
          %parallel_loop3A_1690 = arith.constant 0 : i32
          %parallel_loop3A_1691 = arith.constant 0 : i32
          %parallel_loop3A_1692 = tpu.memref_slice %arg7[%select_n3A_147, %parallel_loop3A_1690, %parallel_loop3A_1691] : memref<2x16x224xf32, #tpu.memory_space<vmem>> -> memref<1x16x224xf32, #tpu.memory_space<vmem>>
          %parallel_loop3A_1693 = tpu.memref_squeeze %parallel_loop3A_1692 : memref<1x16x224xf32, #tpu.memory_space<vmem>> -> memref<16x224xf32, #tpu.memory_space<vmem>>
          %parallel_loop3A_1694 = arith.index_cast %parallel_loop3A_1689 : i32 to index
          %parallel_loop3A_1695 = arith.constant 160 : index
          %parallel_loop3A_1696 = tpu.vector_load %parallel_loop3A_1693[%parallel_loop3A_1694, %parallel_loop3A_1695] {strides = array<i32>} : memref<16x224xf32, #tpu.memory_space<vmem>>, vector<16xf32>,
          tpu.vector_store %parallel_loop3A_1693[%parallel_loop3A_1694, %parallel_loop3A_1695], %parallel_loop3A_1676 {strides = array<i32>} : memref<16x224xf32, #tpu.memory_space<vmem>>, vector<16xf32>,
          %parallel_loop3A_1697 = arith.constant 0 : i32
          %parallel_loop3A_1698 = arith.constant 0 : i32
          %parallel_loop3A_1699 = tpu.memref_slice %arg7[%select_n3A_147, %parallel_loop3A_1697, %parallel_loop3A_1698] : memref<2x16x224xf32, #tpu.memory_space<vmem>> -> memref<1x16x224xf32, #tpu.memory_space<vmem>>
          %parallel_loop3A_1700 = tpu.memref_squeeze %parallel_loop3A_1699 : memref<1x16x224xf32, #tpu.memory_space<vmem>> -> memref<16x224xf32, #tpu.memory_space<vmem>>
          %parallel_loop3A_1701 = arith.index_cast %parallel_loop3A_1689 : i32 to index
          %parallel_loop3A_1702 = arith.constant 176 : index
          %parallel_loop3A_1703 = tpu.vector_load %parallel_loop3A_1700[%parallel_loop3A_1701, %parallel_loop3A_1702] {strides = array<i32>} : memref<16x224xf32, #tpu.memory_space<vmem>>, vector<16xf32>,
          tpu.vector_store %parallel_loop3A_1700[%parallel_loop3A_1701, %parallel_loop3A_1702], %parallel_loop3A_1683 {strides = array<i32>} : memref<16x224xf32, #tpu.memory_space<vmem>>, vector<16xf32>,
          %parallel_loop3A_1704 = arith.constant 8 : i32
          %parallel_loop3A_1705 = vector.broadcast %parallel_loop3A_1704 : i32 to vector<16xi32>
          %parallel_loop3A_1706 = arith.shrsi %parallel_loop3A_1591, %parallel_loop3A_1705 : vector<16xi32>
          %parallel_loop3A_1707 = arith.constant 255 : i32
          %parallel_loop3A_1708 = vector.broadcast %parallel_loop3A_1707 : i32 to vector<16xi32>
          %parallel_loop3A_1709 = arith.andi %parallel_loop3A_1591, %parallel_loop3A_1708 : vector<16xi32>
          %parallel_loop3A_1710 = arith.constant 0 : i32
          %parallel_loop3A_1711 = vector.broadcast %parallel_loop3A_1710 : i32 to vector<16xi32>
          %parallel_loop3A_1712 = arith.addi %parallel_loop3A_1706, %parallel_loop3A_1711 : vector<16xi32>
          %parallel_loop3A_1713 = arith.constant 0 : i32
          %parallel_loop3A_1714 = arith.constant 0 : i32
          %parallel_loop3A_1715 = tpu.memref_slice %arg5[%select_n3A_68, %parallel_loop3A_1713, %parallel_loop3A_1714] : memref<2x224x224xf32, #tpu.memory_space<vmem>> -> memref<1x224x224xf32, #tpu.memory_space<vmem>>
          %parallel_loop3A_1716 = tpu.memref_squeeze %parallel_loop3A_1715 : memref<1x224x224xf32, #tpu.memory_space<vmem>> -> memref<224x224xf32, #tpu.memory_space<vmem>>
          %parallel_loop3A_1717 = tpu.vector_load_idx %parallel_loop3A_1716[%parallel_loop3A_1712, %parallel_loop3A_1709] : memref<224x224xf32, #tpu.memory_space<vmem>>[vector<16xi32>, vector<16xi32>], vector<16xf32>,
          %parallel_loop3A_1718 = arith.constant 0 : i32
          %parallel_loop3A_1719 = vector.broadcast %parallel_loop3A_1718 : i32 to vector<16xi32>
          %parallel_loop3A_1720 = arith.addi %parallel_loop3A_1706, %parallel_loop3A_1719 : vector<16xi32>
          %parallel_loop3A_1721 = arith.constant 1 : i32
          %parallel_loop3A_1722 = vector.broadcast %parallel_loop3A_1721 : i32 to vector<16xi32>
          %parallel_loop3A_1723 = arith.addi %parallel_loop3A_1709, %parallel_loop3A_1722 : vector<16xi32>
          %parallel_loop3A_1724 = arith.constant 0 : i32
          %parallel_loop3A_1725 = arith.constant 0 : i32
          %parallel_loop3A_1726 = tpu.memref_slice %arg5[%select_n3A_68, %parallel_loop3A_1724, %parallel_loop3A_1725] : memref<2x224x224xf32, #tpu.memory_space<vmem>> -> memref<1x224x224xf32, #tpu.memory_space<vmem>>
          %parallel_loop3A_1727 = tpu.memref_squeeze %parallel_loop3A_1726 : memref<1x224x224xf32, #tpu.memory_space<vmem>> -> memref<224x224xf32, #tpu.memory_space<vmem>>
          %parallel_loop3A_1728 = tpu.vector_load_idx %parallel_loop3A_1727[%parallel_loop3A_1720, %parallel_loop3A_1723] : memref<224x224xf32, #tpu.memory_space<vmem>>[vector<16xi32>, vector<16xi32>], vector<16xf32>,
          %parallel_loop3A_1729 = vector.shape_cast %shift_right_arithmetic3A_20 : vector<16xi32> to vector<16x1xi32>
          %parallel_loop3A_1730 = vector.shape_cast %parallel_loop3A_1729 : vector<16x1xi32> to vector<16xi32>
          %parallel_loop3A_1731 = tpu.dynamic_gather %parallel_loop3A_1717[%parallel_loop3A_1730] in [0] : vector<16xf32>, vector<16xi32> -> vector<16xf32>
          %parallel_loop3A_1732 = vector.shape_cast %shift_right_arithmetic3A_20 : vector<16xi32> to vector<16x1xi32>
          %parallel_loop3A_1733 = vector.shape_cast %parallel_loop3A_1732 : vector<16x1xi32> to vector<16xi32>
          %parallel_loop3A_1734 = tpu.dynamic_gather %parallel_loop3A_1728[%parallel_loop3A_1733] in [0] : vector<16xf32>, vector<16xi32> -> vector<16xf32>
          %parallel_loop3A_1735 = arith.select %eq3A_28, %parallel_loop3A_1731, %parallel_loop3A_1734 : vector<16xi1>, vector<16xf32>
          %parallel_loop3A_1736 = vector.shape_cast %add3A_23 : vector<16xi32> to vector<16x1xi32>
          %parallel_loop3A_1737 = vector.shape_cast %parallel_loop3A_1736 : vector<16x1xi32> to vector<16xi32>
          %parallel_loop3A_1738 = tpu.dynamic_gather %parallel_loop3A_1717[%parallel_loop3A_1737] in [0] : vector<16xf32>, vector<16xi32> -> vector<16xf32>
          %parallel_loop3A_1739 = vector.shape_cast %add3A_23 : vector<16xi32> to vector<16x1xi32>
          %parallel_loop3A_1740 = vector.shape_cast %parallel_loop3A_1739 : vector<16x1xi32> to vector<16xi32>
          %parallel_loop3A_1741 = tpu.dynamic_gather %parallel_loop3A_1728[%parallel_loop3A_1740] in [0] : vector<16xf32>, vector<16xi32> -> vector<16xf32>
          %parallel_loop3A_1742 = arith.select %eq3A_28, %parallel_loop3A_1738, %parallel_loop3A_1741 : vector<16xi1>, vector<16xf32>
          %parallel_loop3A_1743 = arith.constant 4 : i32
          %parallel_loop3A_1744 = arith.muli %parallel_loop3A_1743, %parallel_loop3A_170 : i32
          %parallel_loop3A_1745 = arith.constant 2 : i32
          %parallel_loop3A_1746 = arith.addi %parallel_loop3A_1744, %parallel_loop3A_1745 : i32
          %parallel_loop3A_1747 = arith.constant 0 : i32
          %parallel_loop3A_1748 = arith.addi %parallel_loop3A_1746, %parallel_loop3A_1747 : i32
          %parallel_loop3A_1749 = arith.constant 0 : i32
          %parallel_loop3A_1750 = arith.constant 0 : i32
          %parallel_loop3A_1751 = tpu.memref_slice %arg7[%select_n3A_147, %parallel_loop3A_1749, %parallel_loop3A_1750] : memref<2x16x224xf32, #tpu.memory_space<vmem>> -> memref<1x16x224xf32, #tpu.memory_space<vmem>>
          %parallel_loop3A_1752 = tpu.memref_squeeze %parallel_loop3A_1751 : memref<1x16x224xf32, #tpu.memory_space<vmem>> -> memref<16x224xf32, #tpu.memory_space<vmem>>
          %parallel_loop3A_1753 = arith.index_cast %parallel_loop3A_1748 : i32 to index
          %parallel_loop3A_1754 = arith.constant 192 : index
          %parallel_loop3A_1755 = tpu.vector_load %parallel_loop3A_1752[%parallel_loop3A_1753, %parallel_loop3A_1754] {strides = array<i32>} : memref<16x224xf32, #tpu.memory_space<vmem>>, vector<16xf32>,
          tpu.vector_store %parallel_loop3A_1752[%parallel_loop3A_1753, %parallel_loop3A_1754], %parallel_loop3A_1735 {strides = array<i32>} : memref<16x224xf32, #tpu.memory_space<vmem>>, vector<16xf32>,
          %parallel_loop3A_1756 = arith.constant 0 : i32
          %parallel_loop3A_1757 = arith.constant 0 : i32
          %parallel_loop3A_1758 = tpu.memref_slice %arg7[%select_n3A_147, %parallel_loop3A_1756, %parallel_loop3A_1757] : memref<2x16x224xf32, #tpu.memory_space<vmem>> -> memref<1x16x224xf32, #tpu.memory_space<vmem>>
          %parallel_loop3A_1759 = tpu.memref_squeeze %parallel_loop3A_1758 : memref<1x16x224xf32, #tpu.memory_space<vmem>> -> memref<16x224xf32, #tpu.memory_space<vmem>>
          %parallel_loop3A_1760 = arith.index_cast %parallel_loop3A_1748 : i32 to index
          %parallel_loop3A_1761 = arith.constant 208 : index
          %parallel_loop3A_1762 = tpu.vector_load %parallel_loop3A_1759[%parallel_loop3A_1760, %parallel_loop3A_1761] {strides = array<i32>} : memref<16x224xf32, #tpu.memory_space<vmem>>, vector<16xf32>,
          tpu.vector_store %parallel_loop3A_1759[%parallel_loop3A_1760, %parallel_loop3A_1761], %parallel_loop3A_1742 {strides = array<i32>} : memref<16x224xf32, #tpu.memory_space<vmem>>, vector<16xf32>,
          %parallel_loop3A_1763 = arith.constant 1 : i32
          %parallel_loop3A_1764 = vector.broadcast %parallel_loop3A_1763 : i32 to vector<16xi32>
          %parallel_loop3A_1765 = arith.addi %parallel_loop3A_1706, %parallel_loop3A_1764 : vector<16xi32>
          %parallel_loop3A_1766 = arith.constant 0 : i32
          %parallel_loop3A_1767 = arith.constant 0 : i32
          %parallel_loop3A_1768 = tpu.memref_slice %arg5[%select_n3A_68, %parallel_loop3A_1766, %parallel_loop3A_1767] : memref<2x224x224xf32, #tpu.memory_space<vmem>> -> memref<1x224x224xf32, #tpu.memory_space<vmem>>
          %parallel_loop3A_1769 = tpu.memref_squeeze %parallel_loop3A_1768 : memref<1x224x224xf32, #tpu.memory_space<vmem>> -> memref<224x224xf32, #tpu.memory_space<vmem>>
          %parallel_loop3A_1770 = tpu.vector_load_idx %parallel_loop3A_1769[%parallel_loop3A_1765, %parallel_loop3A_1709] : memref<224x224xf32, #tpu.memory_space<vmem>>[vector<16xi32>, vector<16xi32>], vector<16xf32>,
          %parallel_loop3A_1771 = arith.constant 1 : i32
          %parallel_loop3A_1772 = vector.broadcast %parallel_loop3A_1771 : i32 to vector<16xi32>
          %parallel_loop3A_1773 = arith.addi %parallel_loop3A_1706, %parallel_loop3A_1772 : vector<16xi32>
          %parallel_loop3A_1774 = arith.constant 1 : i32
          %parallel_loop3A_1775 = vector.broadcast %parallel_loop3A_1774 : i32 to vector<16xi32>
          %parallel_loop3A_1776 = arith.addi %parallel_loop3A_1709, %parallel_loop3A_1775 : vector<16xi32>
          %parallel_loop3A_1777 = arith.constant 0 : i32
          %parallel_loop3A_1778 = arith.constant 0 : i32
          %parallel_loop3A_1779 = tpu.memref_slice %arg5[%select_n3A_68, %parallel_loop3A_1777, %parallel_loop3A_1778] : memref<2x224x224xf32, #tpu.memory_space<vmem>> -> memref<1x224x224xf32, #tpu.memory_space<vmem>>
          %parallel_loop3A_1780 = tpu.memref_squeeze %parallel_loop3A_1779 : memref<1x224x224xf32, #tpu.memory_space<vmem>> -> memref<224x224xf32, #tpu.memory_space<vmem>>
          %parallel_loop3A_1781 = tpu.vector_load_idx %parallel_loop3A_1780[%parallel_loop3A_1773, %parallel_loop3A_1776] : memref<224x224xf32, #tpu.memory_space<vmem>>[vector<16xi32>, vector<16xi32>], vector<16xf32>,
          %parallel_loop3A_1782 = vector.shape_cast %shift_right_arithmetic3A_20 : vector<16xi32> to vector<16x1xi32>
          %parallel_loop3A_1783 = vector.shape_cast %parallel_loop3A_1782 : vector<16x1xi32> to vector<16xi32>
          %parallel_loop3A_1784 = tpu.dynamic_gather %parallel_loop3A_1770[%parallel_loop3A_1783] in [0] : vector<16xf32>, vector<16xi32> -> vector<16xf32>
          %parallel_loop3A_1785 = vector.shape_cast %shift_right_arithmetic3A_20 : vector<16xi32> to vector<16x1xi32>
          %parallel_loop3A_1786 = vector.shape_cast %parallel_loop3A_1785 : vector<16x1xi32> to vector<16xi32>
          %parallel_loop3A_1787 = tpu.dynamic_gather %parallel_loop3A_1781[%parallel_loop3A_1786] in [0] : vector<16xf32>, vector<16xi32> -> vector<16xf32>
          %parallel_loop3A_1788 = arith.select %eq3A_28, %parallel_loop3A_1784, %parallel_loop3A_1787 : vector<16xi1>, vector<16xf32>
          %parallel_loop3A_1789 = vector.shape_cast %add3A_23 : vector<16xi32> to vector<16x1xi32>
          %parallel_loop3A_1790 = vector.shape_cast %parallel_loop3A_1789 : vector<16x1xi32> to vector<16xi32>
          %parallel_loop3A_1791 = tpu.dynamic_gather %parallel_loop3A_1770[%parallel_loop3A_1790] in [0] : vector<16xf32>, vector<16xi32> -> vector<16xf32>
          %parallel_loop3A_1792 = vector.shape_cast %add3A_23 : vector<16xi32> to vector<16x1xi32>
          %parallel_loop3A_1793 = vector.shape_cast %parallel_loop3A_1792 : vector<16x1xi32> to vector<16xi32>
          %parallel_loop3A_1794 = tpu.dynamic_gather %parallel_loop3A_1781[%parallel_loop3A_1793] in [0] : vector<16xf32>, vector<16xi32> -> vector<16xf32>
          %parallel_loop3A_1795 = arith.select %eq3A_28, %parallel_loop3A_1791, %parallel_loop3A_1794 : vector<16xi1>, vector<16xf32>
          %parallel_loop3A_1796 = arith.constant 4 : i32
          %parallel_loop3A_1797 = arith.muli %parallel_loop3A_1796, %parallel_loop3A_170 : i32
          %parallel_loop3A_1798 = arith.constant 2 : i32
          %parallel_loop3A_1799 = arith.addi %parallel_loop3A_1797, %parallel_loop3A_1798 : i32
          %parallel_loop3A_1800 = arith.constant 1 : i32
          %parallel_loop3A_1801 = arith.addi %parallel_loop3A_1799, %parallel_loop3A_1800 : i32
          %parallel_loop3A_1802 = arith.constant 0 : i32
          %parallel_loop3A_1803 = arith.constant 0 : i32
          %parallel_loop3A_1804 = tpu.memref_slice %arg7[%select_n3A_147, %parallel_loop3A_1802, %parallel_loop3A_1803] : memref<2x16x224xf32, #tpu.memory_space<vmem>> -> memref<1x16x224xf32, #tpu.memory_space<vmem>>
          %parallel_loop3A_1805 = tpu.memref_squeeze %parallel_loop3A_1804 : memref<1x16x224xf32, #tpu.memory_space<vmem>> -> memref<16x224xf32, #tpu.memory_space<vmem>>
          %parallel_loop3A_1806 = arith.index_cast %parallel_loop3A_1801 : i32 to index
          %parallel_loop3A_1807 = arith.constant 192 : index
          %parallel_loop3A_1808 = tpu.vector_load %parallel_loop3A_1805[%parallel_loop3A_1806, %parallel_loop3A_1807] {strides = array<i32>} : memref<16x224xf32, #tpu.memory_space<vmem>>, vector<16xf32>,
          tpu.vector_store %parallel_loop3A_1805[%parallel_loop3A_1806, %parallel_loop3A_1807], %parallel_loop3A_1788 {strides = array<i32>} : memref<16x224xf32, #tpu.memory_space<vmem>>, vector<16xf32>,
          %parallel_loop3A_1809 = arith.constant 0 : i32
          %parallel_loop3A_1810 = arith.constant 0 : i32
          %parallel_loop3A_1811 = tpu.memref_slice %arg7[%select_n3A_147, %parallel_loop3A_1809, %parallel_loop3A_1810] : memref<2x16x224xf32, #tpu.memory_space<vmem>> -> memref<1x16x224xf32, #tpu.memory_space<vmem>>
          %parallel_loop3A_1812 = tpu.memref_squeeze %parallel_loop3A_1811 : memref<1x16x224xf32, #tpu.memory_space<vmem>> -> memref<16x224xf32, #tpu.memory_space<vmem>>
          %parallel_loop3A_1813 = arith.index_cast %parallel_loop3A_1801 : i32 to index
          %parallel_loop3A_1814 = arith.constant 208 : index
          %parallel_loop3A_1815 = tpu.vector_load %parallel_loop3A_1812[%parallel_loop3A_1813, %parallel_loop3A_1814] {strides = array<i32>} : memref<16x224xf32, #tpu.memory_space<vmem>>, vector<16xf32>,
          tpu.vector_store %parallel_loop3A_1812[%parallel_loop3A_1813, %parallel_loop3A_1814], %parallel_loop3A_1795 {strides = array<i32>} : memref<16x224xf32, #tpu.memory_space<vmem>>, vector<16xf32>,
        } {sc.loop_unroll_factor = 4 : i64, sc.parallel_access}
        %dma_start3A_156 = arith.constant 0 : i32
        %dma_start3A_157 = arith.constant 0 : i32
        %dma_start3A_158 = tpu.memref_slice %arg7[%select_n3A_147, %dma_start3A_156, %dma_start3A_157] : memref<2x16x224xf32, #tpu.memory_space<vmem>> -> memref<1x16x224xf32, #tpu.memory_space<vmem>>
        %dma_start3A_159 = tpu.memref_squeeze %dma_start3A_158 : memref<1x16x224xf32, #tpu.memory_space<vmem>> -> memref<16x224xf32, #tpu.memory_space<vmem>>
        %dma_start3A_160 = arith.constant 0 : i32
        %dma_start3A_161 = tpu.memref_slice %arg4[%add3A_53, %mul3A_149, %dma_start3A_160] : memref<384x224x224xf32, #tpu.memory_space<hbm>> -> memref<1x16x224xf32, #tpu.memory_space<hbm>>
        %dma_start3A_162 = tpu.memref_squeeze %dma_start3A_161 : memref<1x16x224xf32, #tpu.memory_space<hbm>> -> memref<16x224xf32, #tpu.memory_space<hbm>>
        %dma_start3A_163 = arith.constant 0 : i32
        %dma_start3A_164 = tpu.memref_slice %arg4[%add3A_53, %mul3A_149, %dma_start3A_163] : memref<384x224x224xf32, #tpu.memory_space<hbm>> -> memref<1x16x224xf32, #tpu.memory_space<hbm>>
        %dma_start3A_165 = tpu.memref_squeeze %dma_start3A_164 : memref<1x16x224xf32, #tpu.memory_space<hbm>> -> memref<16x224xf32, #tpu.memory_space<hbm>>
        %dma_start3A_166 = arith.constant 0 : i32
        %dma_start3A_167 = arith.constant 0 : i32
        %dma_start3A_168 = tpu.memref_slice %arg7[%select_n3A_147, %dma_start3A_166, %dma_start3A_167] : memref<2x16x224xf32, #tpu.memory_space<vmem>> -> memref<1x16x224xf32, #tpu.memory_space<vmem>>
        %dma_start3A_169 = tpu.memref_squeeze %dma_start3A_168 : memref<1x16x224xf32, #tpu.memory_space<vmem>> -> memref<16x224xf32, #tpu.memory_space<vmem>>
        tpu.enqueue_dma source(%dma_start3A_169 : memref<16x224xf32, #tpu.memory_space<vmem>>) target(%dma_start3A_165 : memref<16x224xf32, #tpu.memory_space<hbm>>) target_semaphore(%arg9 : memref<!tpu.dma_semaphore, #tpu.memory_space<semaphore_mem>>)
      }
      %scan3A_94 = arith.constant 14 : i32
      %dma_wait3A_95 = arith.constant 0 : i32
      %dma_wait3A_96 = arith.constant 0 : i32
      %dma_wait3A_97 = arith.constant 0 : i32
      %dma_wait3A_98 = arith.constant 0 : i32
      %dma_wait3A_99 = tpu.memref_slice %arg7[%dma_wait3A_95, %dma_wait3A_97, %dma_wait3A_98] : memref<2x16x224xf32, #tpu.memory_space<vmem>> -> memref<1x16x224xf32, #tpu.memory_space<vmem>>
      %dma_wait3A_100 = tpu.memref_squeeze %dma_wait3A_99 : memref<1x16x224xf32, #tpu.memory_space<vmem>> -> memref<16x224xf32, #tpu.memory_space<vmem>>
      %dma_wait3A_101 = arith.constant 0 : i32
      %dma_wait3A_102 = arith.constant 0 : i32
      %dma_wait3A_103 = tpu.memref_slice %arg4[%dma_wait3A_96, %dma_wait3A_101, %dma_wait3A_102] : memref<384x224x224xf32, #tpu.memory_space<hbm>> -> memref<1x16x224xf32, #tpu.memory_space<hbm>>
      %dma_wait3A_104 = tpu.memref_squeeze %dma_wait3A_103 : memref<1x16x224xf32, #tpu.memory_space<hbm>> -> memref<16x224xf32, #tpu.memory_space<hbm>>
      %dma_wait3A_105 = arith.constant 0 : i32
      %dma_wait3A_106 = arith.constant 0 : i32
      %dma_wait3A_107 = tpu.memref_slice %arg4[%dma_wait3A_96, %dma_wait3A_105, %dma_wait3A_106] : memref<384x224x224xf32, #tpu.memory_space<hbm>> -> memref<1x16x224xf32, #tpu.memory_space<hbm>>
      %dma_wait3A_108 = tpu.memref_squeeze %dma_wait3A_107 : memref<1x16x224xf32, #tpu.memory_space<hbm>> -> memref<16x224xf32, #tpu.memory_space<hbm>>
      %dma_wait3A_109 = arith.constant 0 : i32
      %dma_wait3A_110 = arith.constant 0 : i32
      %dma_wait3A_111 = tpu.memref_slice %arg7[%dma_wait3A_95, %dma_wait3A_109, %dma_wait3A_110] : memref<2x16x224xf32, #tpu.memory_space<vmem>> -> memref<1x16x224xf32, #tpu.memory_space<vmem>>
      %dma_wait3A_112 = tpu.memref_squeeze %dma_wait3A_111 : memref<1x16x224xf32, #tpu.memory_space<vmem>> -> memref<16x224xf32, #tpu.memory_space<vmem>>
      tpu.wait_dma2 semaphore(%arg9 : memref<!tpu.dma_semaphore, #tpu.memory_space<semaphore_mem>>) src(%dma_wait3A_112 : memref<16x224xf32, #tpu.memory_space<vmem>>) dst(%dma_wait3A_108 : memref<16x224xf32, #tpu.memory_space<hbm>>)
      %dma_wait3A_113 = arith.constant 0 : i32
      %dma_wait3A_114 = arith.constant 0 : i32
      %dma_wait3A_115 = arith.constant 0 : i32
      %dma_wait3A_116 = arith.constant 0 : i32
      %dma_wait3A_117 = tpu.memref_slice %arg7[%dma_wait3A_113, %dma_wait3A_115, %dma_wait3A_116] : memref<2x16x224xf32, #tpu.memory_space<vmem>> -> memref<1x16x224xf32, #tpu.memory_space<vmem>>
      %dma_wait3A_118 = tpu.memref_squeeze %dma_wait3A_117 : memref<1x16x224xf32, #tpu.memory_space<vmem>> -> memref<16x224xf32, #tpu.memory_space<vmem>>
      %dma_wait3A_119 = arith.constant 0 : i32
      %dma_wait3A_120 = arith.constant 0 : i32
      %dma_wait3A_121 = tpu.memref_slice %arg4[%dma_wait3A_114, %dma_wait3A_119, %dma_wait3A_120] : memref<384x224x224xf32, #tpu.memory_space<hbm>> -> memref<1x16x224xf32, #tpu.memory_space<hbm>>
      %dma_wait3A_122 = tpu.memref_squeeze %dma_wait3A_121 : memref<1x16x224xf32, #tpu.memory_space<hbm>> -> memref<16x224xf32, #tpu.memory_space<hbm>>
      %dma_wait3A_123 = arith.constant 0 : i32
      %dma_wait3A_124 = arith.constant 0 : i32
      %dma_wait3A_125 = tpu.memref_slice %arg4[%dma_wait3A_114, %dma_wait3A_123, %dma_wait3A_124] : memref<384x224x224xf32, #tpu.memory_space<hbm>> -> memref<1x16x224xf32, #tpu.memory_space<hbm>>
      %dma_wait3A_126 = tpu.memref_squeeze %dma_wait3A_125 : memref<1x16x224xf32, #tpu.memory_space<hbm>> -> memref<16x224xf32, #tpu.memory_space<hbm>>
      %dma_wait3A_127 = arith.constant 0 : i32
      %dma_wait3A_128 = arith.constant 0 : i32
      %dma_wait3A_129 = tpu.memref_slice %arg7[%dma_wait3A_113, %dma_wait3A_127, %dma_wait3A_128] : memref<2x16x224xf32, #tpu.memory_space<vmem>> -> memref<1x16x224xf32, #tpu.memory_space<vmem>>
      %dma_wait3A_130 = tpu.memref_squeeze %dma_wait3A_129 : memref<1x16x224xf32, #tpu.memory_space<vmem>> -> memref<16x224xf32, #tpu.memory_space<vmem>>
      tpu.wait_dma2 semaphore(%arg9 : memref<!tpu.dma_semaphore, #tpu.memory_space<semaphore_mem>>) src(%dma_wait3A_130 : memref<16x224xf32, #tpu.memory_space<vmem>>) dst(%dma_wait3A_126 : memref<16x224xf32, #tpu.memory_space<hbm>>)
    }
    %scan3A_51 = arith.constant 12 : i32
    return
  }
}

</mosaic_0001>

<sc_bundles>
// kernel: kernel.3.cloned.1.call-start
scs
__scs_entry_jumppad:
0x0: {  	(pc) =	sbr.rel $0x88, $3  }
0x1: {  	(tag) =	ssettag $0x0;
	lr =	simm.s32 $0x1  }
0x2: {  	[smem:$0x3F9F] =	sst lr;
	_ =	strace $0xD0000000  }
0x3: {  	_ = 	snop  }
0x4: {  	_ = 	snop  }
0x5: {  	_ = 	snop  }
0x6: {  	_ = 	snop  }
0x7: {  	_ = 	snop  }
__scs_overlays_trampoline_lowered:
0x8: {  	[smem:$0x3FAE] =	sst s0  }
0x9: {  	[smem:$0x3FAF] =	sst s1  }
0xa: {  	[smem:$0x3FB0] =	sst s2  }
0xb: {  	[smem:$0x3FB1] =	sst s3  }
0xc: {  	[smem:$0x3FB2] =	sst s4  }
0xd: {  	[smem:$0x3FB3] =	sst s5  }
0xe: {  	[smem:$0x3FB4] =	sst s6  }
0xf: {  	[smem:$0x3FB5] =	sst s7  }
0x10: {  	[smem:$0x3FB6] =	sst s8  }
0x11: {  	[smem:$0x3FB7] =	sst s9;
	s0 =	simm.s32 @!p0 $0x0  }
0x12: {  	s1 =	sld [smem:$0x3F9D];
	s0 =	simm.s32 @p0 $0x1  }
0x13: {  	[smem:$0x3FB8] =	sst s0;
	s0 =	simm.s32 @!p1 $0x0  }
0x14: {  	s2 =	sld [smem:$0x3F9C];
	s0 =	simm.s32 @p1 $0x1  }
0x15: {  	[smem:$0x3FB9] =	sst s0;
	s0 =	simm.s32 @!p2 $0x0  }
0x16: {  	s3 =	sld [smem:$0x3FDB];
	s0 =	simm.s32 @p2 $0x1  }
0x17: {  	s4 =	simm.s32 $0x1BF5;
	[smem:$0x3FBB] =	sst s0  }
0x18: {  	s0 =	sld [smem:$0x3F9E];
	_ =	swait.ge [sflag:s4], $0x0  }
0x19: {  	s7 =	sld [smem:$0x3F9F]  }
0x1a: {  	s8 =	sadd.s32 $0xFFFFE003, lr  }
0x1b: {  	s9 =	sadd.s32 $0xFFFFFEF7, lr;
	s5 =	simm.s32 $0xFFFFFFFF;
	p2 =	slt.u32 s8, $0xFFFFF086  }
0x1c: {  	p1 =	slt.u32 s9, $0xF7A;
	s5 =	simm.s32 @!p2 $0x0  }
0x1d: {  	s5 =	simm.s32 @p1 $0x1;
	p0 =	seq.s32 s7, s2  }
0x1e: {  	s7 =	smul.u32 @!p0 $0xF7A, s2;
	p2 =	seq.s32 @!p0 s5, $0x0  }
0x1f: {  	s9 =	smul.u32 $0xF7A, s1;
	s8 =	simm.s32 @!p0 $0x1BF5;
	p2 =	por !p2, p0  }
0x20: {  	[sflag:s8] =	ssyncset.s32 @!p0 $0xFFFFF086;
	s6 =	sadd.s32 @!p0 s3, s7;
	s7 =	simm.s32 @!p0 $0x108  }
0x21: {  	s3 =	sadd.s32 s3, s9;
	s6 =	sadd.s32 @!p0 $0x88, s6;
	s7 =	simm.s32 @p2 $0x1082  }
0x22: {  	[simem:s7], [sflag:s8] =	dma.local @!p0 [hbm:s6], $0xF7A  }
0x23: {  	s9 =	sor.u32 $0xD0000000, s2;
	s6 =	simm.s32 $0x108;
	_ =	swait.ge @!p0 [sflag:s8], $0x0  }
0x24: {  	s3 =	sadd.s32 $0x88, s3;
	s6 =	simm.s32 @!p1 $0x1082;
	[sflag:s4] =	ssyncset.s32 $0xFFFFF086  }
0x25: {  	[simem:s6], [sflag:s4] =	dma.local [hbm:s3], $0xF7A  }
0x26: {  	[smem:$0x3F9F] =	sst s1;
	(tag) =	ssettag s2;
	_ =	strace s9  }
0x27: {  	s1 =	sld [smem:$0x3FAF]  }
0x28: {  	s2 =	sld [smem:$0x3FB0]  }
0x29: {  	s4 =	sld [smem:$0x3FB2]  }
0x2a: {  	p0 =	seq.s32 s5, $0x0;
	s5 =	sld [smem:$0x3FB3]  }
0x2b: {  	s6 =	sld [smem:$0x3FB4]  }
0x2c: {  	s7 =	sld [smem:$0x3FB5]  }
0x2d: {  	s3 =	simm.s32 $0x108;
	s8 =	sld [smem:$0x3FB6]  }
0x2e: {  	s3 =	simm.s32 @!p0 $0x1082;
	s9 =	sld [smem:$0x3FB7]  }
0x2f: {  	lr =	sadd.s32 s0, s3;
	s0 =	sld [smem:$0x3FAE]  }
0x30: {  	s3 =	sld [smem:$0x3FB1]  }
0x31: {  	[smem:$0x3FBA] =	sst s10  }
0x32: {  	s10 =	sld [smem:$0x3FB8];
	_ =	sdelay $0x3  }
0x33: {  	p0 =	seq.s32 s10, $0x1;
	s10 =	sld [smem:$0x3FBA];
	_ =	sdelay $0x3  }
0x34: {  	[smem:$0x3FBA] =	sst s10  }
0x35: {  	s10 =	sld [smem:$0x3FB9];
	_ =	sdelay $0x3  }
0x36: {  	p1 =	seq.s32 s10, $0x1;
	s10 =	sld [smem:$0x3FBA];
	_ =	sdelay $0x3  }
0x37: {  	[smem:$0x3FBA] =	sst s10  }
0x38: {  	s10 =	sld [smem:$0x3FBB]  }
0x39: {  	_ = 	snop;
	(pc) =	sbr.ind lr, $3  }
0x3a: {  	_ = 	snop  }
0x3b: {  	_ = 	snop  }
0x3c: {  	p2 =	seq.s32 s10, $0x1;
	s10 =	sld [smem:$0x3FBA]  }
0x3d: {  	_ =	shalt  }
0x3e: {  	_ =	shalt  }
0x3f: {  	_ =	shalt  }
0x40: {  	_ =	shalt  }
0x41: {  	_ =	shalt  }
0x42: {  	_ =	shalt  }
0x43: {  	_ =	shalt  }
0x44: {  	_ =	shalt  }
0x45: {  	_ =	shalt  }
0x46: {  	_ =	shalt  }
0x47: {  	_ =	shalt  }
0x48: {  	_ =	shalt  }
0x49: {  	_ =	shalt  }
0x4a: {  	_ =	shalt  }
0x4b: {  	_ =	shalt  }
0x4c: {  	_ =	shalt  }
0x4d: {  	_ =	shalt  }
0x4e: {  	_ =	shalt  }
0x4f: {  	_ =	shalt  }
0x50: {  	_ =	shalt  }
0x51: {  	_ =	shalt  }
0x52: {  	_ =	shalt  }
0x53: {  	_ =	shalt  }
0x54: {  	_ =	shalt  }
0x55: {  	_ =	shalt  }
0x56: {  	_ =	shalt  }
0x57: {  	_ =	shalt  }
0x58: {  	_ =	shalt  }
0x59: {  	_ =	shalt  }
0x5a: {  	_ =	shalt  }
0x5b: {  	_ =	shalt  }
0x5c: {  	_ =	shalt  }
0x5d: {  	_ =	shalt  }
0x5e: {  	_ =	shalt  }
0x5f: {  	_ =	shalt  }
0x60: {  	_ =	shalt  }
0x61: {  	_ =	shalt  }
0x62: {  	_ =	shalt  }
0x63: {  	_ =	shalt  }
0x64: {  	_ =	shalt  }
0x65: {  	_ =	shalt  }
0x66: {  	_ =	shalt  }
0x67: {  	_ =	shalt  }
0x68: {  	_ =	shalt  }
0x69: {  	_ =	shalt  }
0x6a: {  	_ =	shalt  }
0x6b: {  	_ =	shalt  }
0x6c: {  	_ =	shalt  }
0x6d: {  	_ =	shalt  }
0x6e: {  	_ =	shalt  }
0x6f: {  	_ =	shalt  }
0x70: {  	_ =	shalt  }
0x71: {  	_ =	shalt  }
0x72: {  	_ =	shalt  }
0x73: {  	_ =	shalt  }
0x74: {  	_ =	shalt  }
0x75: {  	_ =	shalt  }
0x76: {  	_ =	shalt  }
0x77: {  	_ =	shalt  }
0x78: {  	_ =	shalt  }
0x79: {  	_ =	shalt  }
0x7a: {  	_ =	shalt  }
0x7b: {  	_ =	shalt  }
0x7c: {  	_ =	shalt  }
0x7d: {  	_ =	shalt  }
0x7e: {  	_ =	shalt  }
0x7f: {  	_ =	shalt  }
0x80: {  	_ =	shalt  }
0x81: {  	_ =	shalt  }
0x82: {  	_ =	shalt  }
0x83: {  	_ =	shalt  }
0x84: {  	_ =	shalt  }
0x85: {  	_ =	shalt  }
0x86: {  	_ =	shalt  }
0x87: {  	_ =	shalt  }
.Lfunc_end0:
.L_simem_size_0:
called_computation_lowered:
.L_overlay_start_0:
0x88: {  	s2 =	sld [smem:$0x3FD9]  }
0x89: {  	s3 =	sld [smem:$0x3FFE];
	_ =	sdelay $0x1  }
0x8a: {  	s1 =	srdreg.scid  }
0x8b: {  	s0 =	sand.u32 $0x1, s1  }
0x8c: {  	s17 =	sshll.u32 s0, $0xA;
	s2 =	sadd.s32 s3, s2  }
0x8d: {  	s2 =	sadd.s32 s2, s17  }
0x8e: {  	[smem:$0x3FC6] =	sst s2  }
0x8f: {  	_ = 	snop  }
0x90: {  	s2 =	sld [smem:$0x3FC8]  }
0x91: {  	s18 =	sld [smem:$0x3FD0];
	(tm) =	ssettm $0x1  }
0x92: {  	s4 =	sld [smem:$0x3FFB];
	_ =	sdelay $0x3  }
0x93: {  	_ =	strace s4  }
0x94: {  	s4 =	sld [smem:$0x3FFC];
	_ =	sdelay $0x3  }
0x95: {  	_ =	strace s4  }
0x96: {  	s4 =	sld [smem:$0x3FFD];
	_ =	sdelay $0x3  }
0x97: {  	_ =	strace s4  }
0x98: {  	_ =	strace $0x8FFFFFFF  }
0x99: {  	s19 =	sld [smem:$0x3FDB];
	_ =	sdelay $0x1  }
0x9a: {  	s5 =	simm.s32 $_scs_section_size  }
0x9b: {  	s6 =	simm.s32 $_size__tile_overlayer_lowered;
	s7 =	simm.s32 $_tile_overlayer_lowered  }
0x9c: {  	s22 =	simm.s32 $0x1BFF;
	s21 =	sshll.u32 s7, $0x1;
	s4 =	sadd.s32 s5, s19  }
0x9d: {  	s8 =	simm.s32 $0x0;
	s20 =	sshll.u32 s6, $0x1;
	s6 =	sadd.s32 s21, s4  }
0x9e: {  	[timem:s8], [sflag:s22] =	dma.local [hbm:s6], s20  }
0x9f: {  	_ =	swait.ge [sflag:s22], s20  }
0xa0: {  	s5 =	ssub.s32 $0x0, s20;
	[sflag:s22] =	ssyncset.done $0x0  }
0xa1: {  	[sflag:s22] =	ssyncadd.s32 s5;
	_ =	sdelay $0x1  }
0xa2: {  	s23 =	simm.s32 $0x1B8B  }
0xa3: {  	_ =	swait.ge [sflag:s23], $0x1  }
0xa4: {  	[sflag:s23] =	ssyncset.done $0x0  }
0xa5: {  	s25 =	simm.s32 $0x1B8E;
	s24 =	sld [smem:$0x3FFE];
	[sflag:s23] =	ssyncadd.s32 $0xFFFFFFFF  }
0xa6: {  	s26 =	simm.s32 $execute0_lowered;
	[smem:$0x3FD2] =	sst s25  }
0xa7: {  	s6 =	sshll.u32 s26, $0x1;
	_ =	strace $0x80000046;
	[dreg:$0x1] =	wrdreg $0xFFFFFFFF  }
0xa8: {  	s28 =	simm.s32 $_size_execute0_lowered;
	s4 =	sadd.s32 s4, s6;
	[dreg:$0x0] =	wrdreg $0x0  }
0xa9: {  	s6 =	sshll.u32 s28, $0x1;
	[dreg:$0x2] =	wrdreg s4  }
0xaa: {  	[dreg:$0x3] =	wrdreg s6  }
0xab: {  	[dreg:$0x4] =	wrdreg $0xC0  }
0xac: {  	_ =	task [dreg:s8], $0x5FFFF  }
0xad: {  	[dreg:$0x1] =	wrdreg $0xFFFFFFFF  }
0xae: {  	[dreg:$0x0] =	wrdreg $0x60  }
0xaf: {  	[dreg:$0x2] =	wrdreg s2  }
0xb0: {  	[dreg:$0x3] =	wrdreg s24  }
0xb1: {  	[dreg:$0x4] =	wrdreg s18  }
0xb2: {  	[dreg:$0x5] =	wrdreg $0x9  }
0xb3: {  	_ =	task.clear_ibuf [dreg:s8], $0x6FFFF;
	_ =	strace $0x90000046  }
0xb4: {  	s29 =	simm.s32 $0x9;
	_ =	strace $0x80000048  }
0xb5: {  	_ =	swait.ge [sflag:s29], $0x1  }
0xb6: {  	[sflag:s29] =	ssyncadd.s32 $0xFFFFFFFF  }
0xb7: {  	_ =	strace $0x90000048  }
0xb8: {  	_ =	sfence  }
0xb9: {  	s30 =	sld [smem:$0x0];
	_ =	sdelay $0x2  }
0xba: {  	s31 =	sshll.u32 s1, $0xD;
	s1 =	sshrl.u32 s1, $0x2  }
0xbb: {  	s3 =	sand.u32 $0x4000, s31;
	s1 =	sadd.s32 s1, s30  }
0xbc: {  	s0 =	sor.u32 s3, s0;
	s1 =	sshll.u32 s1, $0x11  }
0xbd: {  	s0 =	sor.u32 s1, s0  }
0xbe: {  	s0 =	sadd.s32 $0x8F2B, s0  }
0xbf: {  	[sflag:s0] =	ssyncadd.remote.s32 $0x1  }
0xc0: {  	_ =	sfence.sel $0xFFFF  }
0xc1: {  	[dreg:$0x0] =	wrdreg $0xFFFFFFFF;
	(pc) =	sbr.abs _section_cstart, $3  }
0xc2: {  	[dreg:$0x1] =	wrdreg $0xFFFFFFFF  }
0xc3: {  	_ =	task.clear_ibuf [dreg:s8], $0x2FFFF;
	_ =	strace $0x9FFFFFFF  }
0xc4: {  	(tm) =	ssettm $0x7FFFFFFF  }
0xc5: {  	_ =	shalt  }
tec
execute0_lowered:
.L_overlay_start_1:
0x0: {  	(tag) =	ssettag $0x1  }
0x1: {  	s1 =	rddreg [dreg:$0x0]  }
0x2: {  	s2 =	srdreg.scid;
	s6 =	rddreg [dreg:$0x1]  }
0x3: {  	s0 =	stileid.u32;
	s8 =	rddreg [dreg:$0x2]  }
0x4: {  	s3 =	simm.s32 $0x0;
	s4 =	sand.u32 $0x1, s2;
	s2 =	rddreg [dreg:$0x3]  }
0x5: {  	vm0 =	vcmask $0xB08;
	vm1 =	vcmask $0x300;
	s29 =	sshll.u32 s0, $0x1;
	[smem:$0x7FF] =	sst s3;
	s10 =	smul.u32 $0x150000, s0  }
0x6: {  	vm0 =	vmor vm1, vm0;
	vm1 =	vcmask $0x1310;
	s12 =	sshrl.u32 s0, $0x3;
	s5 =	sor.u32 s4, s29;
	s13 =	smul.u32 $0xA8000, s4  }
0x7: {  	s9 =	ssub.s32 $0x2, s4;
	vm0 =	vmor vm0, vm1;
	vm1 =	vcmask $0x1B18;
	_ =	strace $0x80000047;
	s30 =	smul.u32 $0x310, s12  }
0x8: {  	s12 =	simm.s32 $0x2;
	s7 =	smul.u32 $0x15000, s5;
	s11 =	sshrl.u32 s9, $0x1;
	vm0 =	vmor vm0, vm1;
	vm1 =	vcmask $0x2320  }
0x9: {  	s4 =	smul.u32 $0xC, s5;
	s9 =	ssub.s32 s9, s11;
	s10 =	sadd.s32 s13, s10;
	vm0 =	vmor vm0, vm1;
	vm1 =	vcmask $0x2B28  }
0xa: {  	v0 =	vlaneseq.u32;
	s6 =	sadd.s32 s6, s30;
	s11 =	simm.s32 $0x1;
	s13 =	simm.s32 $0x0;
	vm0 =	vmor vm0, vm1;
	vm1 =	vcmask $0x3330  }
0xb: {  	v0 =	vshrl.u32 v0, $0x1;
	s5 =	sadd.s32 s1, s7;
	s7 =	smax.u32 s9, $0x1;
	s31 =	sshrl.u32 s10, $0x3;
	vm0 =	vmor vm0, vm1;
	vm1 =	vcmask $0x3B38  }
0xc: {  	v1 =	vor.u32 $0x8, v0;
	s9 =	simm.s32 $0x1C000;
	s10 =	simm.s32 $0x3;
	s8 =	sadd.s32 s31, s8;
	vm0 =	vmor vm0, vm1  }
.LBB2_1:
0xd: {  	[tilespmem:s3], [sflag:$0x1] =	stream.linear.gather [hbm4b:s5+s3], $0xE000, $0x38;
	[tilespmem:$0x1F880] =	vst v63  }
0xe: {  	_ = 	snop  }
0xf: {  	[tilespmem:s9], [sflag:$0x3] =	stream.linear.gather [hbm4b:s6+s3], $0x1880, $0x38;
	[tilespmem:$0x1F880] =	vst v63  }
0x10: {  	_ =	swait.ge [sflag:s10], $0x1880  }
0x11: {  	[sflag:s10] =	ssyncset.done $0x0  }
0x12: {  	s14 =	smov.u32 s8;
	s15 =	simm.s32 $0x0;
	[sflag:s10] =	ssyncadd.s32 $0xFFFFE780  }
.LBB2_2:
0x13: {  	s16 =	sadd.s32 s4, s15  }
0x14: {  	s17 =	sand.u32 $0x1, s15;
	p0 =	seq.s32 s15, $0xB;
	s16 =	smul.u32 $0xE000, s16  }
0x15: {  	_ =	swait.ge [sflag:s11], $0xE000;
	s15 =	sadd.s32 $0x1, s15;
	s18 =	sxor.u32 @!p0 $0x1, s17  }
0x16: {  	[sflag:s11] =	ssyncset.done $0x0;
	s18 =	smul.u32 @!p0 $0x38000, s18;
	s16 =	sshrl.u32 @!p0 s16, $0x3  }
0x17: {  	s17 =	smul.u32 $0x38000, s17;
	s19 =	simm.s32 @!p0 $0x0;
	s16 =	sadd.s32 @!p0 s1, s16  }
0x18: {  	[sflag:s11] =	ssyncadd.s32 $0xFFFF2000;
	s18 =	sshrl.u32 @!p0 s18, $0x2;
	s16 =	sadd.s32 @!p0 $0x1C00, s16  }
0x19: {  	[tilespmem:s18], [sflag:$0x1] =	stream.linear.gather @!p0 [hbm4b:s16+s19], $0xE000, $0x38;
	[tilespmem:$0x1F880] =	vst v63  }
0x1a: {  	s20 =	smov.u32 s14;
	s21 =	simm.s32 $0x0;
	s16 =	sshrl.u32 s17, $0x2  }
0x1b: {  	s17 =	simm.s32 $0x0;
	s18 =	simm.s32 $0x1C0E0;
	s19 =	simm.s32 $0x0  }
.LBB2_3:
0x1c: {  	p0 =	slt.u32 s21, $0x2  }
0x1d: {  	s22 =	simm.s32 @!p0 $0x2  }
0x1e: {  	_ =	swait.ge @!p0 [sflag:s22], $0x1000  }
0x1f: {  	[sflag:s22] =	ssyncset.done @!p0 $0x0  }
0x20: {  	[sflag:s22] =	ssyncadd.s32 @!p0 $0xFFFFF000  }
0x21: {  	v2 =	vld [tilespmem:s18+$0xFFFFFF20];
	_ =	sdelay $0x4  }
0x22: {  	v3 =	vand.u32 $0xFF, v2;
	v4 =	vand.u32 $0x7F, v2;
	v5 =	vshll.u32 v2, $0x3  }
0x23: {  	v6 =	vshrl.u32 v2, $0x1;
	v5 =	vand.u32 $0x400, v5;
	v3 =	vadd.s32 $0x1, v3  }
0x24: {  	v6 =	vand.u32 $0x380, v6;
	v4 =	vor.u32 v4, v5;
	v45 =	vshll.u32 v3, $0x3  }
0x25: {  	v7 =	vand.u32 $0xF800, v2;
	v8 =	vor.u32 v6, v4;
	v5 =	vand.u32 $0xC00, v45  }
0x26: {  	v8 =	vor.u32 v7, v8;
	v7 =	vadd.s32 v5, v7  }
0x27: {  	v3 =	vand.u32 $0x7F, v3;
	v6 =	vor.u32 v6, v7  }
0x28: {  	v6 =	vor.u32 v3, v6;
	_ =	sdelay $0x3  }
0x29: {  	v47 =	vshrl.u32 v2, $0x8;
	v46 =	vld.idx.msk [tilespmem:v8+s16+$0x0], $0xffff  }
0x2a: {  	v8 =	vand.u32 $0xFF, v47;
	v6 =	vld.idx.msk [tilespmem:v6+s16+$0x0], $0xffff  }
0x2b: {  	v8 =	vadd.s32 $0x1, v8  }
0x2c: {  	v9 =	vshll.u32 v8, $0x8;
	v8 =	vshll.u32 v8, $0x7  }
0x2d: {  	v9 =	vand.u32 $0x1F800, v9;
	v8 =	vand.u32 $0x380, v8  }
0x2e: {  	v4 =	vor.u32 v9, v4;
	v5 =	vadd.s32 v5, v9;
	v10 =	vperm.xlane v46, v0  }
0x2f: {  	v4 =	vor.u32 v8, v4;
	v5 =	vor.u32 v8, v5;
	v48 =	vperm.xlane v6, v0  }
0x30: {  	v7 =	vperm.xlane v46, v1;
	v3 =	vor.u32 v3, v5;
	v6 =	vperm.xlane v6, v1  }
0x31: {  	s30 =	sand.u32 $0x1000, s19;
	v49 =	vsel vm0, v10, v48  }
0x32: {  	v6 =	vsel vm0, v7, v6;
	[tilespmem:s30+$0x1D880] =	vst v49  }
0x33: {  	[tilespmem:s30+$0x1D890] =	vst v6  }
0x34: {  	v50 =	vshrl.u32 v2, $0x10;
	v4 =	vld.idx.msk [tilespmem:v4+s16+$0x0], $0xffff  }
0x35: {  	v55 =	vshrl.u32 v2, $0xD;
	v11 =	vshrl.u32 v2, $0x11;
	v53 =	vand.u32 $0xFF, v50;
	v3 =	vld.idx.msk [tilespmem:v3+s16+$0x0], $0xffff  }
0x36: {  	v54 =	vand.u32 $0x7F, v50;
	v8 =	vadd.s32 $0x1, v53;
	v10 =	vand.u32 $0x400, v55  }
0x37: {  	v5 =	vand.u32 $0xF800, v50;
	v56 =	vshll.u32 v8, $0x3;
	v9 =	vor.u32 v54, v10  }
0x38: {  	v11 =	vand.u32 $0x380, v11;
	v10 =	vand.u32 $0xC00, v56;
	v12 =	vor.u32 v5, v9  }
0x39: {  	v8 =	vand.u32 $0x7F, v8;
	v5 =	vadd.s32 v5, v10;
	v12 =	vor.u32 v11, v12  }
0x3a: {  	v5 =	vor.u32 v11, v5;
	v51 =	vperm.xlane v4, v0;
	v52 =	vperm.xlane v3, v0  }
0x3b: {  	v5 =	vor.u32 v8, v5;
	v4 =	vperm.xlane v4, v1;
	v3 =	vperm.xlane v3, v1  }
0x3c: {  	v6 =	vsel vm0, v51, v52  }
0x3d: {  	v3 =	vsel vm0, v4, v3;
	[tilespmem:s30+$0x1D900] =	vst v6  }
0x3e: {  	[tilespmem:s30+$0x1D910] =	vst v3  }
0x3f: {  	v2 =	vshrl.u32 v2, $0x18;
	v3 =	vld.idx.msk [tilespmem:v12+s16+$0x0], $0xffff  }
0x40: {  	v2 =	vadd.s32 $0x1, v2;
	v57 =	vld.idx.msk [tilespmem:v5+s16+$0x0], $0xffff  }
0x41: {  	v58 =	vshll.u32 v2, $0x8  }
0x42: {  	v2 =	vshll.u32 v2, $0x7;
	v5 =	vand.u32 $0x1F800, v58  }
0x43: {  	v2 =	vand.u32 $0x380, v2;
	v60 =	vor.u32 v5, v9  }
0x44: {  	v5 =	vadd.s32 v5, v10;
	v7 =	vor.u32 v2, v60  }
0x45: {  	v2 =	vor.u32 v2, v5;
	v59 =	vperm.xlane v3, v0;
	v61 =	vperm.xlane v57, v0  }
0x46: {  	v2 =	vor.u32 v8, v2;
	v3 =	vperm.xlane v3, v1;
	v4 =	vperm.xlane v57, v1  }
0x47: {  	v62 =	vsel vm0, v59, v61  }
0x48: {  	v3 =	vsel vm0, v3, v4;
	[tilespmem:s30+$0x1D8A0] =	vst v62  }
0x49: {  	[tilespmem:s30+$0x1D8B0] =	vst v3  }
0x4a: {  	v3 =	vld.idx.msk [tilespmem:v7+s16+$0x0], $0xffff  }
0x4b: {  	v2 =	vld.idx.msk [tilespmem:v2+s16+$0x0], $0xffff;
	_ =	sdelay $0x4  }
0x4c: {  	v63 =	vperm.xlane v3, v0;
	v8 =	vperm.xlane v2, v0  }
0x4d: {  	v3 =	vperm.xlane v3, v1;
	v2 =	vperm.xlane v2, v1  }
0x4e: {  	v4 =	vsel vm0, v63, v8  }
0x4f: {  	v2 =	vsel vm0, v3, v2;
	[tilespmem:s30+$0x1D920] =	vst v4  }
0x50: {  	[tilespmem:s30+$0x1D930] =	vst v2  }
0x51: {  	v2 =	vld [tilespmem:s18+$0xFFFFFF30];
	_ =	sdelay $0x4  }
0x52: {  	v3 =	vand.u32 $0xFF, v2;
	v9 =	vand.u32 $0x7F, v2  }
0x53: {  	v10 =	vshll.u32 v2, $0x3;
	v11 =	vshrl.u32 v2, $0x1;
	v3 =	vadd.s32 $0x1, v3  }
0x54: {  	v13 =	vand.u32 $0xF800, v2;
	v5 =	vand.u32 $0x400, v10;
	v12 =	vshll.u32 v3, $0x3  }
0x55: {  	v6 =	vand.u32 $0x380, v11;
	v4 =	vor.u32 v9, v5;
	v5 =	vand.u32 $0xC00, v12  }
0x56: {  	v14 =	vor.u32 v6, v4;
	v7 =	vadd.s32 v5, v13  }
0x57: {  	v3 =	vand.u32 $0x7F, v3;
	v8 =	vor.u32 v13, v14;
	v6 =	vor.u32 v6, v7  }
0x58: {  	v6 =	vor.u32 v3, v6;
	_ =	sdelay $0x3  }
0x59: {  	v16 =	vshrl.u32 v2, $0x8;
	v15 =	vld.idx.msk [tilespmem:v8+s16+$0x0], $0xffff  }
0x5a: {  	v8 =	vand.u32 $0xFF, v16;
	v6 =	vld.idx.msk [tilespmem:v6+s16+$0x0], $0xffff  }
0x5b: {  	v8 =	vadd.s32 $0x1, v8  }
0x5c: {  	v17 =	vshll.u32 v8, $0x8;
	v8 =	vshll.u32 v8, $0x7  }
0x5d: {  	v9 =	vand.u32 $0x1F800, v17;
	v8 =	vand.u32 $0x380, v8  }
0x5e: {  	v4 =	vor.u32 v9, v4;
	v5 =	vadd.s32 v5, v9;
	v18 =	vperm.xlane v15, v0  }
0x5f: {  	v4 =	vor.u32 v8, v4;
	v5 =	vor.u32 v8, v5;
	v19 =	vperm.xlane v6, v0  }
0x60: {  	v7 =	vperm.xlane v15, v1;
	v3 =	vor.u32 v3, v5;
	v6 =	vperm.xlane v6, v1  }
0x61: {  	v20 =	vsel vm0, v18, v19  }
0x62: {  	v6 =	vsel vm0, v7, v6;
	[tilespmem:s30+$0x1D8C0] =	vst v20  }
0x63: {  	[tilespmem:s30+$0x1D8D0] =	vst v6  }
0x64: {  	v21 =	vshrl.u32 v2, $0x10;
	v4 =	vld.idx.msk [tilespmem:v4+s16+$0x0], $0xffff  }
0x65: {  	v26 =	vshrl.u32 v2, $0xD;
	v27 =	vshrl.u32 v2, $0x11;
	v24 =	vand.u32 $0xFF, v21;
	v3 =	vld.idx.msk [tilespmem:v3+s16+$0x0], $0xffff  }
0x66: {  	v25 =	vand.u32 $0x7F, v21;
	v10 =	vand.u32 $0x400, v26;
	v8 =	vadd.s32 $0x1, v24  }
0x67: {  	v9 =	vor.u32 v25, v10;
	v5 =	vand.u32 $0xF800, v21;
	v28 =	vshll.u32 v8, $0x3  }
0x68: {  	v11 =	vand.u32 $0x380, v27;
	v29 =	vor.u32 v5, v9;
	v10 =	vand.u32 $0xC00, v28  }
0x69: {  	v8 =	vand.u32 $0x7F, v8;
	v12 =	vor.u32 v11, v29;
	v5 =	vadd.s32 v5, v10  }
0x6a: {  	v5 =	vor.u32 v11, v5;
	v22 =	vperm.xlane v4, v0;
	v23 =	vperm.xlane v3, v0  }
0x6b: {  	v5 =	vor.u32 v8, v5;
	v4 =	vperm.xlane v4, v1;
	v3 =	vperm.xlane v3, v1  }
0x6c: {  	v6 =	vsel vm0, v22, v23  }
0x6d: {  	v3 =	vsel vm0, v4, v3;
	[tilespmem:s30+$0x1D940] =	vst v6  }
0x6e: {  	[tilespmem:s30+$0x1D950] =	vst v3  }
0x6f: {  	v2 =	vshrl.u32 v2, $0x18;
	v3 =	vld.idx.msk [tilespmem:v12+s16+$0x0], $0xffff  }
0x70: {  	v2 =	vadd.s32 $0x1, v2;
	v30 =	vld.idx.msk [tilespmem:v5+s16+$0x0], $0xffff  }
0x71: {  	v31 =	vshll.u32 v2, $0x8  }
0x72: {  	v2 =	vshll.u32 v2, $0x7;
	v5 =	vand.u32 $0x1F800, v31  }
0x73: {  	v2 =	vand.u32 $0x380, v2;
	v33 =	vor.u32 v5, v9  }
0x74: {  	v5 =	vadd.s32 v5, v10;
	v7 =	vor.u32 v2, v33  }
0x75: {  	v2 =	vor.u32 v2, v5;
	v32 =	vperm.xlane v3, v0;
	v34 =	vperm.xlane v30, v0  }
0x76: {  	v2 =	vor.u32 v8, v2;
	v3 =	vperm.xlane v3, v1;
	v4 =	vperm.xlane v30, v1  }
0x77: {  	v35 =	vsel vm0, v32, v34  }
0x78: {  	v3 =	vsel vm0, v3, v4;
	[tilespmem:s30+$0x1D8E0] =	vst v35  }
0x79: {  	[tilespmem:s30+$0x1D8F0] =	vst v3  }
0x7a: {  	v3 =	vld.idx.msk [tilespmem:v7+s16+$0x0], $0xffff  }
0x7b: {  	v2 =	vld.idx.msk [tilespmem:v2+s16+$0x0], $0xffff;
	_ =	sdelay $0x4  }
0x7c: {  	v36 =	vperm.xlane v3, v0;
	v37 =	vperm.xlane v2, v0  }
0x7d: {  	v3 =	vperm.xlane v3, v1;
	v2 =	vperm.xlane v2, v1  }
0x7e: {  	v4 =	vsel vm0, v36, v37  }
0x7f: {  	v2 =	vsel vm0, v3, v2;
	[tilespmem:s30+$0x1D960] =	vst v4  }
0x80: {  	[tilespmem:s30+$0x1D970] =	vst v2  }
0x81: {  	v2 =	vld [tilespmem:s18+$0xFFFFFF40];
	_ =	sdelay $0x4  }
0x82: {  	v3 =	vand.u32 $0xFF, v2;
	v38 =	vand.u32 $0x7F, v2  }
0x83: {  	v39 =	vshll.u32 v2, $0x3;
	v40 =	vshrl.u32 v2, $0x1;
	v3 =	vadd.s32 $0x1, v3  }
0x84: {  	v42 =	vand.u32 $0xF800, v2;
	v5 =	vand.u32 $0x400, v39;
	v41 =	vshll.u32 v3, $0x3  }
0x85: {  	v6 =	vand.u32 $0x380, v40;
	v4 =	vor.u32 v38, v5;
	v5 =	vand.u32 $0xC00, v41  }
0x86: {  	v43 =	vor.u32 v6, v4;
	v7 =	vadd.s32 v5, v42  }
0x87: {  	v3 =	vand.u32 $0x7F, v3;
	v8 =	vor.u32 v42, v43;
	v6 =	vor.u32 v6, v7  }
0x88: {  	v6 =	vor.u32 v3, v6;
	_ =	sdelay $0x3  }
0x89: {  	v45 =	vshrl.u32 v2, $0x8;
	v44 =	vld.idx.msk [tilespmem:v8+s16+$0x0], $0xffff  }
0x8a: {  	v8 =	vand.u32 $0xFF, v45;
	v6 =	vld.idx.msk [tilespmem:v6+s16+$0x0], $0xffff  }
0x8b: {  	v8 =	vadd.s32 $0x1, v8  }
0x8c: {  	v46 =	vshll.u32 v8, $0x8;
	v8 =	vshll.u32 v8, $0x7  }
0x8d: {  	v9 =	vand.u32 $0x1F800, v46;
	v8 =	vand.u32 $0x380, v8  }
0x8e: {  	v4 =	vor.u32 v9, v4;
	v5 =	vadd.s32 v5, v9;
	v47 =	vperm.xlane v44, v0  }
0x8f: {  	v4 =	vor.u32 v8, v4;
	v5 =	vor.u32 v8, v5;
	v48 =	vperm.xlane v6, v0  }
0x90: {  	v7 =	vperm.xlane v44, v1;
	v3 =	vor.u32 v3, v5;
	v6 =	vperm.xlane v6, v1  }
0x91: {  	v49 =	vsel vm0, v47, v48  }
0x92: {  	v6 =	vsel vm0, v7, v6;
	[tilespmem:s30+$0x1DC80] =	vst v49  }
0x93: {  	[tilespmem:s30+$0x1DC90] =	vst v6  }
0x94: {  	v50 =	vshrl.u32 v2, $0x10;
	v4 =	vld.idx.msk [tilespmem:v4+s16+$0x0], $0xffff  }
0x95: {  	v55 =	vshrl.u32 v2, $0xD;
	v56 =	vshrl.u32 v2, $0x11;
	v53 =	vand.u32 $0xFF, v50;
	v3 =	vld.idx.msk [tilespmem:v3+s16+$0x0], $0xffff  }
0x96: {  	v54 =	vand.u32 $0x7F, v50;
	v10 =	vand.u32 $0x400, v55;
	v8 =	vadd.s32 $0x1, v53  }
0x97: {  	v9 =	vor.u32 v54, v10;
	v5 =	vand.u32 $0xF800, v50;
	v57 =	vshll.u32 v8, $0x3  }
0x98: {  	v11 =	vand.u32 $0x380, v56;
	v58 =	vor.u32 v5, v9;
	v10 =	vand.u32 $0xC00, v57  }
0x99: {  	v8 =	vand.u32 $0x7F, v8;
	v12 =	vor.u32 v11, v58;
	v5 =	vadd.s32 v5, v10  }
0x9a: {  	v5 =	vor.u32 v11, v5;
	v51 =	vperm.xlane v4, v0;
	v52 =	vperm.xlane v3, v0  }
0x9b: {  	v5 =	vor.u32 v8, v5;
	v4 =	vperm.xlane v4, v1;
	v3 =	vperm.xlane v3, v1  }
0x9c: {  	v6 =	vsel vm0, v51, v52  }
0x9d: {  	v3 =	vsel vm0, v4, v3;
	[tilespmem:s30+$0x1DD00] =	vst v6  }
0x9e: {  	[tilespmem:s30+$0x1DD10] =	vst v3  }
0x9f: {  	v2 =	vshrl.u32 v2, $0x18;
	v3 =	vld.idx.msk [tilespmem:v12+s16+$0x0], $0xffff  }
0xa0: {  	v2 =	vadd.s32 $0x1, v2;
	v59 =	vld.idx.msk [tilespmem:v5+s16+$0x0], $0xffff  }
0xa1: {  	v60 =	vshll.u32 v2, $0x8  }
0xa2: {  	v2 =	vshll.u32 v2, $0x7;
	v5 =	vand.u32 $0x1F800, v60  }
0xa3: {  	v2 =	vand.u32 $0x380, v2;
	v62 =	vor.u32 v5, v9  }
0xa4: {  	v5 =	vadd.s32 v5, v10;
	v7 =	vor.u32 v2, v62  }
0xa5: {  	v2 =	vor.u32 v2, v5;
	v61 =	vperm.xlane v3, v0;
	v63 =	vperm.xlane v59, v0  }
0xa6: {  	v2 =	vor.u32 v8, v2;
	v3 =	vperm.xlane v3, v1;
	v4 =	vperm.xlane v59, v1  }
0xa7: {  	v12 =	vsel vm0, v61, v63  }
0xa8: {  	v3 =	vsel vm0, v3, v4;
	[tilespmem:s30+$0x1DCA0] =	vst v12  }
0xa9: {  	[tilespmem:s30+$0x1DCB0] =	vst v3  }
0xaa: {  	v3 =	vld.idx.msk [tilespmem:v7+s16+$0x0], $0xffff  }
0xab: {  	v2 =	vld.idx.msk [tilespmem:v2+s16+$0x0], $0xffff;
	_ =	sdelay $0x4  }
0xac: {  	v13 =	vperm.xlane v3, v0;
	v14 =	vperm.xlane v2, v0  }
0xad: {  	v3 =	vperm.xlane v3, v1;
	v2 =	vperm.xlane v2, v1  }
0xae: {  	v4 =	vsel vm0, v13, v14  }
0xaf: {  	v2 =	vsel vm0, v3, v2;
	[tilespmem:s30+$0x1DD20] =	vst v4  }
0xb0: {  	[tilespmem:s30+$0x1DD30] =	vst v2  }
0xb1: {  	v2 =	vld [tilespmem:s18+$0xFFFFFF50];
	_ =	sdelay $0x4  }
0xb2: {  	v3 =	vand.u32 $0xFF, v2;
	v15 =	vand.u32 $0x7F, v2  }
0xb3: {  	v27 =	vld [tilespmem:s18+$0xFFFFFF90];
	v16 =	vshll.u32 v2, $0x3;
	v17 =	vshrl.u32 v2, $0x1;
	v3 =	vadd.s32 $0x1, v3  }
0xb4: {  	v19 =	vand.u32 $0xF800, v2;
	v5 =	vand.u32 $0x400, v16;
	v18 =	vshll.u32 v3, $0x3  }
0xb5: {  	v6 =	vand.u32 $0x380, v17;
	v4 =	vor.u32 v15, v5;
	v5 =	vand.u32 $0xC00, v18  }
0xb6: {  	v20 =	vor.u32 v6, v4;
	v7 =	vadd.s32 v5, v19  }
0xb7: {  	v3 =	vand.u32 $0x7F, v3;
	v8 =	vor.u32 v19, v20;
	v6 =	vor.u32 v6, v7  }
0xb8: {  	v31 =	vand.u32 $0xFF, v27;
	v33 =	vshll.u32 v27, $0x3;
	v6 =	vor.u32 v3, v6  }
0xb9: {  	v32 =	vand.u32 $0x7F, v27;
	v34 =	vshrl.u32 v27, $0x1;
	v54 =	vshrl.u32 v27, $0x10  }
0xba: {  	v57 =	vand.u32 $0xFF, v54;
	v58 =	vand.u32 $0x7F, v54;
	v11 =	vand.u32 $0x400, v33  }
0xbb: {  	v60 =	vshrl.u32 v27, $0x11;
	v10 =	vor.u32 v32, v11;
	v22 =	vshrl.u32 v2, $0x8  }
0xbc: {  	v62 =	vand.u32 $0x380, v60;
	v12 =	vand.u32 $0x380, v34;
	v21 =	vld.idx.msk [tilespmem:v8+s16+$0x0], $0xffff;
	v8 =	vand.u32 $0xFF, v22  }
0xbd: {  	v13 =	vand.u32 $0xF800, v27;
	v14 =	vor.u32 v12, v10;
	v8 =	vadd.s32 $0x1, v8;
	v6 =	vld.idx.msk [tilespmem:v6+s16+$0x0], $0xffff  }
0xbe: {  	v59 =	vshrl.u32 v27, $0xD;
	v14 =	vor.u32 v13, v14;
	v23 =	vshll.u32 v8, $0x8  }
0xbf: {  	v29 =	vshrl.u32 v2, $0x10;
	v8 =	vshll.u32 v8, $0x7;
	v9 =	vand.u32 $0x1F800, v23  }
0xc0: {  	v36 =	vand.u32 $0x7F, v29;
	v8 =	vand.u32 $0x380, v8;
	v4 =	vor.u32 v9, v4  }
0xc1: {  	v5 =	vadd.s32 v5, v9;
	v9 =	vadd.s32 $0x1, v31;
	v24 =	vperm.xlane v21, v0  }
0xc2: {  	v4 =	vor.u32 v8, v4;
	v5 =	vor.u32 v8, v5;
	v25 =	vperm.xlane v6, v0  }
0xc3: {  	v7 =	vperm.xlane v21, v1;
	v3 =	vor.u32 v3, v5;
	v6 =	vperm.xlane v6, v1  }
0xc4: {  	v16 =	vshrl.u32 v2, $0xD;
	v35 =	vshll.u32 v9, $0x3;
	v26 =	vsel vm0, v24, v25  }
0xc5: {  	v17 =	vshrl.u32 v2, $0x11;
	v11 =	vand.u32 $0xC00, v35;
	v6 =	vsel vm0, v7, v6;
	[tilespmem:s30+$0x1DCC0] =	vst v26  }
0xc6: {  	v14 =	vld.idx.msk [tilespmem:v14+s16+$0x0], $0xffff;
	v2 =	vshrl.u32 v2, $0x18;
	v15 =	vand.u32 $0xFF, v29;
	v13 =	vadd.s32 v11, v13;
	[tilespmem:s30+$0x1DCD0] =	vst v6  }
0xc7: {  	v16 =	vand.u32 $0x400, v16;
	v9 =	vand.u32 $0x7F, v9;
	v12 =	vor.u32 v12, v13;
	v4 =	vld.idx.msk [tilespmem:v4+s16+$0x0], $0xffff  }
0xc8: {  	v17 =	vand.u32 $0x380, v17;
	v15 =	vadd.s32 $0x1, v15;
	v12 =	vor.u32 v9, v12;
	v3 =	vld.idx.msk [tilespmem:v3+s16+$0x0], $0xffff  }
0xc9: {  	v2 =	vadd.s32 $0x1, v2;
	v37 =	vshll.u32 v15, $0x3;
	v19 =	vshrl.u32 v27, $0x8  }
0xca: {  	v15 =	vand.u32 $0x7F, v15;
	v13 =	vor.u32 v36, v16;
	v7 =	vand.u32 $0xF800, v29  }
0xcb: {  	v40 =	vperm.xlane v14, v0;
	v16 =	vand.u32 $0xC00, v37;
	v18 =	vor.u32 v7, v13  }
0xcc: {  	v38 =	vand.u32 $0xFF, v19;
	v7 =	vadd.s32 v7, v16;
	v18 =	vor.u32 v17, v18  }
0xcd: {  	v7 =	vor.u32 v17, v7;
	v12 =	vld.idx.msk [tilespmem:v12+s16+$0x0], $0xffff;
	v28 =	vperm.xlane v4, v0;
	v30 =	vperm.xlane v3, v0  }
0xce: {  	v17 =	vadd.s32 $0x1, v38;
	v4 =	vperm.xlane v4, v1;
	v3 =	vperm.xlane v3, v1  }
0xcf: {  	v7 =	vor.u32 v15, v7;
	v39 =	vshll.u32 v17, $0x8;
	v41 =	vshll.u32 v17, $0x7  }
0xd0: {  	v6 =	vsel vm0, v28, v30;
	v3 =	vsel vm0, v4, v3;
	v4 =	vand.u32 $0x1F800, v39  }
0xd1: {  	[tilespmem:s30+$0x1DD50] =	vst v3;
	v3 =	vand.u32 $0x380, v41;
	v42 =	vor.u32 v4, v10;
	v4 =	vadd.s32 v11, v4  }
0xd2: {  	[tilespmem:s30+$0x1DD40] =	vst v6;
	v44 =	vperm.xlane v12, v0;
	v8 =	vor.u32 v3, v42;
	v3 =	vor.u32 v3, v4  }
0xd3: {  	v46 =	vperm.xlane v14, v1;
	v12 =	vperm.xlane v12, v1;
	v43 =	vld.idx.msk [tilespmem:v18+s16+$0x0], $0xffff;
	v3 =	vor.u32 v9, v3  }
0xd4: {  	v49 =	vshll.u32 v2, $0x8;
	v2 =	vshll.u32 v2, $0x7;
	v45 =	vld.idx.msk [tilespmem:v7+s16+$0x0], $0xffff;
	v6 =	vsel vm0, v40, v44  }
0xd5: {  	v2 =	vand.u32 $0x380, v2;
	v7 =	vsel vm0, v46, v12;
	v9 =	vand.u32 $0x1F800, v49;
	[tilespmem:s30+$0x1DA80] =	vst v6  }
0xd6: {  	v14 =	vand.u32 $0x400, v59;
	v12 =	vadd.s32 $0x1, v57;
	[tilespmem:s30+$0x1DA90] =	vst v7;
	v50 =	vadd.s32 v9, v16  }
0xd7: {  	v51 =	vor.u32 v9, v13;
	v9 =	vand.u32 $0xF800, v54;
	v13 =	vor.u32 v58, v14;
	v6 =	vld.idx.msk [tilespmem:v8+s16+$0x0], $0xffff  }
0xd8: {  	v61 =	vshll.u32 v12, $0x3;
	v12 =	vand.u32 $0x7F, v12;
	v52 =	vor.u32 v2, v50;
	v3 =	vld.idx.msk [tilespmem:v3+s16+$0x0], $0xffff  }
0xd9: {  	v2 =	vor.u32 v2, v51;
	v47 =	vperm.xlane v43, v0;
	v48 =	vperm.xlane v45, v0  }
0xda: {  	v53 =	vor.u32 v15, v52;
	v10 =	vperm.xlane v43, v1;
	v4 =	vperm.xlane v45, v1  }
0xdb: {  	v63 =	vor.u32 v9, v13;
	v14 =	vand.u32 $0xC00, v61;
	v7 =	vsel vm0, v47, v48  }
0xdc: {  	v9 =	vadd.s32 v9, v14;
	v4 =	vsel vm0, v10, v4;
	[tilespmem:s30+$0x1D980] =	vst v7;
	v7 =	vor.u32 v62, v63  }
0xdd: {  	[tilespmem:s30+$0x1D990] =	vst v4;
	v4 =	vor.u32 v62, v9;
	v55 =	vperm.xlane v6, v0;
	v56 =	vperm.xlane v3, v0  }
0xde: {  	v2 =	vld.idx.msk [tilespmem:v2+s16+$0x0], $0xffff;
	v4 =	vor.u32 v12, v4;
	v6 =	vperm.xlane v6, v1;
	v3 =	vperm.xlane v3, v1  }
0xdf: {  	v8 =	vld.idx.msk [tilespmem:v53+s16+$0x0], $0xffff;
	v15 =	vsel vm0, v55, v56  }
0xe0: {  	v3 =	vsel vm0, v6, v3;
	[tilespmem:s30+$0x1DB00] =	vst v15  }
0xe1: {  	v5 =	vshrl.u32 v27, $0x18;
	[tilespmem:s30+$0x1DB10] =	vst v3  }
0xe2: {  	v5 =	vadd.s32 $0x1, v5;
	v3 =	vld.idx.msk [tilespmem:v7+s16+$0x0], $0xffff  }
0xe3: {  	v18 =	vshll.u32 v5, $0x8;
	v4 =	vld.idx.msk [tilespmem:v4+s16+$0x0], $0xffff  }
0xe4: {  	v5 =	vshll.u32 v5, $0x7;
	v16 =	vperm.xlane v2, v0;
	v17 =	vperm.xlane v8, v0  }
0xe5: {  	v2 =	vperm.xlane v2, v1;
	v8 =	vperm.xlane v8, v1;
	v7 =	vand.u32 $0x1F800, v18  }
0xe6: {  	v5 =	vand.u32 $0x380, v5;
	v20 =	vor.u32 v7, v13  }
0xe7: {  	v2 =	vsel vm0, v2, v8;
	v7 =	vadd.s32 v7, v14;
	v9 =	vor.u32 v5, v20  }
0xe8: {  	v5 =	vor.u32 v5, v7;
	v19 =	vperm.xlane v3, v0;
	v21 =	vperm.xlane v4, v0  }
0xe9: {  	v5 =	vor.u32 v12, v5;
	v3 =	vperm.xlane v3, v1;
	v4 =	vperm.xlane v4, v1  }
0xea: {  	[tilespmem:s30+$0x1DA10] =	vst v2;
	v2 =	vsel vm0, v19, v21  }
0xeb: {  	v3 =	vsel vm0, v3, v4;
	[tilespmem:s30+$0x1DAA0] =	vst v2  }
0xec: {  	[tilespmem:s30+$0x1DAB0] =	vst v3  }
0xed: {  	v3 =	vld.idx.msk [tilespmem:v9+s16+$0x0], $0xffff  }
0xee: {  	v22 =	vld.idx.msk [tilespmem:v5+s16+$0x0], $0xffff  }
0xef: {  	v6 =	vsel vm0, v16, v17  }
0xf0: {  	[tilespmem:s30+$0x1DA00] =	vst v6  }
0xf1: {  	v2 =	vld [tilespmem:s18+$0xFFFFFF60];
	_ =	sdelay $0x1  }
0xf2: {  	v28 =	vperm.xlane v3, v0;
	v29 =	vperm.xlane v22, v0  }
0xf3: {  	v3 =	vperm.xlane v3, v1;
	v4 =	vperm.xlane v22, v1  }
0xf4: {  	v10 =	vsel vm0, v28, v29  }
0xf5: {  	v23 =	vand.u32 $0xFF, v2;
	v24 =	vshll.u32 v2, $0x3;
	v3 =	vsel vm0, v3, v4;
	[tilespmem:s30+$0x1DB20] =	vst v10  }
0xf6: {  	s23 =	sand.u32 $0x1FC0, s17;
	v25 =	vand.u32 $0x7F, v2;
	v26 =	vand.u32 $0xF800, v2;
	v5 =	vadd.s32 $0x1, v23;
	[tilespmem:s30+$0x1DB30] =	vst v3  }
0xf7: {  	v27 =	vshrl.u32 v2, $0x1;
	v6 =	vand.u32 $0x400, v24;
	v30 =	vshll.u32 v5, $0x3;
	v36 =	vld [tilespmem:s23+$0x1C080]  }
0xf8: {  	v9 =	vand.u32 $0x380, v27;
	v6 =	vor.u32 v25, v6;
	v31 =	vand.u32 $0xC00, v30  }
0xf9: {  	v32 =	vor.u32 v9, v6;
	v33 =	vadd.s32 v31, v26  }
0xfa: {  	v34 =	vand.u32 $0x7F, v5;
	v3 =	vor.u32 v26, v32;
	v35 =	vor.u32 v9, v33  }
0xfb: {  	v5 =	vor.u32 v34, v35  }
0xfc: {  	v44 =	vshrl.u32 v2, $0x8;
	v37 =	vand.u32 $0xFF, v36;
	v38 =	vand.u32 $0x7F, v36  }
0xfd: {  	v39 =	vshll.u32 v36, $0x3;
	v40 =	vshrl.u32 v36, $0x1;
	v9 =	vadd.s32 $0x1, v37  }
0xfe: {  	v42 =	vand.u32 $0xF800, v36;
	v11 =	vand.u32 $0x400, v39;
	v41 =	vshll.u32 v9, $0x3  }
0xff: {  	v3 =	vld.idx.msk [tilespmem:v3+s16+$0x0], $0xffff;
	v12 =	vand.u32 $0x380, v40;
	v10 =	vor.u32 v38, v11;
	v11 =	vand.u32 $0xC00, v41  }
0x100: {  	v15 =	vand.u32 $0xFF, v44;
	v5 =	vld.idx.msk [tilespmem:v5+s16+$0x0], $0xffff;
	v43 =	vor.u32 v12, v10;
	v13 =	vadd.s32 v11, v42  }
0x101: {  	v9 =	vand.u32 $0x7F, v9;
	v14 =	vor.u32 v42, v43;
	v12 =	vor.u32 v12, v13  }
0x102: {  	v15 =	vadd.s32 $0x1, v15;
	v12 =	vor.u32 v9, v12  }
0x103: {  	v57 =	vshrl.u32 v2, $0x10;
	v47 =	vshll.u32 v15, $0x8  }
0x104: {  	v15 =	vshll.u32 v15, $0x7;
	v45 =	vperm.xlane v3, v0;
	v3 =	vperm.xlane v3, v1  }
0x105: {  	v48 =	vshrl.u32 v36, $0x8;
	v46 =	vperm.xlane v5, v0;
	v5 =	vperm.xlane v5, v1  }
0x106: {  	v59 =	vand.u32 $0xFF, v57;
	v15 =	vand.u32 $0x380, v15;
	v16 =	vand.u32 $0xFF, v48;
	v14 =	vld.idx.msk [tilespmem:v14+s16+$0x0], $0xffff  }
0x107: {  	v50 =	vadd.s32 $0x1, v16;
	v3 =	vsel vm0, v3, v5;
	v5 =	vand.u32 $0x1F800, v47;
	v12 =	vld.idx.msk [tilespmem:v12+s16+$0x0], $0xffff  }
0x108: {  	v51 =	vshll.u32 v50, $0x8;
	v7 =	vadd.s32 v31, v5;
	v5 =	vor.u32 v5, v6  }
0x109: {  	v6 =	vand.u32 $0x1F800, v51;
	v49 =	vor.u32 v15, v7;
	v7 =	vshll.u32 v50, $0x7  }
0x10a: {  	v60 =	vand.u32 $0x7F, v57;
	v10 =	vor.u32 v6, v10;
	v7 =	vand.u32 $0x380, v7  }
0x10b: {  	v27 =	vshrl.u32 v2, $0xD;
	v6 =	vadd.s32 v11, v6;
	v10 =	vor.u32 v7, v10  }
0x10c: {  	v6 =	vor.u32 v7, v6;
	v52 =	vperm.xlane v14, v0;
	v53 =	vperm.xlane v12, v0  }
0x10d: {  	v6 =	vor.u32 v9, v6;
	v54 =	vperm.xlane v14, v1;
	v12 =	vperm.xlane v12, v1  }
0x10e: {  	v28 =	vand.u32 $0x400, v27;
	v29 =	vshrl.u32 v2, $0x11;
	[tilespmem:s30+$0x1D9B0] =	vst v3;
	v3 =	vsel vm0, v52, v53  }
0x10f: {  	v61 =	vshrl.u32 v36, $0x10;
	v24 =	vshrl.u32 v36, $0xD;
	v7 =	vsel vm0, v54, v12;
	[tilespmem:s30+$0x1DAC0] =	vst v3  }
0x110: {  	v25 =	vshrl.u32 v36, $0x11;
	v8 =	vshrl.u32 v36, $0x18;
	v22 =	vand.u32 $0xFF, v61;
	[tilespmem:s30+$0x1DAD0] =	vst v7  }
0x111: {  	v23 =	vand.u32 $0x7F, v61;
	v18 =	vand.u32 $0x400, v24;
	v5 =	vor.u32 v15, v5;
	v55 =	vld.idx.msk [tilespmem:v10+s16+$0x0], $0xffff  }
0x112: {  	v19 =	vand.u32 $0x380, v25;
	v8 =	vadd.s32 $0x1, v8;
	v4 =	vor.u32 v34, v49;
	v6 =	vld.idx.msk [tilespmem:v6+s16+$0x0], $0xffff  }
0x113: {  	v16 =	vadd.s32 $0x1, v22;
	v17 =	vor.u32 v23, v18;
	v13 =	vsel vm0, v45, v46  }
0x114: {  	v35 =	vshll.u32 v8, $0x8;
	v26 =	vshll.u32 v16, $0x3;
	[tilespmem:s30+$0x1D9A0] =	vst v13;
	v13 =	vand.u32 $0xF800, v61  }
0x115: {  	v36 =	vshll.u32 v8, $0x7;
	v18 =	vand.u32 $0xC00, v26;
	v20 =	vor.u32 v13, v17  }
0x116: {  	v16 =	vand.u32 $0x7F, v16;
	v13 =	vadd.s32 v13, v18;
	v20 =	vor.u32 v19, v20;
	v5 =	vld.idx.msk [tilespmem:v5+s16+$0x0], $0xffff  }
0x117: {  	v13 =	vor.u32 v19, v13;
	v3 =	vld.idx.msk [tilespmem:v4+s16+$0x0], $0xffff;
	v62 =	vperm.xlane v55, v0;
	v63 =	vperm.xlane v6, v0  }
0x118: {  	v13 =	vor.u32 v16, v13;
	v4 =	vperm.xlane v55, v1;
	v6 =	vperm.xlane v6, v1  }
0x119: {  	v31 =	vand.u32 $0x380, v29;
	v11 =	vadd.s32 $0x1, v59;
	v14 =	vsel vm0, v62, v63  }
0x11a: {  	v9 =	vand.u32 $0xF800, v57;
	v12 =	vor.u32 v60, v28;
	v4 =	vsel vm0, v4, v6;
	[tilespmem:s30+$0x1DB40] =	vst v14  }
0x11b: {  	v30 =	vshll.u32 v11, $0x3;
	v11 =	vand.u32 $0x7F, v11;
	v32 =	vor.u32 v9, v12;
	[tilespmem:s30+$0x1DB50] =	vst v4  }
0x11c: {  	v56 =	vperm.xlane v5, v0;
	v58 =	vperm.xlane v3, v0;
	v14 =	vand.u32 $0xC00, v30;
	v33 =	vld.idx.msk [tilespmem:v20+s16+$0x0], $0xffff  }
0x11d: {  	v5 =	vperm.xlane v5, v1;
	v3 =	vperm.xlane v3, v1;
	v9 =	vadd.s32 v9, v14;
	v34 =	vld.idx.msk [tilespmem:v13+s16+$0x0], $0xffff  }
0x11e: {  	v7 =	vsel vm0, v56, v58;
	v6 =	vor.u32 v31, v32;
	v4 =	vor.u32 v31, v9  }
0x11f: {  	v3 =	vsel vm0, v5, v3;
	v5 =	vand.u32 $0x1F800, v35;
	v4 =	vor.u32 v11, v4  }
0x120: {  	[tilespmem:s30+$0x1DA20] =	vst v7;
	v7 =	vand.u32 $0x380, v36;
	v37 =	vor.u32 v5, v17  }
0x121: {  	v5 =	vadd.s32 v5, v18;
	v8 =	vor.u32 v7, v37  }
0x122: {  	[tilespmem:s30+$0x1DA30] =	vst v3;
	v5 =	vor.u32 v7, v5;
	v3 =	vperm.xlane v33, v0;
	v38 =	vperm.xlane v34, v0  }
0x123: {  	v5 =	vor.u32 v16, v5;
	v6 =	vld.idx.msk [tilespmem:v6+s16+$0x0], $0xffff;
	v39 =	vperm.xlane v33, v1;
	v9 =	vperm.xlane v34, v1  }
0x124: {  	v2 =	vshrl.u32 v2, $0x18;
	v4 =	vld.idx.msk [tilespmem:v4+s16+$0x0], $0xffff;
	v3 =	vsel vm0, v3, v38  }
0x125: {  	v2 =	vadd.s32 $0x1, v2;
	v7 =	vsel vm0, v39, v9;
	[tilespmem:s30+$0x1DAE0] =	vst v3  }
0x126: {  	v40 =	vshll.u32 v2, $0x8;
	v2 =	vshll.u32 v2, $0x7;
	[tilespmem:s30+$0x1DAF0] =	vst v7  }
0x127: {  	v2 =	vand.u32 $0x380, v2;
	v41 =	vand.u32 $0x1F800, v40;
	v8 =	vld.idx.msk [tilespmem:v8+s16+$0x0], $0xffff  }
0x128: {  	v42 =	vor.u32 v41, v12;
	v9 =	vadd.s32 v41, v14;
	v3 =	vperm.xlane v6, v0;
	v5 =	vld.idx.msk [tilespmem:v5+s16+$0x0], $0xffff  }
0x129: {  	v7 =	vor.u32 v2, v42;
	v2 =	vor.u32 v2, v9;
	v43 =	vperm.xlane v4, v0  }
0x12a: {  	v6 =	vperm.xlane v6, v1;
	v2 =	vor.u32 v11, v2;
	v4 =	vperm.xlane v4, v1  }
0x12b: {  	v3 =	vsel vm0, v3, v43  }
0x12c: {  	v4 =	vsel vm0, v6, v4;
	[tilespmem:s30+$0x1D9C0] =	vst v3  }
0x12d: {  	v44 =	vperm.xlane v8, v0;
	v45 =	vperm.xlane v5, v0;
	[tilespmem:s30+$0x1D9D0] =	vst v4  }
0x12e: {  	v46 =	vperm.xlane v8, v1;
	v5 =	vperm.xlane v5, v1;
	v3 =	vld.idx.msk [tilespmem:v7+s16+$0x0], $0xffff  }
0x12f: {  	v2 =	vld.idx.msk [tilespmem:v2+s16+$0x0], $0xffff;
	v4 =	vsel vm0, v44, v45  }
0x130: {  	v5 =	vsel vm0, v46, v5;
	[tilespmem:s30+$0x1DB60] =	vst v4  }
0x131: {  	[tilespmem:s30+$0x1DB70] =	vst v5  }
0x132: {  	v4 =	vld [tilespmem:s18+$0xFFFFFFB0];
	_ =	sdelay $0x1  }
0x133: {  	v47 =	vperm.xlane v3, v0;
	v48 =	vperm.xlane v2, v0  }
0x134: {  	v3 =	vperm.xlane v3, v1;
	v2 =	vperm.xlane v2, v1;
	_ =	sdelay $0x1  }
0x135: {  	v5 =	vsel vm0, v47, v48;
	v2 =	vsel vm0, v3, v2;
	v3 =	vand.u32 $0xFF, v4  }
0x136: {  	v49 =	vand.u32 $0x7F, v4;
	v50 =	vshll.u32 v4, $0x3;
	v51 =	vshrl.u32 v4, $0x1  }
0x137: {  	v53 =	vand.u32 $0xF800, v4;
	v62 =	vshrl.u32 v4, $0x8;
	v30 =	vshrl.u32 v4, $0x10  }
0x138: {  	v35 =	vshrl.u32 v4, $0xD;
	v37 =	vshrl.u32 v4, $0x11;
	v4 =	vshrl.u32 v4, $0x18  }
0x139: {  	v6 =	vand.u32 $0x400, v50;
	v3 =	vadd.s32 $0x1, v3;
	v7 =	vand.u32 $0x380, v51  }
0x13a: {  	[tilespmem:s30+$0x1DA40] =	vst v5;
	v15 =	vand.u32 $0xFF, v62;
	v33 =	vand.u32 $0xFF, v30;
	v52 =	vshll.u32 v3, $0x3  }
0x13b: {  	[tilespmem:s30+$0x1DA50] =	vst v2;
	v34 =	vand.u32 $0x7F, v30;
	v5 =	vor.u32 v49, v6;
	v6 =	vand.u32 $0xC00, v52  }
0x13c: {  	v2 =	vld [tilespmem:s18+$0xFFFFFF70];
	v3 =	vand.u32 $0x7F, v3;
	v54 =	vor.u32 v7, v5;
	v8 =	vadd.s32 v6, v53  }
0x13d: {  	v63 =	vadd.s32 $0x1, v15;
	v9 =	vor.u32 v53, v54;
	v7 =	vor.u32 v7, v8  }
0x13e: {  	v18 =	vand.u32 $0x400, v35;
	v15 =	vshll.u32 v63, $0x8;
	v7 =	vor.u32 v3, v7  }
0x13f: {  	v39 =	vand.u32 $0x380, v37;
	v4 =	vadd.s32 $0x1, v4;
	v15 =	vand.u32 $0x1F800, v15  }
0x140: {  	v16 =	vadd.s32 $0x1, v33;
	v17 =	vor.u32 v34, v18;
	v5 =	vor.u32 v15, v5  }
0x141: {  	v6 =	vadd.s32 v6, v15;
	v55 =	vand.u32 $0xFF, v2;
	v56 =	vand.u32 $0x7F, v2  }
0x142: {  	v57 =	vand.u32 $0xF800, v2;
	v58 =	vshll.u32 v2, $0x3;
	v8 =	vadd.s32 $0x1, v55;
	v9 =	vld.idx.msk [tilespmem:v9+s16+$0x0], $0xffff  }
0x143: {  	v59 =	vshrl.u32 v2, $0x1;
	v12 =	vand.u32 $0x400, v58;
	v60 =	vshll.u32 v8, $0x3;
	v7 =	vld.idx.msk [tilespmem:v7+s16+$0x0], $0xffff  }
0x144: {  	v13 =	vand.u32 $0x380, v59;
	v10 =	vor.u32 v56, v12;
	v12 =	vand.u32 $0xC00, v60  }
0x145: {  	v8 =	vand.u32 $0x7F, v8;
	v61 =	vor.u32 v13, v10;
	v11 =	vadd.s32 v12, v57  }
0x146: {  	v14 =	vor.u32 v57, v61;
	v11 =	vor.u32 v13, v11;
	v13 =	vshll.u32 v63, $0x7  }
0x147: {  	v11 =	vor.u32 v8, v11;
	v13 =	vand.u32 $0x380, v13;
	v20 =	vperm.xlane v9, v0  }
0x148: {  	v5 =	vor.u32 v13, v5;
	v6 =	vor.u32 v13, v6;
	v21 =	vperm.xlane v7, v0  }
0x149: {  	v9 =	vperm.xlane v9, v1;
	v3 =	vor.u32 v3, v6;
	v7 =	vperm.xlane v7, v1  }
0x14a: {  	v49 =	vshll.u32 v4, $0x8;
	v4 =	vshll.u32 v4, $0x7;
	v24 =	vsel vm0, v20, v21  }
0x14b: {  	v36 =	vshll.u32 v16, $0x3;
	v16 =	vand.u32 $0x7F, v16;
	v22 =	vld.idx.msk [tilespmem:v14+s16+$0x0], $0xffff;
	v7 =	vsel vm0, v9, v7;
	[tilespmem:s30+$0x1DE80] =	vst v24  }
0x14c: {  	v4 =	vand.u32 $0x380, v4;
	v38 =	vand.u32 $0xC00, v36;
	v25 =	vshrl.u32 v2, $0x8;
	v23 =	vld.idx.msk [tilespmem:v11+s16+$0x0], $0xffff;
	[tilespmem:s30+$0x1DE90] =	vst v7  }
0x14d: {  	v26 =	vand.u32 $0xFF, v25;
	v61 =	vshrl.u32 v2, $0x10;
	v11 =	vand.u32 $0xF800, v30;
	v5 =	vld.idx.msk [tilespmem:v5+s16+$0x0], $0xffff  }
0x14e: {  	v62 =	vand.u32 $0xFF, v61;
	v7 =	vadd.s32 $0x1, v26;
	v40 =	vor.u32 v11, v17;
	v3 =	vld.idx.msk [tilespmem:v3+s16+$0x0], $0xffff  }
0x14f: {  	v11 =	vadd.s32 v11, v38;
	v29 =	vshll.u32 v7, $0x8;
	v7 =	vshll.u32 v7, $0x7  }
0x150: {  	v20 =	vor.u32 v39, v40;
	v11 =	vor.u32 v39, v11;
	v27 =	vperm.xlane v22, v0  }
0x151: {  	v13 =	vperm.xlane v22, v1;
	v14 =	vand.u32 $0x1F800, v29;
	v7 =	vand.u32 $0x380, v7  }
0x152: {  	v41 =	vor.u32 v16, v11;
	v10 =	vor.u32 v14, v10;
	v6 =	vperm.xlane v23, v1  }
0x153: {  	v42 =	vadd.s32 v12, v14;
	v31 =	vperm.xlane v5, v0;
	v32 =	vperm.xlane v3, v0  }
0x154: {  	v6 =	vsel vm0, v13, v6;
	v5 =	vperm.xlane v5, v1;
	v3 =	vperm.xlane v3, v1  }
0x155: {  	v12 =	vand.u32 $0x1F800, v49;
	v28 =	vperm.xlane v23, v0;
	[tilespmem:s30+$0x1D9F0] =	vst v6;
	v43 =	vsel vm0, v31, v32  }
0x156: {  	v10 =	vor.u32 v7, v10;
	v6 =	vor.u32 v7, v42;
	v7 =	vld [tilespmem:s18+$0x0];
	v3 =	vsel vm0, v5, v3;
	[tilespmem:s30+$0x1DF00] =	vst v43  }
0x157: {  	v63 =	vand.u32 $0x7F, v61;
	v50 =	vor.u32 v12, v17;
	v12 =	vadd.s32 v12, v38;
	[tilespmem:s30+$0x1DF10] =	vst v3  }
0x158: {  	v23 =	vshrl.u32 v2, $0xD;
	v9 =	vsel vm0, v27, v28;
	v13 =	vor.u32 v4, v50;
	v3 =	vld.idx.msk [tilespmem:v20+s16+$0x0], $0xffff  }
0x159: {  	v4 =	vor.u32 v4, v12;
	v27 =	vshrl.u32 v2, $0x11;
	v6 =	vor.u32 v8, v6;
	v45 =	vld.idx.msk [tilespmem:v41+s16+$0x0], $0xffff  }
0x15a: {  	v2 =	vshrl.u32 v2, $0x18;
	[tilespmem:s30+$0x1D9E0] =	vst v9;
	v4 =	vor.u32 v16, v4;
	v16 =	vand.u32 $0x400, v23  }
0x15b: {  	v44 =	vld.idx.msk [tilespmem:v10+s16+$0x0], $0xffff;
	v20 =	vand.u32 $0x380, v27;
	v52 =	vand.u32 $0xFF, v7;
	v53 =	vand.u32 $0x7F, v7  }
0x15c: {  	v54 =	vshll.u32 v7, $0x3;
	v56 =	vshrl.u32 v7, $0x1;
	v59 =	vand.u32 $0xF800, v7  }
0x15d: {  	v26 =	vshrl.u32 v7, $0x8;
	v49 =	vshrl.u32 v7, $0x10;
	v55 =	vand.u32 $0x400, v54  }
0x15e: {  	v6 =	vld.idx.msk [tilespmem:v6+s16+$0x0], $0xffff;
	v28 =	vand.u32 $0xFF, v26;
	v47 =	vperm.xlane v3, v0;
	v48 =	vperm.xlane v45, v0  }
0x15f: {  	v23 =	vand.u32 $0xFF, v49;
	v3 =	vperm.xlane v3, v1;
	v8 =	vperm.xlane v45, v1  }
0x160: {  	v26 =	vshrl.u32 v7, $0x11;
	v46 =	vperm.xlane v44, v0;
	v10 =	vsel vm0, v47, v48  }
0x161: {  	v5 =	vperm.xlane v44, v1;
	v30 =	vadd.s32 $0x1, v28;
	v3 =	vsel vm0, v3, v8;
	[tilespmem:s30+$0x1DEA0] =	vst v10  }
0x162: {  	v23 =	vadd.s32 $0x1, v23;
	v26 =	vand.u32 $0x380, v26;
	v8 =	vadd.s32 $0x1, v52;
	[tilespmem:s30+$0x1DEB0] =	vst v3  }
0x163: {  	v31 =	vshll.u32 v30, $0x8;
	v51 =	vperm.xlane v6, v0;
	v57 =	vshll.u32 v8, $0x3;
	v58 =	vld.idx.msk [tilespmem:v13+s16+$0x0], $0xffff  }
0x164: {  	v3 =	vand.u32 $0x380, v56;
	v10 =	vor.u32 v53, v55;
	v11 =	vand.u32 $0xC00, v57;
	v4 =	vld.idx.msk [tilespmem:v4+s16+$0x0], $0xffff  }
0x165: {  	v6 =	vperm.xlane v6, v1;
	v60 =	vor.u32 v3, v10;
	v13 =	vadd.s32 v11, v59  }
0x166: {  	v8 =	vand.u32 $0x7F, v8;
	v15 =	vor.u32 v59, v60;
	v3 =	vor.u32 v3, v13  }
0x167: {  	v9 =	vsel vm0, v46, v51;
	v14 =	vsel vm0, v5, v6;
	v3 =	vor.u32 v8, v3  }
0x168: {  	v5 =	vadd.s32 $0x1, v62;
	v6 =	vand.u32 $0x1F800, v31;
	v51 =	vshll.u32 v23, $0x3  }
0x169: {  	v23 =	vand.u32 $0x7F, v23;
	v24 =	vperm.xlane v58, v0;
	v25 =	vperm.xlane v4, v0  }
0x16a: {  	v31 =	vadd.s32 $0x1, v2;
	v12 =	vperm.xlane v58, v1;
	v4 =	vperm.xlane v4, v1  }
0x16b: {  	v13 =	vand.u32 $0xF800, v61;
	v10 =	vor.u32 v6, v10;
	v15 =	vld.idx.msk [tilespmem:v15+s16+$0x0], $0xffff;
	v17 =	vsel vm0, v24, v25  }
0x16c: {  	v6 =	vadd.s32 v11, v6;
	v37 =	vshll.u32 v5, $0x3;
	v29 =	vld.idx.msk [tilespmem:v3+s16+$0x0], $0xffff;
	v3 =	vsel vm0, v12, v4;
	[tilespmem:s30+$0x1DF20] =	vst v17  }
0x16d: {  	v5 =	vand.u32 $0x7F, v5;
	v24 =	vand.u32 $0x7F, v49;
	v25 =	vshrl.u32 v7, $0xD;
	[tilespmem:s30+$0x1DF30] =	vst v3  }
0x16e: {  	v7 =	vshrl.u32 v7, $0x18;
	v4 =	vor.u32 v63, v16;
	v12 =	vshll.u32 v30, $0x7;
	v3 =	vld [tilespmem:s18+$0xFFFFFFC0]  }
0x16f: {  	v25 =	vand.u32 $0x400, v25;
	v7 =	vadd.s32 $0x1, v7;
	v12 =	vand.u32 $0x380, v12  }
0x170: {  	v36 =	vor.u32 v13, v4;
	v24 =	vor.u32 v24, v25;
	v10 =	vor.u32 v12, v10  }
0x171: {  	v6 =	vor.u32 v12, v6;
	v32 =	vperm.xlane v15, v0;
	v33 =	vperm.xlane v29, v0  }
0x172: {  	v34 =	vperm.xlane v15, v1;
	v6 =	vor.u32 v8, v6;
	v35 =	vperm.xlane v29, v1  }
0x173: {  	v8 =	vor.u32 v20, v36;
	v11 =	vsel vm0, v32, v33;
	v38 =	vand.u32 $0xFF, v3  }
0x174: {  	v39 =	vand.u32 $0x7F, v3;
	v12 =	vsel vm0, v34, v35;
	v40 =	vand.u32 $0xF800, v3  }
0x175: {  	v41 =	vshll.u32 v3, $0x3;
	v43 =	vshrl.u32 v3, $0x1;
	[tilespmem:s30+$0x1E080] =	vst v11;
	v16 =	vadd.s32 $0x1, v38  }
0x176: {  	[tilespmem:s30+$0x1E090] =	vst v12;
	v42 =	vand.u32 $0x400, v41;
	v15 =	vand.u32 $0x380, v43;
	v44 =	vshll.u32 v16, $0x3  }
0x177: {  	v12 =	vor.u32 v39, v42;
	v46 =	vld.idx.msk [tilespmem:v6+s16+$0x0], $0xffff;
	v6 =	vand.u32 $0xC00, v37;
	v45 =	vand.u32 $0xC00, v44  }
0x178: {  	v10 =	vld.idx.msk [tilespmem:v10+s16+$0x0], $0xffff;
	v16 =	vand.u32 $0x7F, v16;
	v47 =	vor.u32 v15, v12;
	v21 =	vadd.s32 v45, v40  }
0x179: {  	v13 =	vadd.s32 v13, v6;
	v11 =	vor.u32 v40, v47;
	v15 =	vor.u32 v15, v21  }
0x17a: {  	v13 =	vor.u32 v20, v13;
	v20 =	vand.u32 $0xF800, v49;
	v15 =	vor.u32 v16, v15  }
0x17b: {  	v25 =	vand.u32 $0xC00, v51;
	v62 =	vshll.u32 v7, $0x8;
	v27 =	vor.u32 v20, v24  }
0x17c: {  	v48 =	vshrl.u32 v3, $0x8;
	v20 =	vadd.s32 v20, v25;
	v27 =	vor.u32 v26, v27  }
0x17d: {  	v20 =	vor.u32 v26, v20;
	v50 =	vperm.xlane v10, v0;
	v22 =	vperm.xlane v46, v0  }
0x17e: {  	v10 =	vperm.xlane v10, v1;
	v19 =	vperm.xlane v46, v1;
	v20 =	vor.u32 v23, v20;
	v11 =	vld.idx.msk [tilespmem:v11+s16+$0x0], $0xffff  }
0x17f: {  	v7 =	vshll.u32 v7, $0x7;
	v17 =	vand.u32 $0xFF, v48;
	v21 =	vsel vm0, v50, v22;
	v15 =	vld.idx.msk [tilespmem:v15+s16+$0x0], $0xffff  }
0x180: {  	v7 =	vand.u32 $0x380, v7;
	v17 =	vadd.s32 $0x1, v17;
	v10 =	vsel vm0, v10, v19;
	[tilespmem:s30+$0x1E100] =	vst v21  }
0x181: {  	v2 =	vshrl.u32 v3, $0x10;
	v36 =	vshrl.u32 v3, $0xD;
	v56 =	vshll.u32 v17, $0x8;
	[tilespmem:s30+$0x1E110] =	vst v10  }
0x182: {  	v34 =	vand.u32 $0xFF, v2;
	v17 =	vshll.u32 v17, $0x7;
	v57 =	vand.u32 $0x1F800, v56;
	v21 =	vld.idx.msk [tilespmem:v27+s16+$0x0], $0xffff  }
0x183: {  	v17 =	vand.u32 $0x380, v17;
	v58 =	vld.idx.msk [tilespmem:v20+s16+$0x0], $0xffff;
	v52 =	vperm.xlane v11, v0;
	v11 =	vperm.xlane v11, v1  }
0x184: {  	v18 =	vadd.s32 v45, v57;
	v53 =	vperm.xlane v15, v0;
	v15 =	vperm.xlane v15, v1  }
0x185: {  	v35 =	vand.u32 $0x7F, v2;
	v54 =	vor.u32 v5, v13;
	v59 =	vor.u32 v17, v18  }
0x186: {  	[tilespmem:s30+$0x1DA60] =	vst v9;
	v61 =	vor.u32 v16, v59;
	v11 =	vsel vm0, v11, v15;
	v15 =	vand.u32 $0x1F800, v62  }
0x187: {  	[tilespmem:s30+$0x1DA70] =	vst v14;
	v63 =	vperm.xlane v21, v0;
	v20 =	vor.u32 v15, v24;
	v15 =	vadd.s32 v15, v25  }
0x188: {  	v8 =	vld.idx.msk [tilespmem:v8+s16+$0x0], $0xffff;
	v22 =	vperm.xlane v58, v0;
	v16 =	vor.u32 v7, v20;
	v7 =	vor.u32 v7, v15  }
0x189: {  	v24 =	vperm.xlane v21, v1;
	v25 =	vperm.xlane v58, v1;
	v7 =	vor.u32 v23, v7  }
0x18a: {  	v2 =	vand.u32 $0xF800, v2;
	v39 =	vshrl.u32 v3, $0x11;
	v10 =	vld.idx.msk [tilespmem:v54+s16+$0x0], $0xffff;
	v26 =	vsel vm0, v63, v22  }
0x18b: {  	v3 =	vshrl.u32 v3, $0x18;
	v12 =	vor.u32 v57, v12;
	[tilespmem:s30+$0x1E0A0] =	vst v26;
	v13 =	vsel vm0, v24, v25  }
0x18c: {  	v42 =	vand.u32 $0x380, v39;
	v45 =	vshll.u32 v31, $0x8;
	v60 =	vor.u32 v17, v12;
	[tilespmem:s30+$0x1E0B0] =	vst v13  }
0x18d: {  	v28 =	vperm.xlane v8, v0;
	v8 =	vperm.xlane v8, v1;
	v46 =	vand.u32 $0x1F800, v45;
	v30 =	vld.idx.msk [tilespmem:v16+s16+$0x0], $0xffff  }
0x18e: {  	v4 =	vor.u32 v46, v4;
	v6 =	vadd.s32 v46, v6;
	v13 =	vshll.u32 v31, $0x7;
	v7 =	vld.idx.msk [tilespmem:v7+s16+$0x0], $0xffff  }
0x18f: {  	v29 =	vperm.xlane v10, v0;
	v55 =	vsel vm0, v52, v53;
	v47 =	vand.u32 $0x380, v13  }
0x190: {  	v10 =	vperm.xlane v10, v1;
	[tilespmem:s30+$0x1DEC0] =	vst v55;
	v6 =	vor.u32 v47, v6;
	v4 =	vor.u32 v47, v4  }
0x191: {  	v3 =	vadd.s32 $0x1, v3;
	v17 =	vadd.s32 $0x1, v34;
	[tilespmem:s30+$0x1DED0] =	vst v11;
	v5 =	vor.u32 v5, v6  }
0x192: {  	v40 =	vshll.u32 v17, $0x3;
	v12 =	vsel vm0, v28, v29;
	v8 =	vsel vm0, v8, v10;
	v9 =	vld.idx.msk [tilespmem:v60+s16+$0x0], $0xffff  }
0x193: {  	v19 =	vand.u32 $0x400, v36;
	[tilespmem:s30+$0x1DD80] =	vst v12;
	v27 =	vld.idx.msk [tilespmem:v61+s16+$0x0], $0xffff;
	v37 =	vperm.xlane v30, v0;
	v38 =	vperm.xlane v7, v0  }
0x194: {  	v18 =	vor.u32 v35, v19;
	[tilespmem:s30+$0x1DD90] =	vst v8;
	v14 =	vperm.xlane v30, v1;
	v7 =	vperm.xlane v7, v1  }
0x195: {  	v41 =	vand.u32 $0xC00, v40;
	v43 =	vor.u32 v2, v18;
	v8 =	vld.idx.msk [tilespmem:v4+s16+$0x0], $0xffff;
	v20 =	vsel vm0, v37, v38  }
0x196: {  	v17 =	vand.u32 $0x7F, v17;
	v2 =	vadd.s32 v2, v41;
	v5 =	vld.idx.msk [tilespmem:v5+s16+$0x0], $0xffff;
	v7 =	vsel vm0, v14, v7;
	[tilespmem:s30+$0x1E120] =	vst v20  }
0x197: {  	v44 =	vor.u32 v42, v43;
	v60 =	vshll.u32 v3, $0x8;
	v14 =	vor.u32 v42, v2;
	[tilespmem:s30+$0x1E130] =	vst v7  }
0x198: {  	v32 =	vperm.xlane v9, v0;
	v33 =	vperm.xlane v27, v0;
	v14 =	vor.u32 v17, v14;
	v2 =	vld [tilespmem:s18+$0x10]  }
0x199: {  	v3 =	vshll.u32 v3, $0x7;
	v9 =	vperm.xlane v9, v1;
	v11 =	vperm.xlane v27, v1  }
0x19a: {  	v15 =	vsel vm0, v32, v33;
	v29 =	vperm.xlane v8, v0;
	v8 =	vperm.xlane v8, v1  }
0x19b: {  	v9 =	vsel vm0, v9, v11;
	[tilespmem:s30+$0x1DF40] =	vst v15;
	v30 =	vperm.xlane v5, v0;
	v5 =	vperm.xlane v5, v1  }
0x19c: {  	v3 =	vand.u32 $0x380, v3;
	[tilespmem:s30+$0x1DF50] =	vst v9  }
0x19d: {  	v5 =	vsel vm0, v8, v5;
	v14 =	vld.idx.msk [tilespmem:v14+s16+$0x0], $0xffff;
	v48 =	vand.u32 $0xFF, v2;
	v49 =	vand.u32 $0x7F, v2  }
0x19e: {  	v50 =	vshll.u32 v2, $0x3;
	v51 =	vshrl.u32 v2, $0x1;
	v9 =	vadd.s32 $0x1, v48  }
0x19f: {  	v7 =	vld.idx.msk [tilespmem:v44+s16+$0x0], $0xffff;
	v53 =	vand.u32 $0xF800, v2;
	v13 =	vand.u32 $0x400, v50;
	v52 =	vshll.u32 v9, $0x3  }
0x1a0: {  	v15 =	vand.u32 $0x380, v51;
	v11 =	vor.u32 v49, v13;
	v13 =	vand.u32 $0xC00, v52  }
0x1a1: {  	v9 =	vand.u32 $0x7F, v9;
	v54 =	vor.u32 v15, v11;
	v20 =	vadd.s32 v13, v53  }
0x1a2: {  	v55 =	vor.u32 v53, v54;
	v57 =	vperm.xlane v14, v0;
	v15 =	vor.u32 v15, v20  }
0x1a3: {  	v59 =	vperm.xlane v14, v1;
	v14 =	vand.u32 $0x1F800, v60;
	v15 =	vor.u32 v9, v15  }
0x1a4: {  	v56 =	vperm.xlane v7, v0;
	v18 =	vor.u32 v14, v18;
	v14 =	vadd.s32 v14, v41  }
0x1a5: {  	v61 =	vshrl.u32 v2, $0x8;
	v18 =	vor.u32 v3, v18;
	v3 =	vor.u32 v3, v14  }
0x1a6: {  	v7 =	vperm.xlane v7, v1;
	v62 =	vand.u32 $0xFF, v61;
	v3 =	vor.u32 v17, v3  }
0x1a7: {  	v31 =	vshrl.u32 v2, $0x10;
	v63 =	vadd.s32 $0x1, v62;
	v58 =	vsel vm0, v56, v57;
	v16 =	vld.idx.msk [tilespmem:v55+s16+$0x0], $0xffff  }
0x1a8: {  	v36 =	vshrl.u32 v2, $0xD;
	v19 =	vshll.u32 v63, $0x8;
	v7 =	vsel vm0, v7, v59;
	[tilespmem:s30+$0x1DB80] =	vst v58;
	v15 =	vld.idx.msk [tilespmem:v15+s16+$0x0], $0xffff  }
0x1a9: {  	v34 =	vand.u32 $0xFF, v31;
	v35 =	vand.u32 $0x7F, v31;
	v10 =	vand.u32 $0x1F800, v19;
	[tilespmem:s30+$0x1DB90] =	vst v7  }
0x1aa: {  	v37 =	vand.u32 $0x400, v36;
	v11 =	vor.u32 v10, v11;
	v14 =	vshll.u32 v63, $0x7;
	v23 =	vld.idx.msk [tilespmem:v18+s16+$0x0], $0xffff  }
0x1ab: {  	v10 =	vadd.s32 v13, v10;
	v41 =	vsel vm0, v29, v30;
	v21 =	vand.u32 $0x380, v14;
	v3 =	vld.idx.msk [tilespmem:v3+s16+$0x0], $0xffff  }
0x1ac: {  	v14 =	vadd.s32 $0x1, v34;
	v11 =	vor.u32 v21, v11;
	v6 =	vor.u32 v21, v10  }
0x1ad: {  	v38 =	vshll.u32 v14, $0x3;
	v20 =	vperm.xlane v16, v0;
	v22 =	vperm.xlane v15, v0  }
0x1ae: {  	v6 =	vor.u32 v9, v6;
	v24 =	vperm.xlane v16, v1;
	v25 =	vperm.xlane v15, v1  }
0x1af: {  	v14 =	vand.u32 $0x7F, v14;
	v10 =	vperm.xlane v23, v1;
	v7 =	vsel vm0, v20, v22  }
0x1b0: {  	v28 =	vperm.xlane v3, v0;
	v3 =	vperm.xlane v3, v1;
	v26 =	vsel vm0, v24, v25;
	[tilespmem:s30+$0x1E0C0] =	vst v7  }
0x1b1: {  	v9 =	vand.u32 $0xF800, v31;
	v27 =	vperm.xlane v23, v0;
	v15 =	vor.u32 v35, v37;
	[tilespmem:s30+$0x1E0D0] =	vst v26  }
0x1b2: {  	v16 =	vand.u32 $0xC00, v38;
	v39 =	vor.u32 v9, v15;
	v3 =	vsel vm0, v10, v3;
	v7 =	vld.idx.msk [tilespmem:v11+s16+$0x0], $0xffff  }
0x1b3: {  	v4 =	vsel vm0, v27, v28;
	v6 =	vld.idx.msk [tilespmem:v6+s16+$0x0], $0xffff;
	[tilespmem:s30+$0x1DC10] =	vst v3;
	v3 =	vshrl.u32 v2, $0x11;
	v2 =	vshrl.u32 v2, $0x18  }
0x1b4: {  	v9 =	vadd.s32 v9, v16;
	[tilespmem:s30+$0x1DC00] =	vst v4;
	v3 =	vand.u32 $0x380, v3;
	v2 =	vadd.s32 $0x1, v2  }
0x1b5: {  	v4 =	vld [tilespmem:s18+$0xFFFFFFD0];
	v17 =	vor.u32 v3, v39;
	v3 =	vor.u32 v3, v9;
	v53 =	vshll.u32 v2, $0x8  }
0x1b6: {  	v2 =	vshll.u32 v2, $0x7;
	v3 =	vor.u32 v14, v3;
	v20 =	vand.u32 $0x1F800, v53  }
0x1b7: {  	v2 =	vand.u32 $0x380, v2;
	v15 =	vor.u32 v20, v15;
	v32 =	vperm.xlane v7, v0  }
0x1b8: {  	v16 =	vadd.s32 v20, v16;
	v33 =	vperm.xlane v6, v0;
	v7 =	vperm.xlane v7, v1  }
0x1b9: {  	[tilespmem:s30+$0x1DE10] =	vst v5;
	v6 =	vperm.xlane v6, v1;
	v54 =	vor.u32 v2, v15;
	v2 =	vor.u32 v2, v16  }
0x1ba: {  	[tilespmem:s30+$0x1DE00] =	vst v41;
	v42 =	vand.u32 $0xFF, v4;
	v43 =	vand.u32 $0x7F, v4;
	v40 =	vsel vm0, v32, v33  }
0x1bb: {  	v44 =	vshll.u32 v4, $0x3;
	v46 =	vshrl.u32 v4, $0x1;
	v6 =	vsel vm0, v7, v6;
	[tilespmem:s30+$0x1E140] =	vst v40  }
0x1bc: {  	v56 =	vor.u32 v14, v2;
	v2 =	vld [tilespmem:s18+$0xFFFFFF80];
	v45 =	vand.u32 $0x400, v44;
	v7 =	vadd.s32 $0x1, v42;
	[tilespmem:s30+$0x1E150] =	vst v6  }
0x1bd: {  	v11 =	vand.u32 $0x380, v46;
	v13 =	vor.u32 v43, v45;
	v48 =	vshll.u32 v7, $0x3;
	v47 =	vld.idx.msk [tilespmem:v17+s16+$0x0], $0xffff  }
0x1be: {  	v49 =	vld.idx.msk [tilespmem:v3+s16+$0x0], $0xffff;
	v3 =	vand.u32 $0xF800, v4;
	v50 =	vor.u32 v11, v13;
	v18 =	vand.u32 $0xC00, v48  }
0x1bf: {  	v32 =	vshrl.u32 v4, $0x8;
	v17 =	vor.u32 v3, v50;
	v3 =	vadd.s32 v18, v3  }
0x1c0: {  	v6 =	vand.u32 $0x7F, v7;
	v35 =	vand.u32 $0xFF, v32;
	v3 =	vor.u32 v11, v3  }
0x1c1: {  	v19 =	vadd.s32 $0x1, v35;
	v7 =	vor.u32 v6, v3;
	v3 =	vld [tilespmem:s18+$0x70]  }
0x1c2: {  	v41 =	vshll.u32 v19, $0x8;
	v5 =	vand.u32 $0xFF, v2  }
0x1c3: {  	v30 =	vshll.u32 v2, $0x3;
	v51 =	vperm.xlane v47, v0;
	v52 =	vperm.xlane v49, v0  }
0x1c4: {  	v46 =	vand.u32 $0x1F800, v41;
	v12 =	vperm.xlane v47, v1;
	v9 =	vperm.xlane v49, v1  }
0x1c5: {  	v13 =	vor.u32 v46, v13;
	v5 =	vadd.s32 $0x1, v5;
	v47 =	vshll.u32 v19, $0x7  }
0x1c6: {  	v55 =	vsel vm0, v51, v52;
	v9 =	vsel vm0, v12, v9;
	v57 =	vand.u32 $0xFF, v3  }
0x1c7: {  	v60 =	vld.idx.msk [tilespmem:v17+s16+$0x0], $0xffff;
	v58 =	vand.u32 $0x7F, v3;
	v59 =	vshll.u32 v3, $0x3;
	v62 =	vshrl.u32 v3, $0x1  }
0x1c8: {  	v63 =	vld.idx.msk [tilespmem:v7+s16+$0x0], $0xffff;
	v28 =	vand.u32 $0xF800, v3;
	v7 =	vand.u32 $0x7F, v2;
	v38 =	vshrl.u32 v3, $0x8  }
0x1c9: {  	[tilespmem:s30+$0x1E0E0] =	vst v55;
	v61 =	vand.u32 $0x400, v59;
	v11 =	vadd.s32 $0x1, v57;
	v26 =	vand.u32 $0x380, v62  }
0x1ca: {  	[tilespmem:s30+$0x1E0F0] =	vst v9;
	v39 =	vand.u32 $0xFF, v38;
	v12 =	vor.u32 v58, v61;
	v27 =	vshll.u32 v11, $0x3  }
0x1cb: {  	v8 =	vld.idx.msk [tilespmem:v54+s16+$0x0], $0xffff;
	v11 =	vand.u32 $0x7F, v11;
	v40 =	vadd.s32 $0x1, v39;
	v61 =	vshrl.u32 v3, $0x10  }
0x1cc: {  	v10 =	vld.idx.msk [tilespmem:v56+s16+$0x0], $0xffff;
	v14 =	vor.u32 v26, v12;
	v29 =	vand.u32 $0xC00, v27;
	v33 =	vperm.xlane v60, v0  }
0x1cd: {  	v15 =	vperm.xlane v60, v1;
	v42 =	vshll.u32 v40, $0x8;
	v32 =	vand.u32 $0x7F, v61  }
0x1ce: {  	v14 =	vor.u32 v28, v14;
	v9 =	vadd.s32 v29, v28;
	v28 =	vshrl.u32 v3, $0x11  }
0x1cf: {  	v9 =	vor.u32 v26, v9;
	v34 =	vperm.xlane v63, v0;
	v16 =	vperm.xlane v63, v1  }
0x1d0: {  	v28 =	vand.u32 $0x380, v28;
	v31 =	vor.u32 v11, v9;
	v36 =	vperm.xlane v8, v0  }
0x1d1: {  	v9 =	vand.u32 $0x400, v30;
	v37 =	vperm.xlane v10, v0;
	v8 =	vperm.xlane v8, v1  }
0x1d2: {  	v10 =	vperm.xlane v10, v1;
	v21 =	vsel vm0, v33, v34;
	v15 =	vsel vm0, v15, v16  }
0x1d3: {  	v16 =	vand.u32 $0x380, v47;
	v33 =	vshrl.u32 v3, $0xD;
	v3 =	vshrl.u32 v3, $0x18  }
0x1d4: {  	v22 =	vsel vm0, v36, v37;
	v8 =	vsel vm0, v8, v10;
	v10 =	vshll.u32 v40, $0x7  }
0x1d5: {  	v13 =	vor.u32 v16, v13;
	v27 =	vand.u32 $0x400, v33;
	v3 =	vadd.s32 $0x1, v3;
	[tilespmem:s30+$0x1E160] =	vst v22  }
0x1d6: {  	v33 =	vshrl.u32 v4, $0x11;
	v14 =	vld.idx.msk [tilespmem:v14+s16+$0x0], $0xffff;
	[tilespmem:s30+$0x1E170] =	vst v8;
	v22 =	vand.u32 $0x1F800, v42;
	v10 =	vand.u32 $0x380, v10  }
0x1d7: {  	v26 =	vor.u32 v32, v27;
	v8 =	vld [tilespmem:s23+$0x1C100];
	v12 =	vor.u32 v22, v12;
	v17 =	vadd.s32 v29, v22  }
0x1d8: {  	v20 =	vld.idx.msk [tilespmem:v31+s16+$0x0], $0xffff;
	v12 =	vor.u32 v10, v12;
	v10 =	vor.u32 v10, v17;
	v31 =	vand.u32 $0xFF, v61  }
0x1d9: {  	v10 =	vor.u32 v11, v10;
	v11 =	vadd.s32 v18, v46;
	v25 =	vadd.s32 $0x1, v31  }
0x1da: {  	[tilespmem:s30+$0x1DBA0] =	vst v21;
	v21 =	vand.u32 $0x380, v33;
	v11 =	vor.u32 v16, v11;
	v34 =	vshll.u32 v25, $0x3  }
0x1db: {  	v25 =	vand.u32 $0x7F, v25;
	v43 =	vperm.xlane v14, v0;
	v14 =	vperm.xlane v14, v1  }
0x1dc: {  	v27 =	vand.u32 $0xC00, v34;
	v6 =	vor.u32 v6, v11;
	v49 =	vand.u32 $0xFF, v8  }
0x1dd: {  	v50 =	vand.u32 $0x7F, v8;
	v51 =	vand.u32 $0xF800, v8;
	v52 =	vshll.u32 v8, $0x3  }
0x1de: {  	[tilespmem:s30+$0x1DBB0] =	vst v15;
	v54 =	vshrl.u32 v8, $0x1;
	v60 =	vshrl.u32 v8, $0x8;
	v34 =	vshrl.u32 v8, $0x10  }
0x1df: {  	v13 =	vld.idx.msk [tilespmem:v13+s16+$0x0], $0xffff;
	v44 =	vperm.xlane v20, v0;
	v45 =	vperm.xlane v20, v1;
	v20 =	vadd.s32 $0x1, v49  }
0x1e0: {  	v53 =	vand.u32 $0x400, v52;
	v19 =	vand.u32 $0x380, v54;
	v16 =	vand.u32 $0xFF, v60  }
0x1e1: {  	v55 =	vshll.u32 v20, $0x3;
	v20 =	vand.u32 $0x7F, v20;
	v48 =	vsel vm0, v43, v44  }
0x1e2: {  	v16 =	vadd.s32 $0x1, v16;
	v14 =	vsel vm0, v14, v45;
	v56 =	vand.u32 $0xC00, v55;
	[tilespmem:s30+$0x1E280] =	vst v48  }
0x1e3: {  	v40 =	vshll.u32 v16, $0x8;
	v16 =	vshll.u32 v16, $0x7;
	v44 =	vshll.u32 v3, $0x8;
	[tilespmem:s30+$0x1E290] =	vst v14  }
0x1e4: {  	v3 =	vshll.u32 v3, $0x7;
	v55 =	vperm.xlane v13, v1;
	v14 =	vor.u32 v50, v53;
	v12 =	vld.idx.msk [tilespmem:v12+s16+$0x0], $0xffff  }
0x1e5: {  	v58 =	vadd.s32 v56, v51;
	v11 =	vand.u32 $0x1F800, v40;
	v16 =	vand.u32 $0x380, v16;
	v10 =	vld.idx.msk [tilespmem:v10+s16+$0x0], $0xffff  }
0x1e6: {  	v15 =	vand.u32 $0x1F800, v44;
	v57 =	vor.u32 v19, v14;
	v19 =	vor.u32 v19, v58  }
0x1e7: {  	v17 =	vor.u32 v51, v57;
	v59 =	vor.u32 v20, v19;
	v19 =	vand.u32 $0xF800, v61  }
0x1e8: {  	v3 =	vand.u32 $0x380, v3;
	v42 =	vadd.s32 v56, v11;
	v29 =	vor.u32 v19, v26  }
0x1e9: {  	v11 =	vor.u32 v11, v14;
	v19 =	vadd.s32 v19, v27;
	v29 =	vor.u32 v28, v29  }
0x1ea: {  	v19 =	vor.u32 v28, v19;
	v62 =	vperm.xlane v12, v0;
	v63 =	vperm.xlane v10, v0  }
0x1eb: {  	v6 =	vld.idx.msk [tilespmem:v6+s16+$0x0], $0xffff;
	v19 =	vor.u32 v25, v19;
	v12 =	vperm.xlane v12, v1;
	v10 =	vperm.xlane v10, v1  }
0x1ec: {  	v46 =	vor.u32 v15, v26;
	v15 =	vadd.s32 v15, v27;
	v17 =	vld.idx.msk [tilespmem:v17+s16+$0x0], $0xffff;
	v23 =	vsel vm0, v62, v63  }
0x1ed: {  	v53 =	vshrl.u32 v2, $0x1;
	v43 =	vor.u32 v16, v42;
	v18 =	vld.idx.msk [tilespmem:v59+s16+$0x0], $0xffff;
	v10 =	vsel vm0, v12, v10;
	[tilespmem:s30+$0x1E300] =	vst v23  }
0x1ee: {  	v11 =	vor.u32 v16, v11;
	v51 =	vperm.xlane v13, v0;
	v57 =	vshrl.u32 v4, $0x10;
	[tilespmem:s30+$0x1E310] =	vst v10  }
0x1ef: {  	v42 =	vshrl.u32 v8, $0x11;
	v14 =	vor.u32 v20, v43;
	v58 =	vand.u32 $0xFF, v57;
	v41 =	vld.idx.msk [tilespmem:v29+s16+$0x0], $0xffff  }
0x1f0: {  	v60 =	vand.u32 $0x7F, v57;
	v61 =	vand.u32 $0xF800, v57;
	v44 =	vand.u32 $0x380, v42;
	v19 =	vld.idx.msk [tilespmem:v19+s16+$0x0], $0xffff  }
0x1f1: {  	v13 =	vadd.s32 $0x1, v58;
	v54 =	vperm.xlane v6, v0;
	v56 =	vperm.xlane v6, v1  }
0x1f2: {  	v62 =	vshrl.u32 v4, $0xD;
	v35 =	vperm.xlane v17, v0;
	v36 =	vperm.xlane v18, v0  }
0x1f3: {  	v37 =	vperm.xlane v17, v1;
	v17 =	vor.u32 v3, v46;
	v3 =	vor.u32 v3, v15  }
0x1f4: {  	v63 =	vand.u32 $0x400, v62;
	v38 =	vperm.xlane v18, v1;
	v50 =	vor.u32 v25, v3  }
0x1f5: {  	v39 =	vsel vm0, v35, v36;
	v45 =	vperm.xlane v41, v0;
	v47 =	vperm.xlane v19, v0  }
0x1f6: {  	v12 =	vsel vm0, v37, v38;
	[tilespmem:s30+$0x1E480] =	vst v39;
	v48 =	vperm.xlane v41, v1;
	v49 =	vperm.xlane v19, v1  }
0x1f7: {  	v18 =	vor.u32 v60, v63;
	v3 =	vor.u32 v7, v9;
	[tilespmem:s30+$0x1E490] =	vst v12;
	v52 =	vsel vm0, v45, v47  }
0x1f8: {  	v6 =	vand.u32 $0xF800, v2;
	v9 =	vsel vm0, v51, v54;
	v11 =	vld.idx.msk [tilespmem:v11+s16+$0x0], $0xffff;
	v10 =	vsel vm0, v48, v49;
	[tilespmem:s30+$0x1E2A0] =	vst v52  }
0x1f9: {  	v37 =	vand.u32 $0xFF, v34;
	v38 =	vand.u32 $0x7F, v34;
	v39 =	vshrl.u32 v8, $0xD;
	v14 =	vld.idx.msk [tilespmem:v14+s16+$0x0], $0xffff;
	[tilespmem:s30+$0x1E2B0] =	vst v10  }
0x1fa: {  	v12 =	vsel vm0, v55, v56;
	v24 =	vadd.s32 $0x1, v37;
	v26 =	vand.u32 $0x400, v39;
	v17 =	vld.idx.msk [tilespmem:v17+s16+$0x0], $0xffff  }
0x1fb: {  	v25 =	vor.u32 v38, v26;
	v47 =	vshll.u32 v13, $0x3;
	v10 =	vand.u32 $0xF800, v34;
	v59 =	vld.idx.msk [tilespmem:v50+s16+$0x0], $0xffff  }
0x1fc: {  	v48 =	vor.u32 v61, v18;
	v20 =	vand.u32 $0xC00, v47;
	v45 =	vor.u32 v10, v25  }
0x1fd: {  	v13 =	vand.u32 $0x7F, v13;
	v19 =	vadd.s32 v61, v20;
	v46 =	vor.u32 v44, v45  }
0x1fe: {  	v19 =	vor.u32 v21, v19;
	v35 =	vperm.xlane v11, v0;
	v36 =	vperm.xlane v14, v0  }
0x1ff: {  	[tilespmem:s30+$0x1DC20] =	vst v9;
	v11 =	vperm.xlane v11, v1;
	v14 =	vperm.xlane v14, v1;
	v19 =	vor.u32 v13, v19  }
0x200: {  	[tilespmem:s30+$0x1DC30] =	vst v12;
	v22 =	vsel vm0, v35, v36;
	v40 =	vperm.xlane v17, v0;
	v41 =	vperm.xlane v59, v0  }
0x201: {  	v11 =	vsel vm0, v11, v14;
	v17 =	vperm.xlane v17, v1;
	v16 =	vperm.xlane v59, v1;
	[tilespmem:s30+$0x1E500] =	vst v22  }
0x202: {  	v30 =	vshll.u32 v24, $0x3;
	v14 =	vor.u32 v21, v48;
	[tilespmem:s30+$0x1E510] =	vst v11;
	v27 =	vsel vm0, v40, v41  }
0x203: {  	v7 =	vand.u32 $0x380, v53;
	v43 =	vand.u32 $0xC00, v30;
	v11 =	vld.idx.msk [tilespmem:v46+s16+$0x0], $0xffff;
	v16 =	vsel vm0, v17, v16;
	[tilespmem:s30+$0x1E320] =	vst v27  }
0x204: {  	v15 =	vor.u32 v7, v3;
	v8 =	vshrl.u32 v8, $0x18;
	v10 =	vadd.s32 v10, v43;
	v19 =	vld.idx.msk [tilespmem:v19+s16+$0x0], $0xffff;
	[tilespmem:s30+$0x1E330] =	vst v16  }
0x205: {  	v24 =	vand.u32 $0x7F, v24;
	v8 =	vadd.s32 $0x1, v8;
	v17 =	vor.u32 v44, v10;
	v10 =	vld [tilespmem:s18+$0x80]  }
0x206: {  	v36 =	vshrl.u32 v4, $0x18;
	v4 =	vand.u32 $0x7F, v5;
	v5 =	vshll.u32 v5, $0x3  }
0x207: {  	v59 =	vshll.u32 v8, $0x8;
	v8 =	vshll.u32 v8, $0x7;
	v17 =	vor.u32 v24, v17;
	v14 =	vld.idx.msk [tilespmem:v14+s16+$0x0], $0xffff  }
0x208: {  	v5 =	vand.u32 $0xC00, v5;
	v8 =	vand.u32 $0x380, v8;
	v56 =	vperm.xlane v11, v0  }
0x209: {  	v41 =	vadd.s32 $0x1, v36;
	v11 =	vperm.xlane v11, v1;
	v40 =	vperm.xlane v19, v0  }
0x20a: {  	v19 =	vperm.xlane v19, v1;
	v49 =	vand.u32 $0xFF, v10;
	v50 =	vand.u32 $0x7F, v10  }
0x20b: {  	v51 =	vshll.u32 v10, $0x3;
	v52 =	vshrl.u32 v10, $0x1;
	v54 =	vand.u32 $0xF800, v10  }
0x20c: {  	v17 =	vld.idx.msk [tilespmem:v17+s16+$0x0], $0xffff;
	v60 =	vshrl.u32 v10, $0x8;
	v39 =	vperm.xlane v14, v0;
	v14 =	vperm.xlane v14, v1  }
0x20d: {  	v45 =	vshrl.u32 v10, $0x10;
	v23 =	vand.u32 $0x400, v51;
	v16 =	vadd.s32 $0x1, v49  }
0x20e: {  	v27 =	vand.u32 $0x380, v52;
	v63 =	vand.u32 $0xFF, v60;
	v53 =	vshll.u32 v16, $0x3  }
0x20f: {  	v48 =	vand.u32 $0xFF, v45;
	v22 =	vor.u32 v50, v23;
	v23 =	vand.u32 $0xC00, v53  }
0x210: {  	v16 =	vand.u32 $0x7F, v16;
	v55 =	vor.u32 v27, v22;
	v28 =	vadd.s32 v23, v54  }
0x211: {  	v29 =	vor.u32 v54, v55;
	v57 =	vperm.xlane v17, v0;
	v27 =	vor.u32 v27, v28  }
0x212: {  	v17 =	vperm.xlane v17, v1;
	v28 =	vand.u32 $0x1F800, v59;
	v27 =	vor.u32 v16, v27  }
0x213: {  	v49 =	vand.u32 $0x7F, v45;
	v58 =	vsel vm0, v56, v57;
	v61 =	vor.u32 v28, v25  }
0x214: {  	v62 =	vadd.s32 v28, v43;
	v28 =	vadd.s32 $0x1, v63;
	v11 =	vsel vm0, v11, v17  }
0x215: {  	v9 =	vor.u32 v8, v61;
	v8 =	vor.u32 v8, v62;
	v30 =	vshll.u32 v28, $0x8  }
0x216: {  	v12 =	vshll.u32 v28, $0x7;
	v8 =	vor.u32 v24, v8;
	v17 =	vand.u32 $0x1F800, v30;
	v29 =	vld.idx.msk [tilespmem:v29+s16+$0x0], $0xffff  }
0x217: {  	v12 =	vand.u32 $0x380, v12;
	v32 =	vor.u32 v17, v22;
	v17 =	vadd.s32 v23, v17;
	v27 =	vld.idx.msk [tilespmem:v27+s16+$0x0], $0xffff  }
0x218: {  	v51 =	vshrl.u32 v10, $0x11;
	[tilespmem:s30+$0x1E4A0] =	vst v58;
	v21 =	vor.u32 v12, v32;
	v12 =	vor.u32 v12, v17  }
0x219: {  	v14 =	vsel vm0, v14, v19;
	[tilespmem:s30+$0x1E4B0] =	vst v11;
	v12 =	vor.u32 v16, v12;
	v16 =	vshll.u32 v41, $0x8  }
0x21a: {  	v50 =	vshrl.u32 v10, $0xD;
	v19 =	vand.u32 $0xF800, v45;
	v9 =	vld.idx.msk [tilespmem:v9+s16+$0x0], $0xffff;
	v16 =	vand.u32 $0x1F800, v16  }
0x21b: {  	v37 =	vld.idx.msk [tilespmem:v8+s16+$0x0], $0xffff;
	v8 =	vor.u32 v6, v15;
	v15 =	vshll.u32 v41, $0x7;
	v18 =	vor.u32 v16, v18  }
0x21c: {  	v16 =	vadd.s32 v16, v20;
	v31 =	vperm.xlane v29, v0;
	v33 =	vperm.xlane v27, v0  }
0x21d: {  	v34 =	vperm.xlane v29, v1;
	v15 =	vand.u32 $0x380, v15;
	v35 =	vperm.xlane v27, v1  }
0x21e: {  	[tilespmem:s30+$0x1DBD0] =	vst v14;
	v18 =	vor.u32 v15, v18;
	v15 =	vor.u32 v15, v16;
	v38 =	vsel vm0, v31, v33  }
0x21f: {  	v10 =	vshrl.u32 v10, $0x18;
	v13 =	vor.u32 v13, v15;
	v17 =	vsel vm0, v34, v35;
	[tilespmem:s30+$0x1E2C0] =	vst v38  }
0x220: {  	v10 =	vadd.s32 $0x1, v10;
	v42 =	vperm.xlane v9, v0;
	v43 =	vperm.xlane v37, v0;
	[tilespmem:s30+$0x1E2D0] =	vst v17  }
0x221: {  	v11 =	vsel vm0, v39, v40;
	v9 =	vperm.xlane v9, v1;
	v23 =	vperm.xlane v37, v1;
	v17 =	vld.idx.msk [tilespmem:v21+s16+$0x0], $0xffff  }
0x222: {  	v40 =	vadd.s32 v5, v6;
	v24 =	vand.u32 $0x380, v51;
	[tilespmem:s30+$0x1DBC0] =	vst v11;
	v12 =	vld.idx.msk [tilespmem:v12+s16+$0x0], $0xffff;
	v44 =	vsel vm0, v42, v43  }
0x223: {  	v30 =	vshll.u32 v10, $0x8;
	v16 =	vadd.s32 $0x1, v48;
	v9 =	vsel vm0, v9, v23;
	v18 =	vld.idx.msk [tilespmem:v18+s16+$0x0], $0xffff;
	[tilespmem:s30+$0x1E520] =	vst v44  }
0x224: {  	v10 =	vshll.u32 v10, $0x7;
	v52 =	vshll.u32 v16, $0x3;
	v23 =	vand.u32 $0x400, v50;
	[tilespmem:s30+$0x1E530] =	vst v9;
	v13 =	vld.idx.msk [tilespmem:v13+s16+$0x0], $0xffff  }
0x225: {  	v16 =	vand.u32 $0x7F, v16;
	v22 =	vor.u32 v49, v23;
	v23 =	vand.u32 $0xC00, v52;
	v9 =	vld [tilespmem:s18+$0x30]  }
0x226: {  	v53 =	vor.u32 v19, v22;
	v19 =	vadd.s32 v19, v23;
	v46 =	vperm.xlane v17, v0  }
0x227: {  	v25 =	vor.u32 v24, v53;
	v47 =	vperm.xlane v12, v0;
	v17 =	vperm.xlane v17, v1  }
0x228: {  	v19 =	vor.u32 v24, v19;
	v12 =	vperm.xlane v12, v1;
	v34 =	vperm.xlane v18, v0  }
0x229: {  	v19 =	vor.u32 v16, v19;
	v18 =	vperm.xlane v18, v1;
	v35 =	vperm.xlane v13, v0  }
0x22a: {  	v13 =	vperm.xlane v13, v1;
	v54 =	vsel vm0, v46, v47;
	v55 =	vand.u32 $0xFF, v9  }
0x22b: {  	v56 =	vand.u32 $0x7F, v9;
	v12 =	vsel vm0, v17, v12;
	v57 =	vand.u32 $0xF800, v9  }
0x22c: {  	v58 =	vshll.u32 v9, $0x3;
	v60 =	vshrl.u32 v9, $0x1;
	[tilespmem:s30+$0x1E340] =	vst v54;
	v20 =	vadd.s32 $0x1, v55  }
0x22d: {  	v36 =	vshrl.u32 v9, $0x8;
	[tilespmem:s30+$0x1E350] =	vst v12;
	v59 =	vand.u32 $0x400, v58;
	v61 =	vshll.u32 v20, $0x3  }
0x22e: {  	v17 =	vand.u32 $0x380, v60;
	v12 =	vor.u32 v56, v59;
	v19 =	vld.idx.msk [tilespmem:v19+s16+$0x0], $0xffff;
	v62 =	vand.u32 $0xC00, v61  }
0x22f: {  	v37 =	vand.u32 $0xFF, v36;
	v25 =	vld.idx.msk [tilespmem:v25+s16+$0x0], $0xffff;
	v63 =	vor.u32 v17, v12;
	v24 =	vadd.s32 v62, v57  }
0x230: {  	v28 =	vand.u32 $0x7F, v20;
	v11 =	vor.u32 v57, v63;
	v17 =	vor.u32 v17, v24  }
0x231: {  	v10 =	vand.u32 $0x380, v10;
	v38 =	vadd.s32 $0x1, v37;
	v29 =	vor.u32 v28, v17  }
0x232: {  	v41 =	vsel vm0, v18, v13;
	v42 =	vshll.u32 v38, $0x8;
	v17 =	vand.u32 $0x1F800, v30  }
0x233: {  	v22 =	vor.u32 v17, v22;
	v17 =	vadd.s32 v17, v23;
	v32 =	vperm.xlane v19, v0  }
0x234: {  	[tilespmem:s30+$0x1DC50] =	vst v41;
	v33 =	vperm.xlane v25, v1;
	v22 =	vor.u32 v10, v22;
	v10 =	vor.u32 v10, v17  }
0x235: {  	v19 =	vperm.xlane v19, v1;
	v10 =	vor.u32 v16, v10;
	v11 =	vld.idx.msk [tilespmem:v11+s16+$0x0], $0xffff;
	v16 =	vsel vm0, v34, v35  }
0x236: {  	v49 =	vor.u32 v7, v40;
	v13 =	vand.u32 $0x1F800, v42;
	v31 =	vperm.xlane v25, v0;
	[tilespmem:s30+$0x1DC40] =	vst v16;
	v15 =	vld.idx.msk [tilespmem:v29+s16+$0x0], $0xffff  }
0x237: {  	v12 =	vor.u32 v13, v12;
	v17 =	vsel vm0, v33, v19;
	v33 =	vshrl.u32 v9, $0x10;
	v6 =	vld [tilespmem:s18+$0xFFFFFFE0]  }
0x238: {  	v20 =	vsel vm0, v31, v32;
	[tilespmem:s30+$0x1E2F0] =	vst v17;
	v17 =	vshll.u32 v38, $0x7;
	v42 =	vand.u32 $0xFF, v33  }
0x239: {  	v13 =	vadd.s32 v62, v13;
	[tilespmem:s30+$0x1E2E0] =	vst v20;
	v17 =	vand.u32 $0x380, v17;
	v27 =	vadd.s32 $0x1, v42  }
0x23a: {  	v12 =	vor.u32 v17, v12;
	v13 =	vor.u32 v17, v13;
	v39 =	vld.idx.msk [tilespmem:v22+s16+$0x0], $0xffff;
	v43 =	vperm.xlane v11, v0  }
0x23b: {  	v13 =	vor.u32 v28, v13;
	v11 =	vperm.xlane v11, v1;
	v44 =	vperm.xlane v15, v0  }
0x23c: {  	v10 =	vld.idx.msk [tilespmem:v10+s16+$0x0], $0xffff;
	v15 =	vperm.xlane v15, v1;
	v50 =	vand.u32 $0xFF, v6;
	v52 =	vand.u32 $0x7F, v6  }
0x23d: {  	v53 =	vshll.u32 v6, $0x3;
	v56 =	vshrl.u32 v6, $0x1;
	v61 =	vand.u32 $0xF800, v6  }
0x23e: {  	v55 =	vand.u32 $0x400, v53;
	v57 =	vadd.s32 $0x1, v50;
	v45 =	vsel vm0, v43, v44  }
0x23f: {  	v59 =	vand.u32 $0x380, v56;
	v46 =	vperm.xlane v39, v0;
	v11 =	vsel vm0, v11, v15;
	[tilespmem:s30+$0x1E4C0] =	vst v45  }
0x240: {  	v48 =	vperm.xlane v39, v1;
	v60 =	vshll.u32 v57, $0x3;
	v15 =	vor.u32 v4, v49;
	[tilespmem:s30+$0x1E4D0] =	vst v11  }
0x241: {  	v43 =	vand.u32 $0x7F, v33;
	v44 =	vshrl.u32 v9, $0xD;
	v47 =	vperm.xlane v10, v0;
	v54 =	vld.idx.msk [tilespmem:v12+s16+$0x0], $0xffff  }
0x242: {  	v10 =	vperm.xlane v10, v1;
	v11 =	vand.u32 $0x7F, v57;
	v28 =	vand.u32 $0x400, v44;
	v58 =	vld.idx.msk [tilespmem:v13+s16+$0x0], $0xffff  }
0x243: {  	v45 =	vshrl.u32 v9, $0x11;
	v9 =	vshrl.u32 v9, $0x18;
	v51 =	vsel vm0, v46, v47  }
0x244: {  	v12 =	vor.u32 v52, v55;
	v13 =	vand.u32 $0xC00, v60;
	v10 =	vsel vm0, v48, v10;
	[tilespmem:s30+$0x1E360] =	vst v51  }
0x245: {  	v29 =	vand.u32 $0x380, v45;
	v9 =	vadd.s32 $0x1, v9;
	v62 =	vor.u32 v59, v12;
	[tilespmem:s30+$0x1E370] =	vst v10  }
0x246: {  	v16 =	vadd.s32 v13, v61;
	v46 =	vshll.u32 v27, $0x3;
	v19 =	vor.u32 v61, v62;
	v7 =	vld [tilespmem:s18+$0x90]  }
0x247: {  	v10 =	vor.u32 v59, v16;
	v63 =	vperm.xlane v54, v0;
	v34 =	vperm.xlane v58, v0  }
0x248: {  	v10 =	vor.u32 v11, v10;
	v15 =	vld.idx.msk [tilespmem:v15+s16+$0x0], $0xffff;
	v18 =	vperm.xlane v54, v1;
	v17 =	vperm.xlane v58, v1  }
0x249: {  	v27 =	vand.u32 $0x7F, v27;
	v16 =	vand.u32 $0xF800, v33;
	v61 =	vshrl.u32 v2, $0x8  }
0x24a: {  	v62 =	vshrl.u32 v6, $0x8;
	v49 =	vsel vm0, v63, v34;
	v50 =	vsel vm0, v18, v17  }
0x24b: {  	v63 =	vand.u32 $0xFF, v62;
	v35 =	vand.u32 $0xFF, v7;
	v36 =	vand.u32 $0x7F, v7  }
0x24c: {  	v19 =	vld.idx.msk [tilespmem:v19+s16+$0x0], $0xffff;
	v37 =	vshll.u32 v7, $0x3;
	v38 =	vshrl.u32 v7, $0x1;
	v40 =	vand.u32 $0xF800, v7  }
0x24d: {  	v31 =	vshrl.u32 v7, $0x8;
	v60 =	vld.idx.msk [tilespmem:v10+s16+$0x0], $0xffff;
	v10 =	vperm.xlane v15, v0;
	v44 =	vshrl.u32 v7, $0x10  }
0x24e: {  	v32 =	vshrl.u32 v7, $0x11;
	v15 =	vperm.xlane v15, v1;
	v23 =	vand.u32 $0x400, v37  }
0x24f: {  	v21 =	vadd.s32 $0x1, v35;
	v24 =	vand.u32 $0x380, v38;
	v48 =	vand.u32 $0xFF, v31  }
0x250: {  	[tilespmem:s30+$0x1E550] =	vst v50;
	v50 =	vand.u32 $0x380, v32;
	v22 =	vor.u32 v36, v23;
	v39 =	vshll.u32 v21, $0x3  }
0x251: {  	v21 =	vand.u32 $0x7F, v21;
	v41 =	vor.u32 v24, v22;
	v23 =	vand.u32 $0xC00, v39  }
0x252: {  	v26 =	vor.u32 v40, v41;
	v25 =	vadd.s32 v23, v40;
	v38 =	vperm.xlane v19, v0  }
0x253: {  	v19 =	vperm.xlane v19, v1;
	v24 =	vor.u32 v24, v25;
	v25 =	vor.u32 v43, v28  }
0x254: {  	v40 =	vshll.u32 v9, $0x8;
	v24 =	vor.u32 v21, v24;
	v47 =	vor.u32 v16, v25  }
0x255: {  	v9 =	vshll.u32 v9, $0x7;
	v28 =	vand.u32 $0xC00, v46;
	v30 =	vor.u32 v29, v47  }
0x256: {  	v39 =	vperm.xlane v60, v0;
	v9 =	vand.u32 $0x380, v9;
	v16 =	vadd.s32 v16, v28  }
0x257: {  	v46 =	vand.u32 $0xFF, v44;
	v16 =	vor.u32 v29, v16;
	v29 =	vadd.s32 $0x1, v48  }
0x258: {  	v47 =	vand.u32 $0x7F, v44;
	v48 =	vshrl.u32 v7, $0xD;
	v16 =	vor.u32 v27, v16;
	v26 =	vld.idx.msk [tilespmem:v26+s16+$0x0], $0xffff  }
0x259: {  	[tilespmem:s30+$0x1E540] =	vst v49;
	v7 =	vshrl.u32 v7, $0x18;
	v51 =	vshll.u32 v29, $0x8;
	v53 =	vshll.u32 v29, $0x7;
	v24 =	vld.idx.msk [tilespmem:v24+s16+$0x0], $0xffff  }
0x25a: {  	v7 =	vadd.s32 $0x1, v7;
	v17 =	vand.u32 $0x1F800, v51;
	v54 =	vand.u32 $0x380, v53;
	v56 =	vld.idx.msk [tilespmem:v30+s16+$0x0], $0xffff  }
0x25b: {  	v55 =	vor.u32 v17, v22;
	v17 =	vadd.s32 v23, v17;
	v22 =	vand.u32 $0xFF, v61  }
0x25c: {  	v18 =	vor.u32 v54, v55;
	v14 =	vor.u32 v54, v17;
	v55 =	vperm.xlane v60, v1  }
0x25d: {  	v14 =	vor.u32 v21, v14;
	v16 =	vld.idx.msk [tilespmem:v16+s16+$0x0], $0xffff;
	v52 =	vperm.xlane v26, v0;
	v58 =	vperm.xlane v26, v1  }
0x25e: {  	v30 =	vand.u32 $0x400, v48;
	v57 =	vperm.xlane v24, v0;
	v59 =	vperm.xlane v24, v1  }
0x25f: {  	v24 =	vand.u32 $0x1F800, v40;
	v36 =	vperm.xlane v56, v0;
	v20 =	vperm.xlane v56, v1  }
0x260: {  	v25 =	vor.u32 v24, v25;
	v24 =	vadd.s32 v24, v28;
	v28 =	vor.u32 v47, v30  }
0x261: {  	v31 =	vld.idx.msk [tilespmem:v8+s16+$0x0], $0xffff;
	v56 =	vsel vm0, v38, v39;
	v39 =	vshrl.u32 v6, $0x10;
	v8 =	vsel vm0, v52, v57  }
0x262: {  	v17 =	vsel vm0, v58, v59;
	v37 =	vperm.xlane v16, v0;
	v16 =	vperm.xlane v16, v1  }
0x263: {  	v43 =	vor.u32 v9, v25;
	v9 =	vor.u32 v9, v24;
	v24 =	vand.u32 $0xF800, v44  }
0x264: {  	v52 =	vadd.s32 $0x1, v63;
	v58 =	vsel vm0, v19, v55;
	v63 =	vadd.s32 $0x1, v22  }
0x265: {  	v25 =	vshll.u32 v7, $0x8;
	v7 =	vshll.u32 v7, $0x7;
	v44 =	vand.u32 $0x7F, v39  }
0x266: {  	[tilespmem:s30+$0x1E680] =	vst v8;
	v8 =	vperm.xlane v31, v0;
	v9 =	vor.u32 v27, v9;
	v27 =	vadd.s32 $0x1, v46  }
0x267: {  	[tilespmem:s30+$0x1E690] =	vst v17;
	v51 =	vor.u32 v24, v28;
	v54 =	vshll.u32 v52, $0x8;
	v7 =	vand.u32 $0x380, v7  }
0x268: {  	v34 =	vshll.u32 v63, $0x8;
	v35 =	vshll.u32 v63, $0x7;
	v18 =	vld.idx.msk [tilespmem:v18+s16+$0x0], $0xffff;
	v49 =	vshll.u32 v27, $0x3  }
0x269: {  	v14 =	vld.idx.msk [tilespmem:v14+s16+$0x0], $0xffff;
	v23 =	vsel vm0, v36, v37;
	v16 =	vsel vm0, v20, v16;
	v30 =	vand.u32 $0xC00, v49  }
0x26a: {  	v53 =	vor.u32 v50, v51;
	[tilespmem:s30+$0x1E190] =	vst v16;
	v16 =	vshll.u32 v52, $0x7;
	v24 =	vadd.s32 v24, v30  }
0x26b: {  	v27 =	vand.u32 $0x7F, v27;
	[tilespmem:s30+$0x1E180] =	vst v23;
	v16 =	vand.u32 $0x380, v16;
	v23 =	vor.u32 v50, v24  }
0x26c: {  	v20 =	vld.idx.msk [tilespmem:v43+s16+$0x0], $0xffff;
	v24 =	vand.u32 $0x1F800, v54;
	v43 =	vand.u32 $0xFF, v39;
	v23 =	vor.u32 v27, v23  }
0x26d: {  	v12 =	vor.u32 v24, v12;
	v13 =	vadd.s32 v13, v24;
	v41 =	vperm.xlane v18, v0  }
0x26e: {  	v21 =	vadd.s32 $0x1, v43;
	v42 =	vperm.xlane v14, v0;
	v18 =	vperm.xlane v18, v1  }
0x26f: {  	v14 =	vperm.xlane v14, v1;
	v12 =	vor.u32 v16, v12;
	v13 =	vor.u32 v16, v13  }
0x270: {  	[tilespmem:s30+$0x1DBE0] =	vst v56;
	v9 =	vld.idx.msk [tilespmem:v9+s16+$0x0], $0xffff;
	v16 =	vand.u32 $0x1F800, v25;
	v48 =	vshll.u32 v21, $0x3;
	v45 =	vsel vm0, v41, v42  }
0x271: {  	v29 =	vor.u32 v16, v28;
	v16 =	vadd.s32 v16, v30;
	v14 =	vsel vm0, v18, v14;
	[tilespmem:s30+$0x1E700] =	vst v45  }
0x272: {  	v11 =	vor.u32 v11, v13;
	v19 =	vor.u32 v7, v29;
	v7 =	vor.u32 v7, v16;
	[tilespmem:s30+$0x1E710] =	vst v14  }
0x273: {  	[tilespmem:s30+$0x1DBF0] =	vst v58;
	v16 =	vand.u32 $0x1F800, v34;
	v42 =	vshrl.u32 v6, $0xD;
	v14 =	vperm.xlane v31, v1;
	v57 =	vld.idx.msk [tilespmem:v53+s16+$0x0], $0xffff  }
0x274: {  	v59 =	vperm.xlane v20, v0;
	v61 =	vperm.xlane v20, v1;
	v33 =	vor.u32 v27, v7;
	v62 =	vld.idx.msk [tilespmem:v23+s16+$0x0], $0xffff  }
0x275: {  	v20 =	vand.u32 $0x380, v35;
	v45 =	vshrl.u32 v6, $0x11;
	v60 =	vperm.xlane v9, v0;
	v12 =	vld.idx.msk [tilespmem:v12+s16+$0x0], $0xffff  }
0x276: {  	v3 =	vor.u32 v16, v3;
	v5 =	vadd.s32 v5, v16;
	v9 =	vperm.xlane v9, v1  }
0x277: {  	v23 =	vand.u32 $0x380, v45;
	v3 =	vor.u32 v20, v3;
	v24 =	vsel vm0, v59, v60;
	v11 =	vld.idx.msk [tilespmem:v11+s16+$0x0], $0xffff  }
0x278: {  	v5 =	vor.u32 v20, v5;
	v9 =	vsel vm0, v61, v9;
	[tilespmem:s30+$0x1E200] =	vst v24;
	v26 =	vperm.xlane v57, v0  }
0x279: {  	v4 =	vor.u32 v4, v5;
	[tilespmem:s30+$0x1E210] =	vst v9;
	v31 =	vperm.xlane v62, v0;
	v13 =	vperm.xlane v57, v1  }
0x27a: {  	v9 =	vand.u32 $0xF800, v39;
	v7 =	vld [tilespmem:s18+$0x40];
	v32 =	vperm.xlane v62, v1;
	v37 =	vperm.xlane v12, v0  }
0x27b: {  	v41 =	vperm.xlane v12, v1;
	v12 =	vand.u32 $0x400, v42;
	v36 =	vsel vm0, v26, v31  }
0x27c: {  	v42 =	vshrl.u32 v6, $0x18;
	v38 =	vperm.xlane v11, v0;
	v13 =	vsel vm0, v13, v32;
	[tilespmem:s30+$0x1E6A0] =	vst v36  }
0x27d: {  	v22 =	vor.u32 v44, v12;
	v46 =	vperm.xlane v11, v1;
	v26 =	vand.u32 $0xC00, v48;
	[tilespmem:s30+$0x1E6B0] =	vst v13  }
0x27e: {  	v5 =	vadd.s32 $0x1, v42;
	v12 =	vor.u32 v9, v22;
	v9 =	vadd.s32 v9, v26;
	v19 =	vld.idx.msk [tilespmem:v19+s16+$0x0], $0xffff  }
0x27f: {  	v40 =	vsel vm0, v37, v38;
	v17 =	vld.idx.msk [tilespmem:v33+s16+$0x0], $0xffff;
	v47 =	vor.u32 v23, v12;
	v49 =	vand.u32 $0xFF, v7  }
0x280: {  	v50 =	vand.u32 $0x7F, v7;
	v51 =	vand.u32 $0xF800, v7;
	v54 =	vshll.u32 v7, $0x3  }
0x281: {  	v55 =	vshrl.u32 v7, $0x1;
	v9 =	vor.u32 v23, v9;
	v18 =	vsel vm0, v41, v46  }
0x282: {  	v44 =	vshrl.u32 v7, $0x8;
	v32 =	vshrl.u32 v7, $0x11;
	v30 =	vand.u32 $0x400, v54  }
0x283: {  	v11 =	vadd.s32 $0x1, v49;
	v57 =	vand.u32 $0x380, v55;
	v20 =	vand.u32 $0xFF, v44  }
0x284: {  	v24 =	vand.u32 $0x380, v32;
	v52 =	vperm.xlane v19, v0;
	v53 =	vperm.xlane v17, v0  }
0x285: {  	[tilespmem:s30+$0x1DC60] =	vst v40;
	v56 =	vshll.u32 v11, $0x3;
	v19 =	vperm.xlane v19, v1;
	v17 =	vperm.xlane v17, v1  }
0x286: {  	[tilespmem:s30+$0x1DC70] =	vst v18;
	v58 =	vor.u32 v50, v30;
	v27 =	vand.u32 $0x7F, v11;
	v28 =	vsel vm0, v52, v53  }
0x287: {  	v11 =	vand.u32 $0x7F, v21;
	v20 =	vadd.s32 $0x1, v20;
	v17 =	vsel vm0, v19, v17;
	[tilespmem:s30+$0x1E720] =	vst v28  }
0x288: {  	v59 =	vand.u32 $0xC00, v56;
	v60 =	vor.u32 v57, v58;
	v62 =	vor.u32 v11, v9;
	v63 =	vld.idx.msk [tilespmem:v47+s16+$0x0], $0xffff;
	[tilespmem:s30+$0x1E730] =	vst v17  }
0x289: {  	v9 =	vsel vm0, v8, v10;
	v8 =	vsel vm0, v14, v15;
	v49 =	vshll.u32 v20, $0x8;
	v12 =	vld [tilespmem:s23+$0x1C180]  }
0x28a: {  	v20 =	vshll.u32 v20, $0x7;
	v56 =	vshll.u32 v5, $0x8;
	v5 =	vshll.u32 v5, $0x7  }
0x28b: {  	v61 =	vadd.s32 v59, v51;
	v20 =	vand.u32 $0x380, v20;
	v5 =	vand.u32 $0x380, v5  }
0x28c: {  	v19 =	vor.u32 v57, v61;
	v57 =	vand.u32 $0x1F800, v56;
	v61 =	vshrl.u32 v7, $0x10  }
0x28d: {  	v17 =	vor.u32 v51, v60;
	v19 =	vor.u32 v27, v19;
	v13 =	vld.idx.msk [tilespmem:v62+s16+$0x0], $0xffff;
	v31 =	vand.u32 $0x7F, v61  }
0x28e: {  	v10 =	vperm.xlane v63, v1;
	v33 =	vand.u32 $0xFF, v12;
	v34 =	vand.u32 $0x7F, v12  }
0x28f: {  	v35 =	vshll.u32 v12, $0x3;
	v36 =	vshrl.u32 v12, $0x1;
	v14 =	vadd.s32 $0x1, v33  }
0x290: {  	v38 =	vand.u32 $0xF800, v12;
	v18 =	vand.u32 $0x400, v35;
	v37 =	vshll.u32 v14, $0x3  }
0x291: {  	v21 =	vand.u32 $0x380, v36;
	v15 =	vor.u32 v34, v18;
	v18 =	vand.u32 $0xC00, v37  }
0x292: {  	v17 =	vld.idx.msk [tilespmem:v17+s16+$0x0], $0xffff;
	v48 =	vperm.xlane v13, v0;
	v39 =	vor.u32 v21, v15;
	v23 =	vadd.s32 v18, v38  }
0x293: {  	v19 =	vld.idx.msk [tilespmem:v19+s16+$0x0], $0xffff;
	v14 =	vand.u32 $0x7F, v14;
	v40 =	vor.u32 v38, v39;
	v41 =	vor.u32 v21, v23  }
0x294: {  	v13 =	vperm.xlane v13, v1;
	v50 =	vshrl.u32 v12, $0x8;
	v43 =	vor.u32 v14, v41  }
0x295: {  	v47 =	vperm.xlane v63, v0;
	v63 =	vand.u32 $0xFF, v61;
	v30 =	vand.u32 $0xFF, v50  }
0x296: {  	v10 =	vsel vm0, v10, v13;
	v33 =	vshrl.u32 v12, $0x10;
	v30 =	vadd.s32 $0x1, v30  }
0x297: {  	v36 =	vand.u32 $0xFF, v33;
	v52 =	vshll.u32 v30, $0x8;
	v30 =	vshll.u32 v30, $0x7  }
0x298: {  	v37 =	vand.u32 $0x7F, v33;
	v45 =	vperm.xlane v17, v0;
	v46 =	vperm.xlane v19, v0;
	v16 =	vld.idx.msk [tilespmem:v40+s16+$0x0], $0xffff  }
0x299: {  	v17 =	vperm.xlane v17, v1;
	v19 =	vperm.xlane v19, v1;
	v23 =	vand.u32 $0x1F800, v49;
	v6 =	vld.idx.msk [tilespmem:v43+s16+$0x0], $0xffff  }
0x29a: {  	v30 =	vand.u32 $0x380, v30;
	v38 =	vshrl.u32 v12, $0xD;
	v28 =	vor.u32 v23, v58  }
0x29b: {  	v39 =	vshrl.u32 v12, $0x11;
	v51 =	vor.u32 v20, v28;
	v28 =	vand.u32 $0x1F800, v52  }
0x29c: {  	v12 =	vshrl.u32 v12, $0x18;
	v29 =	vand.u32 $0x400, v38;
	v15 =	vor.u32 v28, v15  }
0x29d: {  	v17 =	vsel vm0, v17, v19;
	v18 =	vadd.s32 v18, v28;
	v15 =	vor.u32 v30, v15  }
0x29e: {  	v18 =	vor.u32 v30, v18;
	v53 =	vperm.xlane v16, v0;
	v54 =	vperm.xlane v6, v0  }
0x29f: {  	v14 =	vor.u32 v14, v18;
	v16 =	vperm.xlane v16, v1;
	v6 =	vperm.xlane v6, v1  }
0x2a0: {  	v12 =	vadd.s32 $0x1, v12;
	v21 =	vsel vm0, v45, v46;
	[tilespmem:s30+$0x1E1B0] =	vst v17;
	v55 =	vsel vm0, v53, v54  }
0x2a1: {  	v58 =	vor.u32 v57, v22;
	v59 =	vadd.s32 v59, v23;
	v6 =	vsel vm0, v16, v6;
	[tilespmem:s30+$0x1E6C0] =	vst v55  }
0x2a2: {  	v23 =	vand.u32 $0xF800, v33;
	v60 =	vor.u32 v20, v59;
	v17 =	vand.u32 $0xF800, v61;
	[tilespmem:s30+$0x1E6D0] =	vst v6  }
0x2a3: {  	[tilespmem:s30+$0x1E1A0] =	vst v21;
	v21 =	vadd.s32 $0x1, v63;
	v13 =	vor.u32 v27, v60;
	v27 =	vadd.s32 $0x1, v36;
	v15 =	vld.idx.msk [tilespmem:v15+s16+$0x0], $0xffff  }
0x2a4: {  	v28 =	vor.u32 v37, v29;
	v49 =	vand.u32 $0x7F, v21;
	v30 =	vshrl.u32 v7, $0xD;
	v14 =	vld.idx.msk [tilespmem:v14+s16+$0x0], $0xffff  }
0x2a5: {  	v40 =	vshll.u32 v27, $0x3;
	v41 =	vor.u32 v23, v28;
	v27 =	vand.u32 $0x7F, v27  }
0x2a6: {  	v7 =	vshrl.u32 v7, $0x18;
	v18 =	vsel vm0, v47, v48;
	v22 =	vand.u32 $0x400, v30  }
0x2a7: {  	v30 =	vand.u32 $0x380, v39;
	v29 =	vand.u32 $0xC00, v40;
	v7 =	vadd.s32 $0x1, v7  }
0x2a8: {  	v22 =	vor.u32 v31, v22;
	v31 =	vor.u32 v30, v41;
	v23 =	vadd.s32 v23, v29;
	v19 =	vld.idx.msk [tilespmem:v51+s16+$0x0], $0xffff  }
0x2a9: {  	v23 =	vor.u32 v30, v23;
	v13 =	vld.idx.msk [tilespmem:v13+s16+$0x0], $0xffff;
	v34 =	vperm.xlane v15, v0;
	v35 =	vperm.xlane v14, v0  }
0x2aa: {  	v23 =	vor.u32 v27, v23;
	v15 =	vperm.xlane v15, v1;
	v14 =	vperm.xlane v14, v1  }
0x2ab: {  	[tilespmem:s30+$0x1DDA0] =	vst v9;
	v43 =	vshll.u32 v21, $0x3;
	v60 =	vshll.u32 v7, $0x8;
	v25 =	vsel vm0, v34, v35  }
0x2ac: {  	v42 =	vor.u32 v17, v22;
	v46 =	vand.u32 $0xC00, v43;
	v14 =	vsel vm0, v15, v14;
	[tilespmem:s30+$0x1E740] =	vst v25  }
0x2ad: {  	v45 =	vor.u32 v24, v42;
	v17 =	vadd.s32 v17, v46;
	v47 =	vperm.xlane v19, v1;
	[tilespmem:s30+$0x1E750] =	vst v14  }
0x2ae: {  	v17 =	vor.u32 v24, v17;
	v44 =	vperm.xlane v13, v0;
	v13 =	vperm.xlane v13, v1;
	v48 =	vld.idx.msk [tilespmem:v31+s16+$0x0], $0xffff  }
0x2af: {  	v50 =	vor.u32 v49, v17;
	v62 =	vperm.xlane v19, v0;
	v16 =	vadd.s32 v57, v26;
	v51 =	vld.idx.msk [tilespmem:v23+s16+$0x0], $0xffff  }
0x2b0: {  	[tilespmem:s30+$0x1DDB0] =	vst v8;
	v53 =	vshll.u32 v12, $0x8;
	v12 =	vshll.u32 v12, $0x7;
	v13 =	vsel vm0, v47, v13  }
0x2b1: {  	v6 =	vor.u32 v5, v58;
	[tilespmem:s30+$0x1E230] =	vst v13;
	v13 =	vand.u32 $0x1F800, v53;
	v15 =	vsel vm0, v62, v44  }
0x2b2: {  	v5 =	vor.u32 v5, v16;
	v55 =	vand.u32 $0x380, v12;
	v56 =	vor.u32 v13, v28;
	[tilespmem:s30+$0x1E220] =	vst v15  }
0x2b3: {  	v5 =	vor.u32 v11, v5;
	v13 =	vadd.s32 v13, v29;
	v12 =	vor.u32 v55, v56;
	v52 =	vld.idx.msk [tilespmem:v45+s16+$0x0], $0xffff  }
0x2b4: {  	v9 =	vor.u32 v55, v13;
	v14 =	vld.idx.msk [tilespmem:v50+s16+$0x0], $0xffff;
	v54 =	vperm.xlane v48, v0;
	v57 =	vperm.xlane v51, v0  }
0x2b5: {  	[tilespmem:s30+$0x1DF90] =	vst v10;
	v9 =	vor.u32 v27, v9;
	v58 =	vperm.xlane v48, v1;
	v15 =	vperm.xlane v51, v1  }
0x2b6: {  	[tilespmem:s30+$0x1DF80] =	vst v18;
	v61 =	vand.u32 $0x1F800, v60;
	v16 =	vsel vm0, v54, v57  }
0x2b7: {  	v7 =	vshll.u32 v7, $0x7;
	v63 =	vadd.s32 v61, v46;
	v6 =	vld.idx.msk [tilespmem:v6+s16+$0x0], $0xffff;
	v13 =	vsel vm0, v58, v15;
	[tilespmem:s30+$0x1E380] =	vst v16  }
0x2b8: {  	v7 =	vand.u32 $0x380, v7;
	v5 =	vld.idx.msk [tilespmem:v5+s16+$0x0], $0xffff;
	v62 =	vor.u32 v61, v22;
	v59 =	vperm.xlane v52, v0;
	[tilespmem:s30+$0x1E390] =	vst v13  }
0x2b9: {  	v21 =	vperm.xlane v14, v0;
	v15 =	vor.u32 v7, v62;
	v7 =	vor.u32 v7, v63;
	v12 =	vld.idx.msk [tilespmem:v12+s16+$0x0], $0xffff  }
0x2ba: {  	v11 =	vperm.xlane v52, v1;
	v14 =	vperm.xlane v14, v1;
	v7 =	vor.u32 v49, v7;
	v9 =	vld.idx.msk [tilespmem:v9+s16+$0x0], $0xffff  }
0x2bb: {  	v4 =	vld.idx.msk [tilespmem:v4+s16+$0x0], $0xffff;
	v22 =	vsel vm0, v59, v21  }
0x2bc: {  	v23 =	vld.idx.msk [tilespmem:v3+s16+$0x0], $0xffff;
	v3 =	vsel vm0, v11, v14;
	[tilespmem:s30+$0x1E1C0] =	vst v22  }
0x2bd: {  	v24 =	vperm.xlane v6, v0;
	v25 =	vperm.xlane v5, v0;
	[tilespmem:s30+$0x1E1D0] =	vst v3  }
0x2be: {  	v5 =	vperm.xlane v5, v1;
	v3 =	vperm.xlane v6, v1;
	v26 =	vld.idx.msk [tilespmem:v15+s16+$0x0], $0xffff  }
0x2bf: {  	v8 =	vsel vm0, v24, v25;
	v7 =	vld.idx.msk [tilespmem:v7+s16+$0x0], $0xffff;
	v27 =	vperm.xlane v12, v0;
	v28 =	vperm.xlane v9, v0  }
0x2c0: {  	[tilespmem:s30+$0x1E000] =	vst v8;
	v3 =	vsel vm0, v3, v5;
	v29 =	vperm.xlane v12, v1;
	v30 =	vperm.xlane v9, v1  }
0x2c1: {  	v32 =	vperm.xlane v4, v0;
	[tilespmem:s30+$0x1E010] =	vst v3;
	v3 =	vsel vm0, v27, v28  }
0x2c2: {  	v4 =	vperm.xlane v4, v1;
	v10 =	vperm.xlane v23, v1;
	v5 =	vsel vm0, v29, v30;
	[tilespmem:s30+$0x1E400] =	vst v3;
	v3 =	vld [tilespmem:s18+$0xFFFFFFF0]  }
0x2c3: {  	[tilespmem:s30+$0x1E410] =	vst v5;
	v33 =	vperm.xlane v26, v0;
	v6 =	vperm.xlane v26, v1  }
0x2c4: {  	v34 =	vperm.xlane v7, v0;
	v8 =	vld [tilespmem:s18+$0xB0];
	v35 =	vperm.xlane v7, v1  }
0x2c5: {  	v31 =	vperm.xlane v23, v0;
	v4 =	vsel vm0, v10, v4  }
0x2c6: {  	v7 =	vshrl.u32 v2, $0x10;
	v5 =	vsel vm0, v33, v34;
	v6 =	vsel vm0, v6, v35  }
0x2c7: {  	[tilespmem:s30+$0x1E240] =	vst v5;
	v5 =	vsel vm0, v31, v32;
	v36 =	vand.u32 $0xFF, v3;
	v44 =	vand.u32 $0x7F, v3  }
0x2c8: {  	v54 =	vand.u32 $0xF800, v3;
	v55 =	vshll.u32 v3, $0x3;
	v56 =	vshrl.u32 v3, $0x1  }
0x2c9: {  	v37 =	vand.u32 $0xFF, v8;
	v38 =	vand.u32 $0x7F, v8;
	v39 =	vshll.u32 v8, $0x3  }
0x2ca: {  	v40 =	vshrl.u32 v8, $0x1;
	v42 =	vand.u32 $0xF800, v8;
	v52 =	vshrl.u32 v8, $0x8  }
0x2cb: {  	v60 =	vand.u32 $0x400, v55;
	v61 =	vand.u32 $0x380, v56;
	v63 =	vadd.s32 $0x1, v36  }
0x2cc: {  	v36 =	vshrl.u32 v8, $0x10;
	v12 =	vand.u32 $0x400, v39;
	v10 =	vadd.s32 $0x1, v37  }
0x2cd: {  	[tilespmem:s30+$0x1E250] =	vst v6;
	v13 =	vand.u32 $0x380, v40;
	v53 =	vand.u32 $0xFF, v52;
	v9 =	vor.u32 v44, v60  }
0x2ce: {  	v6 =	vld [tilespmem:s18+$0x50];
	v29 =	vshll.u32 v63, $0x3;
	v39 =	vand.u32 $0xFF, v36;
	v40 =	vand.u32 $0x7F, v36  }
0x2cf: {  	v44 =	vshrl.u32 v8, $0x11;
	v11 =	vor.u32 v38, v12;
	v41 =	vshll.u32 v10, $0x3  }
0x2d0: {  	v10 =	vand.u32 $0x7F, v10;
	v31 =	vor.u32 v61, v9;
	v23 =	vadd.s32 $0x1, v39  }
0x2d1: {  	v43 =	vor.u32 v13, v11;
	v12 =	vand.u32 $0xC00, v41;
	v41 =	vshrl.u32 v8, $0xD  }
0x2d2: {  	v8 =	vshrl.u32 v8, $0x18;
	v15 =	vor.u32 v42, v43;
	v14 =	vadd.s32 v12, v42  }
0x2d3: {  	v45 =	vand.u32 $0xFF, v6;
	v46 =	vand.u32 $0x7F, v6;
	v47 =	vshll.u32 v6, $0x3  }
0x2d4: {  	v48 =	vshrl.u32 v6, $0x1;
	v50 =	vand.u32 $0xF800, v6;
	v28 =	vshrl.u32 v6, $0x8  }
0x2d5: {  	v42 =	vand.u32 $0xF800, v36;
	v43 =	vand.u32 $0x400, v41;
	v56 =	vshrl.u32 v6, $0xD  }
0x2d6: {  	v8 =	vadd.s32 $0x1, v8;
	v36 =	vshrl.u32 v3, $0x8;
	v13 =	vor.u32 v13, v14  }
0x2d7: {  	v18 =	vand.u32 $0x400, v47;
	v17 =	vadd.s32 $0x1, v45;
	v19 =	vand.u32 $0x380, v48  }
0x2d8: {  	v30 =	vand.u32 $0xFF, v28;
	v45 =	vshll.u32 v23, $0x3;
	v13 =	vor.u32 v10, v13  }
0x2d9: {  	v23 =	vand.u32 $0x7F, v23;
	v14 =	vor.u32 v46, v18;
	v49 =	vshll.u32 v17, $0x3  }
0x2da: {  	v48 =	vand.u32 $0xFF, v7;
	v51 =	vor.u32 v19, v14;
	v18 =	vand.u32 $0xC00, v49  }
0x2db: {  	v27 =	vand.u32 $0x400, v56;
	v21 =	vor.u32 v50, v51;
	v20 =	vadd.s32 v18, v50  }
0x2dc: {  	v39 =	vand.u32 $0xFF, v36;
	v17 =	vand.u32 $0x7F, v17;
	v15 =	vld.idx.msk [tilespmem:v15+s16+$0x0], $0xffff;
	v19 =	vor.u32 v19, v20  }
0x2dd: {  	v50 =	vshrl.u32 v6, $0x10;
	v20 =	vadd.s32 $0x1, v53;
	v19 =	vor.u32 v17, v19;
	v13 =	vld.idx.msk [tilespmem:v13+s16+$0x0], $0xffff  }
0x2de: {  	v55 =	vand.u32 $0x7F, v50;
	v57 =	vshll.u32 v20, $0x8;
	v20 =	vshll.u32 v20, $0x7  }
0x2df: {  	v25 =	vand.u32 $0x1F800, v57;
	v20 =	vand.u32 $0x380, v20;
	v57 =	vshrl.u32 v6, $0x11  }
0x2e0: {  	v6 =	vshrl.u32 v6, $0x18;
	v11 =	vor.u32 v25, v11;
	v12 =	vadd.s32 v12, v25;
	v21 =	vld.idx.msk [tilespmem:v21+s16+$0x0], $0xffff  }
0x2e1: {  	v28 =	vand.u32 $0x380, v57;
	v11 =	vor.u32 v20, v11;
	v58 =	vperm.xlane v15, v0  }
0x2e2: {  	v12 =	vor.u32 v20, v12;
	v15 =	vperm.xlane v15, v1;
	v19 =	vld.idx.msk [tilespmem:v19+s16+$0x0], $0xffff;
	v59 =	vperm.xlane v13, v0  }
0x2e3: {  	v12 =	vor.u32 v10, v12;
	v10 =	vand.u32 $0xC00, v29;
	v13 =	vperm.xlane v13, v1  }
0x2e4: {  	v6 =	vadd.s32 $0x1, v6;
	v47 =	vadd.s32 v10, v54;
	v62 =	vsel vm0, v58, v59  }
0x2e5: {  	v13 =	vsel vm0, v15, v13;
	v15 =	vadd.s32 $0x1, v30;
	v32 =	vperm.xlane v21, v0;
	[tilespmem:s30+$0x1E3A0] =	vst v62  }
0x2e6: {  	v21 =	vperm.xlane v21, v1;
	v59 =	vshll.u32 v8, $0x8;
	[tilespmem:s30+$0x1E3B0] =	vst v13;
	v34 =	vshll.u32 v15, $0x8  }
0x2e7: {  	v15 =	vshll.u32 v15, $0x7;
	v11 =	vld.idx.msk [tilespmem:v11+s16+$0x0], $0xffff;
	v33 =	vperm.xlane v19, v0;
	v25 =	vand.u32 $0x1F800, v34  }
0x2e8: {  	v12 =	vld.idx.msk [tilespmem:v12+s16+$0x0], $0xffff;
	v19 =	vperm.xlane v19, v1;
	v15 =	vand.u32 $0x380, v15;
	v18 =	vadd.s32 v18, v25  }
0x2e9: {  	v14 =	vor.u32 v25, v14;
	v16 =	vsel vm0, v32, v33;
	v18 =	vor.u32 v15, v18  }
0x2ea: {  	v25 =	vand.u32 $0xC00, v45;
	v19 =	vsel vm0, v21, v19;
	v35 =	vor.u32 v17, v18;
	[tilespmem:s30+$0x1E1E0] =	vst v16  }
0x2eb: {  	[tilespmem:s30+$0x1E1F0] =	vst v19;
	v17 =	vor.u32 v40, v43;
	v19 =	vand.u32 $0x380, v44;
	v16 =	vadd.s32 v42, v25  }
0x2ec: {  	v8 =	vshll.u32 v8, $0x7;
	v46 =	vor.u32 v42, v17;
	v16 =	vor.u32 v19, v16  }
0x2ed: {  	v37 =	vperm.xlane v11, v0;
	v38 =	vperm.xlane v12, v0;
	v26 =	vor.u32 v19, v46  }
0x2ee: {  	v11 =	vperm.xlane v11, v1;
	v12 =	vperm.xlane v12, v1;
	v16 =	vor.u32 v23, v16  }
0x2ef: {  	v13 =	vor.u32 v54, v31;
	v54 =	vand.u32 $0xFF, v50;
	v18 =	vsel vm0, v37, v38  }
0x2f0: {  	v30 =	vand.u32 $0x1F800, v59;
	v8 =	vand.u32 $0x380, v8;
	v11 =	vsel vm0, v11, v12;
	[tilespmem:s30+$0x1E420] =	vst v18  }
0x2f1: {  	v62 =	vor.u32 v55, v27;
	v24 =	vadd.s32 $0x1, v54;
	v14 =	vor.u32 v15, v14;
	[tilespmem:s30+$0x1E430] =	vst v11  }
0x2f2: {  	v58 =	vshll.u32 v24, $0x3;
	v24 =	vand.u32 $0x7F, v24;
	v21 =	vand.u32 $0x7F, v63;
	v53 =	vld.idx.msk [tilespmem:v26+s16+$0x0], $0xffff  }
0x2f3: {  	v63 =	vand.u32 $0xC00, v58;
	v33 =	vand.u32 $0x7F, v7;
	v7 =	vand.u32 $0xF800, v7;
	v16 =	vld.idx.msk [tilespmem:v16+s16+$0x0], $0xffff  }
0x2f4: {  	v25 =	vadd.s32 v30, v25;
	v17 =	vor.u32 v30, v17;
	v30 =	vshrl.u32 v2, $0x11  }
0x2f5: {  	v19 =	vor.u32 v61, v47;
	v17 =	vor.u32 v8, v17;
	v8 =	vor.u32 v8, v25  }
0x2f6: {  	v49 =	vor.u32 v21, v19;
	v8 =	vor.u32 v23, v8;
	v14 =	vld.idx.msk [tilespmem:v14+s16+$0x0], $0xffff;
	v37 =	vshrl.u32 v2, $0xD  }
0x2f7: {  	v38 =	vadd.s32 $0x1, v48;
	v12 =	vadd.s32 $0x1, v39;
	v2 =	vshrl.u32 v2, $0x18;
	v15 =	vld.idx.msk [tilespmem:v35+s16+$0x0], $0xffff  }
0x2f8: {  	v11 =	vand.u32 $0xF800, v50;
	v60 =	vperm.xlane v53, v0;
	v61 =	vperm.xlane v16, v0  }
0x2f9: {  	v13 =	vld.idx.msk [tilespmem:v13+s16+$0x0], $0xffff;
	v41 =	vshll.u32 v12, $0x8;
	v22 =	vperm.xlane v53, v1;
	v16 =	vperm.xlane v16, v1  }
0x2fa: {  	v27 =	vor.u32 v11, v62;
	v11 =	vadd.s32 v11, v63;
	v31 =	vsel vm0, v60, v61  }
0x2fb: {  	v12 =	vshll.u32 v12, $0x7;
	v32 =	vor.u32 v28, v27;
	v18 =	vld.idx.msk [tilespmem:v49+s16+$0x0], $0xffff;
	v16 =	vsel vm0, v22, v16;
	[tilespmem:s30+$0x1E3C0] =	vst v31  }
0x2fc: {  	v11 =	vor.u32 v28, v11;
	v51 =	vperm.xlane v14, v0;
	v52 =	vperm.xlane v15, v0;
	[tilespmem:s30+$0x1E3D0] =	vst v16  }
0x2fd: {  	v11 =	vor.u32 v24, v11;
	v14 =	vperm.xlane v14, v1;
	v15 =	vperm.xlane v15, v1;
	v16 =	vld.idx.msk [tilespmem:v17+s16+$0x0], $0xffff  }
0x2fe: {  	v34 =	vperm.xlane v13, v0;
	v13 =	vperm.xlane v13, v1;
	v19 =	vsel vm0, v51, v52;
	v8 =	vld.idx.msk [tilespmem:v8+s16+$0x0], $0xffff  }
0x2ff: {  	v12 =	vand.u32 $0x380, v12;
	v49 =	vshll.u32 v6, $0x8;
	v14 =	vsel vm0, v14, v15;
	[tilespmem:s30+$0x1E260] =	vst v19  }
0x300: {  	v6 =	vshll.u32 v6, $0x7;
	v35 =	vperm.xlane v18, v0;
	v18 =	vperm.xlane v18, v1;
	[tilespmem:s30+$0x1E270] =	vst v14  }
0x301: {  	v26 =	vand.u32 $0x400, v37;
	v27 =	vshll.u32 v38, $0x3;
	v6 =	vand.u32 $0x380, v6;
	v40 =	vld.idx.msk [tilespmem:v32+s16+$0x0], $0xffff  }
0x302: {  	v11 =	vld.idx.msk [tilespmem:v11+s16+$0x0], $0xffff;
	v20 =	vsel vm0, v34, v35;
	v13 =	vsel vm0, v13, v18;
	v18 =	vand.u32 $0x1F800, v41  }
0x303: {  	v31 =	vand.u32 $0x380, v30;
	v42 =	vperm.xlane v16, v0;
	v43 =	vperm.xlane v8, v0  }
0x304: {  	v9 =	vor.u32 v18, v9;
	v16 =	vperm.xlane v16, v1;
	v8 =	vperm.xlane v8, v1  }
0x305: {  	v10 =	vadd.s32 v10, v18;
	v46 =	vor.u32 v12, v9;
	v22 =	vsel vm0, v42, v43  }
0x306: {  	v47 =	vor.u32 v12, v10;
	v10 =	vor.u32 v33, v26;
	v8 =	vsel vm0, v16, v8;
	[tilespmem:s30+$0x1E440] =	vst v22  }
0x307: {  	v9 =	vor.u32 v21, v47;
	v44 =	vperm.xlane v40, v0;
	v45 =	vperm.xlane v11, v0;
	[tilespmem:s30+$0x1E450] =	vst v8  }
0x308: {  	[tilespmem:s30+$0x1DFA0] =	vst v20;
	v32 =	vor.u32 v7, v10;
	v15 =	vperm.xlane v40, v1;
	v11 =	vperm.xlane v11, v1;
	v12 =	vld [tilespmem:s18+$0xC0]  }
0x309: {  	[tilespmem:s30+$0x1DFB0] =	vst v13;
	v17 =	vor.u32 v31, v32;
	v48 =	vsel vm0, v44, v45;
	v44 =	vshrl.u32 v3, $0x10  }
0x30a: {  	v11 =	vsel vm0, v15, v11;
	v58 =	vld.idx.msk [tilespmem:v46+s16+$0x0], $0xffff;
	v46 =	vand.u32 $0xFF, v44;
	v16 =	vand.u32 $0x1F800, v49  }
0x30b: {  	[tilespmem:s30+$0x1E580] =	vst v48;
	v48 =	vand.u32 $0x7F, v44;
	v50 =	vor.u32 v16, v62;
	v16 =	vadd.s32 v16, v63  }
0x30c: {  	v49 =	vshrl.u32 v3, $0xD;
	v18 =	vor.u32 v6, v50;
	v6 =	vor.u32 v6, v16  }
0x30d: {  	v6 =	vor.u32 v24, v6;
	v51 =	vand.u32 $0xFF, v12;
	v52 =	vand.u32 $0x7F, v12  }
0x30e: {  	v53 =	vand.u32 $0xF800, v12;
	v54 =	vshll.u32 v12, $0x3;
	v16 =	vadd.s32 $0x1, v51  }
0x30f: {  	v63 =	vld.idx.msk [tilespmem:v9+s16+$0x0], $0xffff;
	v56 =	vshrl.u32 v12, $0x1;
	v55 =	vand.u32 $0x400, v54;
	v57 =	vshll.u32 v16, $0x3  }
0x310: {  	v59 =	vand.u32 $0x380, v56;
	v13 =	vor.u32 v52, v55;
	v60 =	vand.u32 $0xC00, v57  }
0x311: {  	v9 =	vand.u32 $0xC00, v27;
	v61 =	vor.u32 v59, v13;
	v62 =	vadd.s32 v60, v53  }
0x312: {  	[tilespmem:s30+$0x1E590] =	vst v11;
	v16 =	vand.u32 $0x7F, v16;
	v25 =	vor.u32 v53, v61;
	v8 =	vor.u32 v59, v62  }
0x313: {  	v7 =	vadd.s32 v7, v9;
	v50 =	vand.u32 $0x400, v49;
	v28 =	vld.idx.msk [tilespmem:v18+s16+$0x0], $0xffff;
	v29 =	vor.u32 v16, v8  }
0x314: {  	v14 =	vor.u32 v31, v7;
	v33 =	vperm.xlane v58, v0;
	v34 =	vperm.xlane v63, v0;
	v6 =	vld.idx.msk [tilespmem:v6+s16+$0x0], $0xffff  }
0x315: {  	v36 =	vperm.xlane v58, v1;
	v22 =	vperm.xlane v63, v1;
	v35 =	vshrl.u32 v12, $0x8  }
0x316: {  	v58 =	vshrl.u32 v12, $0x10;
	v20 =	vand.u32 $0xFF, v35;
	v19 =	vsel vm0, v33, v34  }
0x317: {  	v22 =	vsel vm0, v36, v22;
	v51 =	vshrl.u32 v3, $0x11;
	v20 =	vadd.s32 $0x1, v20;
	v11 =	vld.idx.msk [tilespmem:v25+s16+$0x0], $0xffff  }
0x318: {  	v63 =	vand.u32 $0x7F, v58;
	v39 =	vshll.u32 v20, $0x8;
	v20 =	vshll.u32 v20, $0x7;
	v18 =	vld.idx.msk [tilespmem:v29+s16+$0x0], $0xffff  }
0x319: {  	v37 =	vperm.xlane v28, v0;
	v8 =	vand.u32 $0x7F, v38;
	v38 =	vperm.xlane v6, v0  }
0x31a: {  	v40 =	vand.u32 $0x1F800, v39;
	v15 =	vperm.xlane v28, v1;
	v6 =	vperm.xlane v6, v1  }
0x31b: {  	v41 =	vand.u32 $0x380, v20;
	v13 =	vor.u32 v40, v13;
	v24 =	vsel vm0, v37, v38  }
0x31c: {  	v47 =	vadd.s32 v60, v40;
	v13 =	vor.u32 v41, v13;
	v6 =	vsel vm0, v15, v6;
	[tilespmem:s30+$0x1E600] =	vst v24  }
0x31d: {  	v7 =	vor.u32 v41, v47;
	[tilespmem:s30+$0x1E610] =	vst v6;
	v42 =	vperm.xlane v11, v0;
	v43 =	vperm.xlane v18, v0  }
0x31e: {  	v16 =	vor.u32 v16, v7;
	v6 =	vld [tilespmem:s18+$0x60];
	v11 =	vperm.xlane v11, v1;
	v18 =	vperm.xlane v18, v1  }
0x31f: {  	v33 =	vshrl.u32 v12, $0xD;
	v35 =	vshrl.u32 v12, $0x11;
	v45 =	vsel vm0, v42, v43  }
0x320: {  	v12 =	vshrl.u32 v12, $0x18;
	v62 =	vand.u32 $0xFF, v58;
	v11 =	vsel vm0, v11, v18;
	[tilespmem:s30+$0x1E3E0] =	vst v45  }
0x321: {  	v52 =	vand.u32 $0xF800, v44;
	v12 =	vadd.s32 $0x1, v12;
	v27 =	vadd.s32 $0x1, v62;
	[tilespmem:s30+$0x1E3F0] =	vst v11  }
0x322: {  	v47 =	vshll.u32 v12, $0x8;
	v12 =	vshll.u32 v12, $0x7;
	v7 =	vor.u32 v48, v50;
	v13 =	vld.idx.msk [tilespmem:v13+s16+$0x0], $0xffff  }
0x323: {  	v34 =	vshll.u32 v27, $0x3;
	v27 =	vand.u32 $0x7F, v27;
	v55 =	vshll.u32 v6, $0x3;
	v60 =	vld.idx.msk [tilespmem:v16+s16+$0x0], $0xffff  }
0x324: {  	v29 =	vand.u32 $0x400, v33;
	v54 =	vand.u32 $0x7F, v6;
	v23 =	vand.u32 $0x400, v55  }
0x325: {  	v28 =	vor.u32 v63, v29;
	v18 =	vor.u32 v54, v23;
	v23 =	vand.u32 $0xF800, v58  }
0x326: {  	v36 =	vand.u32 $0xC00, v34;
	v37 =	vand.u32 $0x380, v35;
	v38 =	vor.u32 v23, v28  }
0x327: {  	v12 =	vand.u32 $0x380, v12;
	v23 =	vadd.s32 v23, v36;
	v31 =	vor.u32 v37, v38  }
0x328: {  	v23 =	vor.u32 v37, v23;
	v61 =	vperm.xlane v13, v0;
	v39 =	vperm.xlane v60, v0  }
0x329: {  	v23 =	vor.u32 v27, v23;
	v13 =	vperm.xlane v13, v1;
	v11 =	vperm.xlane v60, v1  }
0x32a: {  	v15 =	vand.u32 $0x380, v51;
	v44 =	vor.u32 v52, v7;
	v16 =	vsel vm0, v61, v39  }
0x32b: {  	v24 =	vor.u32 v15, v44;
	v53 =	vand.u32 $0xFF, v6;
	v11 =	vsel vm0, v13, v11;
	[tilespmem:s30+$0x1E460] =	vst v16  }
0x32c: {  	v56 =	vand.u32 $0xF800, v6;
	v59 =	vadd.s32 $0x1, v53;
	v42 =	vadd.s32 $0x1, v46;
	[tilespmem:s30+$0x1E470] =	vst v11  }
0x32d: {  	v57 =	vshrl.u32 v6, $0x1;
	v40 =	vshll.u32 v59, $0x3;
	v45 =	vshll.u32 v42, $0x3;
	v46 =	vld.idx.msk [tilespmem:v31+s16+$0x0], $0xffff  }
0x32e: {  	v25 =	vand.u32 $0x380, v57;
	v30 =	vand.u32 $0xC00, v40;
	v11 =	vand.u32 $0xC00, v45;
	v23 =	vld.idx.msk [tilespmem:v23+s16+$0x0], $0xffff  }
0x32f: {  	v26 =	vand.u32 $0x7F, v59;
	v43 =	vadd.s32 v30, v56;
	v21 =	vadd.s32 v52, v11  }
0x330: {  	v20 =	vor.u32 v25, v43;
	v15 =	vor.u32 v15, v21;
	v21 =	vand.u32 $0x1F800, v47  }
0x331: {  	v41 =	vor.u32 v25, v18;
	v20 =	vor.u32 v26, v20;
	v28 =	vor.u32 v21, v28  }
0x332: {  	v13 =	vor.u32 v56, v41;
	v21 =	vadd.s32 v21, v36;
	v28 =	vor.u32 v12, v28  }
0x333: {  	[tilespmem:s30+$0x1DE30] =	vst v4;
	v12 =	vor.u32 v12, v21;
	v49 =	vperm.xlane v46, v0;
	v50 =	vperm.xlane v23, v0  }
0x334: {  	[tilespmem:s30+$0x1DE20] =	vst v5;
	v12 =	vor.u32 v27, v12;
	v25 =	vperm.xlane v46, v1;
	v23 =	vperm.xlane v23, v1  }
0x335: {  	v17 =	vld.idx.msk [tilespmem:v17+s16+$0x0], $0xffff;
	v3 =	vshrl.u32 v3, $0x18;
	v48 =	vshrl.u32 v6, $0x8;
	v52 =	vsel vm0, v49, v50  }
0x336: {  	v14 =	vor.u32 v8, v14;
	v51 =	vand.u32 $0xFF, v48;
	v20 =	vld.idx.msk [tilespmem:v20+s16+$0x0], $0xffff;
	v23 =	vsel vm0, v25, v23;
	[tilespmem:s30+$0x1E780] =	vst v52  }
0x337: {  	v2 =	vadd.s32 $0x1, v2;
	v3 =	vadd.s32 $0x1, v3;
	v5 =	vadd.s32 $0x1, v51;
	v13 =	vld.idx.msk [tilespmem:v13+s16+$0x0], $0xffff;
	[tilespmem:s30+$0x1E790] =	vst v23  }
0x338: {  	v62 =	vshll.u32 v2, $0x8;
	v2 =	vshll.u32 v2, $0x7;
	v53 =	vshll.u32 v5, $0x8;
	v23 =	vld.idx.msk [tilespmem:v28+s16+$0x0], $0xffff  }
0x339: {  	[tilespmem:s30+$0x1E020] =	vst v19;
	v19 =	vand.u32 $0x1F800, v62;
	v5 =	vshll.u32 v5, $0x7;
	v21 =	vand.u32 $0x1F800, v53;
	v12 =	vld.idx.msk [tilespmem:v12+s16+$0x0], $0xffff  }
0x33a: {  	v5 =	vand.u32 $0x380, v5;
	v18 =	vor.u32 v21, v18;
	v21 =	vadd.s32 v30, v21  }
0x33b: {  	v14 =	vld.idx.msk [tilespmem:v14+s16+$0x0], $0xffff;
	v57 =	vperm.xlane v17, v0;
	v18 =	vor.u32 v5, v18;
	v5 =	vor.u32 v5, v21  }
0x33c: {  	[tilespmem:s30+$0x1E030] =	vst v22;
	v55 =	vperm.xlane v20, v0;
	v5 =	vor.u32 v26, v5;
	v54 =	vperm.xlane v13, v0  }
0x33d: {  	v32 =	vadd.s32 v19, v9;
	v22 =	vld.idx.msk [tilespmem:v24+s16+$0x0], $0xffff;
	v56 =	vperm.xlane v20, v1;
	v13 =	vperm.xlane v13, v1  }
0x33e: {  	v16 =	vsel vm0, v54, v55;
	v60 =	vperm.xlane v23, v0;
	v61 =	vperm.xlane v12, v0  }
0x33f: {  	v13 =	vsel vm0, v13, v56;
	[tilespmem:s30+$0x1E5A0] =	vst v16;
	v30 =	vperm.xlane v23, v1;
	v12 =	vperm.xlane v12, v1  }
0x340: {  	v59 =	vperm.xlane v17, v1;
	v58 =	vperm.xlane v14, v0;
	[tilespmem:s30+$0x1E5B0] =	vst v13;
	v17 =	vsel vm0, v60, v61  }
0x341: {  	v48 =	vshrl.u32 v6, $0xD;
	v14 =	vperm.xlane v14, v1;
	v63 =	vld.idx.msk [tilespmem:v5+s16+$0x0], $0xffff;
	v5 =	vsel vm0, v30, v12;
	[tilespmem:s30+$0x1E800] =	vst v17  }
0x342: {  	v4 =	vand.u32 $0x7F, v42;
	v33 =	vperm.xlane v22, v0;
	v38 =	vshrl.u32 v6, $0x10;
	[tilespmem:s30+$0x1E810] =	vst v5  }
0x343: {  	v37 =	vperm.xlane v22, v1;
	v40 =	vand.u32 $0x7F, v38;
	v39 =	vand.u32 $0xFF, v38;
	v16 =	vld [tilespmem:s18+$0xD0]  }
0x344: {  	v31 =	vand.u32 $0x380, v2;
	v2 =	vor.u32 v19, v10;
	v10 =	vsel vm0, v59, v14  }
0x345: {  	v14 =	vand.u32 $0xF800, v38;
	v2 =	vor.u32 v31, v2;
	v15 =	vor.u32 v4, v15  }
0x346: {  	v49 =	vand.u32 $0x400, v48;
	v50 =	vshrl.u32 v6, $0x11;
	v6 =	vshrl.u32 v6, $0x18  }
0x347: {  	v19 =	vor.u32 v40, v49;
	v27 =	vand.u32 $0x380, v50;
	v6 =	vadd.s32 $0x1, v6  }
0x348: {  	v52 =	vor.u32 v14, v19;
	v41 =	vand.u32 $0xFF, v16;
	v42 =	vand.u32 $0x7F, v16  }
0x349: {  	v43 =	vshll.u32 v16, $0x3;
	v44 =	vshrl.u32 v16, $0x1;
	v20 =	vadd.s32 $0x1, v41  }
0x34a: {  	v46 =	vand.u32 $0xF800, v16;
	v22 =	vand.u32 $0x400, v43;
	v45 =	vshll.u32 v20, $0x3  }
0x34b: {  	v23 =	vand.u32 $0x380, v44;
	v21 =	vor.u32 v42, v22;
	v22 =	vand.u32 $0xC00, v45  }
0x34c: {  	v40 =	vshll.u32 v6, $0x8;
	v13 =	vld.idx.msk [tilespmem:v18+s16+$0x0], $0xffff;
	v47 =	vor.u32 v23, v21;
	v25 =	vadd.s32 v22, v46  }
0x34d: {  	v20 =	vand.u32 $0x7F, v20;
	v26 =	vor.u32 v46, v47;
	v23 =	vor.u32 v23, v25  }
0x34e: {  	v6 =	vshll.u32 v6, $0x7;
	v18 =	vadd.s32 $0x1, v39;
	v23 =	vor.u32 v20, v23  }
0x34f: {  	v15 =	vld.idx.msk [tilespmem:v15+s16+$0x0], $0xffff;
	v55 =	vshll.u32 v3, $0x8;
	v3 =	vshll.u32 v3, $0x7;
	v51 =	vshll.u32 v18, $0x3  }
0x350: {  	v28 =	vor.u32 v27, v52;
	v3 =	vand.u32 $0x380, v3;
	v25 =	vand.u32 $0xC00, v51  }
0x351: {  	v35 =	vperm.xlane v13, v0;
	v53 =	vshrl.u32 v16, $0x8;
	v14 =	vadd.s32 v14, v25  }
0x352: {  	v36 =	vperm.xlane v63, v0;
	v14 =	vor.u32 v27, v14;
	v27 =	vand.u32 $0xFF, v53;
	v26 =	vld.idx.msk [tilespmem:v26+s16+$0x0], $0xffff  }
0x353: {  	v13 =	vperm.xlane v13, v1;
	v24 =	vperm.xlane v63, v1;
	v54 =	vadd.s32 $0x1, v27;
	v23 =	vld.idx.msk [tilespmem:v23+s16+$0x0], $0xffff  }
0x354: {  	v34 =	vperm.xlane v15, v0;
	v17 =	vsel vm0, v35, v36;
	v56 =	vshll.u32 v54, $0x8  }
0x355: {  	v13 =	vsel vm0, v13, v24;
	[tilespmem:s30+$0x1E620] =	vst v17;
	v24 =	vshll.u32 v54, $0x7;
	v17 =	vand.u32 $0x1F800, v56  }
0x356: {  	v15 =	vperm.xlane v15, v1;
	v24 =	vand.u32 $0x380, v24;
	v21 =	vor.u32 v17, v21  }
0x357: {  	v12 =	vsel vm0, v57, v58;
	v17 =	vadd.s32 v22, v17;
	v21 =	vor.u32 v24, v21  }
0x358: {  	v17 =	vor.u32 v24, v17;
	v57 =	vperm.xlane v26, v0;
	v58 =	vperm.xlane v23, v0  }
0x359: {  	v17 =	vor.u32 v20, v17;
	v59 =	vperm.xlane v26, v1;
	v23 =	vperm.xlane v23, v1  }
0x35a: {  	v18 =	vand.u32 $0x7F, v18;
	v9 =	vsel vm0, v37, v15;
	[tilespmem:s30+$0x1E630] =	vst v13;
	v13 =	vsel vm0, v57, v58  }
0x35b: {  	v60 =	vand.u32 $0x1F800, v55;
	v5 =	vor.u32 v31, v32;
	v61 =	vsel vm0, v59, v23;
	[tilespmem:s30+$0x1E7A0] =	vst v13  }
0x35c: {  	v7 =	vor.u32 v60, v7;
	v11 =	vadd.s32 v60, v11;
	v5 =	vor.u32 v8, v5;
	[tilespmem:s30+$0x1E7B0] =	vst v61  }
0x35d: {  	v8 =	vsel vm0, v33, v34;
	v14 =	vor.u32 v18, v14;
	v27 =	vshrl.u32 v16, $0x10;
	v20 =	vld.idx.msk [tilespmem:v21+s16+$0x0], $0xffff  }
0x35e: {  	v31 =	vshrl.u32 v16, $0xD;
	v32 =	vshrl.u32 v16, $0x11;
	v29 =	vand.u32 $0xFF, v27;
	v17 =	vld.idx.msk [tilespmem:v17+s16+$0x0], $0xffff  }
0x35f: {  	v30 =	vand.u32 $0x7F, v27;
	v23 =	vand.u32 $0x400, v31;
	v21 =	vadd.s32 $0x1, v29  }
0x360: {  	v15 =	vand.u32 $0xF800, v27;
	v22 =	vor.u32 v30, v23;
	v33 =	vshll.u32 v21, $0x3  }
0x361: {  	v28 =	vld.idx.msk [tilespmem:v28+s16+$0x0], $0xffff;
	v24 =	vand.u32 $0x380, v32;
	v34 =	vor.u32 v15, v22;
	v23 =	vand.u32 $0xC00, v33  }
0x362: {  	v14 =	vld.idx.msk [tilespmem:v14+s16+$0x0], $0xffff;
	v26 =	vor.u32 v24, v34;
	v21 =	vand.u32 $0x7F, v21;
	v15 =	vadd.s32 v15, v23  }
0x363: {  	v15 =	vor.u32 v24, v15;
	v35 =	vperm.xlane v20, v0;
	v36 =	vperm.xlane v17, v0  }
0x364: {  	v20 =	vperm.xlane v20, v1;
	v17 =	vperm.xlane v17, v1;
	v15 =	vor.u32 v21, v15  }
0x365: {  	v7 =	vor.u32 v3, v7;
	v3 =	vor.u32 v3, v11;
	v24 =	vsel vm0, v35, v36  }
0x366: {  	v3 =	vor.u32 v4, v3;
	v37 =	vperm.xlane v28, v1;
	v38 =	vsel vm0, v20, v17;
	[tilespmem:s30+$0x1E820] =	vst v24  }
0x367: {  	v4 =	vand.u32 $0x1F800, v40;
	v63 =	vperm.xlane v14, v0;
	v14 =	vperm.xlane v14, v1;
	[tilespmem:s30+$0x1E830] =	vst v38  }
0x368: {  	[tilespmem:s30+$0x1DDD0] =	vst v10;
	v6 =	vand.u32 $0x380, v6;
	v41 =	vshrl.u32 v16, $0x18;
	v44 =	vor.u32 v4, v19;
	v42 =	vld.idx.msk [tilespmem:v26+s16+$0x0], $0xffff  }
0x369: {  	[tilespmem:s30+$0x1DDC0] =	vst v12;
	v62 =	vperm.xlane v28, v0;
	v39 =	vsel vm0, v37, v14;
	v14 =	vadd.s32 $0x1, v41;
	v43 =	vld.idx.msk [tilespmem:v15+s16+$0x0], $0xffff  }
0x36a: {  	[tilespmem:s30+$0x1DFD0] =	vst v9;
	v2 =	vld.idx.msk [tilespmem:v2+s16+$0x0], $0xffff;
	v46 =	vor.u32 v6, v44;
	v4 =	vadd.s32 v4, v25;
	v45 =	vshll.u32 v14, $0x8  }
0x36b: {  	[tilespmem:s30+$0x1DFC0] =	vst v8;
	v5 =	vld.idx.msk [tilespmem:v5+s16+$0x0], $0xffff;
	v4 =	vor.u32 v6, v4;
	v48 =	vshll.u32 v14, $0x7;
	v47 =	vand.u32 $0x1F800, v45  }
0x36c: {  	v7 =	vld.idx.msk [tilespmem:v7+s16+$0x0], $0xffff;
	v4 =	vor.u32 v18, v4;
	v9 =	vand.u32 $0x380, v48;
	v49 =	vor.u32 v47, v22  }
0x36d: {  	v3 =	vld.idx.msk [tilespmem:v3+s16+$0x0], $0xffff;
	v11 =	vsel vm0, v62, v63;
	v6 =	vadd.s32 v47, v23;
	v10 =	vor.u32 v9, v49  }
0x36e: {  	[tilespmem:s30+$0x1E5C0] =	vst v11;
	v6 =	vor.u32 v9, v6;
	v50 =	vperm.xlane v42, v0;
	v51 =	vperm.xlane v43, v0  }
0x36f: {  	[tilespmem:s30+$0x1E5D0] =	vst v39;
	v6 =	vor.u32 v21, v6;
	v52 =	vperm.xlane v42, v1;
	v12 =	vperm.xlane v43, v1  }
0x370: {  	v8 =	vld.idx.msk [tilespmem:v46+s16+$0x0], $0xffff;
	v9 =	vsel vm0, v50, v51  }
0x371: {  	v4 =	vld.idx.msk [tilespmem:v4+s16+$0x0], $0xffff;
	v53 =	vsel vm0, v52, v12;
	[tilespmem:s30+$0x1E7C0] =	vst v9  }
0x372: {  	v55 =	vperm.xlane v5, v0;
	v5 =	vperm.xlane v5, v1;
	[tilespmem:s30+$0x1E7D0] =	vst v53  }
0x373: {  	v54 =	vperm.xlane v2, v0;
	v2 =	vperm.xlane v2, v1;
	v10 =	vld.idx.msk [tilespmem:v10+s16+$0x0], $0xffff  }
0x374: {  	v56 =	vperm.xlane v7, v0;
	v57 =	vperm.xlane v3, v0;
	v6 =	vld.idx.msk [tilespmem:v6+s16+$0x0], $0xffff  }
0x375: {  	v2 =	vsel vm0, v2, v5;
	v58 =	vperm.xlane v7, v1;
	v3 =	vperm.xlane v3, v1  }
0x376: {  	[tilespmem:s30+$0x1DE50] =	vst v2;
	v2 =	vsel vm0, v56, v57;
	v59 =	vperm.xlane v8, v0;
	v60 =	vperm.xlane v4, v0  }
0x377: {  	v3 =	vsel vm0, v58, v3;
	[tilespmem:s30+$0x1E040] =	vst v2;
	v2 =	vperm.xlane v8, v1;
	v4 =	vperm.xlane v4, v1  }
0x378: {  	[tilespmem:s30+$0x1E050] =	vst v3;
	v3 =	vsel vm0, v59, v60  }
0x379: {  	s21 =	sadd.s32 $0x1, s21;
	v2 =	vsel vm0, v2, v4;
	[tilespmem:s30+$0x1E640] =	vst v3;
	v61 =	vperm.xlane v10, v0;
	v62 =	vperm.xlane v6, v0  }
0x37a: {  	p0 =	sne.s32 s21, $0xE;
	[tilespmem:s30+$0x1E650] =	vst v2;
	v9 =	vsel vm0, v54, v55;
	v3 =	vperm.xlane v10, v1;
	v63 =	vperm.xlane v6, v1  }
.Ltmp0:
0x37b: {  	[tilespmem:s30+$0x1DE40] =	vst v9;
	v2 =	vsel vm0, v61, v62;
	(pc) =	sbr.rel @p0 .LBB2_3-.Ltmp0, $4  }
0x37c: {  	v3 =	vsel vm0, v3, v63;
	[tilespmem:s30+$0x1E840] =	vst v2  }
0x37d: {  	s19 =	sadd.s32 $0x1000, s19;
	s31 =	sadd.s32 $0x1D880, s30;
	[tilespmem:s30+$0x1E850] =	vst v3  }
0x37e: {  	[hbm4b:s20+s3] =	stream.linear.scatter [tilespmem:s31], [sflag:$0x2], $0x1000, $0x38;
	[tilespmem:$0x1F880] =	vst v63  }
0x37f: {  	s17 =	sadd.s32 $0x1C0, s17;
	s18 =	sadd.s32 $0x1C0, s18;
	s20 =	sadd.s32 $0x200, s20  }
0x380: {  	_ =	swait.ge [sflag:s12], $0x1000;
	p0 =	sne.s32 s15, $0xC  }
.Ltmp1:
0x381: {  	[sflag:s12] =	ssyncset.done $0x0;
	(pc) =	sbr.rel @p0 .LBB2_2-.Ltmp1, $4  }
0x382: {  	[sflag:s12] =	ssyncadd.s32 $0xFFFFF000  }
0x383: {  	_ =	swait.ge [sflag:s12], $0x1000  }
0x384: {  	[sflag:s12] =	ssyncset.done $0x0  }
0x385: {  	s14 =	sadd.s32 $0x1C00, s14;
	[sflag:s12] =	ssyncadd.s32 $0xFFFFF000  }
0x386: {  	s13 =	sadd.s32 $0x1, s13  }
0x387: {  	p0 =	sne.s32 s13, s7  }
.Ltmp2:
0x388: {  	_ = 	snop;
	(pc) =	sbr.rel @p0 .LBB2_1-.Ltmp2, $1  }
0x389: {  	_ =	sdelay $0x3  }
0x38a: {  	_ =	sfence.sel $0x180000  }
0x38b: {  	[bflag:$0x0] =	sbarrier.arrive $0xFFFF  }
0x38c: {  	p0 =	sne.s32 s0, $0x0;
	_ =	strace $0x90000047  }
0x38d: {  	s0 =	sadd.s32 @!p0 $0x100000, s2;
	[bflag:$0x2] =	sbarrier.arrive $0xFFFF  }
0x38e: {  	[sflag:s0] =	ssyncadd.tile.s32 @!p0 $0x1;
	_ =	shalt  }
.Lfunc_end2:
_tile_overlayer_lowered:
.L_overlay_start_2:
0x38f: {  	(tag) =	ssettag $0x2  }
0x390: {  	s0 =	rddreg [dreg:$0x0];
	s2 =	stileid.u32  }
0x391: {  	s1 =	rddreg [dreg:$0x1];
	p0 =	sne.s32 s2, $0x0  }
0x392: {  	s3 =	rddreg [dreg:$0x2];
	[bflag:$0x3] =	sbarrier.arrive $0xFFFF;
	s2 =	simm.s32 @!p0 $0x1C03  }
0x393: {  	[timem:s3], [sflag:s2] =	dma.local @!p0 [hbm:s0], s1  }
0x394: {  	s0 =	simm.s32 @!p0 $0x3  }
0x395: {  	_ =	swait.ge @!p0 [sflag:s0], s1  }
0x396: {  	s1 =	ssub.s32 @!p0 $0x0, s1;
	[sflag:s0] =	ssyncset.done @!p0 $0x0  }
0x397: {  	[sflag:s0] =	ssyncadd.s32 @!p0 s1  }
0x398: {  	[bflag:$0x3] =	sbarrier.arrive $0xFFFF  }
0x399: {  	_ =	shalt  }

</sc_bundles>
